<compile_context>
chip_gen: v7x
topology: tpu7x:2x2x1
jax: 0.10.2.dev20260603
libtpu: 0.0.44.dev20260713+nightly
codegen_flags: <defaults>
</compile_context>

<pallas_src>
import functools
import jax
import jax.numpy as jnp
from jax import lax
from jax.experimental import pallas as pl
from jax.experimental.pallas import tpu as pltpu
from jax.experimental.pallas import tpu_sc as plsc

NC = 2
NS = 16
BATCH = 128
NA = 10112
CNT0 = 128
CNT1 = 32
EPS = 1e-5

_ROWS_PER_SUB = NA // NS
_CHUNKS = [128, 128, 128, 128, _ROWS_PER_SUB - 512]


def _make_agg(d):
  mesh = plsc.VectorSubcoreMesh(core_axis_name="c", subcore_axis_name="s")
  nb0 = NS * CNT0

  def body(hs, sidx, didx, zrows, out, acc, sv, dv, r0, r1, gs0, gs1, ss0,
           ss1):
    c = lax.axis_index("c")
    s = lax.axis_index("s")
    pltpu.sync_copy(zrows, r0)
    pos = 0
    for sz in _CHUNKS:
      pltpu.sync_copy(
          r0.at[pl.ds(0, sz)],
          acc.at[pl.ds(s * _ROWS_PER_SUB + pos, sz)])
      pos += sz
    plsc.subcore_barrier()

    def g_start(j, buf, sem):
      pltpu.async_copy(hs.at[sv.at[j]], buf, sem)

    def g_wait(j, buf, sem):
      pltpu.make_async_copy(hs.at[sv.at[j]], buf, sem).wait()

    def s_start(j, buf, sem):
      pltpu.async_copy(buf, acc.at[dv.at[j]], sem, add=True)

    def s_wait(j, buf, sem):
      pltpu.make_async_copy(buf, acc.at[dv.at[j]], sem).wait()

    def pipeline(base, cnt, phases):
      tpb = cnt // phases
      for p in range(phases):
        off = base + p * tpb
        pltpu.sync_copy(sidx.at[pl.ds(off, tpb)], sv.at[pl.ds(0, tpb)])
        pltpu.sync_copy(didx.at[pl.ds(off, tpb)], dv.at[pl.ds(0, tpb)])
        g_start(0, r0, gs0)
        g_start(1, r1, gs1)

        def loop(g, carry):
          j0 = 2 * g
          j1 = j0 + 1
          g_wait(j0, r0, gs0)
          s_start(j0, r0, ss0)
          g_wait(j1, r1, gs1)
          s_start(j1, r1, ss1)
          s_wait(j0, r0, ss0)

          @pl.when(j0 + 2 < tpb)
          def _():
            g_start(j0 + 2, r0, gs0)

          s_wait(j1, r1, ss1)

          @pl.when(j1 + 2 < tpb)
          def _():
            g_start(j1 + 2, r1, gs1)

          return carry

        lax.fori_loop(0, tpb // 2, loop, 0)

    @pl.when(c == 0)
    def _():
      pipeline(s * CNT0, CNT0, 2 if CNT0 > 64 else 1)

    @pl.when(c == 1)
    def _():
      pipeline(nb0 + s * CNT1, CNT1, 2 if CNT1 > 64 else 1)

    plsc.subcore_barrier()
    pos = 0
    for sz in _CHUNKS:
      off = s * _ROWS_PER_SUB + pos
      pltpu.sync_copy(acc.at[pl.ds(off, sz)], r0.at[pl.ds(0, sz)])
      pltpu.sync_copy(r0.at[pl.ds(0, sz)], out.at[c, pl.ds(off, sz)])
      pos += sz

  sbuf = max(CNT0 // (2 if CNT0 > 64 else 1),
             CNT1 // (2 if CNT1 > 64 else 1))
  return pl.kernel(
      body,
      out_type=jax.ShapeDtypeStruct((NC, NA, d), jnp.float32),
      mesh=mesh,
      scratch_types=[
          pltpu.VMEM_SHARED((NA, d), jnp.float32),
          pltpu.VMEM((sbuf, BATCH), jnp.int32),
          pltpu.VMEM((sbuf, BATCH), jnp.int32),
          pltpu.VMEM((BATCH, d), jnp.float32),
          pltpu.VMEM((BATCH, d), jnp.float32),
          pltpu.SemaphoreType.DMA,
          pltpu.SemaphoreType.DMA,
          pltpu.SemaphoreType.DMA,
          pltpu.SemaphoreType.DMA,
      ],
  )


def _make_agg64(tb):
  mesh = plsc.VectorSubcoreMesh(core_axis_name="c", subcore_axis_name="s")
  phases = 5
  tpb = tb // phases

  def body(hsa, hsb, sidx, didx, zrows, out, tab, acc, sv, dv, r0, r1, gs0,
           gs1, ss0, ss1):
    c = lax.axis_index("c")
    s = lax.axis_index("s")
    pltpu.sync_copy(zrows, r1)
    pos = 0
    for sz in _CHUNKS:
      off = s * _ROWS_PER_SUB + pos

      @pl.when(c == 0)
      def _():
        pltpu.sync_copy(hsa.at[pl.ds(off, sz)], r0.at[pl.ds(0, sz)])

      @pl.when(c == 1)
      def _():
        pltpu.sync_copy(hsb.at[pl.ds(off, sz)], r0.at[pl.ds(0, sz)])

      pltpu.sync_copy(r0.at[pl.ds(0, sz)], tab.at[pl.ds(off, sz)])
      pltpu.sync_copy(r1.at[pl.ds(0, sz)], acc.at[pl.ds(off, sz)])
      pos += sz
    plsc.subcore_barrier()

    def g_start(j, buf, sem):
      pltpu.async_copy(tab.at[sv.at[j]], buf, sem)

    def g_wait(j, buf, sem):
      pltpu.make_async_copy(tab.at[sv.at[j]], buf, sem).wait()

    def s_start(j, buf, sem):
      pltpu.async_copy(buf, acc.at[dv.at[j]], sem, add=True)

    def s_wait(j, buf, sem):
      pltpu.make_async_copy(buf, acc.at[dv.at[j]], sem).wait()

    base = s * tb
    for p in range(phases):
      off = base + p * tpb
      pltpu.sync_copy(sidx.at[pl.ds(off, tpb)], sv)
      pltpu.sync_copy(didx.at[pl.ds(off, tpb)], dv)
      g_start(0, r0, gs0)
      g_start(1, r1, gs1)

      def loop(g, carry):
        j0 = 2 * g
        j1 = j0 + 1
        g_wait(j0, r0, gs0)
        s_start(j0, r0, ss0)
        g_wait(j1, r1, gs1)
        s_start(j1, r1, ss1)
        s_wait(j0, r0, ss0)

        @pl.when(j0 + 2 < tpb)
        def _():
          g_start(j0 + 2, r0, gs0)

        s_wait(j1, r1, ss1)

        @pl.when(j1 + 2 < tpb)
        def _():
          g_start(j1 + 2, r1, gs1)

        return carry

      lax.fori_loop(0, tpb // 2, loop, 0)

    plsc.subcore_barrier()
    pos = 0
    for sz in _CHUNKS:
      off = s * _ROWS_PER_SUB + pos
      pltpu.sync_copy(acc.at[pl.ds(off, sz)], r0.at[pl.ds(0, sz)])
      pltpu.sync_copy(r0.at[pl.ds(0, sz)], out.at[c, pl.ds(off, sz)])
      pos += sz

  return pl.kernel(
      body,
      out_type=jax.ShapeDtypeStruct((NC, NA, 64), jnp.float32),
      mesh=mesh,
      scratch_types=[
          pltpu.VMEM_SHARED((NA, 64), jnp.float32),
          pltpu.VMEM_SHARED((NA, 64), jnp.float32),
          pltpu.VMEM((tb // phases, BATCH), jnp.int32),
          pltpu.VMEM((tb // phases, BATCH), jnp.int32),
          pltpu.VMEM((BATCH, 64), jnp.float32),
          pltpu.VMEM((BATCH, 64), jnp.float32),
          pltpu.SemaphoreType.DMA,
          pltpu.SemaphoreType.DMA,
          pltpu.SemaphoreType.DMA,
          pltpu.SemaphoreType.DMA,
      ],
  )


def _make_deg(tb):
  mesh = plsc.VectorSubcoreMesh(core_axis_name="c", subcore_axis_name="s")
  d = 128

  def body(didx, ones, zrows, out, acc, dv, ob, zb, ssem):
    c = lax.axis_index("c")
    s = lax.axis_index("s")
    t = c * NS + s
    pltpu.sync_copy(didx.at[pl.ds(t * tb, tb)], dv)
    pltpu.sync_copy(ones, ob)
    pltpu.sync_copy(zrows, zb)
    pos = 0
    for sz in _CHUNKS:
      pltpu.sync_copy(
          zb.at[pl.ds(0, sz)],
          acc.at[pl.ds(s * _ROWS_PER_SUB + pos, sz)])
      pos += sz
    plsc.subcore_barrier()

    def s_start(j):
      pltpu.async_copy(ob, acc.at[dv.at[j]], ssem, add=True)

    def s_wait(j):
      pltpu.make_async_copy(ob, acc.at[dv.at[j]], ssem).wait()

    def loop(g, carry):
      j0 = 2 * g
      s_start(j0)
      s_start(j0 + 1)
      s_wait(j0)
      s_wait(j0 + 1)
      return carry

    lax.fori_loop(0, tb // 2, loop, 0)
    plsc.subcore_barrier()
    pos = 0
    for sz in _CHUNKS:
      off = s * _ROWS_PER_SUB + pos
      pltpu.sync_copy(acc.at[pl.ds(off, sz)], zb.at[pl.ds(0, sz)])
      pltpu.sync_copy(zb.at[pl.ds(0, sz)], out.at[c, pl.ds(off, sz)])
      pos += sz

  return pl.kernel(
      body,
      out_type=jax.ShapeDtypeStruct((NC, NA, d), jnp.float32),
      mesh=mesh,
      scratch_types=[
          pltpu.VMEM_SHARED((NA, d), jnp.float32),
          pltpu.VMEM((tb, BATCH), jnp.int32),
          pltpu.VMEM((BATCH, d), jnp.float32),
          pltpu.VMEM((BATCH, d), jnp.float32),
          pltpu.SemaphoreType.DMA,
      ],
  )


def _tc_first(n):
  def body(x_ref, w_ref, degp_ref, hs_ref, dinv_ref):
    deg = degp_ref[0, :n, 0:1] + degp_ref[1, :n, 0:1] + 1.0
    dinv = lax.rsqrt(deg)
    h = jnp.dot(x_ref[...], w_ref[...], preferred_element_type=jnp.float32)
    hs_ref[...] = h * dinv
    dinv_ref[...] = dinv

  return body


def _tc_mid(n):
  def body(aggp_ref, hs_ref, dinv_ref, b_ref, g_ref, be_ref, w_ref, out_ref):
    dinv = dinv_ref[...]
    z = (aggp_ref[0, :n] + aggp_ref[1, :n] + hs_ref[...]) * dinv + b_ref[...]
    m = jnp.mean(z, axis=0)
    v = jnp.mean((z - m) * (z - m), axis=0)
    zn = (z - m) * lax.rsqrt(v + EPS) * g_ref[...] + be_ref[...]
    r = jnp.maximum(zn, 0.0)
    out_ref[...] = (
        jnp.dot(r, w_ref[...], preferred_element_type=jnp.float32) * dinv)

  return body


def _tc_final(n, c_dim):
  def body(aggp_ref, hs_ref, dinv_ref, b_ref, g_ref, be_ref, out_ref):
    z = (aggp_ref[0, :n] + aggp_ref[1, :n] + hs_ref[...]) * dinv_ref[...]
    z = z[:, :c_dim] + b_ref[...]
    m = jnp.mean(z, axis=-1, keepdims=True)
    v = jnp.mean((z - m) * (z - m), axis=-1, keepdims=True)
    ln = (z - m) * lax.rsqrt(v + EPS) * g_ref[...] + be_ref[...]
    mx = jnp.max(ln, axis=-1, keepdims=True)
    lse = mx + jnp.log(jnp.sum(jnp.exp(ln - mx), axis=-1, keepdims=True))
    out_ref[...] = ln - lse

  return body


def kernel(x, edge_index, W1, b1, W2, b2, W3, b3, g1, be1, g2, be2, g3, be3):
  n, _ = x.shape
  e = edge_index.shape[1]
  h_dim = W1.shape[1]
  c_dim = W3.shape[1]
  c_pad = 128

  tbt = NS * (CNT0 + CNT1)
  tb_even = tbt // (NC * NS)
  ep = tbt * BATCH
  src = jnp.concatenate([edge_index[0], jnp.zeros((ep - e,), jnp.int32)])
  dst = jnp.concatenate(
      [edge_index[1], jnp.full((ep - e,), n + 8, jnp.int32)])
  srcp = src.reshape(tbt, BATCH)
  dstp = dst.reshape(tbt, BATCH)

  ones = jnp.ones((BATCH, 128), jnp.float32)
  zrows = jnp.zeros((BATCH, 128), jnp.float32)

  W3p = jnp.pad(W3, ((0, 0), (0, c_pad - c_dim)))

  degp = _make_deg(tb_even)(dstp, ones, zrows)

  agg = _make_agg(h_dim)
  assert c_pad == h_dim

  hs1, dinv = pl.pallas_call(
      _tc_first(n),
      out_shape=(
          jax.ShapeDtypeStruct((n, h_dim), jnp.float32),
          jax.ShapeDtypeStruct((n, 1), jnp.float32),
      ),
  )(x, W1, degp)

  agg1 = agg(hs1, srcp, dstp, zrows)
  hs2 = pl.pallas_call(
      _tc_mid(n),
      out_shape=jax.ShapeDtypeStruct((n, h_dim), jnp.float32),
  )(agg1, hs1, dinv, b1, g1, be1, W2)

  agg2 = agg(hs2, srcp, dstp, zrows)
  hs3 = pl.pallas_call(
      _tc_mid(n),
      out_shape=jax.ShapeDtypeStruct((n, c_pad), jnp.float32),
  )(agg2, hs2, dinv, b2, g2, be2, W3p)

  agg3 = agg(hs3, srcp, dstp, zrows)
  out = pl.pallas_call(
      _tc_final(n, c_dim),
      out_shape=jax.ShapeDtypeStruct((n, c_dim), jnp.float32),
  )(agg3, hs3, dinv, b3, g3, be3)
  return out

# --- scband reference (transcript-rebuilt; emitter-appended) ---
"""Pipeline reference for scband-gcn-3083786519229 (READ-ONLY COPY).

The authoritative reference and input builder live on the scoring server;
editing this copy changes nothing except your own understanding.
"""

import jax, jax.numpy as jnp
import numpy as np

N = 10000
E = 320000
F = 128
H = 128
C = 40

def gcn_conv(x, src, dst, W, b):
    n = x.shape[0]
    h = x @ W
    deg = jnp.zeros((n,), dtype=h.dtype).at[dst].add(1.0) + 1.0  # +1 for self loops
    dinv = 1.0 / jnp.sqrt(deg)
    norm = dinv[src] * dinv[dst]
    msg = h[src] * norm[:, None]
    out = jnp.zeros_like(h).at[dst].add(msg)
    out = out + h * (dinv * dinv)[:, None]  # self-loop contribution
    return out + b

def batch_norm(x, gamma, beta, eps=1e-5):
    m = jnp.mean(x, axis=0)
    v = jnp.var(x, axis=0)
    return (x - m) / jnp.sqrt(v + eps) * gamma + beta

def layer_norm(x, gamma, beta, eps=1e-5):
    m = jnp.mean(x, axis=-1, keepdims=True)
    v = jnp.var(x, axis=-1, keepdims=True)
    return (x - m) / jnp.sqrt(v + eps) * gamma + beta

def setup_inputs(seed: int = 0):
    key = jax.random.key(seed)
    ks = jax.random.split(key, 8)
    x = jax.random.normal(ks[0], (N, F), dtype=jnp.float32)
    edge_index = jax.random.randint(ks[1], (2, E), 0, N, dtype=jnp.int32)
    W1 = jax.random.normal(ks[2], (F, H), dtype=jnp.float32) * (1.0 / np.sqrt(F))
    b1 = jnp.zeros((H,), dtype=jnp.float32)
    W2 = jax.random.normal(ks[3], (H, H), dtype=jnp.float32) * (1.0 / np.sqrt(H))
    b2 = jnp.zeros((H,), dtype=jnp.float32)
    W3 = jax.random.normal(ks[4], (H, C), dtype=jnp.float32) * (1.0 / np.sqrt(H))
    b3 = jnp.zeros((C,), dtype=jnp.float32)
    g1 = jnp.ones((H,), dtype=jnp.float32)
    be1 = jnp.zeros((H,), dtype=jnp.float32)
    g2 = jnp.ones((H,), dtype=jnp.float32)
    be2 = jnp.zeros((H,), dtype=jnp.float32)
    g3 = jnp.ones((C,), dtype=jnp.float32)
    be3 = jnp.zeros((C,), dtype=jnp.float32)
    return {"x": x, "edge_index": edge_index, "W1": W1, "b1": b1, "W2": W2, "b2": b2, "W3": W3, "b3": b3, "g1": g1, "be1": be1, "g2": g2, "be2": be2, "g3": g3, "be3": be3}

def reference(x, edge_index, W1, b1, W2, b2, W3, b3, g1, be1, g2, be2, g3, be3):
    src = edge_index[0]
    dst = edge_index[1]
    h = gcn_conv(x, src, dst, W1, b1)
    h = batch_norm(h, g1, be1)
    h = jax.nn.relu(h)
    # dropout is identity in eval mode
    h = gcn_conv(h, src, dst, W2, b2)
    h = batch_norm(h, g2, be2)
    h = jax.nn.relu(h)
    h = gcn_conv(h, src, dst, W3, b3)
    h = layer_norm(h, g3, be3)
    return jax.nn.log_softmax(h, axis=1)

if __name__ == "__main__":
    import jax
    _d = setup_inputs()
    print(jax.jit(kernel)(*tuple(_d.values())))

</pallas_src>

<mosaic_0001>
#map = affine_map<(d0, d1) -> (0, 0)>
#map1 = affine_map<(d0, d1) -> (0, 0, 0)>
module attributes {stable_mosaic.version = 14 : i64} {
  func.func @body(%arg0: i32, %arg1: i32, %arg2: memref<10000x128xf32, #tpu.memory_space<hbm>>, %arg3: memref<2560x128xi32, #tpu.memory_space<hbm>>, %arg4: memref<2560x128xi32, #tpu.memory_space<hbm>>, %arg5: memref<128x128xf32, #tpu.memory_space<hbm>>, %arg6: memref<2x10112x128xf32, #tpu.memory_space<hbm>>, %arg7: memref<10112x128xf32, #tpu.memory_space<vmem_shared>>, %arg8: memref<64x128xi32, #tpu.memory_space<vmem>>, %arg9: memref<64x128xi32, #tpu.memory_space<vmem>>, %arg10: memref<128x128xf32, #tpu.memory_space<vmem>>, %arg11: memref<128x128xf32, #tpu.memory_space<vmem>>, %arg12: memref<!tpu.dma_semaphore, #tpu.memory_space<semaphore_mem>>, %arg13: memref<!tpu.dma_semaphore, #tpu.memory_space<semaphore_mem>>, %arg14: memref<!tpu.dma_semaphore, #tpu.memory_space<semaphore_mem>>, %arg15: memref<!tpu.dma_semaphore, #tpu.memory_space<semaphore_mem>>) attributes {dimension_semantics = [#tpu.dimension_semantics<core_parallel>, #tpu.dimension_semantics<subcore_parallel>], iteration_bounds = array<i64: 2, 16>, scalar_prefetch = 0 : i64, scratch_operands = 9 : i64, tpu.core_type = #tpu.core_type<sc_vector_subcore>, window_params = [{transform_indices = #map}, {transform_indices = #map}, {transform_indices = #map}, {transform_indices = #map}, {transform_indices = #map1}]} {
    "tpu.region"() ({
      %run_scoped3A = tpu.sem_alloc : memref<!tpu.dma_semaphore, #tpu.memory_space<semaphore_mem>>
      tpu.enqueue_dma source(%arg5 : memref<128x128xf32, #tpu.memory_space<hbm>>) target(%arg10 : memref<128x128xf32, #tpu.memory_space<vmem>>) target_semaphore(%run_scoped3A : memref<!tpu.dma_semaphore, #tpu.memory_space<semaphore_mem>>)
      tpu.wait_dma2 semaphore(%run_scoped3A : memref<!tpu.dma_semaphore, #tpu.memory_space<semaphore_mem>>) src(%arg5 : memref<128x128xf32, #tpu.memory_space<hbm>>) dst(%arg10 : memref<128x128xf32, #tpu.memory_space<vmem>>)
      tpu.yield
    }) : () -> ()
    %mul3A = arith.constant 632 : i32
    %mul3A_0 = arith.muli %arg1, %mul3A : i32
    %add3A = arith.constant 0 : i32
    %add3A_1 = arith.addi %mul3A_0, %add3A : i32
    "tpu.region"() ({
      %run_scoped3A = tpu.sem_alloc : memref<!tpu.dma_semaphore, #tpu.memory_space<semaphore_mem>>
      %dma_start3A = arith.constant 0 : i32
      %dma_start3A_46 = arith.constant 0 : i32
      %dma_start3A_47 = tpu.memref_slice %arg10[%dma_start3A, %dma_start3A_46] : memref<128x128xf32, #tpu.memory_space<vmem>> -> memref<128x128xf32, #tpu.memory_space<vmem>>
      %dma_start3A_48 = arith.constant 0 : i32
      %dma_start3A_49 = tpu.memref_slice %arg7[%add3A_1, %dma_start3A_48] : memref<10112x128xf32, #tpu.memory_space<vmem_shared>> -> memref<128x128xf32, #tpu.memory_space<vmem_shared>>
      %dma_start3A_50 = arith.constant 0 : i32
      %dma_start3A_51 = tpu.memref_slice %arg7[%add3A_1, %dma_start3A_50] : memref<10112x128xf32, #tpu.memory_space<vmem_shared>> -> memref<128x128xf32, #tpu.memory_space<vmem_shared>>
      %dma_start3A_52 = arith.constant 0 : i32
      %dma_start3A_53 = arith.constant 0 : i32
      %dma_start3A_54 = tpu.memref_slice %arg10[%dma_start3A_52, %dma_start3A_53] : memref<128x128xf32, #tpu.memory_space<vmem>> -> memref<128x128xf32, #tpu.memory_space<vmem>>
      tpu.enqueue_dma source(%dma_start3A_54 : memref<128x128xf32, #tpu.memory_space<vmem>>) target(%dma_start3A_51 : memref<128x128xf32, #tpu.memory_space<vmem_shared>>) target_semaphore(%run_scoped3A : memref<!tpu.dma_semaphore, #tpu.memory_space<semaphore_mem>>)
      %dma_wait3A = arith.constant 0 : i32
      %dma_wait3A_55 = arith.constant 0 : i32
      %dma_wait3A_56 = tpu.memref_slice %arg10[%dma_wait3A, %dma_wait3A_55] : memref<128x128xf32, #tpu.memory_space<vmem>> -> memref<128x128xf32, #tpu.memory_space<vmem>>
      %dma_wait3A_57 = arith.constant 0 : i32
      %dma_wait3A_58 = tpu.memref_slice %arg7[%add3A_1, %dma_wait3A_57] : memref<10112x128xf32, #tpu.memory_space<vmem_shared>> -> memref<128x128xf32, #tpu.memory_space<vmem_shared>>
      %dma_wait3A_59 = arith.constant 0 : i32
      %dma_wait3A_60 = tpu.memref_slice %arg7[%add3A_1, %dma_wait3A_59] : memref<10112x128xf32, #tpu.memory_space<vmem_shared>> -> memref<128x128xf32, #tpu.memory_space<vmem_shared>>
      %dma_wait3A_61 = arith.constant 0 : i32
      %dma_wait3A_62 = arith.constant 0 : i32
      %dma_wait3A_63 = tpu.memref_slice %arg10[%dma_wait3A_61, %dma_wait3A_62] : memref<128x128xf32, #tpu.memory_space<vmem>> -> memref<128x128xf32, #tpu.memory_space<vmem>>
      tpu.wait_dma2 semaphore(%run_scoped3A : memref<!tpu.dma_semaphore, #tpu.memory_space<semaphore_mem>>) src(%dma_wait3A_63 : memref<128x128xf32, #tpu.memory_space<vmem>>) dst(%dma_wait3A_60 : memref<128x128xf32, #tpu.memory_space<vmem_shared>>)
      tpu.yield
    }) : () -> ()
    %mul3A_2 = arith.constant 632 : i32
    %mul3A_3 = arith.muli %arg1, %mul3A_2 : i32
    %add3A_4 = arith.constant 128 : i32
    %add3A_5 = arith.addi %mul3A_3, %add3A_4 : i32
    "tpu.region"() ({
      %run_scoped3A = tpu.sem_alloc : memref<!tpu.dma_semaphore, #tpu.memory_space<semaphore_mem>>
      %dma_start3A = arith.constant 0 : i32
      %dma_start3A_46 = arith.constant 0 : i32
      %dma_start3A_47 = tpu.memref_slice %arg10[%dma_start3A, %dma_start3A_46] : memref<128x128xf32, #tpu.memory_space<vmem>> -> memref<128x128xf32, #tpu.memory_space<vmem>>
      %dma_start3A_48 = arith.constant 0 : i32
      %dma_start3A_49 = tpu.memref_slice %arg7[%add3A_5, %dma_start3A_48] : memref<10112x128xf32, #tpu.memory_space<vmem_shared>> -> memref<128x128xf32, #tpu.memory_space<vmem_shared>>
      %dma_start3A_50 = arith.constant 0 : i32
      %dma_start3A_51 = tpu.memref_slice %arg7[%add3A_5, %dma_start3A_50] : memref<10112x128xf32, #tpu.memory_space<vmem_shared>> -> memref<128x128xf32, #tpu.memory_space<vmem_shared>>
      %dma_start3A_52 = arith.constant 0 : i32
      %dma_start3A_53 = arith.constant 0 : i32
      %dma_start3A_54 = tpu.memref_slice %arg10[%dma_start3A_52, %dma_start3A_53] : memref<128x128xf32, #tpu.memory_space<vmem>> -> memref<128x128xf32, #tpu.memory_space<vmem>>
      tpu.enqueue_dma source(%dma_start3A_54 : memref<128x128xf32, #tpu.memory_space<vmem>>) target(%dma_start3A_51 : memref<128x128xf32, #tpu.memory_space<vmem_shared>>) target_semaphore(%run_scoped3A : memref<!tpu.dma_semaphore, #tpu.memory_space<semaphore_mem>>)
      %dma_wait3A = arith.constant 0 : i32
      %dma_wait3A_55 = arith.constant 0 : i32
      %dma_wait3A_56 = tpu.memref_slice %arg10[%dma_wait3A, %dma_wait3A_55] : memref<128x128xf32, #tpu.memory_space<vmem>> -> memref<128x128xf32, #tpu.memory_space<vmem>>
      %dma_wait3A_57 = arith.constant 0 : i32
      %dma_wait3A_58 = tpu.memref_slice %arg7[%add3A_5, %dma_wait3A_57] : memref<10112x128xf32, #tpu.memory_space<vmem_shared>> -> memref<128x128xf32, #tpu.memory_space<vmem_shared>>
      %dma_wait3A_59 = arith.constant 0 : i32
      %dma_wait3A_60 = tpu.memref_slice %arg7[%add3A_5, %dma_wait3A_59] : memref<10112x128xf32, #tpu.memory_space<vmem_shared>> -> memref<128x128xf32, #tpu.memory_space<vmem_shared>>
      %dma_wait3A_61 = arith.constant 0 : i32
      %dma_wait3A_62 = arith.constant 0 : i32
      %dma_wait3A_63 = tpu.memref_slice %arg10[%dma_wait3A_61, %dma_wait3A_62] : memref<128x128xf32, #tpu.memory_space<vmem>> -> memref<128x128xf32, #tpu.memory_space<vmem>>
      tpu.wait_dma2 semaphore(%run_scoped3A : memref<!tpu.dma_semaphore, #tpu.memory_space<semaphore_mem>>) src(%dma_wait3A_63 : memref<128x128xf32, #tpu.memory_space<vmem>>) dst(%dma_wait3A_60 : memref<128x128xf32, #tpu.memory_space<vmem_shared>>)
      tpu.yield
    }) : () -> ()
    %mul3A_6 = arith.constant 632 : i32
    %mul3A_7 = arith.muli %arg1, %mul3A_6 : i32
    %add3A_8 = arith.constant 256 : i32
    %add3A_9 = arith.addi %mul3A_7, %add3A_8 : i32
    "tpu.region"() ({
      %run_scoped3A = tpu.sem_alloc : memref<!tpu.dma_semaphore, #tpu.memory_space<semaphore_mem>>
      %dma_start3A = arith.constant 0 : i32
      %dma_start3A_46 = arith.constant 0 : i32
      %dma_start3A_47 = tpu.memref_slice %arg10[%dma_start3A, %dma_start3A_46] : memref<128x128xf32, #tpu.memory_space<vmem>> -> memref<128x128xf32, #tpu.memory_space<vmem>>
      %dma_start3A_48 = arith.constant 0 : i32
      %dma_start3A_49 = tpu.memref_slice %arg7[%add3A_9, %dma_start3A_48] : memref<10112x128xf32, #tpu.memory_space<vmem_shared>> -> memref<128x128xf32, #tpu.memory_space<vmem_shared>>
      %dma_start3A_50 = arith.constant 0 : i32
      %dma_start3A_51 = tpu.memref_slice %arg7[%add3A_9, %dma_start3A_50] : memref<10112x128xf32, #tpu.memory_space<vmem_shared>> -> memref<128x128xf32, #tpu.memory_space<vmem_shared>>
      %dma_start3A_52 = arith.constant 0 : i32
      %dma_start3A_53 = arith.constant 0 : i32
      %dma_start3A_54 = tpu.memref_slice %arg10[%dma_start3A_52, %dma_start3A_53] : memref<128x128xf32, #tpu.memory_space<vmem>> -> memref<128x128xf32, #tpu.memory_space<vmem>>
      tpu.enqueue_dma source(%dma_start3A_54 : memref<128x128xf32, #tpu.memory_space<vmem>>) target(%dma_start3A_51 : memref<128x128xf32, #tpu.memory_space<vmem_shared>>) target_semaphore(%run_scoped3A : memref<!tpu.dma_semaphore, #tpu.memory_space<semaphore_mem>>)
      %dma_wait3A = arith.constant 0 : i32
      %dma_wait3A_55 = arith.constant 0 : i32
      %dma_wait3A_56 = tpu.memref_slice %arg10[%dma_wait3A, %dma_wait3A_55] : memref<128x128xf32, #tpu.memory_space<vmem>> -> memref<128x128xf32, #tpu.memory_space<vmem>>
      %dma_wait3A_57 = arith.constant 0 : i32
      %dma_wait3A_58 = tpu.memref_slice %arg7[%add3A_9, %dma_wait3A_57] : memref<10112x128xf32, #tpu.memory_space<vmem_shared>> -> memref<128x128xf32, #tpu.memory_space<vmem_shared>>
      %dma_wait3A_59 = arith.constant 0 : i32
      %dma_wait3A_60 = tpu.memref_slice %arg7[%add3A_9, %dma_wait3A_59] : memref<10112x128xf32, #tpu.memory_space<vmem_shared>> -> memref<128x128xf32, #tpu.memory_space<vmem_shared>>
      %dma_wait3A_61 = arith.constant 0 : i32
      %dma_wait3A_62 = arith.constant 0 : i32
      %dma_wait3A_63 = tpu.memref_slice %arg10[%dma_wait3A_61, %dma_wait3A_62] : memref<128x128xf32, #tpu.memory_space<vmem>> -> memref<128x128xf32, #tpu.memory_space<vmem>>
      tpu.wait_dma2 semaphore(%run_scoped3A : memref<!tpu.dma_semaphore, #tpu.memory_space<semaphore_mem>>) src(%dma_wait3A_63 : memref<128x128xf32, #tpu.memory_space<vmem>>) dst(%dma_wait3A_60 : memref<128x128xf32, #tpu.memory_space<vmem_shared>>)
      tpu.yield
    }) : () -> ()
    %mul3A_10 = arith.constant 632 : i32
    %mul3A_11 = arith.muli %arg1, %mul3A_10 : i32
    %add3A_12 = arith.constant 384 : i32
    %add3A_13 = arith.addi %mul3A_11, %add3A_12 : i32
    "tpu.region"() ({
      %run_scoped3A = tpu.sem_alloc : memref<!tpu.dma_semaphore, #tpu.memory_space<semaphore_mem>>
      %dma_start3A = arith.constant 0 : i32
      %dma_start3A_46 = arith.constant 0 : i32
      %dma_start3A_47 = tpu.memref_slice %arg10[%dma_start3A, %dma_start3A_46] : memref<128x128xf32, #tpu.memory_space<vmem>> -> memref<128x128xf32, #tpu.memory_space<vmem>>
      %dma_start3A_48 = arith.constant 0 : i32
      %dma_start3A_49 = tpu.memref_slice %arg7[%add3A_13, %dma_start3A_48] : memref<10112x128xf32, #tpu.memory_space<vmem_shared>> -> memref<128x128xf32, #tpu.memory_space<vmem_shared>>
      %dma_start3A_50 = arith.constant 0 : i32
      %dma_start3A_51 = tpu.memref_slice %arg7[%add3A_13, %dma_start3A_50] : memref<10112x128xf32, #tpu.memory_space<vmem_shared>> -> memref<128x128xf32, #tpu.memory_space<vmem_shared>>
      %dma_start3A_52 = arith.constant 0 : i32
      %dma_start3A_53 = arith.constant 0 : i32
      %dma_start3A_54 = tpu.memref_slice %arg10[%dma_start3A_52, %dma_start3A_53] : memref<128x128xf32, #tpu.memory_space<vmem>> -> memref<128x128xf32, #tpu.memory_space<vmem>>
      tpu.enqueue_dma source(%dma_start3A_54 : memref<128x128xf32, #tpu.memory_space<vmem>>) target(%dma_start3A_51 : memref<128x128xf32, #tpu.memory_space<vmem_shared>>) target_semaphore(%run_scoped3A : memref<!tpu.dma_semaphore, #tpu.memory_space<semaphore_mem>>)
      %dma_wait3A = arith.constant 0 : i32
      %dma_wait3A_55 = arith.constant 0 : i32
      %dma_wait3A_56 = tpu.memref_slice %arg10[%dma_wait3A, %dma_wait3A_55] : memref<128x128xf32, #tpu.memory_space<vmem>> -> memref<128x128xf32, #tpu.memory_space<vmem>>
      %dma_wait3A_57 = arith.constant 0 : i32
      %dma_wait3A_58 = tpu.memref_slice %arg7[%add3A_13, %dma_wait3A_57] : memref<10112x128xf32, #tpu.memory_space<vmem_shared>> -> memref<128x128xf32, #tpu.memory_space<vmem_shared>>
      %dma_wait3A_59 = arith.constant 0 : i32
      %dma_wait3A_60 = tpu.memref_slice %arg7[%add3A_13, %dma_wait3A_59] : memref<10112x128xf32, #tpu.memory_space<vmem_shared>> -> memref<128x128xf32, #tpu.memory_space<vmem_shared>>
      %dma_wait3A_61 = arith.constant 0 : i32
      %dma_wait3A_62 = arith.constant 0 : i32
      %dma_wait3A_63 = tpu.memref_slice %arg10[%dma_wait3A_61, %dma_wait3A_62] : memref<128x128xf32, #tpu.memory_space<vmem>> -> memref<128x128xf32, #tpu.memory_space<vmem>>
      tpu.wait_dma2 semaphore(%run_scoped3A : memref<!tpu.dma_semaphore, #tpu.memory_space<semaphore_mem>>) src(%dma_wait3A_63 : memref<128x128xf32, #tpu.memory_space<vmem>>) dst(%dma_wait3A_60 : memref<128x128xf32, #tpu.memory_space<vmem_shared>>)
      tpu.yield
    }) : () -> ()
    %mul3A_14 = arith.constant 632 : i32
    %mul3A_15 = arith.muli %arg1, %mul3A_14 : i32
    %add3A_16 = arith.constant 512 : i32
    %add3A_17 = arith.addi %mul3A_15, %add3A_16 : i32
    "tpu.region"() ({
      %run_scoped3A = tpu.sem_alloc : memref<!tpu.dma_semaphore, #tpu.memory_space<semaphore_mem>>
      %dma_start3A = arith.constant 0 : i32
      %dma_start3A_46 = arith.constant 0 : i32
      %dma_start3A_47 = tpu.memref_slice %arg10[%dma_start3A, %dma_start3A_46] : memref<128x128xf32, #tpu.memory_space<vmem>> -> memref<120x128xf32, #tpu.memory_space<vmem>>
      %dma_start3A_48 = arith.constant 0 : i32
      %dma_start3A_49 = tpu.memref_slice %arg7[%add3A_17, %dma_start3A_48] : memref<10112x128xf32, #tpu.memory_space<vmem_shared>> -> memref<120x128xf32, #tpu.memory_space<vmem_shared>>
      %dma_start3A_50 = arith.constant 0 : i32
      %dma_start3A_51 = tpu.memref_slice %arg7[%add3A_17, %dma_start3A_50] : memref<10112x128xf32, #tpu.memory_space<vmem_shared>> -> memref<120x128xf32, #tpu.memory_space<vmem_shared>>
      %dma_start3A_52 = arith.constant 0 : i32
      %dma_start3A_53 = arith.constant 0 : i32
      %dma_start3A_54 = tpu.memref_slice %arg10[%dma_start3A_52, %dma_start3A_53] : memref<128x128xf32, #tpu.memory_space<vmem>> -> memref<120x128xf32, #tpu.memory_space<vmem>>
      tpu.enqueue_dma source(%dma_start3A_54 : memref<120x128xf32, #tpu.memory_space<vmem>>) target(%dma_start3A_51 : memref<120x128xf32, #tpu.memory_space<vmem_shared>>) target_semaphore(%run_scoped3A : memref<!tpu.dma_semaphore, #tpu.memory_space<semaphore_mem>>)
      %dma_wait3A = arith.constant 0 : i32
      %dma_wait3A_55 = arith.constant 0 : i32
      %dma_wait3A_56 = tpu.memref_slice %arg10[%dma_wait3A, %dma_wait3A_55] : memref<128x128xf32, #tpu.memory_space<vmem>> -> memref<120x128xf32, #tpu.memory_space<vmem>>
      %dma_wait3A_57 = arith.constant 0 : i32
      %dma_wait3A_58 = tpu.memref_slice %arg7[%add3A_17, %dma_wait3A_57] : memref<10112x128xf32, #tpu.memory_space<vmem_shared>> -> memref<120x128xf32, #tpu.memory_space<vmem_shared>>
      %dma_wait3A_59 = arith.constant 0 : i32
      %dma_wait3A_60 = tpu.memref_slice %arg7[%add3A_17, %dma_wait3A_59] : memref<10112x128xf32, #tpu.memory_space<vmem_shared>> -> memref<120x128xf32, #tpu.memory_space<vmem_shared>>
      %dma_wait3A_61 = arith.constant 0 : i32
      %dma_wait3A_62 = arith.constant 0 : i32
      %dma_wait3A_63 = tpu.memref_slice %arg10[%dma_wait3A_61, %dma_wait3A_62] : memref<128x128xf32, #tpu.memory_space<vmem>> -> memref<120x128xf32, #tpu.memory_space<vmem>>
      tpu.wait_dma2 semaphore(%run_scoped3A : memref<!tpu.dma_semaphore, #tpu.memory_space<semaphore_mem>>) src(%dma_wait3A_63 : memref<120x128xf32, #tpu.memory_space<vmem>>) dst(%dma_wait3A_60 : memref<120x128xf32, #tpu.memory_space<vmem_shared>>)
      tpu.yield
    }) : () -> ()
    %barrier3A = arith.constant 0 : index
    tpu.barrier barrier_id(%barrier3A)
    %eq3A = arith.constant 0 : i32
    %eq3A_18 = arith.cmpi eq, %arg0, %eq3A : i32
    %convert_element_type3A = arith.extui %eq3A_18 : i1 to i32
    %cond3A = arith.constant 0 : i32
    %cond3A_19 = arith.cmpi ne, %convert_element_type3A, %cond3A : i32
    scf.if %cond3A_19 {
      %mul3A_46 = arith.constant 128 : i32
      %mul3A_47 = arith.muli %arg1, %mul3A_46 : i32
      %add3A_48 = arith.constant 0 : i32
      %add3A_49 = arith.addi %mul3A_47, %add3A_48 : i32
      "tpu.region"() ({
        %run_scoped3A = tpu.sem_alloc : memref<!tpu.dma_semaphore, #tpu.memory_space<semaphore_mem>>
        %dma_start3A_90 = arith.constant 0 : i32
        %dma_start3A_91 = arith.constant 0 : i32
        %dma_start3A_92 = tpu.memref_slice %arg8[%dma_start3A_90, %dma_start3A_91] : memref<64x128xi32, #tpu.memory_space<vmem>> -> memref<64x128xi32, #tpu.memory_space<vmem>>
        %dma_start3A_93 = arith.constant 0 : i32
        %dma_start3A_94 = tpu.memref_slice %arg3[%add3A_49, %dma_start3A_93] : memref<2560x128xi32, #tpu.memory_space<hbm>> -> memref<64x128xi32, #tpu.memory_space<hbm>>
        %dma_start3A_95 = arith.constant 0 : i32
        %dma_start3A_96 = arith.constant 0 : i32
        %dma_start3A_97 = tpu.memref_slice %arg8[%dma_start3A_95, %dma_start3A_96] : memref<64x128xi32, #tpu.memory_space<vmem>> -> memref<64x128xi32, #tpu.memory_space<vmem>>
        %dma_start3A_98 = arith.constant 0 : i32
        %dma_start3A_99 = tpu.memref_slice %arg3[%add3A_49, %dma_start3A_98] : memref<2560x128xi32, #tpu.memory_space<hbm>> -> memref<64x128xi32, #tpu.memory_space<hbm>>
        tpu.enqueue_dma source(%dma_start3A_99 : memref<64x128xi32, #tpu.memory_space<hbm>>) target(%dma_start3A_97 : memref<64x128xi32, #tpu.memory_space<vmem>>) target_semaphore(%run_scoped3A : memref<!tpu.dma_semaphore, #tpu.memory_space<semaphore_mem>>)
        %dma_wait3A = arith.constant 0 : i32
        %dma_wait3A_100 = arith.constant 0 : i32
        %dma_wait3A_101 = tpu.memref_slice %arg8[%dma_wait3A, %dma_wait3A_100] : memref<64x128xi32, #tpu.memory_space<vmem>> -> memref<64x128xi32, #tpu.memory_space<vmem>>
        %dma_wait3A_102 = arith.constant 0 : i32
        %dma_wait3A_103 = tpu.memref_slice %arg3[%add3A_49, %dma_wait3A_102] : memref<2560x128xi32, #tpu.memory_space<hbm>> -> memref<64x128xi32, #tpu.memory_space<hbm>>
        %dma_wait3A_104 = arith.constant 0 : i32
        %dma_wait3A_105 = arith.constant 0 : i32
        %dma_wait3A_106 = tpu.memref_slice %arg8[%dma_wait3A_104, %dma_wait3A_105] : memref<64x128xi32, #tpu.memory_space<vmem>> -> memref<64x128xi32, #tpu.memory_space<vmem>>
        %dma_wait3A_107 = arith.constant 0 : i32
        %dma_wait3A_108 = tpu.memref_slice %arg3[%add3A_49, %dma_wait3A_107] : memref<2560x128xi32, #tpu.memory_space<hbm>> -> memref<64x128xi32, #tpu.memory_space<hbm>>
        tpu.wait_dma2 semaphore(%run_scoped3A : memref<!tpu.dma_semaphore, #tpu.memory_space<semaphore_mem>>) src(%dma_wait3A_108 : memref<64x128xi32, #tpu.memory_space<hbm>>) dst(%dma_wait3A_106 : memref<64x128xi32, #tpu.memory_space<vmem>>)
        tpu.yield
      }) : () -> ()
      "tpu.region"() ({
        %run_scoped3A = tpu.sem_alloc : memref<!tpu.dma_semaphore, #tpu.memory_space<semaphore_mem>>
        %dma_start3A_90 = arith.constant 0 : i32
        %dma_start3A_91 = arith.constant 0 : i32
        %dma_start3A_92 = tpu.memref_slice %arg9[%dma_start3A_90, %dma_start3A_91] : memref<64x128xi32, #tpu.memory_space<vmem>> -> memref<64x128xi32, #tpu.memory_space<vmem>>
        %dma_start3A_93 = arith.constant 0 : i32
        %dma_start3A_94 = tpu.memref_slice %arg4[%add3A_49, %dma_start3A_93] : memref<2560x128xi32, #tpu.memory_space<hbm>> -> memref<64x128xi32, #tpu.memory_space<hbm>>
        %dma_start3A_95 = arith.constant 0 : i32
        %dma_start3A_96 = arith.constant 0 : i32
        %dma_start3A_97 = tpu.memref_slice %arg9[%dma_start3A_95, %dma_start3A_96] : memref<64x128xi32, #tpu.memory_space<vmem>> -> memref<64x128xi32, #tpu.memory_space<vmem>>
        %dma_start3A_98 = arith.constant 0 : i32
        %dma_start3A_99 = tpu.memref_slice %arg4[%add3A_49, %dma_start3A_98] : memref<2560x128xi32, #tpu.memory_space<hbm>> -> memref<64x128xi32, #tpu.memory_space<hbm>>
        tpu.enqueue_dma source(%dma_start3A_99 : memref<64x128xi32, #tpu.memory_space<hbm>>) target(%dma_start3A_97 : memref<64x128xi32, #tpu.memory_space<vmem>>) target_semaphore(%run_scoped3A : memref<!tpu.dma_semaphore, #tpu.memory_space<semaphore_mem>>)
        %dma_wait3A = arith.constant 0 : i32
        %dma_wait3A_100 = arith.constant 0 : i32
        %dma_wait3A_101 = tpu.memref_slice %arg9[%dma_wait3A, %dma_wait3A_100] : memref<64x128xi32, #tpu.memory_space<vmem>> -> memref<64x128xi32, #tpu.memory_space<vmem>>
        %dma_wait3A_102 = arith.constant 0 : i32
        %dma_wait3A_103 = tpu.memref_slice %arg4[%add3A_49, %dma_wait3A_102] : memref<2560x128xi32, #tpu.memory_space<hbm>> -> memref<64x128xi32, #tpu.memory_space<hbm>>
        %dma_wait3A_104 = arith.constant 0 : i32
        %dma_wait3A_105 = arith.constant 0 : i32
        %dma_wait3A_106 = tpu.memref_slice %arg9[%dma_wait3A_104, %dma_wait3A_105] : memref<64x128xi32, #tpu.memory_space<vmem>> -> memref<64x128xi32, #tpu.memory_space<vmem>>
        %dma_wait3A_107 = arith.constant 0 : i32
        %dma_wait3A_108 = tpu.memref_slice %arg4[%add3A_49, %dma_wait3A_107] : memref<2560x128xi32, #tpu.memory_space<hbm>> -> memref<64x128xi32, #tpu.memory_space<hbm>>
        tpu.wait_dma2 semaphore(%run_scoped3A : memref<!tpu.dma_semaphore, #tpu.memory_space<semaphore_mem>>) src(%dma_wait3A_108 : memref<64x128xi32, #tpu.memory_space<hbm>>) dst(%dma_wait3A_106 : memref<64x128xi32, #tpu.memory_space<vmem>>)
        tpu.yield
      }) : () -> ()
      %dma_start3A = arith.constant 0 : i32
      %dma_start3A_50 = arith.constant 0 : i32
      %dma_start3A_51 = tpu.memref_slice %arg8[%dma_start3A, %dma_start3A_50] : memref<64x128xi32, #tpu.memory_space<vmem>> -> memref<1x128xi32, #tpu.memory_space<vmem>>
      %dma_start3A_52 = tpu.memref_squeeze %dma_start3A_51 : memref<1x128xi32, #tpu.memory_space<vmem>> -> memref<128xi32, #tpu.memory_space<vmem>>
      %dma_start3A_53 = arith.constant 0 : i32
      %dma_start3A_54 = arith.constant 0 : i32
      %dma_start3A_55 = tpu.memref_slice %arg2[%dma_start3A_53, %dma_start3A_54] : memref<10000x128xf32, #tpu.memory_space<hbm>> -> memref<10000x128xf32, #tpu.memory_space<hbm>>
      tpu.enqueue_indirect_dma source(%dma_start3A_55 : memref<10000x128xf32, #tpu.memory_space<hbm>>) target(%arg10 : memref<128x128xf32, #tpu.memory_space<vmem>>) offsets(%dma_start3A_52 : memref<128xi32, #tpu.memory_space<vmem>>) semaphore(%arg12 : memref<!tpu.dma_semaphore, #tpu.memory_space<semaphore_mem>>)
      %dma_start3A_56 = arith.constant 1 : i32
      %dma_start3A_57 = arith.constant 0 : i32
      %dma_start3A_58 = tpu.memref_slice %arg8[%dma_start3A_56, %dma_start3A_57] : memref<64x128xi32, #tpu.memory_space<vmem>> -> memref<1x128xi32, #tpu.memory_space<vmem>>
      %dma_start3A_59 = tpu.memref_squeeze %dma_start3A_58 : memref<1x128xi32, #tpu.memory_space<vmem>> -> memref<128xi32, #tpu.memory_space<vmem>>
      %dma_start3A_60 = arith.constant 0 : i32
      %dma_start3A_61 = arith.constant 0 : i32
      %dma_start3A_62 = tpu.memref_slice %arg2[%dma_start3A_60, %dma_start3A_61] : memref<10000x128xf32, #tpu.memory_space<hbm>> -> memref<10000x128xf32, #tpu.memory_space<hbm>>
      tpu.enqueue_indirect_dma source(%dma_start3A_62 : memref<10000x128xf32, #tpu.memory_space<hbm>>) target(%arg11 : memref<128x128xf32, #tpu.memory_space<vmem>>) offsets(%dma_start3A_59 : memref<128xi32, #tpu.memory_space<vmem>>) semaphore(%arg13 : memref<!tpu.dma_semaphore, #tpu.memory_space<semaphore_mem>>)
      %scan3A = arith.constant 0 : i32
      %scan3A_63 = arith.constant 0 : i32
      %scan3A_64 = arith.constant 32 : i32
      %scan3A_65 = arith.addi %scan3A_63, %scan3A_64 : i32
      %scan3A_66 = arith.constant 1 : i32
      scf.for %scan3A_90 = %scan3A_63 to %scan3A_65 step %scan3A_66  : i32 {
        %mul3A_91 = arith.constant 2 : i32
        %mul3A_92 = arith.muli %mul3A_91, %scan3A_90 : i32
        %add3A_93 = arith.constant 1 : i32
        %add3A_94 = arith.addi %mul3A_92, %add3A_93 : i32
        %dma_wait3A = arith.constant 0 : i32
        %dma_wait3A_95 = tpu.memref_slice %arg8[%mul3A_92, %dma_wait3A] : memref<64x128xi32, #tpu.memory_space<vmem>> -> memref<1x128xi32, #tpu.memory_space<vmem>>
        %dma_wait3A_96 = tpu.memref_squeeze %dma_wait3A_95 : memref<1x128xi32, #tpu.memory_space<vmem>> -> memref<128xi32, #tpu.memory_space<vmem>>
        %dma_wait3A_97 = arith.constant 0 : i32
        %dma_wait3A_98 = arith.constant 0 : i32
        %dma_wait3A_99 = tpu.memref_slice %arg2[%dma_wait3A_97, %dma_wait3A_98] : memref<10000x128xf32, #tpu.memory_space<hbm>> -> memref<10000x128xf32, #tpu.memory_space<hbm>>
        tpu.wait_indirect_dma semaphore(%arg12 : memref<!tpu.dma_semaphore, #tpu.memory_space<semaphore_mem>>) src(%dma_wait3A_99 : memref<10000x128xf32, #tpu.memory_space<hbm>>) dst(%arg10 : memref<128x128xf32, #tpu.memory_space<vmem>>)
        %dma_start3A_100 = arith.constant 0 : i32
        %dma_start3A_101 = tpu.memref_slice %arg9[%mul3A_92, %dma_start3A_100] : memref<64x128xi32, #tpu.memory_space<vmem>> -> memref<1x128xi32, #tpu.memory_space<vmem>>
        %dma_start3A_102 = tpu.memref_squeeze %dma_start3A_101 : memref<1x128xi32, #tpu.memory_space<vmem>> -> memref<128xi32, #tpu.memory_space<vmem>>
        %dma_start3A_103 = arith.constant 0 : i32
        %dma_start3A_104 = arith.constant 0 : i32
        %dma_start3A_105 = tpu.memref_slice %arg7[%dma_start3A_103, %dma_start3A_104] : memref<10112x128xf32, #tpu.memory_space<vmem_shared>> -> memref<10112x128xf32, #tpu.memory_space<vmem_shared>>
        tpu.enqueue_indirect_dma source(%arg10 : memref<128x128xf32, #tpu.memory_space<vmem>>) target(%dma_start3A_105 : memref<10112x128xf32, #tpu.memory_space<vmem_shared>>) offsets(%dma_start3A_102 : memref<128xi32, #tpu.memory_space<vmem>>) semaphore(%arg14 : memref<!tpu.dma_semaphore, #tpu.memory_space<semaphore_mem>>) {add = true}
        %dma_wait3A_106 = arith.constant 0 : i32
        %dma_wait3A_107 = tpu.memref_slice %arg8[%add3A_94, %dma_wait3A_106] : memref<64x128xi32, #tpu.memory_space<vmem>> -> memref<1x128xi32, #tpu.memory_space<vmem>>
        %dma_wait3A_108 = tpu.memref_squeeze %dma_wait3A_107 : memref<1x128xi32, #tpu.memory_space<vmem>> -> memref<128xi32, #tpu.memory_space<vmem>>
        %dma_wait3A_109 = arith.constant 0 : i32
        %dma_wait3A_110 = arith.constant 0 : i32
        %dma_wait3A_111 = tpu.memref_slice %arg2[%dma_wait3A_109, %dma_wait3A_110] : memref<10000x128xf32, #tpu.memory_space<hbm>> -> memref<10000x128xf32, #tpu.memory_space<hbm>>
        tpu.wait_indirect_dma semaphore(%arg13 : memref<!tpu.dma_semaphore, #tpu.memory_space<semaphore_mem>>) src(%dma_wait3A_111 : memref<10000x128xf32, #tpu.memory_space<hbm>>) dst(%arg11 : memref<128x128xf32, #tpu.memory_space<vmem>>)
        %dma_start3A_112 = arith.constant 0 : i32
        %dma_start3A_113 = tpu.memref_slice %arg9[%add3A_94, %dma_start3A_112] : memref<64x128xi32, #tpu.memory_space<vmem>> -> memref<1x128xi32, #tpu.memory_space<vmem>>
        %dma_start3A_114 = tpu.memref_squeeze %dma_start3A_113 : memref<1x128xi32, #tpu.memory_space<vmem>> -> memref<128xi32, #tpu.memory_space<vmem>>
        %dma_start3A_115 = arith.constant 0 : i32
        %dma_start3A_116 = arith.constant 0 : i32
        %dma_start3A_117 = tpu.memref_slice %arg7[%dma_start3A_115, %dma_start3A_116] : memref<10112x128xf32, #tpu.memory_space<vmem_shared>> -> memref<10112x128xf32, #tpu.memory_space<vmem_shared>>
        tpu.enqueue_indirect_dma source(%arg11 : memref<128x128xf32, #tpu.memory_space<vmem>>) target(%dma_start3A_117 : memref<10112x128xf32, #tpu.memory_space<vmem_shared>>) offsets(%dma_start3A_114 : memref<128xi32, #tpu.memory_space<vmem>>) semaphore(%arg15 : memref<!tpu.dma_semaphore, #tpu.memory_space<semaphore_mem>>) {add = true}
        %dma_wait3A_118 = arith.constant 0 : i32
        %dma_wait3A_119 = tpu.memref_slice %arg9[%mul3A_92, %dma_wait3A_118] : memref<64x128xi32, #tpu.memory_space<vmem>> -> memref<1x128xi32, #tpu.memory_space<vmem>>
        %dma_wait3A_120 = tpu.memref_squeeze %dma_wait3A_119 : memref<1x128xi32, #tpu.memory_space<vmem>> -> memref<128xi32, #tpu.memory_space<vmem>>
        %dma_wait3A_121 = arith.constant 0 : i32
        %dma_wait3A_122 = arith.constant 0 : i32
        %dma_wait3A_123 = tpu.memref_slice %arg7[%dma_wait3A_121, %dma_wait3A_122] : memref<10112x128xf32, #tpu.memory_space<vmem_shared>> -> memref<10112x128xf32, #tpu.memory_space<vmem_shared>>
        tpu.wait_indirect_dma semaphore(%arg14 : memref<!tpu.dma_semaphore, #tpu.memory_space<semaphore_mem>>) src(%arg10 : memref<128x128xf32, #tpu.memory_space<vmem>>) dst(%dma_wait3A_123 : memref<10112x128xf32, #tpu.memory_space<vmem_shared>>)
        %add3A_124 = arith.constant 2 : i32
        %add3A_125 = arith.addi %mul3A_92, %add3A_124 : i32
        %lt3A = arith.constant 64 : i32
        %lt3A_126 = arith.cmpi slt, %add3A_125, %lt3A : i32
        %convert_element_type3A_127 = arith.extui %lt3A_126 : i1 to i32
        %cond3A_128 = arith.constant 0 : i32
        %cond3A_129 = arith.cmpi ne, %convert_element_type3A_127, %cond3A_128 : i32
        scf.if %cond3A_129 {
          %add3A_143 = arith.constant 2 : i32
          %add3A_144 = arith.addi %mul3A_92, %add3A_143 : i32
          %dma_start3A_145 = arith.constant 0 : i32
          %dma_start3A_146 = tpu.memref_slice %arg8[%add3A_144, %dma_start3A_145] : memref<64x128xi32, #tpu.memory_space<vmem>> -> memref<1x128xi32, #tpu.memory_space<vmem>>
          %dma_start3A_147 = tpu.memref_squeeze %dma_start3A_146 : memref<1x128xi32, #tpu.memory_space<vmem>> -> memref<128xi32, #tpu.memory_space<vmem>>
          %dma_start3A_148 = arith.constant 0 : i32
          %dma_start3A_149 = arith.constant 0 : i32
          %dma_start3A_150 = tpu.memref_slice %arg2[%dma_start3A_148, %dma_start3A_149] : memref<10000x128xf32, #tpu.memory_space<hbm>> -> memref<10000x128xf32, #tpu.memory_space<hbm>>
          tpu.enqueue_indirect_dma source(%dma_start3A_150 : memref<10000x128xf32, #tpu.memory_space<hbm>>) target(%arg10 : memref<128x128xf32, #tpu.memory_space<vmem>>) offsets(%dma_start3A_147 : memref<128xi32, #tpu.memory_space<vmem>>) semaphore(%arg12 : memref<!tpu.dma_semaphore, #tpu.memory_space<semaphore_mem>>)
        } else {
        }
        %dma_wait3A_130 = arith.constant 0 : i32
        %dma_wait3A_131 = tpu.memref_slice %arg9[%add3A_94, %dma_wait3A_130] : memref<64x128xi32, #tpu.memory_space<vmem>> -> memref<1x128xi32, #tpu.memory_space<vmem>>
        %dma_wait3A_132 = tpu.memref_squeeze %dma_wait3A_131 : memref<1x128xi32, #tpu.memory_space<vmem>> -> memref<128xi32, #tpu.memory_space<vmem>>
        %dma_wait3A_133 = arith.constant 0 : i32
        %dma_wait3A_134 = arith.constant 0 : i32
        %dma_wait3A_135 = tpu.memref_slice %arg7[%dma_wait3A_133, %dma_wait3A_134] : memref<10112x128xf32, #tpu.memory_space<vmem_shared>> -> memref<10112x128xf32, #tpu.memory_space<vmem_shared>>
        tpu.wait_indirect_dma semaphore(%arg15 : memref<!tpu.dma_semaphore, #tpu.memory_space<semaphore_mem>>) src(%arg11 : memref<128x128xf32, #tpu.memory_space<vmem>>) dst(%dma_wait3A_135 : memref<10112x128xf32, #tpu.memory_space<vmem_shared>>)
        %add3A_136 = arith.constant 2 : i32
        %add3A_137 = arith.addi %add3A_94, %add3A_136 : i32
        %lt3A_138 = arith.constant 64 : i32
        %lt3A_139 = arith.cmpi slt, %add3A_137, %lt3A_138 : i32
        %convert_element_type3A_140 = arith.extui %lt3A_139 : i1 to i32
        %cond3A_141 = arith.constant 0 : i32
        %cond3A_142 = arith.cmpi ne, %convert_element_type3A_140, %cond3A_141 : i32
        scf.if %cond3A_142 {
          %add3A_143 = arith.constant 2 : i32
          %add3A_144 = arith.addi %add3A_94, %add3A_143 : i32
          %dma_start3A_145 = arith.constant 0 : i32
          %dma_start3A_146 = tpu.memref_slice %arg8[%add3A_144, %dma_start3A_145] : memref<64x128xi32, #tpu.memory_space<vmem>> -> memref<1x128xi32, #tpu.memory_space<vmem>>
          %dma_start3A_147 = tpu.memref_squeeze %dma_start3A_146 : memref<1x128xi32, #tpu.memory_space<vmem>> -> memref<128xi32, #tpu.memory_space<vmem>>
          %dma_start3A_148 = arith.constant 0 : i32
          %dma_start3A_149 = arith.constant 0 : i32
          %dma_start3A_150 = tpu.memref_slice %arg2[%dma_start3A_148, %dma_start3A_149] : memref<10000x128xf32, #tpu.memory_space<hbm>> -> memref<10000x128xf32, #tpu.memory_space<hbm>>
          tpu.enqueue_indirect_dma source(%dma_start3A_150 : memref<10000x128xf32, #tpu.memory_space<hbm>>) target(%arg11 : memref<128x128xf32, #tpu.memory_space<vmem>>) offsets(%dma_start3A_147 : memref<128xi32, #tpu.memory_space<vmem>>) semaphore(%arg13 : memref<!tpu.dma_semaphore, #tpu.memory_space<semaphore_mem>>)
        } else {
        }
      }
      %scan3A_67 = arith.constant 32 : i32
      %add3A_68 = arith.constant 64 : i32
      %add3A_69 = arith.addi %mul3A_47, %add3A_68 : i32
      "tpu.region"() ({
        %run_scoped3A = tpu.sem_alloc : memref<!tpu.dma_semaphore, #tpu.memory_space<semaphore_mem>>
        %dma_start3A_90 = arith.constant 0 : i32
        %dma_start3A_91 = arith.constant 0 : i32
        %dma_start3A_92 = tpu.memref_slice %arg8[%dma_start3A_90, %dma_start3A_91] : memref<64x128xi32, #tpu.memory_space<vmem>> -> memref<64x128xi32, #tpu.memory_space<vmem>>
        %dma_start3A_93 = arith.constant 0 : i32
        %dma_start3A_94 = tpu.memref_slice %arg3[%add3A_69, %dma_start3A_93] : memref<2560x128xi32, #tpu.memory_space<hbm>> -> memref<64x128xi32, #tpu.memory_space<hbm>>
        %dma_start3A_95 = arith.constant 0 : i32
        %dma_start3A_96 = arith.constant 0 : i32
        %dma_start3A_97 = tpu.memref_slice %arg8[%dma_start3A_95, %dma_start3A_96] : memref<64x128xi32, #tpu.memory_space<vmem>> -> memref<64x128xi32, #tpu.memory_space<vmem>>
        %dma_start3A_98 = arith.constant 0 : i32
        %dma_start3A_99 = tpu.memref_slice %arg3[%add3A_69, %dma_start3A_98] : memref<2560x128xi32, #tpu.memory_space<hbm>> -> memref<64x128xi32, #tpu.memory_space<hbm>>
        tpu.enqueue_dma source(%dma_start3A_99 : memref<64x128xi32, #tpu.memory_space<hbm>>) target(%dma_start3A_97 : memref<64x128xi32, #tpu.memory_space<vmem>>) target_semaphore(%run_scoped3A : memref<!tpu.dma_semaphore, #tpu.memory_space<semaphore_mem>>)
        %dma_wait3A = arith.constant 0 : i32
        %dma_wait3A_100 = arith.constant 0 : i32
        %dma_wait3A_101 = tpu.memref_slice %arg8[%dma_wait3A, %dma_wait3A_100] : memref<64x128xi32, #tpu.memory_space<vmem>> -> memref<64x128xi32, #tpu.memory_space<vmem>>
        %dma_wait3A_102 = arith.constant 0 : i32
        %dma_wait3A_103 = tpu.memref_slice %arg3[%add3A_69, %dma_wait3A_102] : memref<2560x128xi32, #tpu.memory_space<hbm>> -> memref<64x128xi32, #tpu.memory_space<hbm>>
        %dma_wait3A_104 = arith.constant 0 : i32
        %dma_wait3A_105 = arith.constant 0 : i32
        %dma_wait3A_106 = tpu.memref_slice %arg8[%dma_wait3A_104, %dma_wait3A_105] : memref<64x128xi32, #tpu.memory_space<vmem>> -> memref<64x128xi32, #tpu.memory_space<vmem>>
        %dma_wait3A_107 = arith.constant 0 : i32
        %dma_wait3A_108 = tpu.memref_slice %arg3[%add3A_69, %dma_wait3A_107] : memref<2560x128xi32, #tpu.memory_space<hbm>> -> memref<64x128xi32, #tpu.memory_space<hbm>>
        tpu.wait_dma2 semaphore(%run_scoped3A : memref<!tpu.dma_semaphore, #tpu.memory_space<semaphore_mem>>) src(%dma_wait3A_108 : memref<64x128xi32, #tpu.memory_space<hbm>>) dst(%dma_wait3A_106 : memref<64x128xi32, #tpu.memory_space<vmem>>)
        tpu.yield
      }) : () -> ()
      "tpu.region"() ({
        %run_scoped3A = tpu.sem_alloc : memref<!tpu.dma_semaphore, #tpu.memory_space<semaphore_mem>>
        %dma_start3A_90 = arith.constant 0 : i32
        %dma_start3A_91 = arith.constant 0 : i32
        %dma_start3A_92 = tpu.memref_slice %arg9[%dma_start3A_90, %dma_start3A_91] : memref<64x128xi32, #tpu.memory_space<vmem>> -> memref<64x128xi32, #tpu.memory_space<vmem>>
        %dma_start3A_93 = arith.constant 0 : i32
        %dma_start3A_94 = tpu.memref_slice %arg4[%add3A_69, %dma_start3A_93] : memref<2560x128xi32, #tpu.memory_space<hbm>> -> memref<64x128xi32, #tpu.memory_space<hbm>>
        %dma_start3A_95 = arith.constant 0 : i32
        %dma_start3A_96 = arith.constant 0 : i32
        %dma_start3A_97 = tpu.memref_slice %arg9[%dma_start3A_95, %dma_start3A_96] : memref<64x128xi32, #tpu.memory_space<vmem>> -> memref<64x128xi32, #tpu.memory_space<vmem>>
        %dma_start3A_98 = arith.constant 0 : i32
        %dma_start3A_99 = tpu.memref_slice %arg4[%add3A_69, %dma_start3A_98] : memref<2560x128xi32, #tpu.memory_space<hbm>> -> memref<64x128xi32, #tpu.memory_space<hbm>>
        tpu.enqueue_dma source(%dma_start3A_99 : memref<64x128xi32, #tpu.memory_space<hbm>>) target(%dma_start3A_97 : memref<64x128xi32, #tpu.memory_space<vmem>>) target_semaphore(%run_scoped3A : memref<!tpu.dma_semaphore, #tpu.memory_space<semaphore_mem>>)
        %dma_wait3A = arith.constant 0 : i32
        %dma_wait3A_100 = arith.constant 0 : i32
        %dma_wait3A_101 = tpu.memref_slice %arg9[%dma_wait3A, %dma_wait3A_100] : memref<64x128xi32, #tpu.memory_space<vmem>> -> memref<64x128xi32, #tpu.memory_space<vmem>>
        %dma_wait3A_102 = arith.constant 0 : i32
        %dma_wait3A_103 = tpu.memref_slice %arg4[%add3A_69, %dma_wait3A_102] : memref<2560x128xi32, #tpu.memory_space<hbm>> -> memref<64x128xi32, #tpu.memory_space<hbm>>
        %dma_wait3A_104 = arith.constant 0 : i32
        %dma_wait3A_105 = arith.constant 0 : i32
        %dma_wait3A_106 = tpu.memref_slice %arg9[%dma_wait3A_104, %dma_wait3A_105] : memref<64x128xi32, #tpu.memory_space<vmem>> -> memref<64x128xi32, #tpu.memory_space<vmem>>
        %dma_wait3A_107 = arith.constant 0 : i32
        %dma_wait3A_108 = tpu.memref_slice %arg4[%add3A_69, %dma_wait3A_107] : memref<2560x128xi32, #tpu.memory_space<hbm>> -> memref<64x128xi32, #tpu.memory_space<hbm>>
        tpu.wait_dma2 semaphore(%run_scoped3A : memref<!tpu.dma_semaphore, #tpu.memory_space<semaphore_mem>>) src(%dma_wait3A_108 : memref<64x128xi32, #tpu.memory_space<hbm>>) dst(%dma_wait3A_106 : memref<64x128xi32, #tpu.memory_space<vmem>>)
        tpu.yield
      }) : () -> ()
      %dma_start3A_70 = arith.constant 0 : i32
      %dma_start3A_71 = arith.constant 0 : i32
      %dma_start3A_72 = tpu.memref_slice %arg8[%dma_start3A_70, %dma_start3A_71] : memref<64x128xi32, #tpu.memory_space<vmem>> -> memref<1x128xi32, #tpu.memory_space<vmem>>
      %dma_start3A_73 = tpu.memref_squeeze %dma_start3A_72 : memref<1x128xi32, #tpu.memory_space<vmem>> -> memref<128xi32, #tpu.memory_space<vmem>>
      %dma_start3A_74 = arith.constant 0 : i32
      %dma_start3A_75 = arith.constant 0 : i32
      %dma_start3A_76 = tpu.memref_slice %arg2[%dma_start3A_74, %dma_start3A_75] : memref<10000x128xf32, #tpu.memory_space<hbm>> -> memref<10000x128xf32, #tpu.memory_space<hbm>>
      tpu.enqueue_indirect_dma source(%dma_start3A_76 : memref<10000x128xf32, #tpu.memory_space<hbm>>) target(%arg10 : memref<128x128xf32, #tpu.memory_space<vmem>>) offsets(%dma_start3A_73 : memref<128xi32, #tpu.memory_space<vmem>>) semaphore(%arg12 : memref<!tpu.dma_semaphore, #tpu.memory_space<semaphore_mem>>)
      %dma_start3A_77 = arith.constant 1 : i32
      %dma_start3A_78 = arith.constant 0 : i32
      %dma_start3A_79 = tpu.memref_slice %arg8[%dma_start3A_77, %dma_start3A_78] : memref<64x128xi32, #tpu.memory_space<vmem>> -> memref<1x128xi32, #tpu.memory_space<vmem>>
      %dma_start3A_80 = tpu.memref_squeeze %dma_start3A_79 : memref<1x128xi32, #tpu.memory_space<vmem>> -> memref<128xi32, #tpu.memory_space<vmem>>
      %dma_start3A_81 = arith.constant 0 : i32
      %dma_start3A_82 = arith.constant 0 : i32
      %dma_start3A_83 = tpu.memref_slice %arg2[%dma_start3A_81, %dma_start3A_82] : memref<10000x128xf32, #tpu.memory_space<hbm>> -> memref<10000x128xf32, #tpu.memory_space<hbm>>
      tpu.enqueue_indirect_dma source(%dma_start3A_83 : memref<10000x128xf32, #tpu.memory_space<hbm>>) target(%arg11 : memref<128x128xf32, #tpu.memory_space<vmem>>) offsets(%dma_start3A_80 : memref<128xi32, #tpu.memory_space<vmem>>) semaphore(%arg13 : memref<!tpu.dma_semaphore, #tpu.memory_space<semaphore_mem>>)
      %scan3A_84 = arith.constant 0 : i32
      %scan3A_85 = arith.constant 0 : i32
      %scan3A_86 = arith.constant 32 : i32
      %scan3A_87 = arith.addi %scan3A_85, %scan3A_86 : i32
      %scan3A_88 = arith.constant 1 : i32
      scf.for %scan3A_90 = %scan3A_85 to %scan3A_87 step %scan3A_88  : i32 {
        %mul3A_91 = arith.constant 2 : i32
        %mul3A_92 = arith.muli %mul3A_91, %scan3A_90 : i32
        %add3A_93 = arith.constant 1 : i32
        %add3A_94 = arith.addi %mul3A_92, %add3A_93 : i32
        %dma_wait3A = arith.constant 0 : i32
        %dma_wait3A_95 = tpu.memref_slice %arg8[%mul3A_92, %dma_wait3A] : memref<64x128xi32, #tpu.memory_space<vmem>> -> memref<1x128xi32, #tpu.memory_space<vmem>>
        %dma_wait3A_96 = tpu.memref_squeeze %dma_wait3A_95 : memref<1x128xi32, #tpu.memory_space<vmem>> -> memref<128xi32, #tpu.memory_space<vmem>>
        %dma_wait3A_97 = arith.constant 0 : i32
        %dma_wait3A_98 = arith.constant 0 : i32
        %dma_wait3A_99 = tpu.memref_slice %arg2[%dma_wait3A_97, %dma_wait3A_98] : memref<10000x128xf32, #tpu.memory_space<hbm>> -> memref<10000x128xf32, #tpu.memory_space<hbm>>
        tpu.wait_indirect_dma semaphore(%arg12 : memref<!tpu.dma_semaphore, #tpu.memory_space<semaphore_mem>>) src(%dma_wait3A_99 : memref<10000x128xf32, #tpu.memory_space<hbm>>) dst(%arg10 : memref<128x128xf32, #tpu.memory_space<vmem>>)
        %dma_start3A_100 = arith.constant 0 : i32
        %dma_start3A_101 = tpu.memref_slice %arg9[%mul3A_92, %dma_start3A_100] : memref<64x128xi32, #tpu.memory_space<vmem>> -> memref<1x128xi32, #tpu.memory_space<vmem>>
        %dma_start3A_102 = tpu.memref_squeeze %dma_start3A_101 : memref<1x128xi32, #tpu.memory_space<vmem>> -> memref<128xi32, #tpu.memory_space<vmem>>
        %dma_start3A_103 = arith.constant 0 : i32
        %dma_start3A_104 = arith.constant 0 : i32
        %dma_start3A_105 = tpu.memref_slice %arg7[%dma_start3A_103, %dma_start3A_104] : memref<10112x128xf32, #tpu.memory_space<vmem_shared>> -> memref<10112x128xf32, #tpu.memory_space<vmem_shared>>
        tpu.enqueue_indirect_dma source(%arg10 : memref<128x128xf32, #tpu.memory_space<vmem>>) target(%dma_start3A_105 : memref<10112x128xf32, #tpu.memory_space<vmem_shared>>) offsets(%dma_start3A_102 : memref<128xi32, #tpu.memory_space<vmem>>) semaphore(%arg14 : memref<!tpu.dma_semaphore, #tpu.memory_space<semaphore_mem>>) {add = true}
        %dma_wait3A_106 = arith.constant 0 : i32
        %dma_wait3A_107 = tpu.memref_slice %arg8[%add3A_94, %dma_wait3A_106] : memref<64x128xi32, #tpu.memory_space<vmem>> -> memref<1x128xi32, #tpu.memory_space<vmem>>
        %dma_wait3A_108 = tpu.memref_squeeze %dma_wait3A_107 : memref<1x128xi32, #tpu.memory_space<vmem>> -> memref<128xi32, #tpu.memory_space<vmem>>
        %dma_wait3A_109 = arith.constant 0 : i32
        %dma_wait3A_110 = arith.constant 0 : i32
        %dma_wait3A_111 = tpu.memref_slice %arg2[%dma_wait3A_109, %dma_wait3A_110] : memref<10000x128xf32, #tpu.memory_space<hbm>> -> memref<10000x128xf32, #tpu.memory_space<hbm>>
        tpu.wait_indirect_dma semaphore(%arg13 : memref<!tpu.dma_semaphore, #tpu.memory_space<semaphore_mem>>) src(%dma_wait3A_111 : memref<10000x128xf32, #tpu.memory_space<hbm>>) dst(%arg11 : memref<128x128xf32, #tpu.memory_space<vmem>>)
        %dma_start3A_112 = arith.constant 0 : i32
        %dma_start3A_113 = tpu.memref_slice %arg9[%add3A_94, %dma_start3A_112] : memref<64x128xi32, #tpu.memory_space<vmem>> -> memref<1x128xi32, #tpu.memory_space<vmem>>
        %dma_start3A_114 = tpu.memref_squeeze %dma_start3A_113 : memref<1x128xi32, #tpu.memory_space<vmem>> -> memref<128xi32, #tpu.memory_space<vmem>>
        %dma_start3A_115 = arith.constant 0 : i32
        %dma_start3A_116 = arith.constant 0 : i32
        %dma_start3A_117 = tpu.memref_slice %arg7[%dma_start3A_115, %dma_start3A_116] : memref<10112x128xf32, #tpu.memory_space<vmem_shared>> -> memref<10112x128xf32, #tpu.memory_space<vmem_shared>>
        tpu.enqueue_indirect_dma source(%arg11 : memref<128x128xf32, #tpu.memory_space<vmem>>) target(%dma_start3A_117 : memref<10112x128xf32, #tpu.memory_space<vmem_shared>>) offsets(%dma_start3A_114 : memref<128xi32, #tpu.memory_space<vmem>>) semaphore(%arg15 : memref<!tpu.dma_semaphore, #tpu.memory_space<semaphore_mem>>) {add = true}
        %dma_wait3A_118 = arith.constant 0 : i32
        %dma_wait3A_119 = tpu.memref_slice %arg9[%mul3A_92, %dma_wait3A_118] : memref<64x128xi32, #tpu.memory_space<vmem>> -> memref<1x128xi32, #tpu.memory_space<vmem>>
        %dma_wait3A_120 = tpu.memref_squeeze %dma_wait3A_119 : memref<1x128xi32, #tpu.memory_space<vmem>> -> memref<128xi32, #tpu.memory_space<vmem>>
        %dma_wait3A_121 = arith.constant 0 : i32
        %dma_wait3A_122 = arith.constant 0 : i32
        %dma_wait3A_123 = tpu.memref_slice %arg7[%dma_wait3A_121, %dma_wait3A_122] : memref<10112x128xf32, #tpu.memory_space<vmem_shared>> -> memref<10112x128xf32, #tpu.memory_space<vmem_shared>>
        tpu.wait_indirect_dma semaphore(%arg14 : memref<!tpu.dma_semaphore, #tpu.memory_space<semaphore_mem>>) src(%arg10 : memref<128x128xf32, #tpu.memory_space<vmem>>) dst(%dma_wait3A_123 : memref<10112x128xf32, #tpu.memory_space<vmem_shared>>)
        %add3A_124 = arith.constant 2 : i32
        %add3A_125 = arith.addi %mul3A_92, %add3A_124 : i32
        %lt3A = arith.constant 64 : i32
        %lt3A_126 = arith.cmpi slt, %add3A_125, %lt3A : i32
        %convert_element_type3A_127 = arith.extui %lt3A_126 : i1 to i32
        %cond3A_128 = arith.constant 0 : i32
        %cond3A_129 = arith.cmpi ne, %convert_element_type3A_127, %cond3A_128 : i32
        scf.if %cond3A_129 {
          %add3A_143 = arith.constant 2 : i32
          %add3A_144 = arith.addi %mul3A_92, %add3A_143 : i32
          %dma_start3A_145 = arith.constant 0 : i32
          %dma_start3A_146 = tpu.memref_slice %arg8[%add3A_144, %dma_start3A_145] : memref<64x128xi32, #tpu.memory_space<vmem>> -> memref<1x128xi32, #tpu.memory_space<vmem>>
          %dma_start3A_147 = tpu.memref_squeeze %dma_start3A_146 : memref<1x128xi32, #tpu.memory_space<vmem>> -> memref<128xi32, #tpu.memory_space<vmem>>
          %dma_start3A_148 = arith.constant 0 : i32
          %dma_start3A_149 = arith.constant 0 : i32
          %dma_start3A_150 = tpu.memref_slice %arg2[%dma_start3A_148, %dma_start3A_149] : memref<10000x128xf32, #tpu.memory_space<hbm>> -> memref<10000x128xf32, #tpu.memory_space<hbm>>
          tpu.enqueue_indirect_dma source(%dma_start3A_150 : memref<10000x128xf32, #tpu.memory_space<hbm>>) target(%arg10 : memref<128x128xf32, #tpu.memory_space<vmem>>) offsets(%dma_start3A_147 : memref<128xi32, #tpu.memory_space<vmem>>) semaphore(%arg12 : memref<!tpu.dma_semaphore, #tpu.memory_space<semaphore_mem>>)
        } else {
        }
        %dma_wait3A_130 = arith.constant 0 : i32
        %dma_wait3A_131 = tpu.memref_slice %arg9[%add3A_94, %dma_wait3A_130] : memref<64x128xi32, #tpu.memory_space<vmem>> -> memref<1x128xi32, #tpu.memory_space<vmem>>
        %dma_wait3A_132 = tpu.memref_squeeze %dma_wait3A_131 : memref<1x128xi32, #tpu.memory_space<vmem>> -> memref<128xi32, #tpu.memory_space<vmem>>
        %dma_wait3A_133 = arith.constant 0 : i32
        %dma_wait3A_134 = arith.constant 0 : i32
        %dma_wait3A_135 = tpu.memref_slice %arg7[%dma_wait3A_133, %dma_wait3A_134] : memref<10112x128xf32, #tpu.memory_space<vmem_shared>> -> memref<10112x128xf32, #tpu.memory_space<vmem_shared>>
        tpu.wait_indirect_dma semaphore(%arg15 : memref<!tpu.dma_semaphore, #tpu.memory_space<semaphore_mem>>) src(%arg11 : memref<128x128xf32, #tpu.memory_space<vmem>>) dst(%dma_wait3A_135 : memref<10112x128xf32, #tpu.memory_space<vmem_shared>>)
        %add3A_136 = arith.constant 2 : i32
        %add3A_137 = arith.addi %add3A_94, %add3A_136 : i32
        %lt3A_138 = arith.constant 64 : i32
        %lt3A_139 = arith.cmpi slt, %add3A_137, %lt3A_138 : i32
        %convert_element_type3A_140 = arith.extui %lt3A_139 : i1 to i32
        %cond3A_141 = arith.constant 0 : i32
        %cond3A_142 = arith.cmpi ne, %convert_element_type3A_140, %cond3A_141 : i32
        scf.if %cond3A_142 {
          %add3A_143 = arith.constant 2 : i32
          %add3A_144 = arith.addi %add3A_94, %add3A_143 : i32
          %dma_start3A_145 = arith.constant 0 : i32
          %dma_start3A_146 = tpu.memref_slice %arg8[%add3A_144, %dma_start3A_145] : memref<64x128xi32, #tpu.memory_space<vmem>> -> memref<1x128xi32, #tpu.memory_space<vmem>>
          %dma_start3A_147 = tpu.memref_squeeze %dma_start3A_146 : memref<1x128xi32, #tpu.memory_space<vmem>> -> memref<128xi32, #tpu.memory_space<vmem>>
          %dma_start3A_148 = arith.constant 0 : i32
          %dma_start3A_149 = arith.constant 0 : i32
          %dma_start3A_150 = tpu.memref_slice %arg2[%dma_start3A_148, %dma_start3A_149] : memref<10000x128xf32, #tpu.memory_space<hbm>> -> memref<10000x128xf32, #tpu.memory_space<hbm>>
          tpu.enqueue_indirect_dma source(%dma_start3A_150 : memref<10000x128xf32, #tpu.memory_space<hbm>>) target(%arg11 : memref<128x128xf32, #tpu.memory_space<vmem>>) offsets(%dma_start3A_147 : memref<128xi32, #tpu.memory_space<vmem>>) semaphore(%arg13 : memref<!tpu.dma_semaphore, #tpu.memory_space<semaphore_mem>>)
        } else {
        }
      }
      %scan3A_89 = arith.constant 32 : i32
    } else {
    }
    %eq3A_20 = arith.constant 1 : i32
    %eq3A_21 = arith.cmpi eq, %arg0, %eq3A_20 : i32
    %convert_element_type3A_22 = arith.extui %eq3A_21 : i1 to i32
    %cond3A_23 = arith.constant 0 : i32
    %cond3A_24 = arith.cmpi ne, %convert_element_type3A_22, %cond3A_23 : i32
    scf.if %cond3A_24 {
      %mul3A_46 = arith.constant 32 : i32
      %mul3A_47 = arith.muli %arg1, %mul3A_46 : i32
      %add3A_48 = arith.constant 2048 : i32
      %add3A_49 = arith.addi %add3A_48, %mul3A_47 : i32
      %add3A_50 = arith.constant 0 : i32
      %add3A_51 = arith.addi %add3A_49, %add3A_50 : i32
      "tpu.region"() ({
        %run_scoped3A = tpu.sem_alloc : memref<!tpu.dma_semaphore, #tpu.memory_space<semaphore_mem>>
        %dma_start3A_70 = arith.constant 0 : i32
        %dma_start3A_71 = arith.constant 0 : i32
        %dma_start3A_72 = tpu.memref_slice %arg8[%dma_start3A_70, %dma_start3A_71] : memref<64x128xi32, #tpu.memory_space<vmem>> -> memref<32x128xi32, #tpu.memory_space<vmem>>
        %dma_start3A_73 = arith.constant 0 : i32
        %dma_start3A_74 = tpu.memref_slice %arg3[%add3A_51, %dma_start3A_73] : memref<2560x128xi32, #tpu.memory_space<hbm>> -> memref<32x128xi32, #tpu.memory_space<hbm>>
        %dma_start3A_75 = arith.constant 0 : i32
        %dma_start3A_76 = arith.constant 0 : i32
        %dma_start3A_77 = tpu.memref_slice %arg8[%dma_start3A_75, %dma_start3A_76] : memref<64x128xi32, #tpu.memory_space<vmem>> -> memref<32x128xi32, #tpu.memory_space<vmem>>
        %dma_start3A_78 = arith.constant 0 : i32
        %dma_start3A_79 = tpu.memref_slice %arg3[%add3A_51, %dma_start3A_78] : memref<2560x128xi32, #tpu.memory_space<hbm>> -> memref<32x128xi32, #tpu.memory_space<hbm>>
        tpu.enqueue_dma source(%dma_start3A_79 : memref<32x128xi32, #tpu.memory_space<hbm>>) target(%dma_start3A_77 : memref<32x128xi32, #tpu.memory_space<vmem>>) target_semaphore(%run_scoped3A : memref<!tpu.dma_semaphore, #tpu.memory_space<semaphore_mem>>)
        %dma_wait3A = arith.constant 0 : i32
        %dma_wait3A_80 = arith.constant 0 : i32
        %dma_wait3A_81 = tpu.memref_slice %arg8[%dma_wait3A, %dma_wait3A_80] : memref<64x128xi32, #tpu.memory_space<vmem>> -> memref<32x128xi32, #tpu.memory_space<vmem>>
        %dma_wait3A_82 = arith.constant 0 : i32
        %dma_wait3A_83 = tpu.memref_slice %arg3[%add3A_51, %dma_wait3A_82] : memref<2560x128xi32, #tpu.memory_space<hbm>> -> memref<32x128xi32, #tpu.memory_space<hbm>>
        %dma_wait3A_84 = arith.constant 0 : i32
        %dma_wait3A_85 = arith.constant 0 : i32
        %dma_wait3A_86 = tpu.memref_slice %arg8[%dma_wait3A_84, %dma_wait3A_85] : memref<64x128xi32, #tpu.memory_space<vmem>> -> memref<32x128xi32, #tpu.memory_space<vmem>>
        %dma_wait3A_87 = arith.constant 0 : i32
        %dma_wait3A_88 = tpu.memref_slice %arg3[%add3A_51, %dma_wait3A_87] : memref<2560x128xi32, #tpu.memory_space<hbm>> -> memref<32x128xi32, #tpu.memory_space<hbm>>
        tpu.wait_dma2 semaphore(%run_scoped3A : memref<!tpu.dma_semaphore, #tpu.memory_space<semaphore_mem>>) src(%dma_wait3A_88 : memref<32x128xi32, #tpu.memory_space<hbm>>) dst(%dma_wait3A_86 : memref<32x128xi32, #tpu.memory_space<vmem>>)
        tpu.yield
      }) : () -> ()
      "tpu.region"() ({
        %run_scoped3A = tpu.sem_alloc : memref<!tpu.dma_semaphore, #tpu.memory_space<semaphore_mem>>
        %dma_start3A_70 = arith.constant 0 : i32
        %dma_start3A_71 = arith.constant 0 : i32
        %dma_start3A_72 = tpu.memref_slice %arg9[%dma_start3A_70, %dma_start3A_71] : memref<64x128xi32, #tpu.memory_space<vmem>> -> memref<32x128xi32, #tpu.memory_space<vmem>>
        %dma_start3A_73 = arith.constant 0 : i32
        %dma_start3A_74 = tpu.memref_slice %arg4[%add3A_51, %dma_start3A_73] : memref<2560x128xi32, #tpu.memory_space<hbm>> -> memref<32x128xi32, #tpu.memory_space<hbm>>
        %dma_start3A_75 = arith.constant 0 : i32
        %dma_start3A_76 = arith.constant 0 : i32
        %dma_start3A_77 = tpu.memref_slice %arg9[%dma_start3A_75, %dma_start3A_76] : memref<64x128xi32, #tpu.memory_space<vmem>> -> memref<32x128xi32, #tpu.memory_space<vmem>>
        %dma_start3A_78 = arith.constant 0 : i32
        %dma_start3A_79 = tpu.memref_slice %arg4[%add3A_51, %dma_start3A_78] : memref<2560x128xi32, #tpu.memory_space<hbm>> -> memref<32x128xi32, #tpu.memory_space<hbm>>
        tpu.enqueue_dma source(%dma_start3A_79 : memref<32x128xi32, #tpu.memory_space<hbm>>) target(%dma_start3A_77 : memref<32x128xi32, #tpu.memory_space<vmem>>) target_semaphore(%run_scoped3A : memref<!tpu.dma_semaphore, #tpu.memory_space<semaphore_mem>>)
        %dma_wait3A = arith.constant 0 : i32
        %dma_wait3A_80 = arith.constant 0 : i32
        %dma_wait3A_81 = tpu.memref_slice %arg9[%dma_wait3A, %dma_wait3A_80] : memref<64x128xi32, #tpu.memory_space<vmem>> -> memref<32x128xi32, #tpu.memory_space<vmem>>
        %dma_wait3A_82 = arith.constant 0 : i32
        %dma_wait3A_83 = tpu.memref_slice %arg4[%add3A_51, %dma_wait3A_82] : memref<2560x128xi32, #tpu.memory_space<hbm>> -> memref<32x128xi32, #tpu.memory_space<hbm>>
        %dma_wait3A_84 = arith.constant 0 : i32
        %dma_wait3A_85 = arith.constant 0 : i32
        %dma_wait3A_86 = tpu.memref_slice %arg9[%dma_wait3A_84, %dma_wait3A_85] : memref<64x128xi32, #tpu.memory_space<vmem>> -> memref<32x128xi32, #tpu.memory_space<vmem>>
        %dma_wait3A_87 = arith.constant 0 : i32
        %dma_wait3A_88 = tpu.memref_slice %arg4[%add3A_51, %dma_wait3A_87] : memref<2560x128xi32, #tpu.memory_space<hbm>> -> memref<32x128xi32, #tpu.memory_space<hbm>>
        tpu.wait_dma2 semaphore(%run_scoped3A : memref<!tpu.dma_semaphore, #tpu.memory_space<semaphore_mem>>) src(%dma_wait3A_88 : memref<32x128xi32, #tpu.memory_space<hbm>>) dst(%dma_wait3A_86 : memref<32x128xi32, #tpu.memory_space<vmem>>)
        tpu.yield
      }) : () -> ()
      %dma_start3A = arith.constant 0 : i32
      %dma_start3A_52 = arith.constant 0 : i32
      %dma_start3A_53 = tpu.memref_slice %arg8[%dma_start3A, %dma_start3A_52] : memref<64x128xi32, #tpu.memory_space<vmem>> -> memref<1x128xi32, #tpu.memory_space<vmem>>
      %dma_start3A_54 = tpu.memref_squeeze %dma_start3A_53 : memref<1x128xi32, #tpu.memory_space<vmem>> -> memref<128xi32, #tpu.memory_space<vmem>>
      %dma_start3A_55 = arith.constant 0 : i32
      %dma_start3A_56 = arith.constant 0 : i32
      %dma_start3A_57 = tpu.memref_slice %arg2[%dma_start3A_55, %dma_start3A_56] : memref<10000x128xf32, #tpu.memory_space<hbm>> -> memref<10000x128xf32, #tpu.memory_space<hbm>>
      tpu.enqueue_indirect_dma source(%dma_start3A_57 : memref<10000x128xf32, #tpu.memory_space<hbm>>) target(%arg10 : memref<128x128xf32, #tpu.memory_space<vmem>>) offsets(%dma_start3A_54 : memref<128xi32, #tpu.memory_space<vmem>>) semaphore(%arg12 : memref<!tpu.dma_semaphore, #tpu.memory_space<semaphore_mem>>)
      %dma_start3A_58 = arith.constant 1 : i32
      %dma_start3A_59 = arith.constant 0 : i32
      %dma_start3A_60 = tpu.memref_slice %arg8[%dma_start3A_58, %dma_start3A_59] : memref<64x128xi32, #tpu.memory_space<vmem>> -> memref<1x128xi32, #tpu.memory_space<vmem>>
      %dma_start3A_61 = tpu.memref_squeeze %dma_start3A_60 : memref<1x128xi32, #tpu.memory_space<vmem>> -> memref<128xi32, #tpu.memory_space<vmem>>
      %dma_start3A_62 = arith.constant 0 : i32
      %dma_start3A_63 = arith.constant 0 : i32
      %dma_start3A_64 = tpu.memref_slice %arg2[%dma_start3A_62, %dma_start3A_63] : memref<10000x128xf32, #tpu.memory_space<hbm>> -> memref<10000x128xf32, #tpu.memory_space<hbm>>
      tpu.enqueue_indirect_dma source(%dma_start3A_64 : memref<10000x128xf32, #tpu.memory_space<hbm>>) target(%arg11 : memref<128x128xf32, #tpu.memory_space<vmem>>) offsets(%dma_start3A_61 : memref<128xi32, #tpu.memory_space<vmem>>) semaphore(%arg13 : memref<!tpu.dma_semaphore, #tpu.memory_space<semaphore_mem>>)
      %scan3A = arith.constant 0 : i32
      %scan3A_65 = arith.constant 0 : i32
      %scan3A_66 = arith.constant 16 : i32
      %scan3A_67 = arith.addi %scan3A_65, %scan3A_66 : i32
      %scan3A_68 = arith.constant 1 : i32
      scf.for %scan3A_70 = %scan3A_65 to %scan3A_67 step %scan3A_68  : i32 {
        %mul3A_71 = arith.constant 2 : i32
        %mul3A_72 = arith.muli %mul3A_71, %scan3A_70 : i32
        %add3A_73 = arith.constant 1 : i32
        %add3A_74 = arith.addi %mul3A_72, %add3A_73 : i32
        %dma_wait3A = arith.constant 0 : i32
        %dma_wait3A_75 = tpu.memref_slice %arg8[%mul3A_72, %dma_wait3A] : memref<64x128xi32, #tpu.memory_space<vmem>> -> memref<1x128xi32, #tpu.memory_space<vmem>>
        %dma_wait3A_76 = tpu.memref_squeeze %dma_wait3A_75 : memref<1x128xi32, #tpu.memory_space<vmem>> -> memref<128xi32, #tpu.memory_space<vmem>>
        %dma_wait3A_77 = arith.constant 0 : i32
        %dma_wait3A_78 = arith.constant 0 : i32
        %dma_wait3A_79 = tpu.memref_slice %arg2[%dma_wait3A_77, %dma_wait3A_78] : memref<10000x128xf32, #tpu.memory_space<hbm>> -> memref<10000x128xf32, #tpu.memory_space<hbm>>
        tpu.wait_indirect_dma semaphore(%arg12 : memref<!tpu.dma_semaphore, #tpu.memory_space<semaphore_mem>>) src(%dma_wait3A_79 : memref<10000x128xf32, #tpu.memory_space<hbm>>) dst(%arg10 : memref<128x128xf32, #tpu.memory_space<vmem>>)
        %dma_start3A_80 = arith.constant 0 : i32
        %dma_start3A_81 = tpu.memref_slice %arg9[%mul3A_72, %dma_start3A_80] : memref<64x128xi32, #tpu.memory_space<vmem>> -> memref<1x128xi32, #tpu.memory_space<vmem>>
        %dma_start3A_82 = tpu.memref_squeeze %dma_start3A_81 : memref<1x128xi32, #tpu.memory_space<vmem>> -> memref<128xi32, #tpu.memory_space<vmem>>
        %dma_start3A_83 = arith.constant 0 : i32
        %dma_start3A_84 = arith.constant 0 : i32
        %dma_start3A_85 = tpu.memref_slice %arg7[%dma_start3A_83, %dma_start3A_84] : memref<10112x128xf32, #tpu.memory_space<vmem_shared>> -> memref<10112x128xf32, #tpu.memory_space<vmem_shared>>
        tpu.enqueue_indirect_dma source(%arg10 : memref<128x128xf32, #tpu.memory_space<vmem>>) target(%dma_start3A_85 : memref<10112x128xf32, #tpu.memory_space<vmem_shared>>) offsets(%dma_start3A_82 : memref<128xi32, #tpu.memory_space<vmem>>) semaphore(%arg14 : memref<!tpu.dma_semaphore, #tpu.memory_space<semaphore_mem>>) {add = true}
        %dma_wait3A_86 = arith.constant 0 : i32
        %dma_wait3A_87 = tpu.memref_slice %arg8[%add3A_74, %dma_wait3A_86] : memref<64x128xi32, #tpu.memory_space<vmem>> -> memref<1x128xi32, #tpu.memory_space<vmem>>
        %dma_wait3A_88 = tpu.memref_squeeze %dma_wait3A_87 : memref<1x128xi32, #tpu.memory_space<vmem>> -> memref<128xi32, #tpu.memory_space<vmem>>
        %dma_wait3A_89 = arith.constant 0 : i32
        %dma_wait3A_90 = arith.constant 0 : i32
        %dma_wait3A_91 = tpu.memref_slice %arg2[%dma_wait3A_89, %dma_wait3A_90] : memref<10000x128xf32, #tpu.memory_space<hbm>> -> memref<10000x128xf32, #tpu.memory_space<hbm>>
        tpu.wait_indirect_dma semaphore(%arg13 : memref<!tpu.dma_semaphore, #tpu.memory_space<semaphore_mem>>) src(%dma_wait3A_91 : memref<10000x128xf32, #tpu.memory_space<hbm>>) dst(%arg11 : memref<128x128xf32, #tpu.memory_space<vmem>>)
        %dma_start3A_92 = arith.constant 0 : i32
        %dma_start3A_93 = tpu.memref_slice %arg9[%add3A_74, %dma_start3A_92] : memref<64x128xi32, #tpu.memory_space<vmem>> -> memref<1x128xi32, #tpu.memory_space<vmem>>
        %dma_start3A_94 = tpu.memref_squeeze %dma_start3A_93 : memref<1x128xi32, #tpu.memory_space<vmem>> -> memref<128xi32, #tpu.memory_space<vmem>>
        %dma_start3A_95 = arith.constant 0 : i32
        %dma_start3A_96 = arith.constant 0 : i32
        %dma_start3A_97 = tpu.memref_slice %arg7[%dma_start3A_95, %dma_start3A_96] : memref<10112x128xf32, #tpu.memory_space<vmem_shared>> -> memref<10112x128xf32, #tpu.memory_space<vmem_shared>>
        tpu.enqueue_indirect_dma source(%arg11 : memref<128x128xf32, #tpu.memory_space<vmem>>) target(%dma_start3A_97 : memref<10112x128xf32, #tpu.memory_space<vmem_shared>>) offsets(%dma_start3A_94 : memref<128xi32, #tpu.memory_space<vmem>>) semaphore(%arg15 : memref<!tpu.dma_semaphore, #tpu.memory_space<semaphore_mem>>) {add = true}
        %dma_wait3A_98 = arith.constant 0 : i32
        %dma_wait3A_99 = tpu.memref_slice %arg9[%mul3A_72, %dma_wait3A_98] : memref<64x128xi32, #tpu.memory_space<vmem>> -> memref<1x128xi32, #tpu.memory_space<vmem>>
        %dma_wait3A_100 = tpu.memref_squeeze %dma_wait3A_99 : memref<1x128xi32, #tpu.memory_space<vmem>> -> memref<128xi32, #tpu.memory_space<vmem>>
        %dma_wait3A_101 = arith.constant 0 : i32
        %dma_wait3A_102 = arith.constant 0 : i32
        %dma_wait3A_103 = tpu.memref_slice %arg7[%dma_wait3A_101, %dma_wait3A_102] : memref<10112x128xf32, #tpu.memory_space<vmem_shared>> -> memref<10112x128xf32, #tpu.memory_space<vmem_shared>>
        tpu.wait_indirect_dma semaphore(%arg14 : memref<!tpu.dma_semaphore, #tpu.memory_space<semaphore_mem>>) src(%arg10 : memref<128x128xf32, #tpu.memory_space<vmem>>) dst(%dma_wait3A_103 : memref<10112x128xf32, #tpu.memory_space<vmem_shared>>)
        %add3A_104 = arith.constant 2 : i32
        %add3A_105 = arith.addi %mul3A_72, %add3A_104 : i32
        %lt3A = arith.constant 32 : i32
        %lt3A_106 = arith.cmpi slt, %add3A_105, %lt3A : i32
        %convert_element_type3A_107 = arith.extui %lt3A_106 : i1 to i32
        %cond3A_108 = arith.constant 0 : i32
        %cond3A_109 = arith.cmpi ne, %convert_element_type3A_107, %cond3A_108 : i32
        scf.if %cond3A_109 {
          %add3A_123 = arith.constant 2 : i32
          %add3A_124 = arith.addi %mul3A_72, %add3A_123 : i32
          %dma_start3A_125 = arith.constant 0 : i32
          %dma_start3A_126 = tpu.memref_slice %arg8[%add3A_124, %dma_start3A_125] : memref<64x128xi32, #tpu.memory_space<vmem>> -> memref<1x128xi32, #tpu.memory_space<vmem>>
          %dma_start3A_127 = tpu.memref_squeeze %dma_start3A_126 : memref<1x128xi32, #tpu.memory_space<vmem>> -> memref<128xi32, #tpu.memory_space<vmem>>
          %dma_start3A_128 = arith.constant 0 : i32
          %dma_start3A_129 = arith.constant 0 : i32
          %dma_start3A_130 = tpu.memref_slice %arg2[%dma_start3A_128, %dma_start3A_129] : memref<10000x128xf32, #tpu.memory_space<hbm>> -> memref<10000x128xf32, #tpu.memory_space<hbm>>
          tpu.enqueue_indirect_dma source(%dma_start3A_130 : memref<10000x128xf32, #tpu.memory_space<hbm>>) target(%arg10 : memref<128x128xf32, #tpu.memory_space<vmem>>) offsets(%dma_start3A_127 : memref<128xi32, #tpu.memory_space<vmem>>) semaphore(%arg12 : memref<!tpu.dma_semaphore, #tpu.memory_space<semaphore_mem>>)
        } else {
        }
        %dma_wait3A_110 = arith.constant 0 : i32
        %dma_wait3A_111 = tpu.memref_slice %arg9[%add3A_74, %dma_wait3A_110] : memref<64x128xi32, #tpu.memory_space<vmem>> -> memref<1x128xi32, #tpu.memory_space<vmem>>
        %dma_wait3A_112 = tpu.memref_squeeze %dma_wait3A_111 : memref<1x128xi32, #tpu.memory_space<vmem>> -> memref<128xi32, #tpu.memory_space<vmem>>
        %dma_wait3A_113 = arith.constant 0 : i32
        %dma_wait3A_114 = arith.constant 0 : i32
        %dma_wait3A_115 = tpu.memref_slice %arg7[%dma_wait3A_113, %dma_wait3A_114] : memref<10112x128xf32, #tpu.memory_space<vmem_shared>> -> memref<10112x128xf32, #tpu.memory_space<vmem_shared>>
        tpu.wait_indirect_dma semaphore(%arg15 : memref<!tpu.dma_semaphore, #tpu.memory_space<semaphore_mem>>) src(%arg11 : memref<128x128xf32, #tpu.memory_space<vmem>>) dst(%dma_wait3A_115 : memref<10112x128xf32, #tpu.memory_space<vmem_shared>>)
        %add3A_116 = arith.constant 2 : i32
        %add3A_117 = arith.addi %add3A_74, %add3A_116 : i32
        %lt3A_118 = arith.constant 32 : i32
        %lt3A_119 = arith.cmpi slt, %add3A_117, %lt3A_118 : i32
        %convert_element_type3A_120 = arith.extui %lt3A_119 : i1 to i32
        %cond3A_121 = arith.constant 0 : i32
        %cond3A_122 = arith.cmpi ne, %convert_element_type3A_120, %cond3A_121 : i32
        scf.if %cond3A_122 {
          %add3A_123 = arith.constant 2 : i32
          %add3A_124 = arith.addi %add3A_74, %add3A_123 : i32
          %dma_start3A_125 = arith.constant 0 : i32
          %dma_start3A_126 = tpu.memref_slice %arg8[%add3A_124, %dma_start3A_125] : memref<64x128xi32, #tpu.memory_space<vmem>> -> memref<1x128xi32, #tpu.memory_space<vmem>>
          %dma_start3A_127 = tpu.memref_squeeze %dma_start3A_126 : memref<1x128xi32, #tpu.memory_space<vmem>> -> memref<128xi32, #tpu.memory_space<vmem>>
          %dma_start3A_128 = arith.constant 0 : i32
          %dma_start3A_129 = arith.constant 0 : i32
          %dma_start3A_130 = tpu.memref_slice %arg2[%dma_start3A_128, %dma_start3A_129] : memref<10000x128xf32, #tpu.memory_space<hbm>> -> memref<10000x128xf32, #tpu.memory_space<hbm>>
          tpu.enqueue_indirect_dma source(%dma_start3A_130 : memref<10000x128xf32, #tpu.memory_space<hbm>>) target(%arg11 : memref<128x128xf32, #tpu.memory_space<vmem>>) offsets(%dma_start3A_127 : memref<128xi32, #tpu.memory_space<vmem>>) semaphore(%arg13 : memref<!tpu.dma_semaphore, #tpu.memory_space<semaphore_mem>>)
        } else {
        }
      }
      %scan3A_69 = arith.constant 16 : i32
    } else {
    }
    %barrier3A_25 = arith.constant 0 : index
    tpu.barrier barrier_id(%barrier3A_25)
    %mul3A_26 = arith.constant 632 : i32
    %mul3A_27 = arith.muli %arg1, %mul3A_26 : i32
    %add3A_28 = arith.constant 0 : i32
    %add3A_29 = arith.addi %mul3A_27, %add3A_28 : i32
    "tpu.region"() ({
      %run_scoped3A = tpu.sem_alloc : memref<!tpu.dma_semaphore, #tpu.memory_space<semaphore_mem>>
      %dma_start3A = arith.constant 0 : i32
      %dma_start3A_46 = arith.constant 0 : i32
      %dma_start3A_47 = tpu.memref_slice %arg10[%dma_start3A, %dma_start3A_46] : memref<128x128xf32, #tpu.memory_space<vmem>> -> memref<128x128xf32, #tpu.memory_space<vmem>>
      %dma_start3A_48 = arith.constant 0 : i32
      %dma_start3A_49 = tpu.memref_slice %arg7[%add3A_29, %dma_start3A_48] : memref<10112x128xf32, #tpu.memory_space<vmem_shared>> -> memref<128x128xf32, #tpu.memory_space<vmem_shared>>
      %dma_start3A_50 = arith.constant 0 : i32
      %dma_start3A_51 = arith.constant 0 : i32
      %dma_start3A_52 = tpu.memref_slice %arg10[%dma_start3A_50, %dma_start3A_51] : memref<128x128xf32, #tpu.memory_space<vmem>> -> memref<128x128xf32, #tpu.memory_space<vmem>>
      %dma_start3A_53 = arith.constant 0 : i32
      %dma_start3A_54 = tpu.memref_slice %arg7[%add3A_29, %dma_start3A_53] : memref<10112x128xf32, #tpu.memory_space<vmem_shared>> -> memref<128x128xf32, #tpu.memory_space<vmem_shared>>
      tpu.enqueue_dma source(%dma_start3A_54 : memref<128x128xf32, #tpu.memory_space<vmem_shared>>) target(%dma_start3A_52 : memref<128x128xf32, #tpu.memory_space<vmem>>) target_semaphore(%run_scoped3A : memref<!tpu.dma_semaphore, #tpu.memory_space<semaphore_mem>>)
      %dma_wait3A = arith.constant 0 : i32
      %dma_wait3A_55 = arith.constant 0 : i32
      %dma_wait3A_56 = tpu.memref_slice %arg10[%dma_wait3A, %dma_wait3A_55] : memref<128x128xf32, #tpu.memory_space<vmem>> -> memref<128x128xf32, #tpu.memory_space<vmem>>
      %dma_wait3A_57 = arith.constant 0 : i32
      %dma_wait3A_58 = tpu.memref_slice %arg7[%add3A_29, %dma_wait3A_57] : memref<10112x128xf32, #tpu.memory_space<vmem_shared>> -> memref<128x128xf32, #tpu.memory_space<vmem_shared>>
      %dma_wait3A_59 = arith.constant 0 : i32
      %dma_wait3A_60 = arith.constant 0 : i32
      %dma_wait3A_61 = tpu.memref_slice %arg10[%dma_wait3A_59, %dma_wait3A_60] : memref<128x128xf32, #tpu.memory_space<vmem>> -> memref<128x128xf32, #tpu.memory_space<vmem>>
      %dma_wait3A_62 = arith.constant 0 : i32
      %dma_wait3A_63 = tpu.memref_slice %arg7[%add3A_29, %dma_wait3A_62] : memref<10112x128xf32, #tpu.memory_space<vmem_shared>> -> memref<128x128xf32, #tpu.memory_space<vmem_shared>>
      tpu.wait_dma2 semaphore(%run_scoped3A : memref<!tpu.dma_semaphore, #tpu.memory_space<semaphore_mem>>) src(%dma_wait3A_63 : memref<128x128xf32, #tpu.memory_space<vmem_shared>>) dst(%dma_wait3A_61 : memref<128x128xf32, #tpu.memory_space<vmem>>)
      tpu.yield
    }) : () -> ()
    "tpu.region"() ({
      %run_scoped3A = tpu.sem_alloc : memref<!tpu.dma_semaphore, #tpu.memory_space<semaphore_mem>>
      %dma_start3A = arith.constant 0 : i32
      %dma_start3A_46 = arith.constant 0 : i32
      %dma_start3A_47 = tpu.memref_slice %arg10[%dma_start3A, %dma_start3A_46] : memref<128x128xf32, #tpu.memory_space<vmem>> -> memref<128x128xf32, #tpu.memory_space<vmem>>
      %dma_start3A_48 = arith.constant 0 : i32
      %dma_start3A_49 = tpu.memref_slice %arg6[%arg0, %add3A_29, %dma_start3A_48] : memref<2x10112x128xf32, #tpu.memory_space<hbm>> -> memref<1x128x128xf32, #tpu.memory_space<hbm>>
      %dma_start3A_50 = tpu.memref_squeeze %dma_start3A_49 : memref<1x128x128xf32, #tpu.memory_space<hbm>> -> memref<128x128xf32, #tpu.memory_space<hbm>>
      %dma_start3A_51 = arith.constant 0 : i32
      %dma_start3A_52 = tpu.memref_slice %arg6[%arg0, %add3A_29, %dma_start3A_51] : memref<2x10112x128xf32, #tpu.memory_space<hbm>> -> memref<1x128x128xf32, #tpu.memory_space<hbm>>
      %dma_start3A_53 = tpu.memref_squeeze %dma_start3A_52 : memref<1x128x128xf32, #tpu.memory_space<hbm>> -> memref<128x128xf32, #tpu.memory_space<hbm>>
      %dma_start3A_54 = arith.constant 0 : i32
      %dma_start3A_55 = arith.constant 0 : i32
      %dma_start3A_56 = tpu.memref_slice %arg10[%dma_start3A_54, %dma_start3A_55] : memref<128x128xf32, #tpu.memory_space<vmem>> -> memref<128x128xf32, #tpu.memory_space<vmem>>
      tpu.enqueue_dma source(%dma_start3A_56 : memref<128x128xf32, #tpu.memory_space<vmem>>) target(%dma_start3A_53 : memref<128x128xf32, #tpu.memory_space<hbm>>) target_semaphore(%run_scoped3A : memref<!tpu.dma_semaphore, #tpu.memory_space<semaphore_mem>>)
      %dma_wait3A = arith.constant 0 : i32
      %dma_wait3A_57 = arith.constant 0 : i32
      %dma_wait3A_58 = tpu.memref_slice %arg10[%dma_wait3A, %dma_wait3A_57] : memref<128x128xf32, #tpu.memory_space<vmem>> -> memref<128x128xf32, #tpu.memory_space<vmem>>
      %dma_wait3A_59 = arith.constant 0 : i32
      %dma_wait3A_60 = tpu.memref_slice %arg6[%arg0, %add3A_29, %dma_wait3A_59] : memref<2x10112x128xf32, #tpu.memory_space<hbm>> -> memref<1x128x128xf32, #tpu.memory_space<hbm>>
      %dma_wait3A_61 = tpu.memref_squeeze %dma_wait3A_60 : memref<1x128x128xf32, #tpu.memory_space<hbm>> -> memref<128x128xf32, #tpu.memory_space<hbm>>
      %dma_wait3A_62 = arith.constant 0 : i32
      %dma_wait3A_63 = tpu.memref_slice %arg6[%arg0, %add3A_29, %dma_wait3A_62] : memref<2x10112x128xf32, #tpu.memory_space<hbm>> -> memref<1x128x128xf32, #tpu.memory_space<hbm>>
      %dma_wait3A_64 = tpu.memref_squeeze %dma_wait3A_63 : memref<1x128x128xf32, #tpu.memory_space<hbm>> -> memref<128x128xf32, #tpu.memory_space<hbm>>
      %dma_wait3A_65 = arith.constant 0 : i32
      %dma_wait3A_66 = arith.constant 0 : i32
      %dma_wait3A_67 = tpu.memref_slice %arg10[%dma_wait3A_65, %dma_wait3A_66] : memref<128x128xf32, #tpu.memory_space<vmem>> -> memref<128x128xf32, #tpu.memory_space<vmem>>
      tpu.wait_dma2 semaphore(%run_scoped3A : memref<!tpu.dma_semaphore, #tpu.memory_space<semaphore_mem>>) src(%dma_wait3A_67 : memref<128x128xf32, #tpu.memory_space<vmem>>) dst(%dma_wait3A_64 : memref<128x128xf32, #tpu.memory_space<hbm>>)
      tpu.yield
    }) : () -> ()
    %mul3A_30 = arith.constant 632 : i32
    %mul3A_31 = arith.muli %arg1, %mul3A_30 : i32
    %add3A_32 = arith.constant 128 : i32
    %add3A_33 = arith.addi %mul3A_31, %add3A_32 : i32
    "tpu.region"() ({
      %run_scoped3A = tpu.sem_alloc : memref<!tpu.dma_semaphore, #tpu.memory_space<semaphore_mem>>
      %dma_start3A = arith.constant 0 : i32
      %dma_start3A_46 = arith.constant 0 : i32
      %dma_start3A_47 = tpu.memref_slice %arg10[%dma_start3A, %dma_start3A_46] : memref<128x128xf32, #tpu.memory_space<vmem>> -> memref<128x128xf32, #tpu.memory_space<vmem>>
      %dma_start3A_48 = arith.constant 0 : i32
      %dma_start3A_49 = tpu.memref_slice %arg7[%add3A_33, %dma_start3A_48] : memref<10112x128xf32, #tpu.memory_space<vmem_shared>> -> memref<128x128xf32, #tpu.memory_space<vmem_shared>>
      %dma_start3A_50 = arith.constant 0 : i32
      %dma_start3A_51 = arith.constant 0 : i32
      %dma_start3A_52 = tpu.memref_slice %arg10[%dma_start3A_50, %dma_start3A_51] : memref<128x128xf32, #tpu.memory_space<vmem>> -> memref<128x128xf32, #tpu.memory_space<vmem>>
      %dma_start3A_53 = arith.constant 0 : i32
      %dma_start3A_54 = tpu.memref_slice %arg7[%add3A_33, %dma_start3A_53] : memref<10112x128xf32, #tpu.memory_space<vmem_shared>> -> memref<128x128xf32, #tpu.memory_space<vmem_shared>>
      tpu.enqueue_dma source(%dma_start3A_54 : memref<128x128xf32, #tpu.memory_space<vmem_shared>>) target(%dma_start3A_52 : memref<128x128xf32, #tpu.memory_space<vmem>>) target_semaphore(%run_scoped3A : memref<!tpu.dma_semaphore, #tpu.memory_space<semaphore_mem>>)
      %dma_wait3A = arith.constant 0 : i32
      %dma_wait3A_55 = arith.constant 0 : i32
      %dma_wait3A_56 = tpu.memref_slice %arg10[%dma_wait3A, %dma_wait3A_55] : memref<128x128xf32, #tpu.memory_space<vmem>> -> memref<128x128xf32, #tpu.memory_space<vmem>>
      %dma_wait3A_57 = arith.constant 0 : i32
      %dma_wait3A_58 = tpu.memref_slice %arg7[%add3A_33, %dma_wait3A_57] : memref<10112x128xf32, #tpu.memory_space<vmem_shared>> -> memref<128x128xf32, #tpu.memory_space<vmem_shared>>
      %dma_wait3A_59 = arith.constant 0 : i32
      %dma_wait3A_60 = arith.constant 0 : i32
      %dma_wait3A_61 = tpu.memref_slice %arg10[%dma_wait3A_59, %dma_wait3A_60] : memref<128x128xf32, #tpu.memory_space<vmem>> -> memref<128x128xf32, #tpu.memory_space<vmem>>
      %dma_wait3A_62 = arith.constant 0 : i32
      %dma_wait3A_63 = tpu.memref_slice %arg7[%add3A_33, %dma_wait3A_62] : memref<10112x128xf32, #tpu.memory_space<vmem_shared>> -> memref<128x128xf32, #tpu.memory_space<vmem_shared>>
      tpu.wait_dma2 semaphore(%run_scoped3A : memref<!tpu.dma_semaphore, #tpu.memory_space<semaphore_mem>>) src(%dma_wait3A_63 : memref<128x128xf32, #tpu.memory_space<vmem_shared>>) dst(%dma_wait3A_61 : memref<128x128xf32, #tpu.memory_space<vmem>>)
      tpu.yield
    }) : () -> ()
    "tpu.region"() ({
      %run_scoped3A = tpu.sem_alloc : memref<!tpu.dma_semaphore, #tpu.memory_space<semaphore_mem>>
      %dma_start3A = arith.constant 0 : i32
      %dma_start3A_46 = arith.constant 0 : i32
      %dma_start3A_47 = tpu.memref_slice %arg10[%dma_start3A, %dma_start3A_46] : memref<128x128xf32, #tpu.memory_space<vmem>> -> memref<128x128xf32, #tpu.memory_space<vmem>>
      %dma_start3A_48 = arith.constant 0 : i32
      %dma_start3A_49 = tpu.memref_slice %arg6[%arg0, %add3A_33, %dma_start3A_48] : memref<2x10112x128xf32, #tpu.memory_space<hbm>> -> memref<1x128x128xf32, #tpu.memory_space<hbm>>
      %dma_start3A_50 = tpu.memref_squeeze %dma_start3A_49 : memref<1x128x128xf32, #tpu.memory_space<hbm>> -> memref<128x128xf32, #tpu.memory_space<hbm>>
      %dma_start3A_51 = arith.constant 0 : i32
      %dma_start3A_52 = tpu.memref_slice %arg6[%arg0, %add3A_33, %dma_start3A_51] : memref<2x10112x128xf32, #tpu.memory_space<hbm>> -> memref<1x128x128xf32, #tpu.memory_space<hbm>>
      %dma_start3A_53 = tpu.memref_squeeze %dma_start3A_52 : memref<1x128x128xf32, #tpu.memory_space<hbm>> -> memref<128x128xf32, #tpu.memory_space<hbm>>
      %dma_start3A_54 = arith.constant 0 : i32
      %dma_start3A_55 = arith.constant 0 : i32
      %dma_start3A_56 = tpu.memref_slice %arg10[%dma_start3A_54, %dma_start3A_55] : memref<128x128xf32, #tpu.memory_space<vmem>> -> memref<128x128xf32, #tpu.memory_space<vmem>>
      tpu.enqueue_dma source(%dma_start3A_56 : memref<128x128xf32, #tpu.memory_space<vmem>>) target(%dma_start3A_53 : memref<128x128xf32, #tpu.memory_space<hbm>>) target_semaphore(%run_scoped3A : memref<!tpu.dma_semaphore, #tpu.memory_space<semaphore_mem>>)
      %dma_wait3A = arith.constant 0 : i32
      %dma_wait3A_57 = arith.constant 0 : i32
      %dma_wait3A_58 = tpu.memref_slice %arg10[%dma_wait3A, %dma_wait3A_57] : memref<128x128xf32, #tpu.memory_space<vmem>> -> memref<128x128xf32, #tpu.memory_space<vmem>>
      %dma_wait3A_59 = arith.constant 0 : i32
      %dma_wait3A_60 = tpu.memref_slice %arg6[%arg0, %add3A_33, %dma_wait3A_59] : memref<2x10112x128xf32, #tpu.memory_space<hbm>> -> memref<1x128x128xf32, #tpu.memory_space<hbm>>
      %dma_wait3A_61 = tpu.memref_squeeze %dma_wait3A_60 : memref<1x128x128xf32, #tpu.memory_space<hbm>> -> memref<128x128xf32, #tpu.memory_space<hbm>>
      %dma_wait3A_62 = arith.constant 0 : i32
      %dma_wait3A_63 = tpu.memref_slice %arg6[%arg0, %add3A_33, %dma_wait3A_62] : memref<2x10112x128xf32, #tpu.memory_space<hbm>> -> memref<1x128x128xf32, #tpu.memory_space<hbm>>
      %dma_wait3A_64 = tpu.memref_squeeze %dma_wait3A_63 : memref<1x128x128xf32, #tpu.memory_space<hbm>> -> memref<128x128xf32, #tpu.memory_space<hbm>>
      %dma_wait3A_65 = arith.constant 0 : i32
      %dma_wait3A_66 = arith.constant 0 : i32
      %dma_wait3A_67 = tpu.memref_slice %arg10[%dma_wait3A_65, %dma_wait3A_66] : memref<128x128xf32, #tpu.memory_space<vmem>> -> memref<128x128xf32, #tpu.memory_space<vmem>>
      tpu.wait_dma2 semaphore(%run_scoped3A : memref<!tpu.dma_semaphore, #tpu.memory_space<semaphore_mem>>) src(%dma_wait3A_67 : memref<128x128xf32, #tpu.memory_space<vmem>>) dst(%dma_wait3A_64 : memref<128x128xf32, #tpu.memory_space<hbm>>)
      tpu.yield
    }) : () -> ()
    %mul3A_34 = arith.constant 632 : i32
    %mul3A_35 = arith.muli %arg1, %mul3A_34 : i32
    %add3A_36 = arith.constant 256 : i32
    %add3A_37 = arith.addi %mul3A_35, %add3A_36 : i32
    "tpu.region"() ({
      %run_scoped3A = tpu.sem_alloc : memref<!tpu.dma_semaphore, #tpu.memory_space<semaphore_mem>>
      %dma_start3A = arith.constant 0 : i32
      %dma_start3A_46 = arith.constant 0 : i32
      %dma_start3A_47 = tpu.memref_slice %arg10[%dma_start3A, %dma_start3A_46] : memref<128x128xf32, #tpu.memory_space<vmem>> -> memref<128x128xf32, #tpu.memory_space<vmem>>
      %dma_start3A_48 = arith.constant 0 : i32
      %dma_start3A_49 = tpu.memref_slice %arg7[%add3A_37, %dma_start3A_48] : memref<10112x128xf32, #tpu.memory_space<vmem_shared>> -> memref<128x128xf32, #tpu.memory_space<vmem_shared>>
      %dma_start3A_50 = arith.constant 0 : i32
      %dma_start3A_51 = arith.constant 0 : i32
      %dma_start3A_52 = tpu.memref_slice %arg10[%dma_start3A_50, %dma_start3A_51] : memref<128x128xf32, #tpu.memory_space<vmem>> -> memref<128x128xf32, #tpu.memory_space<vmem>>
      %dma_start3A_53 = arith.constant 0 : i32
      %dma_start3A_54 = tpu.memref_slice %arg7[%add3A_37, %dma_start3A_53] : memref<10112x128xf32, #tpu.memory_space<vmem_shared>> -> memref<128x128xf32, #tpu.memory_space<vmem_shared>>
      tpu.enqueue_dma source(%dma_start3A_54 : memref<128x128xf32, #tpu.memory_space<vmem_shared>>) target(%dma_start3A_52 : memref<128x128xf32, #tpu.memory_space<vmem>>) target_semaphore(%run_scoped3A : memref<!tpu.dma_semaphore, #tpu.memory_space<semaphore_mem>>)
      %dma_wait3A = arith.constant 0 : i32
      %dma_wait3A_55 = arith.constant 0 : i32
      %dma_wait3A_56 = tpu.memref_slice %arg10[%dma_wait3A, %dma_wait3A_55] : memref<128x128xf32, #tpu.memory_space<vmem>> -> memref<128x128xf32, #tpu.memory_space<vmem>>
      %dma_wait3A_57 = arith.constant 0 : i32
      %dma_wait3A_58 = tpu.memref_slice %arg7[%add3A_37, %dma_wait3A_57] : memref<10112x128xf32, #tpu.memory_space<vmem_shared>> -> memref<128x128xf32, #tpu.memory_space<vmem_shared>>
      %dma_wait3A_59 = arith.constant 0 : i32
      %dma_wait3A_60 = arith.constant 0 : i32
      %dma_wait3A_61 = tpu.memref_slice %arg10[%dma_wait3A_59, %dma_wait3A_60] : memref<128x128xf32, #tpu.memory_space<vmem>> -> memref<128x128xf32, #tpu.memory_space<vmem>>
      %dma_wait3A_62 = arith.constant 0 : i32
      %dma_wait3A_63 = tpu.memref_slice %arg7[%add3A_37, %dma_wait3A_62] : memref<10112x128xf32, #tpu.memory_space<vmem_shared>> -> memref<128x128xf32, #tpu.memory_space<vmem_shared>>
      tpu.wait_dma2 semaphore(%run_scoped3A : memref<!tpu.dma_semaphore, #tpu.memory_space<semaphore_mem>>) src(%dma_wait3A_63 : memref<128x128xf32, #tpu.memory_space<vmem_shared>>) dst(%dma_wait3A_61 : memref<128x128xf32, #tpu.memory_space<vmem>>)
      tpu.yield
    }) : () -> ()
    "tpu.region"() ({
      %run_scoped3A = tpu.sem_alloc : memref<!tpu.dma_semaphore, #tpu.memory_space<semaphore_mem>>
      %dma_start3A = arith.constant 0 : i32
      %dma_start3A_46 = arith.constant 0 : i32
      %dma_start3A_47 = tpu.memref_slice %arg10[%dma_start3A, %dma_start3A_46] : memref<128x128xf32, #tpu.memory_space<vmem>> -> memref<128x128xf32, #tpu.memory_space<vmem>>
      %dma_start3A_48 = arith.constant 0 : i32
      %dma_start3A_49 = tpu.memref_slice %arg6[%arg0, %add3A_37, %dma_start3A_48] : memref<2x10112x128xf32, #tpu.memory_space<hbm>> -> memref<1x128x128xf32, #tpu.memory_space<hbm>>
      %dma_start3A_50 = tpu.memref_squeeze %dma_start3A_49 : memref<1x128x128xf32, #tpu.memory_space<hbm>> -> memref<128x128xf32, #tpu.memory_space<hbm>>
      %dma_start3A_51 = arith.constant 0 : i32
      %dma_start3A_52 = tpu.memref_slice %arg6[%arg0, %add3A_37, %dma_start3A_51] : memref<2x10112x128xf32, #tpu.memory_space<hbm>> -> memref<1x128x128xf32, #tpu.memory_space<hbm>>
      %dma_start3A_53 = tpu.memref_squeeze %dma_start3A_52 : memref<1x128x128xf32, #tpu.memory_space<hbm>> -> memref<128x128xf32, #tpu.memory_space<hbm>>
      %dma_start3A_54 = arith.constant 0 : i32
      %dma_start3A_55 = arith.constant 0 : i32
      %dma_start3A_56 = tpu.memref_slice %arg10[%dma_start3A_54, %dma_start3A_55] : memref<128x128xf32, #tpu.memory_space<vmem>> -> memref<128x128xf32, #tpu.memory_space<vmem>>
      tpu.enqueue_dma source(%dma_start3A_56 : memref<128x128xf32, #tpu.memory_space<vmem>>) target(%dma_start3A_53 : memref<128x128xf32, #tpu.memory_space<hbm>>) target_semaphore(%run_scoped3A : memref<!tpu.dma_semaphore, #tpu.memory_space<semaphore_mem>>)
      %dma_wait3A = arith.constant 0 : i32
      %dma_wait3A_57 = arith.constant 0 : i32
      %dma_wait3A_58 = tpu.memref_slice %arg10[%dma_wait3A, %dma_wait3A_57] : memref<128x128xf32, #tpu.memory_space<vmem>> -> memref<128x128xf32, #tpu.memory_space<vmem>>
      %dma_wait3A_59 = arith.constant 0 : i32
      %dma_wait3A_60 = tpu.memref_slice %arg6[%arg0, %add3A_37, %dma_wait3A_59] : memref<2x10112x128xf32, #tpu.memory_space<hbm>> -> memref<1x128x128xf32, #tpu.memory_space<hbm>>
      %dma_wait3A_61 = tpu.memref_squeeze %dma_wait3A_60 : memref<1x128x128xf32, #tpu.memory_space<hbm>> -> memref<128x128xf32, #tpu.memory_space<hbm>>
      %dma_wait3A_62 = arith.constant 0 : i32
      %dma_wait3A_63 = tpu.memref_slice %arg6[%arg0, %add3A_37, %dma_wait3A_62] : memref<2x10112x128xf32, #tpu.memory_space<hbm>> -> memref<1x128x128xf32, #tpu.memory_space<hbm>>
      %dma_wait3A_64 = tpu.memref_squeeze %dma_wait3A_63 : memref<1x128x128xf32, #tpu.memory_space<hbm>> -> memref<128x128xf32, #tpu.memory_space<hbm>>
      %dma_wait3A_65 = arith.constant 0 : i32
      %dma_wait3A_66 = arith.constant 0 : i32
      %dma_wait3A_67 = tpu.memref_slice %arg10[%dma_wait3A_65, %dma_wait3A_66] : memref<128x128xf32, #tpu.memory_space<vmem>> -> memref<128x128xf32, #tpu.memory_space<vmem>>
      tpu.wait_dma2 semaphore(%run_scoped3A : memref<!tpu.dma_semaphore, #tpu.memory_space<semaphore_mem>>) src(%dma_wait3A_67 : memref<128x128xf32, #tpu.memory_space<vmem>>) dst(%dma_wait3A_64 : memref<128x128xf32, #tpu.memory_space<hbm>>)
      tpu.yield
    }) : () -> ()
    %mul3A_38 = arith.constant 632 : i32
    %mul3A_39 = arith.muli %arg1, %mul3A_38 : i32
    %add3A_40 = arith.constant 384 : i32
    %add3A_41 = arith.addi %mul3A_39, %add3A_40 : i32
    "tpu.region"() ({
      %run_scoped3A = tpu.sem_alloc : memref<!tpu.dma_semaphore, #tpu.memory_space<semaphore_mem>>
      %dma_start3A = arith.constant 0 : i32
      %dma_start3A_46 = arith.constant 0 : i32
      %dma_start3A_47 = tpu.memref_slice %arg10[%dma_start3A, %dma_start3A_46] : memref<128x128xf32, #tpu.memory_space<vmem>> -> memref<128x128xf32, #tpu.memory_space<vmem>>
      %dma_start3A_48 = arith.constant 0 : i32
      %dma_start3A_49 = tpu.memref_slice %arg7[%add3A_41, %dma_start3A_48] : memref<10112x128xf32, #tpu.memory_space<vmem_shared>> -> memref<128x128xf32, #tpu.memory_space<vmem_shared>>
      %dma_start3A_50 = arith.constant 0 : i32
      %dma_start3A_51 = arith.constant 0 : i32
      %dma_start3A_52 = tpu.memref_slice %arg10[%dma_start3A_50, %dma_start3A_51] : memref<128x128xf32, #tpu.memory_space<vmem>> -> memref<128x128xf32, #tpu.memory_space<vmem>>
      %dma_start3A_53 = arith.constant 0 : i32
      %dma_start3A_54 = tpu.memref_slice %arg7[%add3A_41, %dma_start3A_53] : memref<10112x128xf32, #tpu.memory_space<vmem_shared>> -> memref<128x128xf32, #tpu.memory_space<vmem_shared>>
      tpu.enqueue_dma source(%dma_start3A_54 : memref<128x128xf32, #tpu.memory_space<vmem_shared>>) target(%dma_start3A_52 : memref<128x128xf32, #tpu.memory_space<vmem>>) target_semaphore(%run_scoped3A : memref<!tpu.dma_semaphore, #tpu.memory_space<semaphore_mem>>)
      %dma_wait3A = arith.constant 0 : i32
      %dma_wait3A_55 = arith.constant 0 : i32
      %dma_wait3A_56 = tpu.memref_slice %arg10[%dma_wait3A, %dma_wait3A_55] : memref<128x128xf32, #tpu.memory_space<vmem>> -> memref<128x128xf32, #tpu.memory_space<vmem>>
      %dma_wait3A_57 = arith.constant 0 : i32
      %dma_wait3A_58 = tpu.memref_slice %arg7[%add3A_41, %dma_wait3A_57] : memref<10112x128xf32, #tpu.memory_space<vmem_shared>> -> memref<128x128xf32, #tpu.memory_space<vmem_shared>>
      %dma_wait3A_59 = arith.constant 0 : i32
      %dma_wait3A_60 = arith.constant 0 : i32
      %dma_wait3A_61 = tpu.memref_slice %arg10[%dma_wait3A_59, %dma_wait3A_60] : memref<128x128xf32, #tpu.memory_space<vmem>> -> memref<128x128xf32, #tpu.memory_space<vmem>>
      %dma_wait3A_62 = arith.constant 0 : i32
      %dma_wait3A_63 = tpu.memref_slice %arg7[%add3A_41, %dma_wait3A_62] : memref<10112x128xf32, #tpu.memory_space<vmem_shared>> -> memref<128x128xf32, #tpu.memory_space<vmem_shared>>
      tpu.wait_dma2 semaphore(%run_scoped3A : memref<!tpu.dma_semaphore, #tpu.memory_space<semaphore_mem>>) src(%dma_wait3A_63 : memref<128x128xf32, #tpu.memory_space<vmem_shared>>) dst(%dma_wait3A_61 : memref<128x128xf32, #tpu.memory_space<vmem>>)
      tpu.yield
    }) : () -> ()
    "tpu.region"() ({
      %run_scoped3A = tpu.sem_alloc : memref<!tpu.dma_semaphore, #tpu.memory_space<semaphore_mem>>
      %dma_start3A = arith.constant 0 : i32
      %dma_start3A_46 = arith.constant 0 : i32
      %dma_start3A_47 = tpu.memref_slice %arg10[%dma_start3A, %dma_start3A_46] : memref<128x128xf32, #tpu.memory_space<vmem>> -> memref<128x128xf32, #tpu.memory_space<vmem>>
      %dma_start3A_48 = arith.constant 0 : i32
      %dma_start3A_49 = tpu.memref_slice %arg6[%arg0, %add3A_41, %dma_start3A_48] : memref<2x10112x128xf32, #tpu.memory_space<hbm>> -> memref<1x128x128xf32, #tpu.memory_space<hbm>>
      %dma_start3A_50 = tpu.memref_squeeze %dma_start3A_49 : memref<1x128x128xf32, #tpu.memory_space<hbm>> -> memref<128x128xf32, #tpu.memory_space<hbm>>
      %dma_start3A_51 = arith.constant 0 : i32
      %dma_start3A_52 = tpu.memref_slice %arg6[%arg0, %add3A_41, %dma_start3A_51] : memref<2x10112x128xf32, #tpu.memory_space<hbm>> -> memref<1x128x128xf32, #tpu.memory_space<hbm>>
      %dma_start3A_53 = tpu.memref_squeeze %dma_start3A_52 : memref<1x128x128xf32, #tpu.memory_space<hbm>> -> memref<128x128xf32, #tpu.memory_space<hbm>>
      %dma_start3A_54 = arith.constant 0 : i32
      %dma_start3A_55 = arith.constant 0 : i32
      %dma_start3A_56 = tpu.memref_slice %arg10[%dma_start3A_54, %dma_start3A_55] : memref<128x128xf32, #tpu.memory_space<vmem>> -> memref<128x128xf32, #tpu.memory_space<vmem>>
      tpu.enqueue_dma source(%dma_start3A_56 : memref<128x128xf32, #tpu.memory_space<vmem>>) target(%dma_start3A_53 : memref<128x128xf32, #tpu.memory_space<hbm>>) target_semaphore(%run_scoped3A : memref<!tpu.dma_semaphore, #tpu.memory_space<semaphore_mem>>)
      %dma_wait3A = arith.constant 0 : i32
      %dma_wait3A_57 = arith.constant 0 : i32
      %dma_wait3A_58 = tpu.memref_slice %arg10[%dma_wait3A, %dma_wait3A_57] : memref<128x128xf32, #tpu.memory_space<vmem>> -> memref<128x128xf32, #tpu.memory_space<vmem>>
      %dma_wait3A_59 = arith.constant 0 : i32
      %dma_wait3A_60 = tpu.memref_slice %arg6[%arg0, %add3A_41, %dma_wait3A_59] : memref<2x10112x128xf32, #tpu.memory_space<hbm>> -> memref<1x128x128xf32, #tpu.memory_space<hbm>>
      %dma_wait3A_61 = tpu.memref_squeeze %dma_wait3A_60 : memref<1x128x128xf32, #tpu.memory_space<hbm>> -> memref<128x128xf32, #tpu.memory_space<hbm>>
      %dma_wait3A_62 = arith.constant 0 : i32
      %dma_wait3A_63 = tpu.memref_slice %arg6[%arg0, %add3A_41, %dma_wait3A_62] : memref<2x10112x128xf32, #tpu.memory_space<hbm>> -> memref<1x128x128xf32, #tpu.memory_space<hbm>>
      %dma_wait3A_64 = tpu.memref_squeeze %dma_wait3A_63 : memref<1x128x128xf32, #tpu.memory_space<hbm>> -> memref<128x128xf32, #tpu.memory_space<hbm>>
      %dma_wait3A_65 = arith.constant 0 : i32
      %dma_wait3A_66 = arith.constant 0 : i32
      %dma_wait3A_67 = tpu.memref_slice %arg10[%dma_wait3A_65, %dma_wait3A_66] : memref<128x128xf32, #tpu.memory_space<vmem>> -> memref<128x128xf32, #tpu.memory_space<vmem>>
      tpu.wait_dma2 semaphore(%run_scoped3A : memref<!tpu.dma_semaphore, #tpu.memory_space<semaphore_mem>>) src(%dma_wait3A_67 : memref<128x128xf32, #tpu.memory_space<vmem>>) dst(%dma_wait3A_64 : memref<128x128xf32, #tpu.memory_space<hbm>>)
      tpu.yield
    }) : () -> ()
    %mul3A_42 = arith.constant 632 : i32
    %mul3A_43 = arith.muli %arg1, %mul3A_42 : i32
    %add3A_44 = arith.constant 512 : i32
    %add3A_45 = arith.addi %mul3A_43, %add3A_44 : i32
    "tpu.region"() ({
      %run_scoped3A = tpu.sem_alloc : memref<!tpu.dma_semaphore, #tpu.memory_space<semaphore_mem>>
      %dma_start3A = arith.constant 0 : i32
      %dma_start3A_46 = arith.constant 0 : i32
      %dma_start3A_47 = tpu.memref_slice %arg10[%dma_start3A, %dma_start3A_46] : memref<128x128xf32, #tpu.memory_space<vmem>> -> memref<120x128xf32, #tpu.memory_space<vmem>>
      %dma_start3A_48 = arith.constant 0 : i32
      %dma_start3A_49 = tpu.memref_slice %arg7[%add3A_45, %dma_start3A_48] : memref<10112x128xf32, #tpu.memory_space<vmem_shared>> -> memref<120x128xf32, #tpu.memory_space<vmem_shared>>
      %dma_start3A_50 = arith.constant 0 : i32
      %dma_start3A_51 = arith.constant 0 : i32
      %dma_start3A_52 = tpu.memref_slice %arg10[%dma_start3A_50, %dma_start3A_51] : memref<128x128xf32, #tpu.memory_space<vmem>> -> memref<120x128xf32, #tpu.memory_space<vmem>>
      %dma_start3A_53 = arith.constant 0 : i32
      %dma_start3A_54 = tpu.memref_slice %arg7[%add3A_45, %dma_start3A_53] : memref<10112x128xf32, #tpu.memory_space<vmem_shared>> -> memref<120x128xf32, #tpu.memory_space<vmem_shared>>
      tpu.enqueue_dma source(%dma_start3A_54 : memref<120x128xf32, #tpu.memory_space<vmem_shared>>) target(%dma_start3A_52 : memref<120x128xf32, #tpu.memory_space<vmem>>) target_semaphore(%run_scoped3A : memref<!tpu.dma_semaphore, #tpu.memory_space<semaphore_mem>>)
      %dma_wait3A = arith.constant 0 : i32
      %dma_wait3A_55 = arith.constant 0 : i32
      %dma_wait3A_56 = tpu.memref_slice %arg10[%dma_wait3A, %dma_wait3A_55] : memref<128x128xf32, #tpu.memory_space<vmem>> -> memref<120x128xf32, #tpu.memory_space<vmem>>
      %dma_wait3A_57 = arith.constant 0 : i32
      %dma_wait3A_58 = tpu.memref_slice %arg7[%add3A_45, %dma_wait3A_57] : memref<10112x128xf32, #tpu.memory_space<vmem_shared>> -> memref<120x128xf32, #tpu.memory_space<vmem_shared>>
      %dma_wait3A_59 = arith.constant 0 : i32
      %dma_wait3A_60 = arith.constant 0 : i32
      %dma_wait3A_61 = tpu.memref_slice %arg10[%dma_wait3A_59, %dma_wait3A_60] : memref<128x128xf32, #tpu.memory_space<vmem>> -> memref<120x128xf32, #tpu.memory_space<vmem>>
      %dma_wait3A_62 = arith.constant 0 : i32
      %dma_wait3A_63 = tpu.memref_slice %arg7[%add3A_45, %dma_wait3A_62] : memref<10112x128xf32, #tpu.memory_space<vmem_shared>> -> memref<120x128xf32, #tpu.memory_space<vmem_shared>>
      tpu.wait_dma2 semaphore(%run_scoped3A : memref<!tpu.dma_semaphore, #tpu.memory_space<semaphore_mem>>) src(%dma_wait3A_63 : memref<120x128xf32, #tpu.memory_space<vmem_shared>>) dst(%dma_wait3A_61 : memref<120x128xf32, #tpu.memory_space<vmem>>)
      tpu.yield
    }) : () -> ()
    "tpu.region"() ({
      %run_scoped3A = tpu.sem_alloc : memref<!tpu.dma_semaphore, #tpu.memory_space<semaphore_mem>>
      %dma_start3A = arith.constant 0 : i32
      %dma_start3A_46 = arith.constant 0 : i32
      %dma_start3A_47 = tpu.memref_slice %arg10[%dma_start3A, %dma_start3A_46] : memref<128x128xf32, #tpu.memory_space<vmem>> -> memref<120x128xf32, #tpu.memory_space<vmem>>
      %dma_start3A_48 = arith.constant 0 : i32
      %dma_start3A_49 = tpu.memref_slice %arg6[%arg0, %add3A_45, %dma_start3A_48] : memref<2x10112x128xf32, #tpu.memory_space<hbm>> -> memref<1x120x128xf32, #tpu.memory_space<hbm>>
      %dma_start3A_50 = tpu.memref_squeeze %dma_start3A_49 : memref<1x120x128xf32, #tpu.memory_space<hbm>> -> memref<120x128xf32, #tpu.memory_space<hbm>>
      %dma_start3A_51 = arith.constant 0 : i32
      %dma_start3A_52 = tpu.memref_slice %arg6[%arg0, %add3A_45, %dma_start3A_51] : memref<2x10112x128xf32, #tpu.memory_space<hbm>> -> memref<1x120x128xf32, #tpu.memory_space<hbm>>
      %dma_start3A_53 = tpu.memref_squeeze %dma_start3A_52 : memref<1x120x128xf32, #tpu.memory_space<hbm>> -> memref<120x128xf32, #tpu.memory_space<hbm>>
      %dma_start3A_54 = arith.constant 0 : i32
      %dma_start3A_55 = arith.constant 0 : i32
      %dma_start3A_56 = tpu.memref_slice %arg10[%dma_start3A_54, %dma_start3A_55] : memref<128x128xf32, #tpu.memory_space<vmem>> -> memref<120x128xf32, #tpu.memory_space<vmem>>
      tpu.enqueue_dma source(%dma_start3A_56 : memref<120x128xf32, #tpu.memory_space<vmem>>) target(%dma_start3A_53 : memref<120x128xf32, #tpu.memory_space<hbm>>) target_semaphore(%run_scoped3A : memref<!tpu.dma_semaphore, #tpu.memory_space<semaphore_mem>>)
      %dma_wait3A = arith.constant 0 : i32
      %dma_wait3A_57 = arith.constant 0 : i32
      %dma_wait3A_58 = tpu.memref_slice %arg10[%dma_wait3A, %dma_wait3A_57] : memref<128x128xf32, #tpu.memory_space<vmem>> -> memref<120x128xf32, #tpu.memory_space<vmem>>
      %dma_wait3A_59 = arith.constant 0 : i32
      %dma_wait3A_60 = tpu.memref_slice %arg6[%arg0, %add3A_45, %dma_wait3A_59] : memref<2x10112x128xf32, #tpu.memory_space<hbm>> -> memref<1x120x128xf32, #tpu.memory_space<hbm>>
      %dma_wait3A_61 = tpu.memref_squeeze %dma_wait3A_60 : memref<1x120x128xf32, #tpu.memory_space<hbm>> -> memref<120x128xf32, #tpu.memory_space<hbm>>
      %dma_wait3A_62 = arith.constant 0 : i32
      %dma_wait3A_63 = tpu.memref_slice %arg6[%arg0, %add3A_45, %dma_wait3A_62] : memref<2x10112x128xf32, #tpu.memory_space<hbm>> -> memref<1x120x128xf32, #tpu.memory_space<hbm>>
      %dma_wait3A_64 = tpu.memref_squeeze %dma_wait3A_63 : memref<1x120x128xf32, #tpu.memory_space<hbm>> -> memref<120x128xf32, #tpu.memory_space<hbm>>
      %dma_wait3A_65 = arith.constant 0 : i32
      %dma_wait3A_66 = arith.constant 0 : i32
      %dma_wait3A_67 = tpu.memref_slice %arg10[%dma_wait3A_65, %dma_wait3A_66] : memref<128x128xf32, #tpu.memory_space<vmem>> -> memref<120x128xf32, #tpu.memory_space<vmem>>
      tpu.wait_dma2 semaphore(%run_scoped3A : memref<!tpu.dma_semaphore, #tpu.memory_space<semaphore_mem>>) src(%dma_wait3A_67 : memref<120x128xf32, #tpu.memory_space<vmem>>) dst(%dma_wait3A_64 : memref<120x128xf32, #tpu.memory_space<hbm>>)
      tpu.yield
    }) : () -> ()
    return
  }
}

#map = affine_map<(d0, d1) -> (0, 0)>
#map1 = affine_map<(d0, d1) -> (0, 0, 0)>
module attributes {stable_mosaic.version = 14 : i64} {
  func.func @body(%arg0: i32, %arg1: i32, %arg2: memref<2560x128xi32, #tpu.memory_space<hbm>>, %arg3: memref<128x128xf32, #tpu.memory_space<hbm>>, %arg4: memref<128x128xf32, #tpu.memory_space<hbm>>, %arg5: memref<2x10112x128xf32, #tpu.memory_space<hbm>>, %arg6: memref<10112x128xf32, #tpu.memory_space<vmem_shared>>, %arg7: memref<80x128xi32, #tpu.memory_space<vmem>>, %arg8: memref<128x128xf32, #tpu.memory_space<vmem>>, %arg9: memref<128x128xf32, #tpu.memory_space<vmem>>, %arg10: memref<!tpu.dma_semaphore, #tpu.memory_space<semaphore_mem>>) attributes {dimension_semantics = [#tpu.dimension_semantics<core_parallel>, #tpu.dimension_semantics<subcore_parallel>], iteration_bounds = array<i64: 2, 16>, scalar_prefetch = 0 : i64, scratch_operands = 5 : i64, tpu.core_type = #tpu.core_type<sc_vector_subcore>, window_params = [{transform_indices = #map}, {transform_indices = #map}, {transform_indices = #map}, {transform_indices = #map1}]} {
    %mul3A = arith.constant 16 : i32
    %mul3A_0 = arith.muli %arg0, %mul3A : i32
    %add3A = arith.addi %mul3A_0, %arg1 : i32
    %mul3A_1 = arith.constant 80 : i32
    %mul3A_2 = arith.muli %add3A, %mul3A_1 : i32
    "tpu.region"() ({
      %run_scoped3A = tpu.sem_alloc : memref<!tpu.dma_semaphore, #tpu.memory_space<semaphore_mem>>
      %dma_start3A = arith.constant 0 : i32
      %dma_start3A_49 = tpu.memref_slice %arg2[%mul3A_2, %dma_start3A] : memref<2560x128xi32, #tpu.memory_space<hbm>> -> memref<80x128xi32, #tpu.memory_space<hbm>>
      %dma_start3A_50 = arith.constant 0 : i32
      %dma_start3A_51 = tpu.memref_slice %arg2[%mul3A_2, %dma_start3A_50] : memref<2560x128xi32, #tpu.memory_space<hbm>> -> memref<80x128xi32, #tpu.memory_space<hbm>>
      tpu.enqueue_dma source(%dma_start3A_51 : memref<80x128xi32, #tpu.memory_space<hbm>>) target(%arg7 : memref<80x128xi32, #tpu.memory_space<vmem>>) target_semaphore(%run_scoped3A : memref<!tpu.dma_semaphore, #tpu.memory_space<semaphore_mem>>)
      %dma_wait3A = arith.constant 0 : i32
      %dma_wait3A_52 = tpu.memref_slice %arg2[%mul3A_2, %dma_wait3A] : memref<2560x128xi32, #tpu.memory_space<hbm>> -> memref<80x128xi32, #tpu.memory_space<hbm>>
      %dma_wait3A_53 = arith.constant 0 : i32
      %dma_wait3A_54 = tpu.memref_slice %arg2[%mul3A_2, %dma_wait3A_53] : memref<2560x128xi32, #tpu.memory_space<hbm>> -> memref<80x128xi32, #tpu.memory_space<hbm>>
      tpu.wait_dma2 semaphore(%run_scoped3A : memref<!tpu.dma_semaphore, #tpu.memory_space<semaphore_mem>>) src(%dma_wait3A_54 : memref<80x128xi32, #tpu.memory_space<hbm>>) dst(%arg7 : memref<80x128xi32, #tpu.memory_space<vmem>>)
      tpu.yield
    }) : () -> ()
    "tpu.region"() ({
      %run_scoped3A = tpu.sem_alloc : memref<!tpu.dma_semaphore, #tpu.memory_space<semaphore_mem>>
      tpu.enqueue_dma source(%arg3 : memref<128x128xf32, #tpu.memory_space<hbm>>) target(%arg8 : memref<128x128xf32, #tpu.memory_space<vmem>>) target_semaphore(%run_scoped3A : memref<!tpu.dma_semaphore, #tpu.memory_space<semaphore_mem>>)
      tpu.wait_dma2 semaphore(%run_scoped3A : memref<!tpu.dma_semaphore, #tpu.memory_space<semaphore_mem>>) src(%arg3 : memref<128x128xf32, #tpu.memory_space<hbm>>) dst(%arg8 : memref<128x128xf32, #tpu.memory_space<vmem>>)
      tpu.yield
    }) : () -> ()
    "tpu.region"() ({
      %run_scoped3A = tpu.sem_alloc : memref<!tpu.dma_semaphore, #tpu.memory_space<semaphore_mem>>
      tpu.enqueue_dma source(%arg4 : memref<128x128xf32, #tpu.memory_space<hbm>>) target(%arg9 : memref<128x128xf32, #tpu.memory_space<vmem>>) target_semaphore(%run_scoped3A : memref<!tpu.dma_semaphore, #tpu.memory_space<semaphore_mem>>)
      tpu.wait_dma2 semaphore(%run_scoped3A : memref<!tpu.dma_semaphore, #tpu.memory_space<semaphore_mem>>) src(%arg4 : memref<128x128xf32, #tpu.memory_space<hbm>>) dst(%arg9 : memref<128x128xf32, #tpu.memory_space<vmem>>)
      tpu.yield
    }) : () -> ()
    %mul3A_3 = arith.constant 632 : i32
    %mul3A_4 = arith.muli %arg1, %mul3A_3 : i32
    %add3A_5 = arith.constant 0 : i32
    %add3A_6 = arith.addi %mul3A_4, %add3A_5 : i32
    "tpu.region"() ({
      %run_scoped3A = tpu.sem_alloc : memref<!tpu.dma_semaphore, #tpu.memory_space<semaphore_mem>>
      %dma_start3A = arith.constant 0 : i32
      %dma_start3A_49 = arith.constant 0 : i32
      %dma_start3A_50 = tpu.memref_slice %arg9[%dma_start3A, %dma_start3A_49] : memref<128x128xf32, #tpu.memory_space<vmem>> -> memref<128x128xf32, #tpu.memory_space<vmem>>
      %dma_start3A_51 = arith.constant 0 : i32
      %dma_start3A_52 = tpu.memref_slice %arg6[%add3A_6, %dma_start3A_51] : memref<10112x128xf32, #tpu.memory_space<vmem_shared>> -> memref<128x128xf32, #tpu.memory_space<vmem_shared>>
      %dma_start3A_53 = arith.constant 0 : i32
      %dma_start3A_54 = tpu.memref_slice %arg6[%add3A_6, %dma_start3A_53] : memref<10112x128xf32, #tpu.memory_space<vmem_shared>> -> memref<128x128xf32, #tpu.memory_space<vmem_shared>>
      %dma_start3A_55 = arith.constant 0 : i32
      %dma_start3A_56 = arith.constant 0 : i32
      %dma_start3A_57 = tpu.memref_slice %arg9[%dma_start3A_55, %dma_start3A_56] : memref<128x128xf32, #tpu.memory_space<vmem>> -> memref<128x128xf32, #tpu.memory_space<vmem>>
      tpu.enqueue_dma source(%dma_start3A_57 : memref<128x128xf32, #tpu.memory_space<vmem>>) target(%dma_start3A_54 : memref<128x128xf32, #tpu.memory_space<vmem_shared>>) target_semaphore(%run_scoped3A : memref<!tpu.dma_semaphore, #tpu.memory_space<semaphore_mem>>)
      %dma_wait3A = arith.constant 0 : i32
      %dma_wait3A_58 = arith.constant 0 : i32
      %dma_wait3A_59 = tpu.memref_slice %arg9[%dma_wait3A, %dma_wait3A_58] : memref<128x128xf32, #tpu.memory_space<vmem>> -> memref<128x128xf32, #tpu.memory_space<vmem>>
      %dma_wait3A_60 = arith.constant 0 : i32
      %dma_wait3A_61 = tpu.memref_slice %arg6[%add3A_6, %dma_wait3A_60] : memref<10112x128xf32, #tpu.memory_space<vmem_shared>> -> memref<128x128xf32, #tpu.memory_space<vmem_shared>>
      %dma_wait3A_62 = arith.constant 0 : i32
      %dma_wait3A_63 = tpu.memref_slice %arg6[%add3A_6, %dma_wait3A_62] : memref<10112x128xf32, #tpu.memory_space<vmem_shared>> -> memref<128x128xf32, #tpu.memory_space<vmem_shared>>
      %dma_wait3A_64 = arith.constant 0 : i32
      %dma_wait3A_65 = arith.constant 0 : i32
      %dma_wait3A_66 = tpu.memref_slice %arg9[%dma_wait3A_64, %dma_wait3A_65] : memref<128x128xf32, #tpu.memory_space<vmem>> -> memref<128x128xf32, #tpu.memory_space<vmem>>
      tpu.wait_dma2 semaphore(%run_scoped3A : memref<!tpu.dma_semaphore, #tpu.memory_space<semaphore_mem>>) src(%dma_wait3A_66 : memref<128x128xf32, #tpu.memory_space<vmem>>) dst(%dma_wait3A_63 : memref<128x128xf32, #tpu.memory_space<vmem_shared>>)
      tpu.yield
    }) : () -> ()
    %mul3A_7 = arith.constant 632 : i32
    %mul3A_8 = arith.muli %arg1, %mul3A_7 : i32
    %add3A_9 = arith.constant 128 : i32
    %add3A_10 = arith.addi %mul3A_8, %add3A_9 : i32
    "tpu.region"() ({
      %run_scoped3A = tpu.sem_alloc : memref<!tpu.dma_semaphore, #tpu.memory_space<semaphore_mem>>
      %dma_start3A = arith.constant 0 : i32
      %dma_start3A_49 = arith.constant 0 : i32
      %dma_start3A_50 = tpu.memref_slice %arg9[%dma_start3A, %dma_start3A_49] : memref<128x128xf32, #tpu.memory_space<vmem>> -> memref<128x128xf32, #tpu.memory_space<vmem>>
      %dma_start3A_51 = arith.constant 0 : i32
      %dma_start3A_52 = tpu.memref_slice %arg6[%add3A_10, %dma_start3A_51] : memref<10112x128xf32, #tpu.memory_space<vmem_shared>> -> memref<128x128xf32, #tpu.memory_space<vmem_shared>>
      %dma_start3A_53 = arith.constant 0 : i32
      %dma_start3A_54 = tpu.memref_slice %arg6[%add3A_10, %dma_start3A_53] : memref<10112x128xf32, #tpu.memory_space<vmem_shared>> -> memref<128x128xf32, #tpu.memory_space<vmem_shared>>
      %dma_start3A_55 = arith.constant 0 : i32
      %dma_start3A_56 = arith.constant 0 : i32
      %dma_start3A_57 = tpu.memref_slice %arg9[%dma_start3A_55, %dma_start3A_56] : memref<128x128xf32, #tpu.memory_space<vmem>> -> memref<128x128xf32, #tpu.memory_space<vmem>>
      tpu.enqueue_dma source(%dma_start3A_57 : memref<128x128xf32, #tpu.memory_space<vmem>>) target(%dma_start3A_54 : memref<128x128xf32, #tpu.memory_space<vmem_shared>>) target_semaphore(%run_scoped3A : memref<!tpu.dma_semaphore, #tpu.memory_space<semaphore_mem>>)
      %dma_wait3A = arith.constant 0 : i32
      %dma_wait3A_58 = arith.constant 0 : i32
      %dma_wait3A_59 = tpu.memref_slice %arg9[%dma_wait3A, %dma_wait3A_58] : memref<128x128xf32, #tpu.memory_space<vmem>> -> memref<128x128xf32, #tpu.memory_space<vmem>>
      %dma_wait3A_60 = arith.constant 0 : i32
      %dma_wait3A_61 = tpu.memref_slice %arg6[%add3A_10, %dma_wait3A_60] : memref<10112x128xf32, #tpu.memory_space<vmem_shared>> -> memref<128x128xf32, #tpu.memory_space<vmem_shared>>
      %dma_wait3A_62 = arith.constant 0 : i32
      %dma_wait3A_63 = tpu.memref_slice %arg6[%add3A_10, %dma_wait3A_62] : memref<10112x128xf32, #tpu.memory_space<vmem_shared>> -> memref<128x128xf32, #tpu.memory_space<vmem_shared>>
      %dma_wait3A_64 = arith.constant 0 : i32
      %dma_wait3A_65 = arith.constant 0 : i32
      %dma_wait3A_66 = tpu.memref_slice %arg9[%dma_wait3A_64, %dma_wait3A_65] : memref<128x128xf32, #tpu.memory_space<vmem>> -> memref<128x128xf32, #tpu.memory_space<vmem>>
      tpu.wait_dma2 semaphore(%run_scoped3A : memref<!tpu.dma_semaphore, #tpu.memory_space<semaphore_mem>>) src(%dma_wait3A_66 : memref<128x128xf32, #tpu.memory_space<vmem>>) dst(%dma_wait3A_63 : memref<128x128xf32, #tpu.memory_space<vmem_shared>>)
      tpu.yield
    }) : () -> ()
    %mul3A_11 = arith.constant 632 : i32
    %mul3A_12 = arith.muli %arg1, %mul3A_11 : i32
    %add3A_13 = arith.constant 256 : i32
    %add3A_14 = arith.addi %mul3A_12, %add3A_13 : i32
    "tpu.region"() ({
      %run_scoped3A = tpu.sem_alloc : memref<!tpu.dma_semaphore, #tpu.memory_space<semaphore_mem>>
      %dma_start3A = arith.constant 0 : i32
      %dma_start3A_49 = arith.constant 0 : i32
      %dma_start3A_50 = tpu.memref_slice %arg9[%dma_start3A, %dma_start3A_49] : memref<128x128xf32, #tpu.memory_space<vmem>> -> memref<128x128xf32, #tpu.memory_space<vmem>>
      %dma_start3A_51 = arith.constant 0 : i32
      %dma_start3A_52 = tpu.memref_slice %arg6[%add3A_14, %dma_start3A_51] : memref<10112x128xf32, #tpu.memory_space<vmem_shared>> -> memref<128x128xf32, #tpu.memory_space<vmem_shared>>
      %dma_start3A_53 = arith.constant 0 : i32
      %dma_start3A_54 = tpu.memref_slice %arg6[%add3A_14, %dma_start3A_53] : memref<10112x128xf32, #tpu.memory_space<vmem_shared>> -> memref<128x128xf32, #tpu.memory_space<vmem_shared>>
      %dma_start3A_55 = arith.constant 0 : i32
      %dma_start3A_56 = arith.constant 0 : i32
      %dma_start3A_57 = tpu.memref_slice %arg9[%dma_start3A_55, %dma_start3A_56] : memref<128x128xf32, #tpu.memory_space<vmem>> -> memref<128x128xf32, #tpu.memory_space<vmem>>
      tpu.enqueue_dma source(%dma_start3A_57 : memref<128x128xf32, #tpu.memory_space<vmem>>) target(%dma_start3A_54 : memref<128x128xf32, #tpu.memory_space<vmem_shared>>) target_semaphore(%run_scoped3A : memref<!tpu.dma_semaphore, #tpu.memory_space<semaphore_mem>>)
      %dma_wait3A = arith.constant 0 : i32
      %dma_wait3A_58 = arith.constant 0 : i32
      %dma_wait3A_59 = tpu.memref_slice %arg9[%dma_wait3A, %dma_wait3A_58] : memref<128x128xf32, #tpu.memory_space<vmem>> -> memref<128x128xf32, #tpu.memory_space<vmem>>
      %dma_wait3A_60 = arith.constant 0 : i32
      %dma_wait3A_61 = tpu.memref_slice %arg6[%add3A_14, %dma_wait3A_60] : memref<10112x128xf32, #tpu.memory_space<vmem_shared>> -> memref<128x128xf32, #tpu.memory_space<vmem_shared>>
      %dma_wait3A_62 = arith.constant 0 : i32
      %dma_wait3A_63 = tpu.memref_slice %arg6[%add3A_14, %dma_wait3A_62] : memref<10112x128xf32, #tpu.memory_space<vmem_shared>> -> memref<128x128xf32, #tpu.memory_space<vmem_shared>>
      %dma_wait3A_64 = arith.constant 0 : i32
      %dma_wait3A_65 = arith.constant 0 : i32
      %dma_wait3A_66 = tpu.memref_slice %arg9[%dma_wait3A_64, %dma_wait3A_65] : memref<128x128xf32, #tpu.memory_space<vmem>> -> memref<128x128xf32, #tpu.memory_space<vmem>>
      tpu.wait_dma2 semaphore(%run_scoped3A : memref<!tpu.dma_semaphore, #tpu.memory_space<semaphore_mem>>) src(%dma_wait3A_66 : memref<128x128xf32, #tpu.memory_space<vmem>>) dst(%dma_wait3A_63 : memref<128x128xf32, #tpu.memory_space<vmem_shared>>)
      tpu.yield
    }) : () -> ()
    %mul3A_15 = arith.constant 632 : i32
    %mul3A_16 = arith.muli %arg1, %mul3A_15 : i32
    %add3A_17 = arith.constant 384 : i32
    %add3A_18 = arith.addi %mul3A_16, %add3A_17 : i32
    "tpu.region"() ({
      %run_scoped3A = tpu.sem_alloc : memref<!tpu.dma_semaphore, #tpu.memory_space<semaphore_mem>>
      %dma_start3A = arith.constant 0 : i32
      %dma_start3A_49 = arith.constant 0 : i32
      %dma_start3A_50 = tpu.memref_slice %arg9[%dma_start3A, %dma_start3A_49] : memref<128x128xf32, #tpu.memory_space<vmem>> -> memref<128x128xf32, #tpu.memory_space<vmem>>
      %dma_start3A_51 = arith.constant 0 : i32
      %dma_start3A_52 = tpu.memref_slice %arg6[%add3A_18, %dma_start3A_51] : memref<10112x128xf32, #tpu.memory_space<vmem_shared>> -> memref<128x128xf32, #tpu.memory_space<vmem_shared>>
      %dma_start3A_53 = arith.constant 0 : i32
      %dma_start3A_54 = tpu.memref_slice %arg6[%add3A_18, %dma_start3A_53] : memref<10112x128xf32, #tpu.memory_space<vmem_shared>> -> memref<128x128xf32, #tpu.memory_space<vmem_shared>>
      %dma_start3A_55 = arith.constant 0 : i32
      %dma_start3A_56 = arith.constant 0 : i32
      %dma_start3A_57 = tpu.memref_slice %arg9[%dma_start3A_55, %dma_start3A_56] : memref<128x128xf32, #tpu.memory_space<vmem>> -> memref<128x128xf32, #tpu.memory_space<vmem>>
      tpu.enqueue_dma source(%dma_start3A_57 : memref<128x128xf32, #tpu.memory_space<vmem>>) target(%dma_start3A_54 : memref<128x128xf32, #tpu.memory_space<vmem_shared>>) target_semaphore(%run_scoped3A : memref<!tpu.dma_semaphore, #tpu.memory_space<semaphore_mem>>)
      %dma_wait3A = arith.constant 0 : i32
      %dma_wait3A_58 = arith.constant 0 : i32
      %dma_wait3A_59 = tpu.memref_slice %arg9[%dma_wait3A, %dma_wait3A_58] : memref<128x128xf32, #tpu.memory_space<vmem>> -> memref<128x128xf32, #tpu.memory_space<vmem>>
      %dma_wait3A_60 = arith.constant 0 : i32
      %dma_wait3A_61 = tpu.memref_slice %arg6[%add3A_18, %dma_wait3A_60] : memref<10112x128xf32, #tpu.memory_space<vmem_shared>> -> memref<128x128xf32, #tpu.memory_space<vmem_shared>>
      %dma_wait3A_62 = arith.constant 0 : i32
      %dma_wait3A_63 = tpu.memref_slice %arg6[%add3A_18, %dma_wait3A_62] : memref<10112x128xf32, #tpu.memory_space<vmem_shared>> -> memref<128x128xf32, #tpu.memory_space<vmem_shared>>
      %dma_wait3A_64 = arith.constant 0 : i32
      %dma_wait3A_65 = arith.constant 0 : i32
      %dma_wait3A_66 = tpu.memref_slice %arg9[%dma_wait3A_64, %dma_wait3A_65] : memref<128x128xf32, #tpu.memory_space<vmem>> -> memref<128x128xf32, #tpu.memory_space<vmem>>
      tpu.wait_dma2 semaphore(%run_scoped3A : memref<!tpu.dma_semaphore, #tpu.memory_space<semaphore_mem>>) src(%dma_wait3A_66 : memref<128x128xf32, #tpu.memory_space<vmem>>) dst(%dma_wait3A_63 : memref<128x128xf32, #tpu.memory_space<vmem_shared>>)
      tpu.yield
    }) : () -> ()
    %mul3A_19 = arith.constant 632 : i32
    %mul3A_20 = arith.muli %arg1, %mul3A_19 : i32
    %add3A_21 = arith.constant 512 : i32
    %add3A_22 = arith.addi %mul3A_20, %add3A_21 : i32
    "tpu.region"() ({
      %run_scoped3A = tpu.sem_alloc : memref<!tpu.dma_semaphore, #tpu.memory_space<semaphore_mem>>
      %dma_start3A = arith.constant 0 : i32
      %dma_start3A_49 = arith.constant 0 : i32
      %dma_start3A_50 = tpu.memref_slice %arg9[%dma_start3A, %dma_start3A_49] : memref<128x128xf32, #tpu.memory_space<vmem>> -> memref<120x128xf32, #tpu.memory_space<vmem>>
      %dma_start3A_51 = arith.constant 0 : i32
      %dma_start3A_52 = tpu.memref_slice %arg6[%add3A_22, %dma_start3A_51] : memref<10112x128xf32, #tpu.memory_space<vmem_shared>> -> memref<120x128xf32, #tpu.memory_space<vmem_shared>>
      %dma_start3A_53 = arith.constant 0 : i32
      %dma_start3A_54 = tpu.memref_slice %arg6[%add3A_22, %dma_start3A_53] : memref<10112x128xf32, #tpu.memory_space<vmem_shared>> -> memref<120x128xf32, #tpu.memory_space<vmem_shared>>
      %dma_start3A_55 = arith.constant 0 : i32
      %dma_start3A_56 = arith.constant 0 : i32
      %dma_start3A_57 = tpu.memref_slice %arg9[%dma_start3A_55, %dma_start3A_56] : memref<128x128xf32, #tpu.memory_space<vmem>> -> memref<120x128xf32, #tpu.memory_space<vmem>>
      tpu.enqueue_dma source(%dma_start3A_57 : memref<120x128xf32, #tpu.memory_space<vmem>>) target(%dma_start3A_54 : memref<120x128xf32, #tpu.memory_space<vmem_shared>>) target_semaphore(%run_scoped3A : memref<!tpu.dma_semaphore, #tpu.memory_space<semaphore_mem>>)
      %dma_wait3A = arith.constant 0 : i32
      %dma_wait3A_58 = arith.constant 0 : i32
      %dma_wait3A_59 = tpu.memref_slice %arg9[%dma_wait3A, %dma_wait3A_58] : memref<128x128xf32, #tpu.memory_space<vmem>> -> memref<120x128xf32, #tpu.memory_space<vmem>>
      %dma_wait3A_60 = arith.constant 0 : i32
      %dma_wait3A_61 = tpu.memref_slice %arg6[%add3A_22, %dma_wait3A_60] : memref<10112x128xf32, #tpu.memory_space<vmem_shared>> -> memref<120x128xf32, #tpu.memory_space<vmem_shared>>
      %dma_wait3A_62 = arith.constant 0 : i32
      %dma_wait3A_63 = tpu.memref_slice %arg6[%add3A_22, %dma_wait3A_62] : memref<10112x128xf32, #tpu.memory_space<vmem_shared>> -> memref<120x128xf32, #tpu.memory_space<vmem_shared>>
      %dma_wait3A_64 = arith.constant 0 : i32
      %dma_wait3A_65 = arith.constant 0 : i32
      %dma_wait3A_66 = tpu.memref_slice %arg9[%dma_wait3A_64, %dma_wait3A_65] : memref<128x128xf32, #tpu.memory_space<vmem>> -> memref<120x128xf32, #tpu.memory_space<vmem>>
      tpu.wait_dma2 semaphore(%run_scoped3A : memref<!tpu.dma_semaphore, #tpu.memory_space<semaphore_mem>>) src(%dma_wait3A_66 : memref<120x128xf32, #tpu.memory_space<vmem>>) dst(%dma_wait3A_63 : memref<120x128xf32, #tpu.memory_space<vmem_shared>>)
      tpu.yield
    }) : () -> ()
    %barrier3A = arith.constant 0 : index
    tpu.barrier barrier_id(%barrier3A)
    %scan3A = arith.constant 0 : i32
    %scan3A_23 = arith.constant 0 : i32
    %scan3A_24 = arith.constant 40 : i32
    %scan3A_25 = arith.addi %scan3A_23, %scan3A_24 : i32
    %scan3A_26 = arith.constant 1 : i32
    scf.for %scan3A_49 = %scan3A_23 to %scan3A_25 step %scan3A_26  : i32 {
      %mul3A_50 = arith.constant 2 : i32
      %mul3A_51 = arith.muli %mul3A_50, %scan3A_49 : i32
      %dma_start3A = arith.constant 0 : i32
      %dma_start3A_52 = tpu.memref_slice %arg7[%mul3A_51, %dma_start3A] : memref<80x128xi32, #tpu.memory_space<vmem>> -> memref<1x128xi32, #tpu.memory_space<vmem>>
      %dma_start3A_53 = tpu.memref_squeeze %dma_start3A_52 : memref<1x128xi32, #tpu.memory_space<vmem>> -> memref<128xi32, #tpu.memory_space<vmem>>
      %dma_start3A_54 = arith.constant 0 : i32
      %dma_start3A_55 = arith.constant 0 : i32
      %dma_start3A_56 = tpu.memref_slice %arg6[%dma_start3A_54, %dma_start3A_55] : memref<10112x128xf32, #tpu.memory_space<vmem_shared>> -> memref<10112x128xf32, #tpu.memory_space<vmem_shared>>
      tpu.enqueue_indirect_dma source(%arg8 : memref<128x128xf32, #tpu.memory_space<vmem>>) target(%dma_start3A_56 : memref<10112x128xf32, #tpu.memory_space<vmem_shared>>) offsets(%dma_start3A_53 : memref<128xi32, #tpu.memory_space<vmem>>) semaphore(%arg10 : memref<!tpu.dma_semaphore, #tpu.memory_space<semaphore_mem>>) {add = true}
      %add3A_57 = arith.constant 1 : i32
      %add3A_58 = arith.addi %mul3A_51, %add3A_57 : i32
      %dma_start3A_59 = arith.constant 0 : i32
      %dma_start3A_60 = tpu.memref_slice %arg7[%add3A_58, %dma_start3A_59] : memref<80x128xi32, #tpu.memory_space<vmem>> -> memref<1x128xi32, #tpu.memory_space<vmem>>
      %dma_start3A_61 = tpu.memref_squeeze %dma_start3A_60 : memref<1x128xi32, #tpu.memory_space<vmem>> -> memref<128xi32, #tpu.memory_space<vmem>>
      %dma_start3A_62 = arith.constant 0 : i32
      %dma_start3A_63 = arith.constant 0 : i32
      %dma_start3A_64 = tpu.memref_slice %arg6[%dma_start3A_62, %dma_start3A_63] : memref<10112x128xf32, #tpu.memory_space<vmem_shared>> -> memref<10112x128xf32, #tpu.memory_space<vmem_shared>>
      tpu.enqueue_indirect_dma source(%arg8 : memref<128x128xf32, #tpu.memory_space<vmem>>) target(%dma_start3A_64 : memref<10112x128xf32, #tpu.memory_space<vmem_shared>>) offsets(%dma_start3A_61 : memref<128xi32, #tpu.memory_space<vmem>>) semaphore(%arg10 : memref<!tpu.dma_semaphore, #tpu.memory_space<semaphore_mem>>) {add = true}
      %dma_wait3A = arith.constant 0 : i32
      %dma_wait3A_65 = tpu.memref_slice %arg7[%mul3A_51, %dma_wait3A] : memref<80x128xi32, #tpu.memory_space<vmem>> -> memref<1x128xi32, #tpu.memory_space<vmem>>
      %dma_wait3A_66 = tpu.memref_squeeze %dma_wait3A_65 : memref<1x128xi32, #tpu.memory_space<vmem>> -> memref<128xi32, #tpu.memory_space<vmem>>
      %dma_wait3A_67 = arith.constant 0 : i32
      %dma_wait3A_68 = arith.constant 0 : i32
      %dma_wait3A_69 = tpu.memref_slice %arg6[%dma_wait3A_67, %dma_wait3A_68] : memref<10112x128xf32, #tpu.memory_space<vmem_shared>> -> memref<10112x128xf32, #tpu.memory_space<vmem_shared>>
      tpu.wait_indirect_dma semaphore(%arg10 : memref<!tpu.dma_semaphore, #tpu.memory_space<semaphore_mem>>) src(%arg8 : memref<128x128xf32, #tpu.memory_space<vmem>>) dst(%dma_wait3A_69 : memref<10112x128xf32, #tpu.memory_space<vmem_shared>>)
      %add3A_70 = arith.constant 1 : i32
      %add3A_71 = arith.addi %mul3A_51, %add3A_70 : i32
      %dma_wait3A_72 = arith.constant 0 : i32
      %dma_wait3A_73 = tpu.memref_slice %arg7[%add3A_71, %dma_wait3A_72] : memref<80x128xi32, #tpu.memory_space<vmem>> -> memref<1x128xi32, #tpu.memory_space<vmem>>
      %dma_wait3A_74 = tpu.memref_squeeze %dma_wait3A_73 : memref<1x128xi32, #tpu.memory_space<vmem>> -> memref<128xi32, #tpu.memory_space<vmem>>
      %dma_wait3A_75 = arith.constant 0 : i32
      %dma_wait3A_76 = arith.constant 0 : i32
      %dma_wait3A_77 = tpu.memref_slice %arg6[%dma_wait3A_75, %dma_wait3A_76] : memref<10112x128xf32, #tpu.memory_space<vmem_shared>> -> memref<10112x128xf32, #tpu.memory_space<vmem_shared>>
      tpu.wait_indirect_dma semaphore(%arg10 : memref<!tpu.dma_semaphore, #tpu.memory_space<semaphore_mem>>) src(%arg8 : memref<128x128xf32, #tpu.memory_space<vmem>>) dst(%dma_wait3A_77 : memref<10112x128xf32, #tpu.memory_space<vmem_shared>>)
    }
    %scan3A_27 = arith.constant 40 : i32
    %barrier3A_28 = arith.constant 0 : index
    tpu.barrier barrier_id(%barrier3A_28)
    %mul3A_29 = arith.constant 632 : i32
    %mul3A_30 = arith.muli %arg1, %mul3A_29 : i32
    %add3A_31 = arith.constant 0 : i32
    %add3A_32 = arith.addi %mul3A_30, %add3A_31 : i32
    "tpu.region"() ({
      %run_scoped3A = tpu.sem_alloc : memref<!tpu.dma_semaphore, #tpu.memory_space<semaphore_mem>>
      %dma_start3A = arith.constant 0 : i32
      %dma_start3A_49 = arith.constant 0 : i32
      %dma_start3A_50 = tpu.memref_slice %arg9[%dma_start3A, %dma_start3A_49] : memref<128x128xf32, #tpu.memory_space<vmem>> -> memref<128x128xf32, #tpu.memory_space<vmem>>
      %dma_start3A_51 = arith.constant 0 : i32
      %dma_start3A_52 = tpu.memref_slice %arg6[%add3A_32, %dma_start3A_51] : memref<10112x128xf32, #tpu.memory_space<vmem_shared>> -> memref<128x128xf32, #tpu.memory_space<vmem_shared>>
      %dma_start3A_53 = arith.constant 0 : i32
      %dma_start3A_54 = arith.constant 0 : i32
      %dma_start3A_55 = tpu.memref_slice %arg9[%dma_start3A_53, %dma_start3A_54] : memref<128x128xf32, #tpu.memory_space<vmem>> -> memref<128x128xf32, #tpu.memory_space<vmem>>
      %dma_start3A_56 = arith.constant 0 : i32
      %dma_start3A_57 = tpu.memref_slice %arg6[%add3A_32, %dma_start3A_56] : memref<10112x128xf32, #tpu.memory_space<vmem_shared>> -> memref<128x128xf32, #tpu.memory_space<vmem_shared>>
      tpu.enqueue_dma source(%dma_start3A_57 : memref<128x128xf32, #tpu.memory_space<vmem_shared>>) target(%dma_start3A_55 : memref<128x128xf32, #tpu.memory_space<vmem>>) target_semaphore(%run_scoped3A : memref<!tpu.dma_semaphore, #tpu.memory_space<semaphore_mem>>)
      %dma_wait3A = arith.constant 0 : i32
      %dma_wait3A_58 = arith.constant 0 : i32
      %dma_wait3A_59 = tpu.memref_slice %arg9[%dma_wait3A, %dma_wait3A_58] : memref<128x128xf32, #tpu.memory_space<vmem>> -> memref<128x128xf32, #tpu.memory_space<vmem>>
      %dma_wait3A_60 = arith.constant 0 : i32
      %dma_wait3A_61 = tpu.memref_slice %arg6[%add3A_32, %dma_wait3A_60] : memref<10112x128xf32, #tpu.memory_space<vmem_shared>> -> memref<128x128xf32, #tpu.memory_space<vmem_shared>>
      %dma_wait3A_62 = arith.constant 0 : i32
      %dma_wait3A_63 = arith.constant 0 : i32
      %dma_wait3A_64 = tpu.memref_slice %arg9[%dma_wait3A_62, %dma_wait3A_63] : memref<128x128xf32, #tpu.memory_space<vmem>> -> memref<128x128xf32, #tpu.memory_space<vmem>>
      %dma_wait3A_65 = arith.constant 0 : i32
      %dma_wait3A_66 = tpu.memref_slice %arg6[%add3A_32, %dma_wait3A_65] : memref<10112x128xf32, #tpu.memory_space<vmem_shared>> -> memref<128x128xf32, #tpu.memory_space<vmem_shared>>
      tpu.wait_dma2 semaphore(%run_scoped3A : memref<!tpu.dma_semaphore, #tpu.memory_space<semaphore_mem>>) src(%dma_wait3A_66 : memref<128x128xf32, #tpu.memory_space<vmem_shared>>) dst(%dma_wait3A_64 : memref<128x128xf32, #tpu.memory_space<vmem>>)
      tpu.yield
    }) : () -> ()
    "tpu.region"() ({
      %run_scoped3A = tpu.sem_alloc : memref<!tpu.dma_semaphore, #tpu.memory_space<semaphore_mem>>
      %dma_start3A = arith.constant 0 : i32
      %dma_start3A_49 = arith.constant 0 : i32
      %dma_start3A_50 = tpu.memref_slice %arg9[%dma_start3A, %dma_start3A_49] : memref<128x128xf32, #tpu.memory_space<vmem>> -> memref<128x128xf32, #tpu.memory_space<vmem>>
      %dma_start3A_51 = arith.constant 0 : i32
      %dma_start3A_52 = tpu.memref_slice %arg5[%arg0, %add3A_32, %dma_start3A_51] : memref<2x10112x128xf32, #tpu.memory_space<hbm>> -> memref<1x128x128xf32, #tpu.memory_space<hbm>>
      %dma_start3A_53 = tpu.memref_squeeze %dma_start3A_52 : memref<1x128x128xf32, #tpu.memory_space<hbm>> -> memref<128x128xf32, #tpu.memory_space<hbm>>
      %dma_start3A_54 = arith.constant 0 : i32
      %dma_start3A_55 = tpu.memref_slice %arg5[%arg0, %add3A_32, %dma_start3A_54] : memref<2x10112x128xf32, #tpu.memory_space<hbm>> -> memref<1x128x128xf32, #tpu.memory_space<hbm>>
      %dma_start3A_56 = tpu.memref_squeeze %dma_start3A_55 : memref<1x128x128xf32, #tpu.memory_space<hbm>> -> memref<128x128xf32, #tpu.memory_space<hbm>>
      %dma_start3A_57 = arith.constant 0 : i32
      %dma_start3A_58 = arith.constant 0 : i32
      %dma_start3A_59 = tpu.memref_slice %arg9[%dma_start3A_57, %dma_start3A_58] : memref<128x128xf32, #tpu.memory_space<vmem>> -> memref<128x128xf32, #tpu.memory_space<vmem>>
      tpu.enqueue_dma source(%dma_start3A_59 : memref<128x128xf32, #tpu.memory_space<vmem>>) target(%dma_start3A_56 : memref<128x128xf32, #tpu.memory_space<hbm>>) target_semaphore(%run_scoped3A : memref<!tpu.dma_semaphore, #tpu.memory_space<semaphore_mem>>)
      %dma_wait3A = arith.constant 0 : i32
      %dma_wait3A_60 = arith.constant 0 : i32
      %dma_wait3A_61 = tpu.memref_slice %arg9[%dma_wait3A, %dma_wait3A_60] : memref<128x128xf32, #tpu.memory_space<vmem>> -> memref<128x128xf32, #tpu.memory_space<vmem>>
      %dma_wait3A_62 = arith.constant 0 : i32
      %dma_wait3A_63 = tpu.memref_slice %arg5[%arg0, %add3A_32, %dma_wait3A_62] : memref<2x10112x128xf32, #tpu.memory_space<hbm>> -> memref<1x128x128xf32, #tpu.memory_space<hbm>>
      %dma_wait3A_64 = tpu.memref_squeeze %dma_wait3A_63 : memref<1x128x128xf32, #tpu.memory_space<hbm>> -> memref<128x128xf32, #tpu.memory_space<hbm>>
      %dma_wait3A_65 = arith.constant 0 : i32
      %dma_wait3A_66 = tpu.memref_slice %arg5[%arg0, %add3A_32, %dma_wait3A_65] : memref<2x10112x128xf32, #tpu.memory_space<hbm>> -> memref<1x128x128xf32, #tpu.memory_space<hbm>>
      %dma_wait3A_67 = tpu.memref_squeeze %dma_wait3A_66 : memref<1x128x128xf32, #tpu.memory_space<hbm>> -> memref<128x128xf32, #tpu.memory_space<hbm>>
      %dma_wait3A_68 = arith.constant 0 : i32
      %dma_wait3A_69 = arith.constant 0 : i32
      %dma_wait3A_70 = tpu.memref_slice %arg9[%dma_wait3A_68, %dma_wait3A_69] : memref<128x128xf32, #tpu.memory_space<vmem>> -> memref<128x128xf32, #tpu.memory_space<vmem>>
      tpu.wait_dma2 semaphore(%run_scoped3A : memref<!tpu.dma_semaphore, #tpu.memory_space<semaphore_mem>>) src(%dma_wait3A_70 : memref<128x128xf32, #tpu.memory_space<vmem>>) dst(%dma_wait3A_67 : memref<128x128xf32, #tpu.memory_space<hbm>>)
      tpu.yield
    }) : () -> ()
    %mul3A_33 = arith.constant 632 : i32
    %mul3A_34 = arith.muli %arg1, %mul3A_33 : i32
    %add3A_35 = arith.constant 128 : i32
    %add3A_36 = arith.addi %mul3A_34, %add3A_35 : i32
    "tpu.region"() ({
      %run_scoped3A = tpu.sem_alloc : memref<!tpu.dma_semaphore, #tpu.memory_space<semaphore_mem>>
      %dma_start3A = arith.constant 0 : i32
      %dma_start3A_49 = arith.constant 0 : i32
      %dma_start3A_50 = tpu.memref_slice %arg9[%dma_start3A, %dma_start3A_49] : memref<128x128xf32, #tpu.memory_space<vmem>> -> memref<128x128xf32, #tpu.memory_space<vmem>>
      %dma_start3A_51 = arith.constant 0 : i32
      %dma_start3A_52 = tpu.memref_slice %arg6[%add3A_36, %dma_start3A_51] : memref<10112x128xf32, #tpu.memory_space<vmem_shared>> -> memref<128x128xf32, #tpu.memory_space<vmem_shared>>
      %dma_start3A_53 = arith.constant 0 : i32
      %dma_start3A_54 = arith.constant 0 : i32
      %dma_start3A_55 = tpu.memref_slice %arg9[%dma_start3A_53, %dma_start3A_54] : memref<128x128xf32, #tpu.memory_space<vmem>> -> memref<128x128xf32, #tpu.memory_space<vmem>>
      %dma_start3A_56 = arith.constant 0 : i32
      %dma_start3A_57 = tpu.memref_slice %arg6[%add3A_36, %dma_start3A_56] : memref<10112x128xf32, #tpu.memory_space<vmem_shared>> -> memref<128x128xf32, #tpu.memory_space<vmem_shared>>
      tpu.enqueue_dma source(%dma_start3A_57 : memref<128x128xf32, #tpu.memory_space<vmem_shared>>) target(%dma_start3A_55 : memref<128x128xf32, #tpu.memory_space<vmem>>) target_semaphore(%run_scoped3A : memref<!tpu.dma_semaphore, #tpu.memory_space<semaphore_mem>>)
      %dma_wait3A = arith.constant 0 : i32
      %dma_wait3A_58 = arith.constant 0 : i32
      %dma_wait3A_59 = tpu.memref_slice %arg9[%dma_wait3A, %dma_wait3A_58] : memref<128x128xf32, #tpu.memory_space<vmem>> -> memref<128x128xf32, #tpu.memory_space<vmem>>
      %dma_wait3A_60 = arith.constant 0 : i32
      %dma_wait3A_61 = tpu.memref_slice %arg6[%add3A_36, %dma_wait3A_60] : memref<10112x128xf32, #tpu.memory_space<vmem_shared>> -> memref<128x128xf32, #tpu.memory_space<vmem_shared>>
      %dma_wait3A_62 = arith.constant 0 : i32
      %dma_wait3A_63 = arith.constant 0 : i32
      %dma_wait3A_64 = tpu.memref_slice %arg9[%dma_wait3A_62, %dma_wait3A_63] : memref<128x128xf32, #tpu.memory_space<vmem>> -> memref<128x128xf32, #tpu.memory_space<vmem>>
      %dma_wait3A_65 = arith.constant 0 : i32
      %dma_wait3A_66 = tpu.memref_slice %arg6[%add3A_36, %dma_wait3A_65] : memref<10112x128xf32, #tpu.memory_space<vmem_shared>> -> memref<128x128xf32, #tpu.memory_space<vmem_shared>>
      tpu.wait_dma2 semaphore(%run_scoped3A : memref<!tpu.dma_semaphore, #tpu.memory_space<semaphore_mem>>) src(%dma_wait3A_66 : memref<128x128xf32, #tpu.memory_space<vmem_shared>>) dst(%dma_wait3A_64 : memref<128x128xf32, #tpu.memory_space<vmem>>)
      tpu.yield
    }) : () -> ()
    "tpu.region"() ({
      %run_scoped3A = tpu.sem_alloc : memref<!tpu.dma_semaphore, #tpu.memory_space<semaphore_mem>>
      %dma_start3A = arith.constant 0 : i32
      %dma_start3A_49 = arith.constant 0 : i32
      %dma_start3A_50 = tpu.memref_slice %arg9[%dma_start3A, %dma_start3A_49] : memref<128x128xf32, #tpu.memory_space<vmem>> -> memref<128x128xf32, #tpu.memory_space<vmem>>
      %dma_start3A_51 = arith.constant 0 : i32
      %dma_start3A_52 = tpu.memref_slice %arg5[%arg0, %add3A_36, %dma_start3A_51] : memref<2x10112x128xf32, #tpu.memory_space<hbm>> -> memref<1x128x128xf32, #tpu.memory_space<hbm>>
      %dma_start3A_53 = tpu.memref_squeeze %dma_start3A_52 : memref<1x128x128xf32, #tpu.memory_space<hbm>> -> memref<128x128xf32, #tpu.memory_space<hbm>>
      %dma_start3A_54 = arith.constant 0 : i32
      %dma_start3A_55 = tpu.memref_slice %arg5[%arg0, %add3A_36, %dma_start3A_54] : memref<2x10112x128xf32, #tpu.memory_space<hbm>> -> memref<1x128x128xf32, #tpu.memory_space<hbm>>
      %dma_start3A_56 = tpu.memref_squeeze %dma_start3A_55 : memref<1x128x128xf32, #tpu.memory_space<hbm>> -> memref<128x128xf32, #tpu.memory_space<hbm>>
      %dma_start3A_57 = arith.constant 0 : i32
      %dma_start3A_58 = arith.constant 0 : i32
      %dma_start3A_59 = tpu.memref_slice %arg9[%dma_start3A_57, %dma_start3A_58] : memref<128x128xf32, #tpu.memory_space<vmem>> -> memref<128x128xf32, #tpu.memory_space<vmem>>
      tpu.enqueue_dma source(%dma_start3A_59 : memref<128x128xf32, #tpu.memory_space<vmem>>) target(%dma_start3A_56 : memref<128x128xf32, #tpu.memory_space<hbm>>) target_semaphore(%run_scoped3A : memref<!tpu.dma_semaphore, #tpu.memory_space<semaphore_mem>>)
      %dma_wait3A = arith.constant 0 : i32
      %dma_wait3A_60 = arith.constant 0 : i32
      %dma_wait3A_61 = tpu.memref_slice %arg9[%dma_wait3A, %dma_wait3A_60] : memref<128x128xf32, #tpu.memory_space<vmem>> -> memref<128x128xf32, #tpu.memory_space<vmem>>
      %dma_wait3A_62 = arith.constant 0 : i32
      %dma_wait3A_63 = tpu.memref_slice %arg5[%arg0, %add3A_36, %dma_wait3A_62] : memref<2x10112x128xf32, #tpu.memory_space<hbm>> -> memref<1x128x128xf32, #tpu.memory_space<hbm>>
      %dma_wait3A_64 = tpu.memref_squeeze %dma_wait3A_63 : memref<1x128x128xf32, #tpu.memory_space<hbm>> -> memref<128x128xf32, #tpu.memory_space<hbm>>
      %dma_wait3A_65 = arith.constant 0 : i32
      %dma_wait3A_66 = tpu.memref_slice %arg5[%arg0, %add3A_36, %dma_wait3A_65] : memref<2x10112x128xf32, #tpu.memory_space<hbm>> -> memref<1x128x128xf32, #tpu.memory_space<hbm>>
      %dma_wait3A_67 = tpu.memref_squeeze %dma_wait3A_66 : memref<1x128x128xf32, #tpu.memory_space<hbm>> -> memref<128x128xf32, #tpu.memory_space<hbm>>
      %dma_wait3A_68 = arith.constant 0 : i32
      %dma_wait3A_69 = arith.constant 0 : i32
      %dma_wait3A_70 = tpu.memref_slice %arg9[%dma_wait3A_68, %dma_wait3A_69] : memref<128x128xf32, #tpu.memory_space<vmem>> -> memref<128x128xf32, #tpu.memory_space<vmem>>
      tpu.wait_dma2 semaphore(%run_scoped3A : memref<!tpu.dma_semaphore, #tpu.memory_space<semaphore_mem>>) src(%dma_wait3A_70 : memref<128x128xf32, #tpu.memory_space<vmem>>) dst(%dma_wait3A_67 : memref<128x128xf32, #tpu.memory_space<hbm>>)
      tpu.yield
    }) : () -> ()
    %mul3A_37 = arith.constant 632 : i32
    %mul3A_38 = arith.muli %arg1, %mul3A_37 : i32
    %add3A_39 = arith.constant 256 : i32
    %add3A_40 = arith.addi %mul3A_38, %add3A_39 : i32
    "tpu.region"() ({
      %run_scoped3A = tpu.sem_alloc : memref<!tpu.dma_semaphore, #tpu.memory_space<semaphore_mem>>
      %dma_start3A = arith.constant 0 : i32
      %dma_start3A_49 = arith.constant 0 : i32
      %dma_start3A_50 = tpu.memref_slice %arg9[%dma_start3A, %dma_start3A_49] : memref<128x128xf32, #tpu.memory_space<vmem>> -> memref<128x128xf32, #tpu.memory_space<vmem>>
      %dma_start3A_51 = arith.constant 0 : i32
      %dma_start3A_52 = tpu.memref_slice %arg6[%add3A_40, %dma_start3A_51] : memref<10112x128xf32, #tpu.memory_space<vmem_shared>> -> memref<128x128xf32, #tpu.memory_space<vmem_shared>>
      %dma_start3A_53 = arith.constant 0 : i32
      %dma_start3A_54 = arith.constant 0 : i32
      %dma_start3A_55 = tpu.memref_slice %arg9[%dma_start3A_53, %dma_start3A_54] : memref<128x128xf32, #tpu.memory_space<vmem>> -> memref<128x128xf32, #tpu.memory_space<vmem>>
      %dma_start3A_56 = arith.constant 0 : i32
      %dma_start3A_57 = tpu.memref_slice %arg6[%add3A_40, %dma_start3A_56] : memref<10112x128xf32, #tpu.memory_space<vmem_shared>> -> memref<128x128xf32, #tpu.memory_space<vmem_shared>>
      tpu.enqueue_dma source(%dma_start3A_57 : memref<128x128xf32, #tpu.memory_space<vmem_shared>>) target(%dma_start3A_55 : memref<128x128xf32, #tpu.memory_space<vmem>>) target_semaphore(%run_scoped3A : memref<!tpu.dma_semaphore, #tpu.memory_space<semaphore_mem>>)
      %dma_wait3A = arith.constant 0 : i32
      %dma_wait3A_58 = arith.constant 0 : i32
      %dma_wait3A_59 = tpu.memref_slice %arg9[%dma_wait3A, %dma_wait3A_58] : memref<128x128xf32, #tpu.memory_space<vmem>> -> memref<128x128xf32, #tpu.memory_space<vmem>>
      %dma_wait3A_60 = arith.constant 0 : i32
      %dma_wait3A_61 = tpu.memref_slice %arg6[%add3A_40, %dma_wait3A_60] : memref<10112x128xf32, #tpu.memory_space<vmem_shared>> -> memref<128x128xf32, #tpu.memory_space<vmem_shared>>
      %dma_wait3A_62 = arith.constant 0 : i32
      %dma_wait3A_63 = arith.constant 0 : i32
      %dma_wait3A_64 = tpu.memref_slice %arg9[%dma_wait3A_62, %dma_wait3A_63] : memref<128x128xf32, #tpu.memory_space<vmem>> -> memref<128x128xf32, #tpu.memory_space<vmem>>
      %dma_wait3A_65 = arith.constant 0 : i32
      %dma_wait3A_66 = tpu.memref_slice %arg6[%add3A_40, %dma_wait3A_65] : memref<10112x128xf32, #tpu.memory_space<vmem_shared>> -> memref<128x128xf32, #tpu.memory_space<vmem_shared>>
      tpu.wait_dma2 semaphore(%run_scoped3A : memref<!tpu.dma_semaphore, #tpu.memory_space<semaphore_mem>>) src(%dma_wait3A_66 : memref<128x128xf32, #tpu.memory_space<vmem_shared>>) dst(%dma_wait3A_64 : memref<128x128xf32, #tpu.memory_space<vmem>>)
      tpu.yield
    }) : () -> ()
    "tpu.region"() ({
      %run_scoped3A = tpu.sem_alloc : memref<!tpu.dma_semaphore, #tpu.memory_space<semaphore_mem>>
      %dma_start3A = arith.constant 0 : i32
      %dma_start3A_49 = arith.constant 0 : i32
      %dma_start3A_50 = tpu.memref_slice %arg9[%dma_start3A, %dma_start3A_49] : memref<128x128xf32, #tpu.memory_space<vmem>> -> memref<128x128xf32, #tpu.memory_space<vmem>>
      %dma_start3A_51 = arith.constant 0 : i32
      %dma_start3A_52 = tpu.memref_slice %arg5[%arg0, %add3A_40, %dma_start3A_51] : memref<2x10112x128xf32, #tpu.memory_space<hbm>> -> memref<1x128x128xf32, #tpu.memory_space<hbm>>
      %dma_start3A_53 = tpu.memref_squeeze %dma_start3A_52 : memref<1x128x128xf32, #tpu.memory_space<hbm>> -> memref<128x128xf32, #tpu.memory_space<hbm>>
      %dma_start3A_54 = arith.constant 0 : i32
      %dma_start3A_55 = tpu.memref_slice %arg5[%arg0, %add3A_40, %dma_start3A_54] : memref<2x10112x128xf32, #tpu.memory_space<hbm>> -> memref<1x128x128xf32, #tpu.memory_space<hbm>>
      %dma_start3A_56 = tpu.memref_squeeze %dma_start3A_55 : memref<1x128x128xf32, #tpu.memory_space<hbm>> -> memref<128x128xf32, #tpu.memory_space<hbm>>
      %dma_start3A_57 = arith.constant 0 : i32
      %dma_start3A_58 = arith.constant 0 : i32
      %dma_start3A_59 = tpu.memref_slice %arg9[%dma_start3A_57, %dma_start3A_58] : memref<128x128xf32, #tpu.memory_space<vmem>> -> memref<128x128xf32, #tpu.memory_space<vmem>>
      tpu.enqueue_dma source(%dma_start3A_59 : memref<128x128xf32, #tpu.memory_space<vmem>>) target(%dma_start3A_56 : memref<128x128xf32, #tpu.memory_space<hbm>>) target_semaphore(%run_scoped3A : memref<!tpu.dma_semaphore, #tpu.memory_space<semaphore_mem>>)
      %dma_wait3A = arith.constant 0 : i32
      %dma_wait3A_60 = arith.constant 0 : i32
      %dma_wait3A_61 = tpu.memref_slice %arg9[%dma_wait3A, %dma_wait3A_60] : memref<128x128xf32, #tpu.memory_space<vmem>> -> memref<128x128xf32, #tpu.memory_space<vmem>>
      %dma_wait3A_62 = arith.constant 0 : i32
      %dma_wait3A_63 = tpu.memref_slice %arg5[%arg0, %add3A_40, %dma_wait3A_62] : memref<2x10112x128xf32, #tpu.memory_space<hbm>> -> memref<1x128x128xf32, #tpu.memory_space<hbm>>
      %dma_wait3A_64 = tpu.memref_squeeze %dma_wait3A_63 : memref<1x128x128xf32, #tpu.memory_space<hbm>> -> memref<128x128xf32, #tpu.memory_space<hbm>>
      %dma_wait3A_65 = arith.constant 0 : i32
      %dma_wait3A_66 = tpu.memref_slice %arg5[%arg0, %add3A_40, %dma_wait3A_65] : memref<2x10112x128xf32, #tpu.memory_space<hbm>> -> memref<1x128x128xf32, #tpu.memory_space<hbm>>
      %dma_wait3A_67 = tpu.memref_squeeze %dma_wait3A_66 : memref<1x128x128xf32, #tpu.memory_space<hbm>> -> memref<128x128xf32, #tpu.memory_space<hbm>>
      %dma_wait3A_68 = arith.constant 0 : i32
      %dma_wait3A_69 = arith.constant 0 : i32
      %dma_wait3A_70 = tpu.memref_slice %arg9[%dma_wait3A_68, %dma_wait3A_69] : memref<128x128xf32, #tpu.memory_space<vmem>> -> memref<128x128xf32, #tpu.memory_space<vmem>>
      tpu.wait_dma2 semaphore(%run_scoped3A : memref<!tpu.dma_semaphore, #tpu.memory_space<semaphore_mem>>) src(%dma_wait3A_70 : memref<128x128xf32, #tpu.memory_space<vmem>>) dst(%dma_wait3A_67 : memref<128x128xf32, #tpu.memory_space<hbm>>)
      tpu.yield
    }) : () -> ()
    %mul3A_41 = arith.constant 632 : i32
    %mul3A_42 = arith.muli %arg1, %mul3A_41 : i32
    %add3A_43 = arith.constant 384 : i32
    %add3A_44 = arith.addi %mul3A_42, %add3A_43 : i32
    "tpu.region"() ({
      %run_scoped3A = tpu.sem_alloc : memref<!tpu.dma_semaphore, #tpu.memory_space<semaphore_mem>>
      %dma_start3A = arith.constant 0 : i32
      %dma_start3A_49 = arith.constant 0 : i32
      %dma_start3A_50 = tpu.memref_slice %arg9[%dma_start3A, %dma_start3A_49] : memref<128x128xf32, #tpu.memory_space<vmem>> -> memref<128x128xf32, #tpu.memory_space<vmem>>
      %dma_start3A_51 = arith.constant 0 : i32
      %dma_start3A_52 = tpu.memref_slice %arg6[%add3A_44, %dma_start3A_51] : memref<10112x128xf32, #tpu.memory_space<vmem_shared>> -> memref<128x128xf32, #tpu.memory_space<vmem_shared>>
      %dma_start3A_53 = arith.constant 0 : i32
      %dma_start3A_54 = arith.constant 0 : i32
      %dma_start3A_55 = tpu.memref_slice %arg9[%dma_start3A_53, %dma_start3A_54] : memref<128x128xf32, #tpu.memory_space<vmem>> -> memref<128x128xf32, #tpu.memory_space<vmem>>
      %dma_start3A_56 = arith.constant 0 : i32
      %dma_start3A_57 = tpu.memref_slice %arg6[%add3A_44, %dma_start3A_56] : memref<10112x128xf32, #tpu.memory_space<vmem_shared>> -> memref<128x128xf32, #tpu.memory_space<vmem_shared>>
      tpu.enqueue_dma source(%dma_start3A_57 : memref<128x128xf32, #tpu.memory_space<vmem_shared>>) target(%dma_start3A_55 : memref<128x128xf32, #tpu.memory_space<vmem>>) target_semaphore(%run_scoped3A : memref<!tpu.dma_semaphore, #tpu.memory_space<semaphore_mem>>)
      %dma_wait3A = arith.constant 0 : i32
      %dma_wait3A_58 = arith.constant 0 : i32
      %dma_wait3A_59 = tpu.memref_slice %arg9[%dma_wait3A, %dma_wait3A_58] : memref<128x128xf32, #tpu.memory_space<vmem>> -> memref<128x128xf32, #tpu.memory_space<vmem>>
      %dma_wait3A_60 = arith.constant 0 : i32
      %dma_wait3A_61 = tpu.memref_slice %arg6[%add3A_44, %dma_wait3A_60] : memref<10112x128xf32, #tpu.memory_space<vmem_shared>> -> memref<128x128xf32, #tpu.memory_space<vmem_shared>>
      %dma_wait3A_62 = arith.constant 0 : i32
      %dma_wait3A_63 = arith.constant 0 : i32
      %dma_wait3A_64 = tpu.memref_slice %arg9[%dma_wait3A_62, %dma_wait3A_63] : memref<128x128xf32, #tpu.memory_space<vmem>> -> memref<128x128xf32, #tpu.memory_space<vmem>>
      %dma_wait3A_65 = arith.constant 0 : i32
      %dma_wait3A_66 = tpu.memref_slice %arg6[%add3A_44, %dma_wait3A_65] : memref<10112x128xf32, #tpu.memory_space<vmem_shared>> -> memref<128x128xf32, #tpu.memory_space<vmem_shared>>
      tpu.wait_dma2 semaphore(%run_scoped3A : memref<!tpu.dma_semaphore, #tpu.memory_space<semaphore_mem>>) src(%dma_wait3A_66 : memref<128x128xf32, #tpu.memory_space<vmem_shared>>) dst(%dma_wait3A_64 : memref<128x128xf32, #tpu.memory_space<vmem>>)
      tpu.yield
    }) : () -> ()
    "tpu.region"() ({
      %run_scoped3A = tpu.sem_alloc : memref<!tpu.dma_semaphore, #tpu.memory_space<semaphore_mem>>
      %dma_start3A = arith.constant 0 : i32
      %dma_start3A_49 = arith.constant 0 : i32
      %dma_start3A_50 = tpu.memref_slice %arg9[%dma_start3A, %dma_start3A_49] : memref<128x128xf32, #tpu.memory_space<vmem>> -> memref<128x128xf32, #tpu.memory_space<vmem>>
      %dma_start3A_51 = arith.constant 0 : i32
      %dma_start3A_52 = tpu.memref_slice %arg5[%arg0, %add3A_44, %dma_start3A_51] : memref<2x10112x128xf32, #tpu.memory_space<hbm>> -> memref<1x128x128xf32, #tpu.memory_space<hbm>>
      %dma_start3A_53 = tpu.memref_squeeze %dma_start3A_52 : memref<1x128x128xf32, #tpu.memory_space<hbm>> -> memref<128x128xf32, #tpu.memory_space<hbm>>
      %dma_start3A_54 = arith.constant 0 : i32
      %dma_start3A_55 = tpu.memref_slice %arg5[%arg0, %add3A_44, %dma_start3A_54] : memref<2x10112x128xf32, #tpu.memory_space<hbm>> -> memref<1x128x128xf32, #tpu.memory_space<hbm>>
      %dma_start3A_56 = tpu.memref_squeeze %dma_start3A_55 : memref<1x128x128xf32, #tpu.memory_space<hbm>> -> memref<128x128xf32, #tpu.memory_space<hbm>>
      %dma_start3A_57 = arith.constant 0 : i32
      %dma_start3A_58 = arith.constant 0 : i32
      %dma_start3A_59 = tpu.memref_slice %arg9[%dma_start3A_57, %dma_start3A_58] : memref<128x128xf32, #tpu.memory_space<vmem>> -> memref<128x128xf32, #tpu.memory_space<vmem>>
      tpu.enqueue_dma source(%dma_start3A_59 : memref<128x128xf32, #tpu.memory_space<vmem>>) target(%dma_start3A_56 : memref<128x128xf32, #tpu.memory_space<hbm>>) target_semaphore(%run_scoped3A : memref<!tpu.dma_semaphore, #tpu.memory_space<semaphore_mem>>)
      %dma_wait3A = arith.constant 0 : i32
      %dma_wait3A_60 = arith.constant 0 : i32
      %dma_wait3A_61 = tpu.memref_slice %arg9[%dma_wait3A, %dma_wait3A_60] : memref<128x128xf32, #tpu.memory_space<vmem>> -> memref<128x128xf32, #tpu.memory_space<vmem>>
      %dma_wait3A_62 = arith.constant 0 : i32
      %dma_wait3A_63 = tpu.memref_slice %arg5[%arg0, %add3A_44, %dma_wait3A_62] : memref<2x10112x128xf32, #tpu.memory_space<hbm>> -> memref<1x128x128xf32, #tpu.memory_space<hbm>>
      %dma_wait3A_64 = tpu.memref_squeeze %dma_wait3A_63 : memref<1x128x128xf32, #tpu.memory_space<hbm>> -> memref<128x128xf32, #tpu.memory_space<hbm>>
      %dma_wait3A_65 = arith.constant 0 : i32
      %dma_wait3A_66 = tpu.memref_slice %arg5[%arg0, %add3A_44, %dma_wait3A_65] : memref<2x10112x128xf32, #tpu.memory_space<hbm>> -> memref<1x128x128xf32, #tpu.memory_space<hbm>>
      %dma_wait3A_67 = tpu.memref_squeeze %dma_wait3A_66 : memref<1x128x128xf32, #tpu.memory_space<hbm>> -> memref<128x128xf32, #tpu.memory_space<hbm>>
      %dma_wait3A_68 = arith.constant 0 : i32
      %dma_wait3A_69 = arith.constant 0 : i32
      %dma_wait3A_70 = tpu.memref_slice %arg9[%dma_wait3A_68, %dma_wait3A_69] : memref<128x128xf32, #tpu.memory_space<vmem>> -> memref<128x128xf32, #tpu.memory_space<vmem>>
      tpu.wait_dma2 semaphore(%run_scoped3A : memref<!tpu.dma_semaphore, #tpu.memory_space<semaphore_mem>>) src(%dma_wait3A_70 : memref<128x128xf32, #tpu.memory_space<vmem>>) dst(%dma_wait3A_67 : memref<128x128xf32, #tpu.memory_space<hbm>>)
      tpu.yield
    }) : () -> ()
    %mul3A_45 = arith.constant 632 : i32
    %mul3A_46 = arith.muli %arg1, %mul3A_45 : i32
    %add3A_47 = arith.constant 512 : i32
    %add3A_48 = arith.addi %mul3A_46, %add3A_47 : i32
    "tpu.region"() ({
      %run_scoped3A = tpu.sem_alloc : memref<!tpu.dma_semaphore, #tpu.memory_space<semaphore_mem>>
      %dma_start3A = arith.constant 0 : i32
      %dma_start3A_49 = arith.constant 0 : i32
      %dma_start3A_50 = tpu.memref_slice %arg9[%dma_start3A, %dma_start3A_49] : memref<128x128xf32, #tpu.memory_space<vmem>> -> memref<120x128xf32, #tpu.memory_space<vmem>>
      %dma_start3A_51 = arith.constant 0 : i32
      %dma_start3A_52 = tpu.memref_slice %arg6[%add3A_48, %dma_start3A_51] : memref<10112x128xf32, #tpu.memory_space<vmem_shared>> -> memref<120x128xf32, #tpu.memory_space<vmem_shared>>
      %dma_start3A_53 = arith.constant 0 : i32
      %dma_start3A_54 = arith.constant 0 : i32
      %dma_start3A_55 = tpu.memref_slice %arg9[%dma_start3A_53, %dma_start3A_54] : memref<128x128xf32, #tpu.memory_space<vmem>> -> memref<120x128xf32, #tpu.memory_space<vmem>>
      %dma_start3A_56 = arith.constant 0 : i32
      %dma_start3A_57 = tpu.memref_slice %arg6[%add3A_48, %dma_start3A_56] : memref<10112x128xf32, #tpu.memory_space<vmem_shared>> -> memref<120x128xf32, #tpu.memory_space<vmem_shared>>
      tpu.enqueue_dma source(%dma_start3A_57 : memref<120x128xf32, #tpu.memory_space<vmem_shared>>) target(%dma_start3A_55 : memref<120x128xf32, #tpu.memory_space<vmem>>) target_semaphore(%run_scoped3A : memref<!tpu.dma_semaphore, #tpu.memory_space<semaphore_mem>>)
      %dma_wait3A = arith.constant 0 : i32
      %dma_wait3A_58 = arith.constant 0 : i32
      %dma_wait3A_59 = tpu.memref_slice %arg9[%dma_wait3A, %dma_wait3A_58] : memref<128x128xf32, #tpu.memory_space<vmem>> -> memref<120x128xf32, #tpu.memory_space<vmem>>
      %dma_wait3A_60 = arith.constant 0 : i32
      %dma_wait3A_61 = tpu.memref_slice %arg6[%add3A_48, %dma_wait3A_60] : memref<10112x128xf32, #tpu.memory_space<vmem_shared>> -> memref<120x128xf32, #tpu.memory_space<vmem_shared>>
      %dma_wait3A_62 = arith.constant 0 : i32
      %dma_wait3A_63 = arith.constant 0 : i32
      %dma_wait3A_64 = tpu.memref_slice %arg9[%dma_wait3A_62, %dma_wait3A_63] : memref<128x128xf32, #tpu.memory_space<vmem>> -> memref<120x128xf32, #tpu.memory_space<vmem>>
      %dma_wait3A_65 = arith.constant 0 : i32
      %dma_wait3A_66 = tpu.memref_slice %arg6[%add3A_48, %dma_wait3A_65] : memref<10112x128xf32, #tpu.memory_space<vmem_shared>> -> memref<120x128xf32, #tpu.memory_space<vmem_shared>>
      tpu.wait_dma2 semaphore(%run_scoped3A : memref<!tpu.dma_semaphore, #tpu.memory_space<semaphore_mem>>) src(%dma_wait3A_66 : memref<120x128xf32, #tpu.memory_space<vmem_shared>>) dst(%dma_wait3A_64 : memref<120x128xf32, #tpu.memory_space<vmem>>)
      tpu.yield
    }) : () -> ()
    "tpu.region"() ({
      %run_scoped3A = tpu.sem_alloc : memref<!tpu.dma_semaphore, #tpu.memory_space<semaphore_mem>>
      %dma_start3A = arith.constant 0 : i32
      %dma_start3A_49 = arith.constant 0 : i32
      %dma_start3A_50 = tpu.memref_slice %arg9[%dma_start3A, %dma_start3A_49] : memref<128x128xf32, #tpu.memory_space<vmem>> -> memref<120x128xf32, #tpu.memory_space<vmem>>
      %dma_start3A_51 = arith.constant 0 : i32
      %dma_start3A_52 = tpu.memref_slice %arg5[%arg0, %add3A_48, %dma_start3A_51] : memref<2x10112x128xf32, #tpu.memory_space<hbm>> -> memref<1x120x128xf32, #tpu.memory_space<hbm>>
      %dma_start3A_53 = tpu.memref_squeeze %dma_start3A_52 : memref<1x120x128xf32, #tpu.memory_space<hbm>> -> memref<120x128xf32, #tpu.memory_space<hbm>>
      %dma_start3A_54 = arith.constant 0 : i32
      %dma_start3A_55 = tpu.memref_slice %arg5[%arg0, %add3A_48, %dma_start3A_54] : memref<2x10112x128xf32, #tpu.memory_space<hbm>> -> memref<1x120x128xf32, #tpu.memory_space<hbm>>
      %dma_start3A_56 = tpu.memref_squeeze %dma_start3A_55 : memref<1x120x128xf32, #tpu.memory_space<hbm>> -> memref<120x128xf32, #tpu.memory_space<hbm>>
      %dma_start3A_57 = arith.constant 0 : i32
      %dma_start3A_58 = arith.constant 0 : i32
      %dma_start3A_59 = tpu.memref_slice %arg9[%dma_start3A_57, %dma_start3A_58] : memref<128x128xf32, #tpu.memory_space<vmem>> -> memref<120x128xf32, #tpu.memory_space<vmem>>
      tpu.enqueue_dma source(%dma_start3A_59 : memref<120x128xf32, #tpu.memory_space<vmem>>) target(%dma_start3A_56 : memref<120x128xf32, #tpu.memory_space<hbm>>) target_semaphore(%run_scoped3A : memref<!tpu.dma_semaphore, #tpu.memory_space<semaphore_mem>>)
      %dma_wait3A = arith.constant 0 : i32
      %dma_wait3A_60 = arith.constant 0 : i32
      %dma_wait3A_61 = tpu.memref_slice %arg9[%dma_wait3A, %dma_wait3A_60] : memref<128x128xf32, #tpu.memory_space<vmem>> -> memref<120x128xf32, #tpu.memory_space<vmem>>
      %dma_wait3A_62 = arith.constant 0 : i32
      %dma_wait3A_63 = tpu.memref_slice %arg5[%arg0, %add3A_48, %dma_wait3A_62] : memref<2x10112x128xf32, #tpu.memory_space<hbm>> -> memref<1x120x128xf32, #tpu.memory_space<hbm>>
      %dma_wait3A_64 = tpu.memref_squeeze %dma_wait3A_63 : memref<1x120x128xf32, #tpu.memory_space<hbm>> -> memref<120x128xf32, #tpu.memory_space<hbm>>
      %dma_wait3A_65 = arith.constant 0 : i32
      %dma_wait3A_66 = tpu.memref_slice %arg5[%arg0, %add3A_48, %dma_wait3A_65] : memref<2x10112x128xf32, #tpu.memory_space<hbm>> -> memref<1x120x128xf32, #tpu.memory_space<hbm>>
      %dma_wait3A_67 = tpu.memref_squeeze %dma_wait3A_66 : memref<1x120x128xf32, #tpu.memory_space<hbm>> -> memref<120x128xf32, #tpu.memory_space<hbm>>
      %dma_wait3A_68 = arith.constant 0 : i32
      %dma_wait3A_69 = arith.constant 0 : i32
      %dma_wait3A_70 = tpu.memref_slice %arg9[%dma_wait3A_68, %dma_wait3A_69] : memref<128x128xf32, #tpu.memory_space<vmem>> -> memref<120x128xf32, #tpu.memory_space<vmem>>
      tpu.wait_dma2 semaphore(%run_scoped3A : memref<!tpu.dma_semaphore, #tpu.memory_space<semaphore_mem>>) src(%dma_wait3A_70 : memref<120x128xf32, #tpu.memory_space<vmem>>) dst(%dma_wait3A_67 : memref<120x128xf32, #tpu.memory_space<hbm>>)
      tpu.yield
    }) : () -> ()
    return
  }
}

#map = affine_map<(d0, d1) -> (0, 0)>
#map1 = affine_map<(d0, d1) -> (0, 0, 0)>
module attributes {stable_mosaic.version = 14 : i64} {
  func.func @body(%arg0: i32, %arg1: i32, %arg2: memref<10000x128xf32, #tpu.memory_space<hbm>>, %arg3: memref<2560x128xi32, #tpu.memory_space<hbm>>, %arg4: memref<2560x128xi32, #tpu.memory_space<hbm>>, %arg5: memref<128x128xf32, #tpu.memory_space<hbm>>, %arg6: memref<2x10112x128xf32, #tpu.memory_space<hbm>>, %arg7: memref<10112x128xf32, #tpu.memory_space<vmem_shared>>, %arg8: memref<64x128xi32, #tpu.memory_space<vmem>>, %arg9: memref<64x128xi32, #tpu.memory_space<vmem>>, %arg10: memref<128x128xf32, #tpu.memory_space<vmem>>, %arg11: memref<128x128xf32, #tpu.memory_space<vmem>>, %arg12: memref<!tpu.dma_semaphore, #tpu.memory_space<semaphore_mem>>, %arg13: memref<!tpu.dma_semaphore, #tpu.memory_space<semaphore_mem>>, %arg14: memref<!tpu.dma_semaphore, #tpu.memory_space<semaphore_mem>>, %arg15: memref<!tpu.dma_semaphore, #tpu.memory_space<semaphore_mem>>) attributes {dimension_semantics = [#tpu.dimension_semantics<core_parallel>, #tpu.dimension_semantics<subcore_parallel>], iteration_bounds = array<i64: 2, 16>, scalar_prefetch = 0 : i64, scratch_operands = 9 : i64, tpu.core_type = #tpu.core_type<sc_vector_subcore>, window_params = [{transform_indices = #map}, {transform_indices = #map}, {transform_indices = #map}, {transform_indices = #map}, {transform_indices = #map1}]} {
    "tpu.region"() ({
      %run_scoped3A = tpu.sem_alloc : memref<!tpu.dma_semaphore, #tpu.memory_space<semaphore_mem>>
      tpu.enqueue_dma source(%arg5 : memref<128x128xf32, #tpu.memory_space<hbm>>) target(%arg10 : memref<128x128xf32, #tpu.memory_space<vmem>>) target_semaphore(%run_scoped3A : memref<!tpu.dma_semaphore, #tpu.memory_space<semaphore_mem>>)
      tpu.wait_dma2 semaphore(%run_scoped3A : memref<!tpu.dma_semaphore, #tpu.memory_space<semaphore_mem>>) src(%arg5 : memref<128x128xf32, #tpu.memory_space<hbm>>) dst(%arg10 : memref<128x128xf32, #tpu.memory_space<vmem>>)
      tpu.yield
    }) : () -> ()
    %mul3A = arith.constant 632 : i32
    %mul3A_0 = arith.muli %arg1, %mul3A : i32
    %add3A = arith.constant 0 : i32
    %add3A_1 = arith.addi %mul3A_0, %add3A : i32
    "tpu.region"() ({
      %run_scoped3A = tpu.sem_alloc : memref<!tpu.dma_semaphore, #tpu.memory_space<semaphore_mem>>
      %dma_start3A = arith.constant 0 : i32
      %dma_start3A_46 = arith.constant 0 : i32
      %dma_start3A_47 = tpu.memref_slice %arg10[%dma_start3A, %dma_start3A_46] : memref<128x128xf32, #tpu.memory_space<vmem>> -> memref<128x128xf32, #tpu.memory_space<vmem>>
      %dma_start3A_48 = arith.constant 0 : i32
      %dma_start3A_49 = tpu.memref_slice %arg7[%add3A_1, %dma_start3A_48] : memref<10112x128xf32, #tpu.memory_space<vmem_shared>> -> memref<128x128xf32, #tpu.memory_space<vmem_shared>>
      %dma_start3A_50 = arith.constant 0 : i32
      %dma_start3A_51 = tpu.memref_slice %arg7[%add3A_1, %dma_start3A_50] : memref<10112x128xf32, #tpu.memory_space<vmem_shared>> -> memref<128x128xf32, #tpu.memory_space<vmem_shared>>
      %dma_start3A_52 = arith.constant 0 : i32
      %dma_start3A_53 = arith.constant 0 : i32
      %dma_start3A_54 = tpu.memref_slice %arg10[%dma_start3A_52, %dma_start3A_53] : memref<128x128xf32, #tpu.memory_space<vmem>> -> memref<128x128xf32, #tpu.memory_space<vmem>>
      tpu.enqueue_dma source(%dma_start3A_54 : memref<128x128xf32, #tpu.memory_space<vmem>>) target(%dma_start3A_51 : memref<128x128xf32, #tpu.memory_space<vmem_shared>>) target_semaphore(%run_scoped3A : memref<!tpu.dma_semaphore, #tpu.memory_space<semaphore_mem>>)
      %dma_wait3A = arith.constant 0 : i32
      %dma_wait3A_55 = arith.constant 0 : i32
      %dma_wait3A_56 = tpu.memref_slice %arg10[%dma_wait3A, %dma_wait3A_55] : memref<128x128xf32, #tpu.memory_space<vmem>> -> memref<128x128xf32, #tpu.memory_space<vmem>>
      %dma_wait3A_57 = arith.constant 0 : i32
      %dma_wait3A_58 = tpu.memref_slice %arg7[%add3A_1, %dma_wait3A_57] : memref<10112x128xf32, #tpu.memory_space<vmem_shared>> -> memref<128x128xf32, #tpu.memory_space<vmem_shared>>
      %dma_wait3A_59 = arith.constant 0 : i32
      %dma_wait3A_60 = tpu.memref_slice %arg7[%add3A_1, %dma_wait3A_59] : memref<10112x128xf32, #tpu.memory_space<vmem_shared>> -> memref<128x128xf32, #tpu.memory_space<vmem_shared>>
      %dma_wait3A_61 = arith.constant 0 : i32
      %dma_wait3A_62 = arith.constant 0 : i32
      %dma_wait3A_63 = tpu.memref_slice %arg10[%dma_wait3A_61, %dma_wait3A_62] : memref<128x128xf32, #tpu.memory_space<vmem>> -> memref<128x128xf32, #tpu.memory_space<vmem>>
      tpu.wait_dma2 semaphore(%run_scoped3A : memref<!tpu.dma_semaphore, #tpu.memory_space<semaphore_mem>>) src(%dma_wait3A_63 : memref<128x128xf32, #tpu.memory_space<vmem>>) dst(%dma_wait3A_60 : memref<128x128xf32, #tpu.memory_space<vmem_shared>>)
      tpu.yield
    }) : () -> ()
    %mul3A_2 = arith.constant 632 : i32
    %mul3A_3 = arith.muli %arg1, %mul3A_2 : i32
    %add3A_4 = arith.constant 128 : i32
    %add3A_5 = arith.addi %mul3A_3, %add3A_4 : i32
    "tpu.region"() ({
      %run_scoped3A = tpu.sem_alloc : memref<!tpu.dma_semaphore, #tpu.memory_space<semaphore_mem>>
      %dma_start3A = arith.constant 0 : i32
      %dma_start3A_46 = arith.constant 0 : i32
      %dma_start3A_47 = tpu.memref_slice %arg10[%dma_start3A, %dma_start3A_46] : memref<128x128xf32, #tpu.memory_space<vmem>> -> memref<128x128xf32, #tpu.memory_space<vmem>>
      %dma_start3A_48 = arith.constant 0 : i32
      %dma_start3A_49 = tpu.memref_slice %arg7[%add3A_5, %dma_start3A_48] : memref<10112x128xf32, #tpu.memory_space<vmem_shared>> -> memref<128x128xf32, #tpu.memory_space<vmem_shared>>
      %dma_start3A_50 = arith.constant 0 : i32
      %dma_start3A_51 = tpu.memref_slice %arg7[%add3A_5, %dma_start3A_50] : memref<10112x128xf32, #tpu.memory_space<vmem_shared>> -> memref<128x128xf32, #tpu.memory_space<vmem_shared>>
      %dma_start3A_52 = arith.constant 0 : i32
      %dma_start3A_53 = arith.constant 0 : i32
      %dma_start3A_54 = tpu.memref_slice %arg10[%dma_start3A_52, %dma_start3A_53] : memref<128x128xf32, #tpu.memory_space<vmem>> -> memref<128x128xf32, #tpu.memory_space<vmem>>
      tpu.enqueue_dma source(%dma_start3A_54 : memref<128x128xf32, #tpu.memory_space<vmem>>) target(%dma_start3A_51 : memref<128x128xf32, #tpu.memory_space<vmem_shared>>) target_semaphore(%run_scoped3A : memref<!tpu.dma_semaphore, #tpu.memory_space<semaphore_mem>>)
      %dma_wait3A = arith.constant 0 : i32
      %dma_wait3A_55 = arith.constant 0 : i32
      %dma_wait3A_56 = tpu.memref_slice %arg10[%dma_wait3A, %dma_wait3A_55] : memref<128x128xf32, #tpu.memory_space<vmem>> -> memref<128x128xf32, #tpu.memory_space<vmem>>
      %dma_wait3A_57 = arith.constant 0 : i32
      %dma_wait3A_58 = tpu.memref_slice %arg7[%add3A_5, %dma_wait3A_57] : memref<10112x128xf32, #tpu.memory_space<vmem_shared>> -> memref<128x128xf32, #tpu.memory_space<vmem_shared>>
      %dma_wait3A_59 = arith.constant 0 : i32
      %dma_wait3A_60 = tpu.memref_slice %arg7[%add3A_5, %dma_wait3A_59] : memref<10112x128xf32, #tpu.memory_space<vmem_shared>> -> memref<128x128xf32, #tpu.memory_space<vmem_shared>>
      %dma_wait3A_61 = arith.constant 0 : i32
      %dma_wait3A_62 = arith.constant 0 : i32
      %dma_wait3A_63 = tpu.memref_slice %arg10[%dma_wait3A_61, %dma_wait3A_62] : memref<128x128xf32, #tpu.memory_space<vmem>> -> memref<128x128xf32, #tpu.memory_space<vmem>>
      tpu.wait_dma2 semaphore(%run_scoped3A : memref<!tpu.dma_semaphore, #tpu.memory_space<semaphore_mem>>) src(%dma_wait3A_63 : memref<128x128xf32, #tpu.memory_space<vmem>>) dst(%dma_wait3A_60 : memref<128x128xf32, #tpu.memory_space<vmem_shared>>)
      tpu.yield
    }) : () -> ()
    %mul3A_6 = arith.constant 632 : i32
    %mul3A_7 = arith.muli %arg1, %mul3A_6 : i32
    %add3A_8 = arith.constant 256 : i32
    %add3A_9 = arith.addi %mul3A_7, %add3A_8 : i32
    "tpu.region"() ({
      %run_scoped3A = tpu.sem_alloc : memref<!tpu.dma_semaphore, #tpu.memory_space<semaphore_mem>>
      %dma_start3A = arith.constant 0 : i32
      %dma_start3A_46 = arith.constant 0 : i32
      %dma_start3A_47 = tpu.memref_slice %arg10[%dma_start3A, %dma_start3A_46] : memref<128x128xf32, #tpu.memory_space<vmem>> -> memref<128x128xf32, #tpu.memory_space<vmem>>
      %dma_start3A_48 = arith.constant 0 : i32
      %dma_start3A_49 = tpu.memref_slice %arg7[%add3A_9, %dma_start3A_48] : memref<10112x128xf32, #tpu.memory_space<vmem_shared>> -> memref<128x128xf32, #tpu.memory_space<vmem_shared>>
      %dma_start3A_50 = arith.constant 0 : i32
      %dma_start3A_51 = tpu.memref_slice %arg7[%add3A_9, %dma_start3A_50] : memref<10112x128xf32, #tpu.memory_space<vmem_shared>> -> memref<128x128xf32, #tpu.memory_space<vmem_shared>>
      %dma_start3A_52 = arith.constant 0 : i32
      %dma_start3A_53 = arith.constant 0 : i32
      %dma_start3A_54 = tpu.memref_slice %arg10[%dma_start3A_52, %dma_start3A_53] : memref<128x128xf32, #tpu.memory_space<vmem>> -> memref<128x128xf32, #tpu.memory_space<vmem>>
      tpu.enqueue_dma source(%dma_start3A_54 : memref<128x128xf32, #tpu.memory_space<vmem>>) target(%dma_start3A_51 : memref<128x128xf32, #tpu.memory_space<vmem_shared>>) target_semaphore(%run_scoped3A : memref<!tpu.dma_semaphore, #tpu.memory_space<semaphore_mem>>)
      %dma_wait3A = arith.constant 0 : i32
      %dma_wait3A_55 = arith.constant 0 : i32
      %dma_wait3A_56 = tpu.memref_slice %arg10[%dma_wait3A, %dma_wait3A_55] : memref<128x128xf32, #tpu.memory_space<vmem>> -> memref<128x128xf32, #tpu.memory_space<vmem>>
      %dma_wait3A_57 = arith.constant 0 : i32
      %dma_wait3A_58 = tpu.memref_slice %arg7[%add3A_9, %dma_wait3A_57] : memref<10112x128xf32, #tpu.memory_space<vmem_shared>> -> memref<128x128xf32, #tpu.memory_space<vmem_shared>>
      %dma_wait3A_59 = arith.constant 0 : i32
      %dma_wait3A_60 = tpu.memref_slice %arg7[%add3A_9, %dma_wait3A_59] : memref<10112x128xf32, #tpu.memory_space<vmem_shared>> -> memref<128x128xf32, #tpu.memory_space<vmem_shared>>
      %dma_wait3A_61 = arith.constant 0 : i32
      %dma_wait3A_62 = arith.constant 0 : i32
      %dma_wait3A_63 = tpu.memref_slice %arg10[%dma_wait3A_61, %dma_wait3A_62] : memref<128x128xf32, #tpu.memory_space<vmem>> -> memref<128x128xf32, #tpu.memory_space<vmem>>
      tpu.wait_dma2 semaphore(%run_scoped3A : memref<!tpu.dma_semaphore, #tpu.memory_space<semaphore_mem>>) src(%dma_wait3A_63 : memref<128x128xf32, #tpu.memory_space<vmem>>) dst(%dma_wait3A_60 : memref<128x128xf32, #tpu.memory_space<vmem_shared>>)
      tpu.yield
    }) : () -> ()
    %mul3A_10 = arith.constant 632 : i32
    %mul3A_11 = arith.muli %arg1, %mul3A_10 : i32
    %add3A_12 = arith.constant 384 : i32
    %add3A_13 = arith.addi %mul3A_11, %add3A_12 : i32
    "tpu.region"() ({
      %run_scoped3A = tpu.sem_alloc : memref<!tpu.dma_semaphore, #tpu.memory_space<semaphore_mem>>
      %dma_start3A = arith.constant 0 : i32
      %dma_start3A_46 = arith.constant 0 : i32
      %dma_start3A_47 = tpu.memref_slice %arg10[%dma_start3A, %dma_start3A_46] : memref<128x128xf32, #tpu.memory_space<vmem>> -> memref<128x128xf32, #tpu.memory_space<vmem>>
      %dma_start3A_48 = arith.constant 0 : i32
      %dma_start3A_49 = tpu.memref_slice %arg7[%add3A_13, %dma_start3A_48] : memref<10112x128xf32, #tpu.memory_space<vmem_shared>> -> memref<128x128xf32, #tpu.memory_space<vmem_shared>>
      %dma_start3A_50 = arith.constant 0 : i32
      %dma_start3A_51 = tpu.memref_slice %arg7[%add3A_13, %dma_start3A_50] : memref<10112x128xf32, #tpu.memory_space<vmem_shared>> -> memref<128x128xf32, #tpu.memory_space<vmem_shared>>
      %dma_start3A_52 = arith.constant 0 : i32
      %dma_start3A_53 = arith.constant 0 : i32
      %dma_start3A_54 = tpu.memref_slice %arg10[%dma_start3A_52, %dma_start3A_53] : memref<128x128xf32, #tpu.memory_space<vmem>> -> memref<128x128xf32, #tpu.memory_space<vmem>>
      tpu.enqueue_dma source(%dma_start3A_54 : memref<128x128xf32, #tpu.memory_space<vmem>>) target(%dma_start3A_51 : memref<128x128xf32, #tpu.memory_space<vmem_shared>>) target_semaphore(%run_scoped3A : memref<!tpu.dma_semaphore, #tpu.memory_space<semaphore_mem>>)
      %dma_wait3A = arith.constant 0 : i32
      %dma_wait3A_55 = arith.constant 0 : i32
      %dma_wait3A_56 = tpu.memref_slice %arg10[%dma_wait3A, %dma_wait3A_55] : memref<128x128xf32, #tpu.memory_space<vmem>> -> memref<128x128xf32, #tpu.memory_space<vmem>>
      %dma_wait3A_57 = arith.constant 0 : i32
      %dma_wait3A_58 = tpu.memref_slice %arg7[%add3A_13, %dma_wait3A_57] : memref<10112x128xf32, #tpu.memory_space<vmem_shared>> -> memref<128x128xf32, #tpu.memory_space<vmem_shared>>
      %dma_wait3A_59 = arith.constant 0 : i32
      %dma_wait3A_60 = tpu.memref_slice %arg7[%add3A_13, %dma_wait3A_59] : memref<10112x128xf32, #tpu.memory_space<vmem_shared>> -> memref<128x128xf32, #tpu.memory_space<vmem_shared>>
      %dma_wait3A_61 = arith.constant 0 : i32
      %dma_wait3A_62 = arith.constant 0 : i32
      %dma_wait3A_63 = tpu.memref_slice %arg10[%dma_wait3A_61, %dma_wait3A_62] : memref<128x128xf32, #tpu.memory_space<vmem>> -> memref<128x128xf32, #tpu.memory_space<vmem>>
      tpu.wait_dma2 semaphore(%run_scoped3A : memref<!tpu.dma_semaphore, #tpu.memory_space<semaphore_mem>>) src(%dma_wait3A_63 : memref<128x128xf32, #tpu.memory_space<vmem>>) dst(%dma_wait3A_60 : memref<128x128xf32, #tpu.memory_space<vmem_shared>>)
      tpu.yield
    }) : () -> ()
    %mul3A_14 = arith.constant 632 : i32
    %mul3A_15 = arith.muli %arg1, %mul3A_14 : i32
    %add3A_16 = arith.constant 512 : i32
    %add3A_17 = arith.addi %mul3A_15, %add3A_16 : i32
    "tpu.region"() ({
      %run_scoped3A = tpu.sem_alloc : memref<!tpu.dma_semaphore, #tpu.memory_space<semaphore_mem>>
      %dma_start3A = arith.constant 0 : i32
      %dma_start3A_46 = arith.constant 0 : i32
      %dma_start3A_47 = tpu.memref_slice %arg10[%dma_start3A, %dma_start3A_46] : memref<128x128xf32, #tpu.memory_space<vmem>> -> memref<120x128xf32, #tpu.memory_space<vmem>>
      %dma_start3A_48 = arith.constant 0 : i32
      %dma_start3A_49 = tpu.memref_slice %arg7[%add3A_17, %dma_start3A_48] : memref<10112x128xf32, #tpu.memory_space<vmem_shared>> -> memref<120x128xf32, #tpu.memory_space<vmem_shared>>
      %dma_start3A_50 = arith.constant 0 : i32
      %dma_start3A_51 = tpu.memref_slice %arg7[%add3A_17, %dma_start3A_50] : memref<10112x128xf32, #tpu.memory_space<vmem_shared>> -> memref<120x128xf32, #tpu.memory_space<vmem_shared>>
      %dma_start3A_52 = arith.constant 0 : i32
      %dma_start3A_53 = arith.constant 0 : i32
      %dma_start3A_54 = tpu.memref_slice %arg10[%dma_start3A_52, %dma_start3A_53] : memref<128x128xf32, #tpu.memory_space<vmem>> -> memref<120x128xf32, #tpu.memory_space<vmem>>
      tpu.enqueue_dma source(%dma_start3A_54 : memref<120x128xf32, #tpu.memory_space<vmem>>) target(%dma_start3A_51 : memref<120x128xf32, #tpu.memory_space<vmem_shared>>) target_semaphore(%run_scoped3A : memref<!tpu.dma_semaphore, #tpu.memory_space<semaphore_mem>>)
      %dma_wait3A = arith.constant 0 : i32
      %dma_wait3A_55 = arith.constant 0 : i32
      %dma_wait3A_56 = tpu.memref_slice %arg10[%dma_wait3A, %dma_wait3A_55] : memref<128x128xf32, #tpu.memory_space<vmem>> -> memref<120x128xf32, #tpu.memory_space<vmem>>
      %dma_wait3A_57 = arith.constant 0 : i32
      %dma_wait3A_58 = tpu.memref_slice %arg7[%add3A_17, %dma_wait3A_57] : memref<10112x128xf32, #tpu.memory_space<vmem_shared>> -> memref<120x128xf32, #tpu.memory_space<vmem_shared>>
      %dma_wait3A_59 = arith.constant 0 : i32
      %dma_wait3A_60 = tpu.memref_slice %arg7[%add3A_17, %dma_wait3A_59] : memref<10112x128xf32, #tpu.memory_space<vmem_shared>> -> memref<120x128xf32, #tpu.memory_space<vmem_shared>>
      %dma_wait3A_61 = arith.constant 0 : i32
      %dma_wait3A_62 = arith.constant 0 : i32
      %dma_wait3A_63 = tpu.memref_slice %arg10[%dma_wait3A_61, %dma_wait3A_62] : memref<128x128xf32, #tpu.memory_space<vmem>> -> memref<120x128xf32, #tpu.memory_space<vmem>>
      tpu.wait_dma2 semaphore(%run_scoped3A : memref<!tpu.dma_semaphore, #tpu.memory_space<semaphore_mem>>) src(%dma_wait3A_63 : memref<120x128xf32, #tpu.memory_space<vmem>>) dst(%dma_wait3A_60 : memref<120x128xf32, #tpu.memory_space<vmem_shared>>)
      tpu.yield
    }) : () -> ()
    %barrier3A = arith.constant 0 : index
    tpu.barrier barrier_id(%barrier3A)
    %eq3A = arith.constant 0 : i32
    %eq3A_18 = arith.cmpi eq, %arg0, %eq3A : i32
    %convert_element_type3A = arith.extui %eq3A_18 : i1 to i32
    %cond3A = arith.constant 0 : i32
    %cond3A_19 = arith.cmpi ne, %convert_element_type3A, %cond3A : i32
    scf.if %cond3A_19 {
      %mul3A_46 = arith.constant 128 : i32
      %mul3A_47 = arith.muli %arg1, %mul3A_46 : i32
      %add3A_48 = arith.constant 0 : i32
      %add3A_49 = arith.addi %mul3A_47, %add3A_48 : i32
      "tpu.region"() ({
        %run_scoped3A = tpu.sem_alloc : memref<!tpu.dma_semaphore, #tpu.memory_space<semaphore_mem>>
        %dma_start3A_90 = arith.constant 0 : i32
        %dma_start3A_91 = arith.constant 0 : i32
        %dma_start3A_92 = tpu.memref_slice %arg8[%dma_start3A_90, %dma_start3A_91] : memref<64x128xi32, #tpu.memory_space<vmem>> -> memref<64x128xi32, #tpu.memory_space<vmem>>
        %dma_start3A_93 = arith.constant 0 : i32
        %dma_start3A_94 = tpu.memref_slice %arg3[%add3A_49, %dma_start3A_93] : memref<2560x128xi32, #tpu.memory_space<hbm>> -> memref<64x128xi32, #tpu.memory_space<hbm>>
        %dma_start3A_95 = arith.constant 0 : i32
        %dma_start3A_96 = arith.constant 0 : i32
        %dma_start3A_97 = tpu.memref_slice %arg8[%dma_start3A_95, %dma_start3A_96] : memref<64x128xi32, #tpu.memory_space<vmem>> -> memref<64x128xi32, #tpu.memory_space<vmem>>
        %dma_start3A_98 = arith.constant 0 : i32
        %dma_start3A_99 = tpu.memref_slice %arg3[%add3A_49, %dma_start3A_98] : memref<2560x128xi32, #tpu.memory_space<hbm>> -> memref<64x128xi32, #tpu.memory_space<hbm>>
        tpu.enqueue_dma source(%dma_start3A_99 : memref<64x128xi32, #tpu.memory_space<hbm>>) target(%dma_start3A_97 : memref<64x128xi32, #tpu.memory_space<vmem>>) target_semaphore(%run_scoped3A : memref<!tpu.dma_semaphore, #tpu.memory_space<semaphore_mem>>)
        %dma_wait3A = arith.constant 0 : i32
        %dma_wait3A_100 = arith.constant 0 : i32
        %dma_wait3A_101 = tpu.memref_slice %arg8[%dma_wait3A, %dma_wait3A_100] : memref<64x128xi32, #tpu.memory_space<vmem>> -> memref<64x128xi32, #tpu.memory_space<vmem>>
        %dma_wait3A_102 = arith.constant 0 : i32
        %dma_wait3A_103 = tpu.memref_slice %arg3[%add3A_49, %dma_wait3A_102] : memref<2560x128xi32, #tpu.memory_space<hbm>> -> memref<64x128xi32, #tpu.memory_space<hbm>>
        %dma_wait3A_104 = arith.constant 0 : i32
        %dma_wait3A_105 = arith.constant 0 : i32
        %dma_wait3A_106 = tpu.memref_slice %arg8[%dma_wait3A_104, %dma_wait3A_105] : memref<64x128xi32, #tpu.memory_space<vmem>> -> memref<64x128xi32, #tpu.memory_space<vmem>>
        %dma_wait3A_107 = arith.constant 0 : i32
        %dma_wait3A_108 = tpu.memref_slice %arg3[%add3A_49, %dma_wait3A_107] : memref<2560x128xi32, #tpu.memory_space<hbm>> -> memref<64x128xi32, #tpu.memory_space<hbm>>
        tpu.wait_dma2 semaphore(%run_scoped3A : memref<!tpu.dma_semaphore, #tpu.memory_space<semaphore_mem>>) src(%dma_wait3A_108 : memref<64x128xi32, #tpu.memory_space<hbm>>) dst(%dma_wait3A_106 : memref<64x128xi32, #tpu.memory_space<vmem>>)
        tpu.yield
      }) : () -> ()
      "tpu.region"() ({
        %run_scoped3A = tpu.sem_alloc : memref<!tpu.dma_semaphore, #tpu.memory_space<semaphore_mem>>
        %dma_start3A_90 = arith.constant 0 : i32
        %dma_start3A_91 = arith.constant 0 : i32
        %dma_start3A_92 = tpu.memref_slice %arg9[%dma_start3A_90, %dma_start3A_91] : memref<64x128xi32, #tpu.memory_space<vmem>> -> memref<64x128xi32, #tpu.memory_space<vmem>>
        %dma_start3A_93 = arith.constant 0 : i32
        %dma_start3A_94 = tpu.memref_slice %arg4[%add3A_49, %dma_start3A_93] : memref<2560x128xi32, #tpu.memory_space<hbm>> -> memref<64x128xi32, #tpu.memory_space<hbm>>
        %dma_start3A_95 = arith.constant 0 : i32
        %dma_start3A_96 = arith.constant 0 : i32
        %dma_start3A_97 = tpu.memref_slice %arg9[%dma_start3A_95, %dma_start3A_96] : memref<64x128xi32, #tpu.memory_space<vmem>> -> memref<64x128xi32, #tpu.memory_space<vmem>>
        %dma_start3A_98 = arith.constant 0 : i32
        %dma_start3A_99 = tpu.memref_slice %arg4[%add3A_49, %dma_start3A_98] : memref<2560x128xi32, #tpu.memory_space<hbm>> -> memref<64x128xi32, #tpu.memory_space<hbm>>
        tpu.enqueue_dma source(%dma_start3A_99 : memref<64x128xi32, #tpu.memory_space<hbm>>) target(%dma_start3A_97 : memref<64x128xi32, #tpu.memory_space<vmem>>) target_semaphore(%run_scoped3A : memref<!tpu.dma_semaphore, #tpu.memory_space<semaphore_mem>>)
        %dma_wait3A = arith.constant 0 : i32
        %dma_wait3A_100 = arith.constant 0 : i32
        %dma_wait3A_101 = tpu.memref_slice %arg9[%dma_wait3A, %dma_wait3A_100] : memref<64x128xi32, #tpu.memory_space<vmem>> -> memref<64x128xi32, #tpu.memory_space<vmem>>
        %dma_wait3A_102 = arith.constant 0 : i32
        %dma_wait3A_103 = tpu.memref_slice %arg4[%add3A_49, %dma_wait3A_102] : memref<2560x128xi32, #tpu.memory_space<hbm>> -> memref<64x128xi32, #tpu.memory_space<hbm>>
        %dma_wait3A_104 = arith.constant 0 : i32
        %dma_wait3A_105 = arith.constant 0 : i32
        %dma_wait3A_106 = tpu.memref_slice %arg9[%dma_wait3A_104, %dma_wait3A_105] : memref<64x128xi32, #tpu.memory_space<vmem>> -> memref<64x128xi32, #tpu.memory_space<vmem>>
        %dma_wait3A_107 = arith.constant 0 : i32
        %dma_wait3A_108 = tpu.memref_slice %arg4[%add3A_49, %dma_wait3A_107] : memref<2560x128xi32, #tpu.memory_space<hbm>> -> memref<64x128xi32, #tpu.memory_space<hbm>>
        tpu.wait_dma2 semaphore(%run_scoped3A : memref<!tpu.dma_semaphore, #tpu.memory_space<semaphore_mem>>) src(%dma_wait3A_108 : memref<64x128xi32, #tpu.memory_space<hbm>>) dst(%dma_wait3A_106 : memref<64x128xi32, #tpu.memory_space<vmem>>)
        tpu.yield
      }) : () -> ()
      %dma_start3A = arith.constant 0 : i32
      %dma_start3A_50 = arith.constant 0 : i32
      %dma_start3A_51 = tpu.memref_slice %arg8[%dma_start3A, %dma_start3A_50] : memref<64x128xi32, #tpu.memory_space<vmem>> -> memref<1x128xi32, #tpu.memory_space<vmem>>
      %dma_start3A_52 = tpu.memref_squeeze %dma_start3A_51 : memref<1x128xi32, #tpu.memory_space<vmem>> -> memref<128xi32, #tpu.memory_space<vmem>>
      %dma_start3A_53 = arith.constant 0 : i32
      %dma_start3A_54 = arith.constant 0 : i32
      %dma_start3A_55 = tpu.memref_slice %arg2[%dma_start3A_53, %dma_start3A_54] : memref<10000x128xf32, #tpu.memory_space<hbm>> -> memref<10000x128xf32, #tpu.memory_space<hbm>>
      tpu.enqueue_indirect_dma source(%dma_start3A_55 : memref<10000x128xf32, #tpu.memory_space<hbm>>) target(%arg10 : memref<128x128xf32, #tpu.memory_space<vmem>>) offsets(%dma_start3A_52 : memref<128xi32, #tpu.memory_space<vmem>>) semaphore(%arg12 : memref<!tpu.dma_semaphore, #tpu.memory_space<semaphore_mem>>)
      %dma_start3A_56 = arith.constant 1 : i32
      %dma_start3A_57 = arith.constant 0 : i32
      %dma_start3A_58 = tpu.memref_slice %arg8[%dma_start3A_56, %dma_start3A_57] : memref<64x128xi32, #tpu.memory_space<vmem>> -> memref<1x128xi32, #tpu.memory_space<vmem>>
      %dma_start3A_59 = tpu.memref_squeeze %dma_start3A_58 : memref<1x128xi32, #tpu.memory_space<vmem>> -> memref<128xi32, #tpu.memory_space<vmem>>
      %dma_start3A_60 = arith.constant 0 : i32
      %dma_start3A_61 = arith.constant 0 : i32
      %dma_start3A_62 = tpu.memref_slice %arg2[%dma_start3A_60, %dma_start3A_61] : memref<10000x128xf32, #tpu.memory_space<hbm>> -> memref<10000x128xf32, #tpu.memory_space<hbm>>
      tpu.enqueue_indirect_dma source(%dma_start3A_62 : memref<10000x128xf32, #tpu.memory_space<hbm>>) target(%arg11 : memref<128x128xf32, #tpu.memory_space<vmem>>) offsets(%dma_start3A_59 : memref<128xi32, #tpu.memory_space<vmem>>) semaphore(%arg13 : memref<!tpu.dma_semaphore, #tpu.memory_space<semaphore_mem>>)
      %scan3A = arith.constant 0 : i32
      %scan3A_63 = arith.constant 0 : i32
      %scan3A_64 = arith.constant 32 : i32
      %scan3A_65 = arith.addi %scan3A_63, %scan3A_64 : i32
      %scan3A_66 = arith.constant 1 : i32
      scf.for %scan3A_90 = %scan3A_63 to %scan3A_65 step %scan3A_66  : i32 {
        %mul3A_91 = arith.constant 2 : i32
        %mul3A_92 = arith.muli %mul3A_91, %scan3A_90 : i32
        %add3A_93 = arith.constant 1 : i32
        %add3A_94 = arith.addi %mul3A_92, %add3A_93 : i32
        %dma_wait3A = arith.constant 0 : i32
        %dma_wait3A_95 = tpu.memref_slice %arg8[%mul3A_92, %dma_wait3A] : memref<64x128xi32, #tpu.memory_space<vmem>> -> memref<1x128xi32, #tpu.memory_space<vmem>>
        %dma_wait3A_96 = tpu.memref_squeeze %dma_wait3A_95 : memref<1x128xi32, #tpu.memory_space<vmem>> -> memref<128xi32, #tpu.memory_space<vmem>>
        %dma_wait3A_97 = arith.constant 0 : i32
        %dma_wait3A_98 = arith.constant 0 : i32
        %dma_wait3A_99 = tpu.memref_slice %arg2[%dma_wait3A_97, %dma_wait3A_98] : memref<10000x128xf32, #tpu.memory_space<hbm>> -> memref<10000x128xf32, #tpu.memory_space<hbm>>
        tpu.wait_indirect_dma semaphore(%arg12 : memref<!tpu.dma_semaphore, #tpu.memory_space<semaphore_mem>>) src(%dma_wait3A_99 : memref<10000x128xf32, #tpu.memory_space<hbm>>) dst(%arg10 : memref<128x128xf32, #tpu.memory_space<vmem>>)
        %dma_start3A_100 = arith.constant 0 : i32
        %dma_start3A_101 = tpu.memref_slice %arg9[%mul3A_92, %dma_start3A_100] : memref<64x128xi32, #tpu.memory_space<vmem>> -> memref<1x128xi32, #tpu.memory_space<vmem>>
        %dma_start3A_102 = tpu.memref_squeeze %dma_start3A_101 : memref<1x128xi32, #tpu.memory_space<vmem>> -> memref<128xi32, #tpu.memory_space<vmem>>
        %dma_start3A_103 = arith.constant 0 : i32
        %dma_start3A_104 = arith.constant 0 : i32
        %dma_start3A_105 = tpu.memref_slice %arg7[%dma_start3A_103, %dma_start3A_104] : memref<10112x128xf32, #tpu.memory_space<vmem_shared>> -> memref<10112x128xf32, #tpu.memory_space<vmem_shared>>
        tpu.enqueue_indirect_dma source(%arg10 : memref<128x128xf32, #tpu.memory_space<vmem>>) target(%dma_start3A_105 : memref<10112x128xf32, #tpu.memory_space<vmem_shared>>) offsets(%dma_start3A_102 : memref<128xi32, #tpu.memory_space<vmem>>) semaphore(%arg14 : memref<!tpu.dma_semaphore, #tpu.memory_space<semaphore_mem>>) {add = true}
        %dma_wait3A_106 = arith.constant 0 : i32
        %dma_wait3A_107 = tpu.memref_slice %arg8[%add3A_94, %dma_wait3A_106] : memref<64x128xi32, #tpu.memory_space<vmem>> -> memref<1x128xi32, #tpu.memory_space<vmem>>
        %dma_wait3A_108 = tpu.memref_squeeze %dma_wait3A_107 : memref<1x128xi32, #tpu.memory_space<vmem>> -> memref<128xi32, #tpu.memory_space<vmem>>
        %dma_wait3A_109 = arith.constant 0 : i32
        %dma_wait3A_110 = arith.constant 0 : i32
        %dma_wait3A_111 = tpu.memref_slice %arg2[%dma_wait3A_109, %dma_wait3A_110] : memref<10000x128xf32, #tpu.memory_space<hbm>> -> memref<10000x128xf32, #tpu.memory_space<hbm>>
        tpu.wait_indirect_dma semaphore(%arg13 : memref<!tpu.dma_semaphore, #tpu.memory_space<semaphore_mem>>) src(%dma_wait3A_111 : memref<10000x128xf32, #tpu.memory_space<hbm>>) dst(%arg11 : memref<128x128xf32, #tpu.memory_space<vmem>>)
        %dma_start3A_112 = arith.constant 0 : i32
        %dma_start3A_113 = tpu.memref_slice %arg9[%add3A_94, %dma_start3A_112] : memref<64x128xi32, #tpu.memory_space<vmem>> -> memref<1x128xi32, #tpu.memory_space<vmem>>
        %dma_start3A_114 = tpu.memref_squeeze %dma_start3A_113 : memref<1x128xi32, #tpu.memory_space<vmem>> -> memref<128xi32, #tpu.memory_space<vmem>>
        %dma_start3A_115 = arith.constant 0 : i32
        %dma_start3A_116 = arith.constant 0 : i32
        %dma_start3A_117 = tpu.memref_slice %arg7[%dma_start3A_115, %dma_start3A_116] : memref<10112x128xf32, #tpu.memory_space<vmem_shared>> -> memref<10112x128xf32, #tpu.memory_space<vmem_shared>>
        tpu.enqueue_indirect_dma source(%arg11 : memref<128x128xf32, #tpu.memory_space<vmem>>) target(%dma_start3A_117 : memref<10112x128xf32, #tpu.memory_space<vmem_shared>>) offsets(%dma_start3A_114 : memref<128xi32, #tpu.memory_space<vmem>>) semaphore(%arg15 : memref<!tpu.dma_semaphore, #tpu.memory_space<semaphore_mem>>) {add = true}
        %dma_wait3A_118 = arith.constant 0 : i32
        %dma_wait3A_119 = tpu.memref_slice %arg9[%mul3A_92, %dma_wait3A_118] : memref<64x128xi32, #tpu.memory_space<vmem>> -> memref<1x128xi32, #tpu.memory_space<vmem>>
        %dma_wait3A_120 = tpu.memref_squeeze %dma_wait3A_119 : memref<1x128xi32, #tpu.memory_space<vmem>> -> memref<128xi32, #tpu.memory_space<vmem>>
        %dma_wait3A_121 = arith.constant 0 : i32
        %dma_wait3A_122 = arith.constant 0 : i32
        %dma_wait3A_123 = tpu.memref_slice %arg7[%dma_wait3A_121, %dma_wait3A_122] : memref<10112x128xf32, #tpu.memory_space<vmem_shared>> -> memref<10112x128xf32, #tpu.memory_space<vmem_shared>>
        tpu.wait_indirect_dma semaphore(%arg14 : memref<!tpu.dma_semaphore, #tpu.memory_space<semaphore_mem>>) src(%arg10 : memref<128x128xf32, #tpu.memory_space<vmem>>) dst(%dma_wait3A_123 : memref<10112x128xf32, #tpu.memory_space<vmem_shared>>)
        %add3A_124 = arith.constant 2 : i32
        %add3A_125 = arith.addi %mul3A_92, %add3A_124 : i32
        %lt3A = arith.constant 64 : i32
        %lt3A_126 = arith.cmpi slt, %add3A_125, %lt3A : i32
        %convert_element_type3A_127 = arith.extui %lt3A_126 : i1 to i32
        %cond3A_128 = arith.constant 0 : i32
        %cond3A_129 = arith.cmpi ne, %convert_element_type3A_127, %cond3A_128 : i32
        scf.if %cond3A_129 {
          %add3A_143 = arith.constant 2 : i32
          %add3A_144 = arith.addi %mul3A_92, %add3A_143 : i32
          %dma_start3A_145 = arith.constant 0 : i32
          %dma_start3A_146 = tpu.memref_slice %arg8[%add3A_144, %dma_start3A_145] : memref<64x128xi32, #tpu.memory_space<vmem>> -> memref<1x128xi32, #tpu.memory_space<vmem>>
          %dma_start3A_147 = tpu.memref_squeeze %dma_start3A_146 : memref<1x128xi32, #tpu.memory_space<vmem>> -> memref<128xi32, #tpu.memory_space<vmem>>
          %dma_start3A_148 = arith.constant 0 : i32
          %dma_start3A_149 = arith.constant 0 : i32
          %dma_start3A_150 = tpu.memref_slice %arg2[%dma_start3A_148, %dma_start3A_149] : memref<10000x128xf32, #tpu.memory_space<hbm>> -> memref<10000x128xf32, #tpu.memory_space<hbm>>
          tpu.enqueue_indirect_dma source(%dma_start3A_150 : memref<10000x128xf32, #tpu.memory_space<hbm>>) target(%arg10 : memref<128x128xf32, #tpu.memory_space<vmem>>) offsets(%dma_start3A_147 : memref<128xi32, #tpu.memory_space<vmem>>) semaphore(%arg12 : memref<!tpu.dma_semaphore, #tpu.memory_space<semaphore_mem>>)
        } else {
        }
        %dma_wait3A_130 = arith.constant 0 : i32
        %dma_wait3A_131 = tpu.memref_slice %arg9[%add3A_94, %dma_wait3A_130] : memref<64x128xi32, #tpu.memory_space<vmem>> -> memref<1x128xi32, #tpu.memory_space<vmem>>
        %dma_wait3A_132 = tpu.memref_squeeze %dma_wait3A_131 : memref<1x128xi32, #tpu.memory_space<vmem>> -> memref<128xi32, #tpu.memory_space<vmem>>
        %dma_wait3A_133 = arith.constant 0 : i32
        %dma_wait3A_134 = arith.constant 0 : i32
        %dma_wait3A_135 = tpu.memref_slice %arg7[%dma_wait3A_133, %dma_wait3A_134] : memref<10112x128xf32, #tpu.memory_space<vmem_shared>> -> memref<10112x128xf32, #tpu.memory_space<vmem_shared>>
        tpu.wait_indirect_dma semaphore(%arg15 : memref<!tpu.dma_semaphore, #tpu.memory_space<semaphore_mem>>) src(%arg11 : memref<128x128xf32, #tpu.memory_space<vmem>>) dst(%dma_wait3A_135 : memref<10112x128xf32, #tpu.memory_space<vmem_shared>>)
        %add3A_136 = arith.constant 2 : i32
        %add3A_137 = arith.addi %add3A_94, %add3A_136 : i32
        %lt3A_138 = arith.constant 64 : i32
        %lt3A_139 = arith.cmpi slt, %add3A_137, %lt3A_138 : i32
        %convert_element_type3A_140 = arith.extui %lt3A_139 : i1 to i32
        %cond3A_141 = arith.constant 0 : i32
        %cond3A_142 = arith.cmpi ne, %convert_element_type3A_140, %cond3A_141 : i32
        scf.if %cond3A_142 {
          %add3A_143 = arith.constant 2 : i32
          %add3A_144 = arith.addi %add3A_94, %add3A_143 : i32
          %dma_start3A_145 = arith.constant 0 : i32
          %dma_start3A_146 = tpu.memref_slice %arg8[%add3A_144, %dma_start3A_145] : memref<64x128xi32, #tpu.memory_space<vmem>> -> memref<1x128xi32, #tpu.memory_space<vmem>>
          %dma_start3A_147 = tpu.memref_squeeze %dma_start3A_146 : memref<1x128xi32, #tpu.memory_space<vmem>> -> memref<128xi32, #tpu.memory_space<vmem>>
          %dma_start3A_148 = arith.constant 0 : i32
          %dma_start3A_149 = arith.constant 0 : i32
          %dma_start3A_150 = tpu.memref_slice %arg2[%dma_start3A_148, %dma_start3A_149] : memref<10000x128xf32, #tpu.memory_space<hbm>> -> memref<10000x128xf32, #tpu.memory_space<hbm>>
          tpu.enqueue_indirect_dma source(%dma_start3A_150 : memref<10000x128xf32, #tpu.memory_space<hbm>>) target(%arg11 : memref<128x128xf32, #tpu.memory_space<vmem>>) offsets(%dma_start3A_147 : memref<128xi32, #tpu.memory_space<vmem>>) semaphore(%arg13 : memref<!tpu.dma_semaphore, #tpu.memory_space<semaphore_mem>>)
        } else {
        }
      }
      %scan3A_67 = arith.constant 32 : i32
      %add3A_68 = arith.constant 64 : i32
      %add3A_69 = arith.addi %mul3A_47, %add3A_68 : i32
      "tpu.region"() ({
        %run_scoped3A = tpu.sem_alloc : memref<!tpu.dma_semaphore, #tpu.memory_space<semaphore_mem>>
        %dma_start3A_90 = arith.constant 0 : i32
        %dma_start3A_91 = arith.constant 0 : i32
        %dma_start3A_92 = tpu.memref_slice %arg8[%dma_start3A_90, %dma_start3A_91] : memref<64x128xi32, #tpu.memory_space<vmem>> -> memref<64x128xi32, #tpu.memory_space<vmem>>
        %dma_start3A_93 = arith.constant 0 : i32
        %dma_start3A_94 = tpu.memref_slice %arg3[%add3A_69, %dma_start3A_93] : memref<2560x128xi32, #tpu.memory_space<hbm>> -> memref<64x128xi32, #tpu.memory_space<hbm>>
        %dma_start3A_95 = arith.constant 0 : i32
        %dma_start3A_96 = arith.constant 0 : i32
        %dma_start3A_97 = tpu.memref_slice %arg8[%dma_start3A_95, %dma_start3A_96] : memref<64x128xi32, #tpu.memory_space<vmem>> -> memref<64x128xi32, #tpu.memory_space<vmem>>
        %dma_start3A_98 = arith.constant 0 : i32
        %dma_start3A_99 = tpu.memref_slice %arg3[%add3A_69, %dma_start3A_98] : memref<2560x128xi32, #tpu.memory_space<hbm>> -> memref<64x128xi32, #tpu.memory_space<hbm>>
        tpu.enqueue_dma source(%dma_start3A_99 : memref<64x128xi32, #tpu.memory_space<hbm>>) target(%dma_start3A_97 : memref<64x128xi32, #tpu.memory_space<vmem>>) target_semaphore(%run_scoped3A : memref<!tpu.dma_semaphore, #tpu.memory_space<semaphore_mem>>)
        %dma_wait3A = arith.constant 0 : i32
        %dma_wait3A_100 = arith.constant 0 : i32
        %dma_wait3A_101 = tpu.memref_slice %arg8[%dma_wait3A, %dma_wait3A_100] : memref<64x128xi32, #tpu.memory_space<vmem>> -> memref<64x128xi32, #tpu.memory_space<vmem>>
        %dma_wait3A_102 = arith.constant 0 : i32
        %dma_wait3A_103 = tpu.memref_slice %arg3[%add3A_69, %dma_wait3A_102] : memref<2560x128xi32, #tpu.memory_space<hbm>> -> memref<64x128xi32, #tpu.memory_space<hbm>>
        %dma_wait3A_104 = arith.constant 0 : i32
        %dma_wait3A_105 = arith.constant 0 : i32
        %dma_wait3A_106 = tpu.memref_slice %arg8[%dma_wait3A_104, %dma_wait3A_105] : memref<64x128xi32, #tpu.memory_space<vmem>> -> memref<64x128xi32, #tpu.memory_space<vmem>>
        %dma_wait3A_107 = arith.constant 0 : i32
        %dma_wait3A_108 = tpu.memref_slice %arg3[%add3A_69, %dma_wait3A_107] : memref<2560x128xi32, #tpu.memory_space<hbm>> -> memref<64x128xi32, #tpu.memory_space<hbm>>
        tpu.wait_dma2 semaphore(%run_scoped3A : memref<!tpu.dma_semaphore, #tpu.memory_space<semaphore_mem>>) src(%dma_wait3A_108 : memref<64x128xi32, #tpu.memory_space<hbm>>) dst(%dma_wait3A_106 : memref<64x128xi32, #tpu.memory_space<vmem>>)
        tpu.yield
      }) : () -> ()
      "tpu.region"() ({
        %run_scoped3A = tpu.sem_alloc : memref<!tpu.dma_semaphore, #tpu.memory_space<semaphore_mem>>
        %dma_start3A_90 = arith.constant 0 : i32
        %dma_start3A_91 = arith.constant 0 : i32
        %dma_start3A_92 = tpu.memref_slice %arg9[%dma_start3A_90, %dma_start3A_91] : memref<64x128xi32, #tpu.memory_space<vmem>> -> memref<64x128xi32, #tpu.memory_space<vmem>>
        %dma_start3A_93 = arith.constant 0 : i32
        %dma_start3A_94 = tpu.memref_slice %arg4[%add3A_69, %dma_start3A_93] : memref<2560x128xi32, #tpu.memory_space<hbm>> -> memref<64x128xi32, #tpu.memory_space<hbm>>
        %dma_start3A_95 = arith.constant 0 : i32
        %dma_start3A_96 = arith.constant 0 : i32
        %dma_start3A_97 = tpu.memref_slice %arg9[%dma_start3A_95, %dma_start3A_96] : memref<64x128xi32, #tpu.memory_space<vmem>> -> memref<64x128xi32, #tpu.memory_space<vmem>>
        %dma_start3A_98 = arith.constant 0 : i32
        %dma_start3A_99 = tpu.memref_slice %arg4[%add3A_69, %dma_start3A_98] : memref<2560x128xi32, #tpu.memory_space<hbm>> -> memref<64x128xi32, #tpu.memory_space<hbm>>
        tpu.enqueue_dma source(%dma_start3A_99 : memref<64x128xi32, #tpu.memory_space<hbm>>) target(%dma_start3A_97 : memref<64x128xi32, #tpu.memory_space<vmem>>) target_semaphore(%run_scoped3A : memref<!tpu.dma_semaphore, #tpu.memory_space<semaphore_mem>>)
        %dma_wait3A = arith.constant 0 : i32
        %dma_wait3A_100 = arith.constant 0 : i32
        %dma_wait3A_101 = tpu.memref_slice %arg9[%dma_wait3A, %dma_wait3A_100] : memref<64x128xi32, #tpu.memory_space<vmem>> -> memref<64x128xi32, #tpu.memory_space<vmem>>
        %dma_wait3A_102 = arith.constant 0 : i32
        %dma_wait3A_103 = tpu.memref_slice %arg4[%add3A_69, %dma_wait3A_102] : memref<2560x128xi32, #tpu.memory_space<hbm>> -> memref<64x128xi32, #tpu.memory_space<hbm>>
        %dma_wait3A_104 = arith.constant 0 : i32
        %dma_wait3A_105 = arith.constant 0 : i32
        %dma_wait3A_106 = tpu.memref_slice %arg9[%dma_wait3A_104, %dma_wait3A_105] : memref<64x128xi32, #tpu.memory_space<vmem>> -> memref<64x128xi32, #tpu.memory_space<vmem>>
        %dma_wait3A_107 = arith.constant 0 : i32
        %dma_wait3A_108 = tpu.memref_slice %arg4[%add3A_69, %dma_wait3A_107] : memref<2560x128xi32, #tpu.memory_space<hbm>> -> memref<64x128xi32, #tpu.memory_space<hbm>>
        tpu.wait_dma2 semaphore(%run_scoped3A : memref<!tpu.dma_semaphore, #tpu.memory_space<semaphore_mem>>) src(%dma_wait3A_108 : memref<64x128xi32, #tpu.memory_space<hbm>>) dst(%dma_wait3A_106 : memref<64x128xi32, #tpu.memory_space<vmem>>)
        tpu.yield
      }) : () -> ()
      %dma_start3A_70 = arith.constant 0 : i32
      %dma_start3A_71 = arith.constant 0 : i32
      %dma_start3A_72 = tpu.memref_slice %arg8[%dma_start3A_70, %dma_start3A_71] : memref<64x128xi32, #tpu.memory_space<vmem>> -> memref<1x128xi32, #tpu.memory_space<vmem>>
      %dma_start3A_73 = tpu.memref_squeeze %dma_start3A_72 : memref<1x128xi32, #tpu.memory_space<vmem>> -> memref<128xi32, #tpu.memory_space<vmem>>
      %dma_start3A_74 = arith.constant 0 : i32
      %dma_start3A_75 = arith.constant 0 : i32
      %dma_start3A_76 = tpu.memref_slice %arg2[%dma_start3A_74, %dma_start3A_75] : memref<10000x128xf32, #tpu.memory_space<hbm>> -> memref<10000x128xf32, #tpu.memory_space<hbm>>
      tpu.enqueue_indirect_dma source(%dma_start3A_76 : memref<10000x128xf32, #tpu.memory_space<hbm>>) target(%arg10 : memref<128x128xf32, #tpu.memory_space<vmem>>) offsets(%dma_start3A_73 : memref<128xi32, #tpu.memory_space<vmem>>) semaphore(%arg12 : memref<!tpu.dma_semaphore, #tpu.memory_space<semaphore_mem>>)
      %dma_start3A_77 = arith.constant 1 : i32
      %dma_start3A_78 = arith.constant 0 : i32
      %dma_start3A_79 = tpu.memref_slice %arg8[%dma_start3A_77, %dma_start3A_78] : memref<64x128xi32, #tpu.memory_space<vmem>> -> memref<1x128xi32, #tpu.memory_space<vmem>>
      %dma_start3A_80 = tpu.memref_squeeze %dma_start3A_79 : memref<1x128xi32, #tpu.memory_space<vmem>> -> memref<128xi32, #tpu.memory_space<vmem>>
      %dma_start3A_81 = arith.constant 0 : i32
      %dma_start3A_82 = arith.constant 0 : i32
      %dma_start3A_83 = tpu.memref_slice %arg2[%dma_start3A_81, %dma_start3A_82] : memref<10000x128xf32, #tpu.memory_space<hbm>> -> memref<10000x128xf32, #tpu.memory_space<hbm>>
      tpu.enqueue_indirect_dma source(%dma_start3A_83 : memref<10000x128xf32, #tpu.memory_space<hbm>>) target(%arg11 : memref<128x128xf32, #tpu.memory_space<vmem>>) offsets(%dma_start3A_80 : memref<128xi32, #tpu.memory_space<vmem>>) semaphore(%arg13 : memref<!tpu.dma_semaphore, #tpu.memory_space<semaphore_mem>>)
      %scan3A_84 = arith.constant 0 : i32
      %scan3A_85 = arith.constant 0 : i32
      %scan3A_86 = arith.constant 32 : i32
      %scan3A_87 = arith.addi %scan3A_85, %scan3A_86 : i32
      %scan3A_88 = arith.constant 1 : i32
      scf.for %scan3A_90 = %scan3A_85 to %scan3A_87 step %scan3A_88  : i32 {
        %mul3A_91 = arith.constant 2 : i32
        %mul3A_92 = arith.muli %mul3A_91, %scan3A_90 : i32
        %add3A_93 = arith.constant 1 : i32
        %add3A_94 = arith.addi %mul3A_92, %add3A_93 : i32
        %dma_wait3A = arith.constant 0 : i32
        %dma_wait3A_95 = tpu.memref_slice %arg8[%mul3A_92, %dma_wait3A] : memref<64x128xi32, #tpu.memory_space<vmem>> -> memref<1x128xi32, #tpu.memory_space<vmem>>
        %dma_wait3A_96 = tpu.memref_squeeze %dma_wait3A_95 : memref<1x128xi32, #tpu.memory_space<vmem>> -> memref<128xi32, #tpu.memory_space<vmem>>
        %dma_wait3A_97 = arith.constant 0 : i32
        %dma_wait3A_98 = arith.constant 0 : i32
        %dma_wait3A_99 = tpu.memref_slice %arg2[%dma_wait3A_97, %dma_wait3A_98] : memref<10000x128xf32, #tpu.memory_space<hbm>> -> memref<10000x128xf32, #tpu.memory_space<hbm>>
        tpu.wait_indirect_dma semaphore(%arg12 : memref<!tpu.dma_semaphore, #tpu.memory_space<semaphore_mem>>) src(%dma_wait3A_99 : memref<10000x128xf32, #tpu.memory_space<hbm>>) dst(%arg10 : memref<128x128xf32, #tpu.memory_space<vmem>>)
        %dma_start3A_100 = arith.constant 0 : i32
        %dma_start3A_101 = tpu.memref_slice %arg9[%mul3A_92, %dma_start3A_100] : memref<64x128xi32, #tpu.memory_space<vmem>> -> memref<1x128xi32, #tpu.memory_space<vmem>>
        %dma_start3A_102 = tpu.memref_squeeze %dma_start3A_101 : memref<1x128xi32, #tpu.memory_space<vmem>> -> memref<128xi32, #tpu.memory_space<vmem>>
        %dma_start3A_103 = arith.constant 0 : i32
        %dma_start3A_104 = arith.constant 0 : i32
        %dma_start3A_105 = tpu.memref_slice %arg7[%dma_start3A_103, %dma_start3A_104] : memref<10112x128xf32, #tpu.memory_space<vmem_shared>> -> memref<10112x128xf32, #tpu.memory_space<vmem_shared>>
        tpu.enqueue_indirect_dma source(%arg10 : memref<128x128xf32, #tpu.memory_space<vmem>>) target(%dma_start3A_105 : memref<10112x128xf32, #tpu.memory_space<vmem_shared>>) offsets(%dma_start3A_102 : memref<128xi32, #tpu.memory_space<vmem>>) semaphore(%arg14 : memref<!tpu.dma_semaphore, #tpu.memory_space<semaphore_mem>>) {add = true}
        %dma_wait3A_106 = arith.constant 0 : i32
        %dma_wait3A_107 = tpu.memref_slice %arg8[%add3A_94, %dma_wait3A_106] : memref<64x128xi32, #tpu.memory_space<vmem>> -> memref<1x128xi32, #tpu.memory_space<vmem>>
        %dma_wait3A_108 = tpu.memref_squeeze %dma_wait3A_107 : memref<1x128xi32, #tpu.memory_space<vmem>> -> memref<128xi32, #tpu.memory_space<vmem>>
        %dma_wait3A_109 = arith.constant 0 : i32
        %dma_wait3A_110 = arith.constant 0 : i32
        %dma_wait3A_111 = tpu.memref_slice %arg2[%dma_wait3A_109, %dma_wait3A_110] : memref<10000x128xf32, #tpu.memory_space<hbm>> -> memref<10000x128xf32, #tpu.memory_space<hbm>>
        tpu.wait_indirect_dma semaphore(%arg13 : memref<!tpu.dma_semaphore, #tpu.memory_space<semaphore_mem>>) src(%dma_wait3A_111 : memref<10000x128xf32, #tpu.memory_space<hbm>>) dst(%arg11 : memref<128x128xf32, #tpu.memory_space<vmem>>)
        %dma_start3A_112 = arith.constant 0 : i32
        %dma_start3A_113 = tpu.memref_slice %arg9[%add3A_94, %dma_start3A_112] : memref<64x128xi32, #tpu.memory_space<vmem>> -> memref<1x128xi32, #tpu.memory_space<vmem>>
        %dma_start3A_114 = tpu.memref_squeeze %dma_start3A_113 : memref<1x128xi32, #tpu.memory_space<vmem>> -> memref<128xi32, #tpu.memory_space<vmem>>
        %dma_start3A_115 = arith.constant 0 : i32
        %dma_start3A_116 = arith.constant 0 : i32
        %dma_start3A_117 = tpu.memref_slice %arg7[%dma_start3A_115, %dma_start3A_116] : memref<10112x128xf32, #tpu.memory_space<vmem_shared>> -> memref<10112x128xf32, #tpu.memory_space<vmem_shared>>
        tpu.enqueue_indirect_dma source(%arg11 : memref<128x128xf32, #tpu.memory_space<vmem>>) target(%dma_start3A_117 : memref<10112x128xf32, #tpu.memory_space<vmem_shared>>) offsets(%dma_start3A_114 : memref<128xi32, #tpu.memory_space<vmem>>) semaphore(%arg15 : memref<!tpu.dma_semaphore, #tpu.memory_space<semaphore_mem>>) {add = true}
        %dma_wait3A_118 = arith.constant 0 : i32
        %dma_wait3A_119 = tpu.memref_slice %arg9[%mul3A_92, %dma_wait3A_118] : memref<64x128xi32, #tpu.memory_space<vmem>> -> memref<1x128xi32, #tpu.memory_space<vmem>>
        %dma_wait3A_120 = tpu.memref_squeeze %dma_wait3A_119 : memref<1x128xi32, #tpu.memory_space<vmem>> -> memref<128xi32, #tpu.memory_space<vmem>>
        %dma_wait3A_121 = arith.constant 0 : i32
        %dma_wait3A_122 = arith.constant 0 : i32
        %dma_wait3A_123 = tpu.memref_slice %arg7[%dma_wait3A_121, %dma_wait3A_122] : memref<10112x128xf32, #tpu.memory_space<vmem_shared>> -> memref<10112x128xf32, #tpu.memory_space<vmem_shared>>
        tpu.wait_indirect_dma semaphore(%arg14 : memref<!tpu.dma_semaphore, #tpu.memory_space<semaphore_mem>>) src(%arg10 : memref<128x128xf32, #tpu.memory_space<vmem>>) dst(%dma_wait3A_123 : memref<10112x128xf32, #tpu.memory_space<vmem_shared>>)
        %add3A_124 = arith.constant 2 : i32
        %add3A_125 = arith.addi %mul3A_92, %add3A_124 : i32
        %lt3A = arith.constant 64 : i32
        %lt3A_126 = arith.cmpi slt, %add3A_125, %lt3A : i32
        %convert_element_type3A_127 = arith.extui %lt3A_126 : i1 to i32
        %cond3A_128 = arith.constant 0 : i32
        %cond3A_129 = arith.cmpi ne, %convert_element_type3A_127, %cond3A_128 : i32
        scf.if %cond3A_129 {
          %add3A_143 = arith.constant 2 : i32
          %add3A_144 = arith.addi %mul3A_92, %add3A_143 : i32
          %dma_start3A_145 = arith.constant 0 : i32
          %dma_start3A_146 = tpu.memref_slice %arg8[%add3A_144, %dma_start3A_145] : memref<64x128xi32, #tpu.memory_space<vmem>> -> memref<1x128xi32, #tpu.memory_space<vmem>>
          %dma_start3A_147 = tpu.memref_squeeze %dma_start3A_146 : memref<1x128xi32, #tpu.memory_space<vmem>> -> memref<128xi32, #tpu.memory_space<vmem>>
          %dma_start3A_148 = arith.constant 0 : i32
          %dma_start3A_149 = arith.constant 0 : i32
          %dma_start3A_150 = tpu.memref_slice %arg2[%dma_start3A_148, %dma_start3A_149] : memref<10000x128xf32, #tpu.memory_space<hbm>> -> memref<10000x128xf32, #tpu.memory_space<hbm>>
          tpu.enqueue_indirect_dma source(%dma_start3A_150 : memref<10000x128xf32, #tpu.memory_space<hbm>>) target(%arg10 : memref<128x128xf32, #tpu.memory_space<vmem>>) offsets(%dma_start3A_147 : memref<128xi32, #tpu.memory_space<vmem>>) semaphore(%arg12 : memref<!tpu.dma_semaphore, #tpu.memory_space<semaphore_mem>>)
        } else {
        }
        %dma_wait3A_130 = arith.constant 0 : i32
        %dma_wait3A_131 = tpu.memref_slice %arg9[%add3A_94, %dma_wait3A_130] : memref<64x128xi32, #tpu.memory_space<vmem>> -> memref<1x128xi32, #tpu.memory_space<vmem>>
        %dma_wait3A_132 = tpu.memref_squeeze %dma_wait3A_131 : memref<1x128xi32, #tpu.memory_space<vmem>> -> memref<128xi32, #tpu.memory_space<vmem>>
        %dma_wait3A_133 = arith.constant 0 : i32
        %dma_wait3A_134 = arith.constant 0 : i32
        %dma_wait3A_135 = tpu.memref_slice %arg7[%dma_wait3A_133, %dma_wait3A_134] : memref<10112x128xf32, #tpu.memory_space<vmem_shared>> -> memref<10112x128xf32, #tpu.memory_space<vmem_shared>>
        tpu.wait_indirect_dma semaphore(%arg15 : memref<!tpu.dma_semaphore, #tpu.memory_space<semaphore_mem>>) src(%arg11 : memref<128x128xf32, #tpu.memory_space<vmem>>) dst(%dma_wait3A_135 : memref<10112x128xf32, #tpu.memory_space<vmem_shared>>)
        %add3A_136 = arith.constant 2 : i32
        %add3A_137 = arith.addi %add3A_94, %add3A_136 : i32
        %lt3A_138 = arith.constant 64 : i32
        %lt3A_139 = arith.cmpi slt, %add3A_137, %lt3A_138 : i32
        %convert_element_type3A_140 = arith.extui %lt3A_139 : i1 to i32
        %cond3A_141 = arith.constant 0 : i32
        %cond3A_142 = arith.cmpi ne, %convert_element_type3A_140, %cond3A_141 : i32
        scf.if %cond3A_142 {
          %add3A_143 = arith.constant 2 : i32
          %add3A_144 = arith.addi %add3A_94, %add3A_143 : i32
          %dma_start3A_145 = arith.constant 0 : i32
          %dma_start3A_146 = tpu.memref_slice %arg8[%add3A_144, %dma_start3A_145] : memref<64x128xi32, #tpu.memory_space<vmem>> -> memref<1x128xi32, #tpu.memory_space<vmem>>
          %dma_start3A_147 = tpu.memref_squeeze %dma_start3A_146 : memref<1x128xi32, #tpu.memory_space<vmem>> -> memref<128xi32, #tpu.memory_space<vmem>>
          %dma_start3A_148 = arith.constant 0 : i32
          %dma_start3A_149 = arith.constant 0 : i32
          %dma_start3A_150 = tpu.memref_slice %arg2[%dma_start3A_148, %dma_start3A_149] : memref<10000x128xf32, #tpu.memory_space<hbm>> -> memref<10000x128xf32, #tpu.memory_space<hbm>>
          tpu.enqueue_indirect_dma source(%dma_start3A_150 : memref<10000x128xf32, #tpu.memory_space<hbm>>) target(%arg11 : memref<128x128xf32, #tpu.memory_space<vmem>>) offsets(%dma_start3A_147 : memref<128xi32, #tpu.memory_space<vmem>>) semaphore(%arg13 : memref<!tpu.dma_semaphore, #tpu.memory_space<semaphore_mem>>)
        } else {
        }
      }
      %scan3A_89 = arith.constant 32 : i32
    } else {
    }
    %eq3A_20 = arith.constant 1 : i32
    %eq3A_21 = arith.cmpi eq, %arg0, %eq3A_20 : i32
    %convert_element_type3A_22 = arith.extui %eq3A_21 : i1 to i32
    %cond3A_23 = arith.constant 0 : i32
    %cond3A_24 = arith.cmpi ne, %convert_element_type3A_22, %cond3A_23 : i32
    scf.if %cond3A_24 {
      %mul3A_46 = arith.constant 32 : i32
      %mul3A_47 = arith.muli %arg1, %mul3A_46 : i32
      %add3A_48 = arith.constant 2048 : i32
      %add3A_49 = arith.addi %add3A_48, %mul3A_47 : i32
      %add3A_50 = arith.constant 0 : i32
      %add3A_51 = arith.addi %add3A_49, %add3A_50 : i32
      "tpu.region"() ({
        %run_scoped3A = tpu.sem_alloc : memref<!tpu.dma_semaphore, #tpu.memory_space<semaphore_mem>>
        %dma_start3A_70 = arith.constant 0 : i32
        %dma_start3A_71 = arith.constant 0 : i32
        %dma_start3A_72 = tpu.memref_slice %arg8[%dma_start3A_70, %dma_start3A_71] : memref<64x128xi32, #tpu.memory_space<vmem>> -> memref<32x128xi32, #tpu.memory_space<vmem>>
        %dma_start3A_73 = arith.constant 0 : i32
        %dma_start3A_74 = tpu.memref_slice %arg3[%add3A_51, %dma_start3A_73] : memref<2560x128xi32, #tpu.memory_space<hbm>> -> memref<32x128xi32, #tpu.memory_space<hbm>>
        %dma_start3A_75 = arith.constant 0 : i32
        %dma_start3A_76 = arith.constant 0 : i32
        %dma_start3A_77 = tpu.memref_slice %arg8[%dma_start3A_75, %dma_start3A_76] : memref<64x128xi32, #tpu.memory_space<vmem>> -> memref<32x128xi32, #tpu.memory_space<vmem>>
        %dma_start3A_78 = arith.constant 0 : i32
        %dma_start3A_79 = tpu.memref_slice %arg3[%add3A_51, %dma_start3A_78] : memref<2560x128xi32, #tpu.memory_space<hbm>> -> memref<32x128xi32, #tpu.memory_space<hbm>>
        tpu.enqueue_dma source(%dma_start3A_79 : memref<32x128xi32, #tpu.memory_space<hbm>>) target(%dma_start3A_77 : memref<32x128xi32, #tpu.memory_space<vmem>>) target_semaphore(%run_scoped3A : memref<!tpu.dma_semaphore, #tpu.memory_space<semaphore_mem>>)
        %dma_wait3A = arith.constant 0 : i32
        %dma_wait3A_80 = arith.constant 0 : i32
        %dma_wait3A_81 = tpu.memref_slice %arg8[%dma_wait3A, %dma_wait3A_80] : memref<64x128xi32, #tpu.memory_space<vmem>> -> memref<32x128xi32, #tpu.memory_space<vmem>>
        %dma_wait3A_82 = arith.constant 0 : i32
        %dma_wait3A_83 = tpu.memref_slice %arg3[%add3A_51, %dma_wait3A_82] : memref<2560x128xi32, #tpu.memory_space<hbm>> -> memref<32x128xi32, #tpu.memory_space<hbm>>
        %dma_wait3A_84 = arith.constant 0 : i32
        %dma_wait3A_85 = arith.constant 0 : i32
        %dma_wait3A_86 = tpu.memref_slice %arg8[%dma_wait3A_84, %dma_wait3A_85] : memref<64x128xi32, #tpu.memory_space<vmem>> -> memref<32x128xi32, #tpu.memory_space<vmem>>
        %dma_wait3A_87 = arith.constant 0 : i32
        %dma_wait3A_88 = tpu.memref_slice %arg3[%add3A_51, %dma_wait3A_87] : memref<2560x128xi32, #tpu.memory_space<hbm>> -> memref<32x128xi32, #tpu.memory_space<hbm>>
        tpu.wait_dma2 semaphore(%run_scoped3A : memref<!tpu.dma_semaphore, #tpu.memory_space<semaphore_mem>>) src(%dma_wait3A_88 : memref<32x128xi32, #tpu.memory_space<hbm>>) dst(%dma_wait3A_86 : memref<32x128xi32, #tpu.memory_space<vmem>>)
        tpu.yield
      }) : () -> ()
      "tpu.region"() ({
        %run_scoped3A = tpu.sem_alloc : memref<!tpu.dma_semaphore, #tpu.memory_space<semaphore_mem>>
        %dma_start3A_70 = arith.constant 0 : i32
        %dma_start3A_71 = arith.constant 0 : i32
        %dma_start3A_72 = tpu.memref_slice %arg9[%dma_start3A_70, %dma_start3A_71] : memref<64x128xi32, #tpu.memory_space<vmem>> -> memref<32x128xi32, #tpu.memory_space<vmem>>
        %dma_start3A_73 = arith.constant 0 : i32
        %dma_start3A_74 = tpu.memref_slice %arg4[%add3A_51, %dma_start3A_73] : memref<2560x128xi32, #tpu.memory_space<hbm>> -> memref<32x128xi32, #tpu.memory_space<hbm>>
        %dma_start3A_75 = arith.constant 0 : i32
        %dma_start3A_76 = arith.constant 0 : i32
        %dma_start3A_77 = tpu.memref_slice %arg9[%dma_start3A_75, %dma_start3A_76] : memref<64x128xi32, #tpu.memory_space<vmem>> -> memref<32x128xi32, #tpu.memory_space<vmem>>
        %dma_start3A_78 = arith.constant 0 : i32
        %dma_start3A_79 = tpu.memref_slice %arg4[%add3A_51, %dma_start3A_78] : memref<2560x128xi32, #tpu.memory_space<hbm>> -> memref<32x128xi32, #tpu.memory_space<hbm>>
        tpu.enqueue_dma source(%dma_start3A_79 : memref<32x128xi32, #tpu.memory_space<hbm>>) target(%dma_start3A_77 : memref<32x128xi32, #tpu.memory_space<vmem>>) target_semaphore(%run_scoped3A : memref<!tpu.dma_semaphore, #tpu.memory_space<semaphore_mem>>)
        %dma_wait3A = arith.constant 0 : i32
        %dma_wait3A_80 = arith.constant 0 : i32
        %dma_wait3A_81 = tpu.memref_slice %arg9[%dma_wait3A, %dma_wait3A_80] : memref<64x128xi32, #tpu.memory_space<vmem>> -> memref<32x128xi32, #tpu.memory_space<vmem>>
        %dma_wait3A_82 = arith.constant 0 : i32
        %dma_wait3A_83 = tpu.memref_slice %arg4[%add3A_51, %dma_wait3A_82] : memref<2560x128xi32, #tpu.memory_space<hbm>> -> memref<32x128xi32, #tpu.memory_space<hbm>>
        %dma_wait3A_84 = arith.constant 0 : i32
        %dma_wait3A_85 = arith.constant 0 : i32
        %dma_wait3A_86 = tpu.memref_slice %arg9[%dma_wait3A_84, %dma_wait3A_85] : memref<64x128xi32, #tpu.memory_space<vmem>> -> memref<32x128xi32, #tpu.memory_space<vmem>>
        %dma_wait3A_87 = arith.constant 0 : i32
        %dma_wait3A_88 = tpu.memref_slice %arg4[%add3A_51, %dma_wait3A_87] : memref<2560x128xi32, #tpu.memory_space<hbm>> -> memref<32x128xi32, #tpu.memory_space<hbm>>
        tpu.wait_dma2 semaphore(%run_scoped3A : memref<!tpu.dma_semaphore, #tpu.memory_space<semaphore_mem>>) src(%dma_wait3A_88 : memref<32x128xi32, #tpu.memory_space<hbm>>) dst(%dma_wait3A_86 : memref<32x128xi32, #tpu.memory_space<vmem>>)
        tpu.yield
      }) : () -> ()
      %dma_start3A = arith.constant 0 : i32
      %dma_start3A_52 = arith.constant 0 : i32
      %dma_start3A_53 = tpu.memref_slice %arg8[%dma_start3A, %dma_start3A_52] : memref<64x128xi32, #tpu.memory_space<vmem>> -> memref<1x128xi32, #tpu.memory_space<vmem>>
      %dma_start3A_54 = tpu.memref_squeeze %dma_start3A_53 : memref<1x128xi32, #tpu.memory_space<vmem>> -> memref<128xi32, #tpu.memory_space<vmem>>
      %dma_start3A_55 = arith.constant 0 : i32
      %dma_start3A_56 = arith.constant 0 : i32
      %dma_start3A_57 = tpu.memref_slice %arg2[%dma_start3A_55, %dma_start3A_56] : memref<10000x128xf32, #tpu.memory_space<hbm>> -> memref<10000x128xf32, #tpu.memory_space<hbm>>
      tpu.enqueue_indirect_dma source(%dma_start3A_57 : memref<10000x128xf32, #tpu.memory_space<hbm>>) target(%arg10 : memref<128x128xf32, #tpu.memory_space<vmem>>) offsets(%dma_start3A_54 : memref<128xi32, #tpu.memory_space<vmem>>) semaphore(%arg12 : memref<!tpu.dma_semaphore, #tpu.memory_space<semaphore_mem>>)
      %dma_start3A_58 = arith.constant 1 : i32
      %dma_start3A_59 = arith.constant 0 : i32
      %dma_start3A_60 = tpu.memref_slice %arg8[%dma_start3A_58, %dma_start3A_59] : memref<64x128xi32, #tpu.memory_space<vmem>> -> memref<1x128xi32, #tpu.memory_space<vmem>>
      %dma_start3A_61 = tpu.memref_squeeze %dma_start3A_60 : memref<1x128xi32, #tpu.memory_space<vmem>> -> memref<128xi32, #tpu.memory_space<vmem>>
      %dma_start3A_62 = arith.constant 0 : i32
      %dma_start3A_63 = arith.constant 0 : i32
      %dma_start3A_64 = tpu.memref_slice %arg2[%dma_start3A_62, %dma_start3A_63] : memref<10000x128xf32, #tpu.memory_space<hbm>> -> memref<10000x128xf32, #tpu.memory_space<hbm>>
      tpu.enqueue_indirect_dma source(%dma_start3A_64 : memref<10000x128xf32, #tpu.memory_space<hbm>>) target(%arg11 : memref<128x128xf32, #tpu.memory_space<vmem>>) offsets(%dma_start3A_61 : memref<128xi32, #tpu.memory_space<vmem>>) semaphore(%arg13 : memref<!tpu.dma_semaphore, #tpu.memory_space<semaphore_mem>>)
      %scan3A = arith.constant 0 : i32
      %scan3A_65 = arith.constant 0 : i32
      %scan3A_66 = arith.constant 16 : i32
      %scan3A_67 = arith.addi %scan3A_65, %scan3A_66 : i32
      %scan3A_68 = arith.constant 1 : i32
      scf.for %scan3A_70 = %scan3A_65 to %scan3A_67 step %scan3A_68  : i32 {
        %mul3A_71 = arith.constant 2 : i32
        %mul3A_72 = arith.muli %mul3A_71, %scan3A_70 : i32
        %add3A_73 = arith.constant 1 : i32
        %add3A_74 = arith.addi %mul3A_72, %add3A_73 : i32
        %dma_wait3A = arith.constant 0 : i32
        %dma_wait3A_75 = tpu.memref_slice %arg8[%mul3A_72, %dma_wait3A] : memref<64x128xi32, #tpu.memory_space<vmem>> -> memref<1x128xi32, #tpu.memory_space<vmem>>
        %dma_wait3A_76 = tpu.memref_squeeze %dma_wait3A_75 : memref<1x128xi32, #tpu.memory_space<vmem>> -> memref<128xi32, #tpu.memory_space<vmem>>
        %dma_wait3A_77 = arith.constant 0 : i32
        %dma_wait3A_78 = arith.constant 0 : i32
        %dma_wait3A_79 = tpu.memref_slice %arg2[%dma_wait3A_77, %dma_wait3A_78] : memref<10000x128xf32, #tpu.memory_space<hbm>> -> memref<10000x128xf32, #tpu.memory_space<hbm>>
        tpu.wait_indirect_dma semaphore(%arg12 : memref<!tpu.dma_semaphore, #tpu.memory_space<semaphore_mem>>) src(%dma_wait3A_79 : memref<10000x128xf32, #tpu.memory_space<hbm>>) dst(%arg10 : memref<128x128xf32, #tpu.memory_space<vmem>>)
        %dma_start3A_80 = arith.constant 0 : i32
        %dma_start3A_81 = tpu.memref_slice %arg9[%mul3A_72, %dma_start3A_80] : memref<64x128xi32, #tpu.memory_space<vmem>> -> memref<1x128xi32, #tpu.memory_space<vmem>>
        %dma_start3A_82 = tpu.memref_squeeze %dma_start3A_81 : memref<1x128xi32, #tpu.memory_space<vmem>> -> memref<128xi32, #tpu.memory_space<vmem>>
        %dma_start3A_83 = arith.constant 0 : i32
        %dma_start3A_84 = arith.constant 0 : i32
        %dma_start3A_85 = tpu.memref_slice %arg7[%dma_start3A_83, %dma_start3A_84] : memref<10112x128xf32, #tpu.memory_space<vmem_shared>> -> memref<10112x128xf32, #tpu.memory_space<vmem_shared>>
        tpu.enqueue_indirect_dma source(%arg10 : memref<128x128xf32, #tpu.memory_space<vmem>>) target(%dma_start3A_85 : memref<10112x128xf32, #tpu.memory_space<vmem_shared>>) offsets(%dma_start3A_82 : memref<128xi32, #tpu.memory_space<vmem>>) semaphore(%arg14 : memref<!tpu.dma_semaphore, #tpu.memory_space<semaphore_mem>>) {add = true}
        %dma_wait3A_86 = arith.constant 0 : i32
        %dma_wait3A_87 = tpu.memref_slice %arg8[%add3A_74, %dma_wait3A_86] : memref<64x128xi32, #tpu.memory_space<vmem>> -> memref<1x128xi32, #tpu.memory_space<vmem>>
        %dma_wait3A_88 = tpu.memref_squeeze %dma_wait3A_87 : memref<1x128xi32, #tpu.memory_space<vmem>> -> memref<128xi32, #tpu.memory_space<vmem>>
        %dma_wait3A_89 = arith.constant 0 : i32
        %dma_wait3A_90 = arith.constant 0 : i32
        %dma_wait3A_91 = tpu.memref_slice %arg2[%dma_wait3A_89, %dma_wait3A_90] : memref<10000x128xf32, #tpu.memory_space<hbm>> -> memref<10000x128xf32, #tpu.memory_space<hbm>>
        tpu.wait_indirect_dma semaphore(%arg13 : memref<!tpu.dma_semaphore, #tpu.memory_space<semaphore_mem>>) src(%dma_wait3A_91 : memref<10000x128xf32, #tpu.memory_space<hbm>>) dst(%arg11 : memref<128x128xf32, #tpu.memory_space<vmem>>)
        %dma_start3A_92 = arith.constant 0 : i32
        %dma_start3A_93 = tpu.memref_slice %arg9[%add3A_74, %dma_start3A_92] : memref<64x128xi32, #tpu.memory_space<vmem>> -> memref<1x128xi32, #tpu.memory_space<vmem>>
        %dma_start3A_94 = tpu.memref_squeeze %dma_start3A_93 : memref<1x128xi32, #tpu.memory_space<vmem>> -> memref<128xi32, #tpu.memory_space<vmem>>
        %dma_start3A_95 = arith.constant 0 : i32
        %dma_start3A_96 = arith.constant 0 : i32
        %dma_start3A_97 = tpu.memref_slice %arg7[%dma_start3A_95, %dma_start3A_96] : memref<10112x128xf32, #tpu.memory_space<vmem_shared>> -> memref<10112x128xf32, #tpu.memory_space<vmem_shared>>
        tpu.enqueue_indirect_dma source(%arg11 : memref<128x128xf32, #tpu.memory_space<vmem>>) target(%dma_start3A_97 : memref<10112x128xf32, #tpu.memory_space<vmem_shared>>) offsets(%dma_start3A_94 : memref<128xi32, #tpu.memory_space<vmem>>) semaphore(%arg15 : memref<!tpu.dma_semaphore, #tpu.memory_space<semaphore_mem>>) {add = true}
        %dma_wait3A_98 = arith.constant 0 : i32
        %dma_wait3A_99 = tpu.memref_slice %arg9[%mul3A_72, %dma_wait3A_98] : memref<64x128xi32, #tpu.memory_space<vmem>> -> memref<1x128xi32, #tpu.memory_space<vmem>>
        %dma_wait3A_100 = tpu.memref_squeeze %dma_wait3A_99 : memref<1x128xi32, #tpu.memory_space<vmem>> -> memref<128xi32, #tpu.memory_space<vmem>>
        %dma_wait3A_101 = arith.constant 0 : i32
        %dma_wait3A_102 = arith.constant 0 : i32
        %dma_wait3A_103 = tpu.memref_slice %arg7[%dma_wait3A_101, %dma_wait3A_102] : memref<10112x128xf32, #tpu.memory_space<vmem_shared>> -> memref<10112x128xf32, #tpu.memory_space<vmem_shared>>
        tpu.wait_indirect_dma semaphore(%arg14 : memref<!tpu.dma_semaphore, #tpu.memory_space<semaphore_mem>>) src(%arg10 : memref<128x128xf32, #tpu.memory_space<vmem>>) dst(%dma_wait3A_103 : memref<10112x128xf32, #tpu.memory_space<vmem_shared>>)
        %add3A_104 = arith.constant 2 : i32
        %add3A_105 = arith.addi %mul3A_72, %add3A_104 : i32
        %lt3A = arith.constant 32 : i32
        %lt3A_106 = arith.cmpi slt, %add3A_105, %lt3A : i32
        %convert_element_type3A_107 = arith.extui %lt3A_106 : i1 to i32
        %cond3A_108 = arith.constant 0 : i32
        %cond3A_109 = arith.cmpi ne, %convert_element_type3A_107, %cond3A_108 : i32
        scf.if %cond3A_109 {
          %add3A_123 = arith.constant 2 : i32
          %add3A_124 = arith.addi %mul3A_72, %add3A_123 : i32
          %dma_start3A_125 = arith.constant 0 : i32
          %dma_start3A_126 = tpu.memref_slice %arg8[%add3A_124, %dma_start3A_125] : memref<64x128xi32, #tpu.memory_space<vmem>> -> memref<1x128xi32, #tpu.memory_space<vmem>>
          %dma_start3A_127 = tpu.memref_squeeze %dma_start3A_126 : memref<1x128xi32, #tpu.memory_space<vmem>> -> memref<128xi32, #tpu.memory_space<vmem>>
          %dma_start3A_128 = arith.constant 0 : i32
          %dma_start3A_129 = arith.constant 0 : i32
          %dma_start3A_130 = tpu.memref_slice %arg2[%dma_start3A_128, %dma_start3A_129] : memref<10000x128xf32, #tpu.memory_space<hbm>> -> memref<10000x128xf32, #tpu.memory_space<hbm>>
          tpu.enqueue_indirect_dma source(%dma_start3A_130 : memref<10000x128xf32, #tpu.memory_space<hbm>>) target(%arg10 : memref<128x128xf32, #tpu.memory_space<vmem>>) offsets(%dma_start3A_127 : memref<128xi32, #tpu.memory_space<vmem>>) semaphore(%arg12 : memref<!tpu.dma_semaphore, #tpu.memory_space<semaphore_mem>>)
        } else {
        }
        %dma_wait3A_110 = arith.constant 0 : i32
        %dma_wait3A_111 = tpu.memref_slice %arg9[%add3A_74, %dma_wait3A_110] : memref<64x128xi32, #tpu.memory_space<vmem>> -> memref<1x128xi32, #tpu.memory_space<vmem>>
        %dma_wait3A_112 = tpu.memref_squeeze %dma_wait3A_111 : memref<1x128xi32, #tpu.memory_space<vmem>> -> memref<128xi32, #tpu.memory_space<vmem>>
        %dma_wait3A_113 = arith.constant 0 : i32
        %dma_wait3A_114 = arith.constant 0 : i32
        %dma_wait3A_115 = tpu.memref_slice %arg7[%dma_wait3A_113, %dma_wait3A_114] : memref<10112x128xf32, #tpu.memory_space<vmem_shared>> -> memref<10112x128xf32, #tpu.memory_space<vmem_shared>>
        tpu.wait_indirect_dma semaphore(%arg15 : memref<!tpu.dma_semaphore, #tpu.memory_space<semaphore_mem>>) src(%arg11 : memref<128x128xf32, #tpu.memory_space<vmem>>) dst(%dma_wait3A_115 : memref<10112x128xf32, #tpu.memory_space<vmem_shared>>)
        %add3A_116 = arith.constant 2 : i32
        %add3A_117 = arith.addi %add3A_74, %add3A_116 : i32
        %lt3A_118 = arith.constant 32 : i32
        %lt3A_119 = arith.cmpi slt, %add3A_117, %lt3A_118 : i32
        %convert_element_type3A_120 = arith.extui %lt3A_119 : i1 to i32
        %cond3A_121 = arith.constant 0 : i32
        %cond3A_122 = arith.cmpi ne, %convert_element_type3A_120, %cond3A_121 : i32
        scf.if %cond3A_122 {
          %add3A_123 = arith.constant 2 : i32
          %add3A_124 = arith.addi %add3A_74, %add3A_123 : i32
          %dma_start3A_125 = arith.constant 0 : i32
          %dma_start3A_126 = tpu.memref_slice %arg8[%add3A_124, %dma_start3A_125] : memref<64x128xi32, #tpu.memory_space<vmem>> -> memref<1x128xi32, #tpu.memory_space<vmem>>
          %dma_start3A_127 = tpu.memref_squeeze %dma_start3A_126 : memref<1x128xi32, #tpu.memory_space<vmem>> -> memref<128xi32, #tpu.memory_space<vmem>>
          %dma_start3A_128 = arith.constant 0 : i32
          %dma_start3A_129 = arith.constant 0 : i32
          %dma_start3A_130 = tpu.memref_slice %arg2[%dma_start3A_128, %dma_start3A_129] : memref<10000x128xf32, #tpu.memory_space<hbm>> -> memref<10000x128xf32, #tpu.memory_space<hbm>>
          tpu.enqueue_indirect_dma source(%dma_start3A_130 : memref<10000x128xf32, #tpu.memory_space<hbm>>) target(%arg11 : memref<128x128xf32, #tpu.memory_space<vmem>>) offsets(%dma_start3A_127 : memref<128xi32, #tpu.memory_space<vmem>>) semaphore(%arg13 : memref<!tpu.dma_semaphore, #tpu.memory_space<semaphore_mem>>)
        } else {
        }
      }
      %scan3A_69 = arith.constant 16 : i32
    } else {
    }
    %barrier3A_25 = arith.constant 0 : index
    tpu.barrier barrier_id(%barrier3A_25)
    %mul3A_26 = arith.constant 632 : i32
    %mul3A_27 = arith.muli %arg1, %mul3A_26 : i32
    %add3A_28 = arith.constant 0 : i32
    %add3A_29 = arith.addi %mul3A_27, %add3A_28 : i32
    "tpu.region"() ({
      %run_scoped3A = tpu.sem_alloc : memref<!tpu.dma_semaphore, #tpu.memory_space<semaphore_mem>>
      %dma_start3A = arith.constant 0 : i32
      %dma_start3A_46 = arith.constant 0 : i32
      %dma_start3A_47 = tpu.memref_slice %arg10[%dma_start3A, %dma_start3A_46] : memref<128x128xf32, #tpu.memory_space<vmem>> -> memref<128x128xf32, #tpu.memory_space<vmem>>
      %dma_start3A_48 = arith.constant 0 : i32
      %dma_start3A_49 = tpu.memref_slice %arg7[%add3A_29, %dma_start3A_48] : memref<10112x128xf32, #tpu.memory_space<vmem_shared>> -> memref<128x128xf32, #tpu.memory_space<vmem_shared>>
      %dma_start3A_50 = arith.constant 0 : i32
      %dma_start3A_51 = arith.constant 0 : i32
      %dma_start3A_52 = tpu.memref_slice %arg10[%dma_start3A_50, %dma_start3A_51] : memref<128x128xf32, #tpu.memory_space<vmem>> -> memref<128x128xf32, #tpu.memory_space<vmem>>
      %dma_start3A_53 = arith.constant 0 : i32
      %dma_start3A_54 = tpu.memref_slice %arg7[%add3A_29, %dma_start3A_53] : memref<10112x128xf32, #tpu.memory_space<vmem_shared>> -> memref<128x128xf32, #tpu.memory_space<vmem_shared>>
      tpu.enqueue_dma source(%dma_start3A_54 : memref<128x128xf32, #tpu.memory_space<vmem_shared>>) target(%dma_start3A_52 : memref<128x128xf32, #tpu.memory_space<vmem>>) target_semaphore(%run_scoped3A : memref<!tpu.dma_semaphore, #tpu.memory_space<semaphore_mem>>)
      %dma_wait3A = arith.constant 0 : i32
      %dma_wait3A_55 = arith.constant 0 : i32
      %dma_wait3A_56 = tpu.memref_slice %arg10[%dma_wait3A, %dma_wait3A_55] : memref<128x128xf32, #tpu.memory_space<vmem>> -> memref<128x128xf32, #tpu.memory_space<vmem>>
      %dma_wait3A_57 = arith.constant 0 : i32
      %dma_wait3A_58 = tpu.memref_slice %arg7[%add3A_29, %dma_wait3A_57] : memref<10112x128xf32, #tpu.memory_space<vmem_shared>> -> memref<128x128xf32, #tpu.memory_space<vmem_shared>>
      %dma_wait3A_59 = arith.constant 0 : i32
      %dma_wait3A_60 = arith.constant 0 : i32
      %dma_wait3A_61 = tpu.memref_slice %arg10[%dma_wait3A_59, %dma_wait3A_60] : memref<128x128xf32, #tpu.memory_space<vmem>> -> memref<128x128xf32, #tpu.memory_space<vmem>>
      %dma_wait3A_62 = arith.constant 0 : i32
      %dma_wait3A_63 = tpu.memref_slice %arg7[%add3A_29, %dma_wait3A_62] : memref<10112x128xf32, #tpu.memory_space<vmem_shared>> -> memref<128x128xf32, #tpu.memory_space<vmem_shared>>
      tpu.wait_dma2 semaphore(%run_scoped3A : memref<!tpu.dma_semaphore, #tpu.memory_space<semaphore_mem>>) src(%dma_wait3A_63 : memref<128x128xf32, #tpu.memory_space<vmem_shared>>) dst(%dma_wait3A_61 : memref<128x128xf32, #tpu.memory_space<vmem>>)
      tpu.yield
    }) : () -> ()
    "tpu.region"() ({
      %run_scoped3A = tpu.sem_alloc : memref<!tpu.dma_semaphore, #tpu.memory_space<semaphore_mem>>
      %dma_start3A = arith.constant 0 : i32
      %dma_start3A_46 = arith.constant 0 : i32
      %dma_start3A_47 = tpu.memref_slice %arg10[%dma_start3A, %dma_start3A_46] : memref<128x128xf32, #tpu.memory_space<vmem>> -> memref<128x128xf32, #tpu.memory_space<vmem>>
      %dma_start3A_48 = arith.constant 0 : i32
      %dma_start3A_49 = tpu.memref_slice %arg6[%arg0, %add3A_29, %dma_start3A_48] : memref<2x10112x128xf32, #tpu.memory_space<hbm>> -> memref<1x128x128xf32, #tpu.memory_space<hbm>>
      %dma_start3A_50 = tpu.memref_squeeze %dma_start3A_49 : memref<1x128x128xf32, #tpu.memory_space<hbm>> -> memref<128x128xf32, #tpu.memory_space<hbm>>
      %dma_start3A_51 = arith.constant 0 : i32
      %dma_start3A_52 = tpu.memref_slice %arg6[%arg0, %add3A_29, %dma_start3A_51] : memref<2x10112x128xf32, #tpu.memory_space<hbm>> -> memref<1x128x128xf32, #tpu.memory_space<hbm>>
      %dma_start3A_53 = tpu.memref_squeeze %dma_start3A_52 : memref<1x128x128xf32, #tpu.memory_space<hbm>> -> memref<128x128xf32, #tpu.memory_space<hbm>>
      %dma_start3A_54 = arith.constant 0 : i32
      %dma_start3A_55 = arith.constant 0 : i32
      %dma_start3A_56 = tpu.memref_slice %arg10[%dma_start3A_54, %dma_start3A_55] : memref<128x128xf32, #tpu.memory_space<vmem>> -> memref<128x128xf32, #tpu.memory_space<vmem>>
      tpu.enqueue_dma source(%dma_start3A_56 : memref<128x128xf32, #tpu.memory_space<vmem>>) target(%dma_start3A_53 : memref<128x128xf32, #tpu.memory_space<hbm>>) target_semaphore(%run_scoped3A : memref<!tpu.dma_semaphore, #tpu.memory_space<semaphore_mem>>)
      %dma_wait3A = arith.constant 0 : i32
      %dma_wait3A_57 = arith.constant 0 : i32
      %dma_wait3A_58 = tpu.memref_slice %arg10[%dma_wait3A, %dma_wait3A_57] : memref<128x128xf32, #tpu.memory_space<vmem>> -> memref<128x128xf32, #tpu.memory_space<vmem>>
      %dma_wait3A_59 = arith.constant 0 : i32
      %dma_wait3A_60 = tpu.memref_slice %arg6[%arg0, %add3A_29, %dma_wait3A_59] : memref<2x10112x128xf32, #tpu.memory_space<hbm>> -> memref<1x128x128xf32, #tpu.memory_space<hbm>>
      %dma_wait3A_61 = tpu.memref_squeeze %dma_wait3A_60 : memref<1x128x128xf32, #tpu.memory_space<hbm>> -> memref<128x128xf32, #tpu.memory_space<hbm>>
      %dma_wait3A_62 = arith.constant 0 : i32
      %dma_wait3A_63 = tpu.memref_slice %arg6[%arg0, %add3A_29, %dma_wait3A_62] : memref<2x10112x128xf32, #tpu.memory_space<hbm>> -> memref<1x128x128xf32, #tpu.memory_space<hbm>>
      %dma_wait3A_64 = tpu.memref_squeeze %dma_wait3A_63 : memref<1x128x128xf32, #tpu.memory_space<hbm>> -> memref<128x128xf32, #tpu.memory_space<hbm>>
      %dma_wait3A_65 = arith.constant 0 : i32
      %dma_wait3A_66 = arith.constant 0 : i32
      %dma_wait3A_67 = tpu.memref_slice %arg10[%dma_wait3A_65, %dma_wait3A_66] : memref<128x128xf32, #tpu.memory_space<vmem>> -> memref<128x128xf32, #tpu.memory_space<vmem>>
      tpu.wait_dma2 semaphore(%run_scoped3A : memref<!tpu.dma_semaphore, #tpu.memory_space<semaphore_mem>>) src(%dma_wait3A_67 : memref<128x128xf32, #tpu.memory_space<vmem>>) dst(%dma_wait3A_64 : memref<128x128xf32, #tpu.memory_space<hbm>>)
      tpu.yield
    }) : () -> ()
    %mul3A_30 = arith.constant 632 : i32
    %mul3A_31 = arith.muli %arg1, %mul3A_30 : i32
    %add3A_32 = arith.constant 128 : i32
    %add3A_33 = arith.addi %mul3A_31, %add3A_32 : i32
    "tpu.region"() ({
      %run_scoped3A = tpu.sem_alloc : memref<!tpu.dma_semaphore, #tpu.memory_space<semaphore_mem>>
      %dma_start3A = arith.constant 0 : i32
      %dma_start3A_46 = arith.constant 0 : i32
      %dma_start3A_47 = tpu.memref_slice %arg10[%dma_start3A, %dma_start3A_46] : memref<128x128xf32, #tpu.memory_space<vmem>> -> memref<128x128xf32, #tpu.memory_space<vmem>>
      %dma_start3A_48 = arith.constant 0 : i32
      %dma_start3A_49 = tpu.memref_slice %arg7[%add3A_33, %dma_start3A_48] : memref<10112x128xf32, #tpu.memory_space<vmem_shared>> -> memref<128x128xf32, #tpu.memory_space<vmem_shared>>
      %dma_start3A_50 = arith.constant 0 : i32
      %dma_start3A_51 = arith.constant 0 : i32
      %dma_start3A_52 = tpu.memref_slice %arg10[%dma_start3A_50, %dma_start3A_51] : memref<128x128xf32, #tpu.memory_space<vmem>> -> memref<128x128xf32, #tpu.memory_space<vmem>>
      %dma_start3A_53 = arith.constant 0 : i32
      %dma_start3A_54 = tpu.memref_slice %arg7[%add3A_33, %dma_start3A_53] : memref<10112x128xf32, #tpu.memory_space<vmem_shared>> -> memref<128x128xf32, #tpu.memory_space<vmem_shared>>
      tpu.enqueue_dma source(%dma_start3A_54 : memref<128x128xf32, #tpu.memory_space<vmem_shared>>) target(%dma_start3A_52 : memref<128x128xf32, #tpu.memory_space<vmem>>) target_semaphore(%run_scoped3A : memref<!tpu.dma_semaphore, #tpu.memory_space<semaphore_mem>>)
      %dma_wait3A = arith.constant 0 : i32
      %dma_wait3A_55 = arith.constant 0 : i32
      %dma_wait3A_56 = tpu.memref_slice %arg10[%dma_wait3A, %dma_wait3A_55] : memref<128x128xf32, #tpu.memory_space<vmem>> -> memref<128x128xf32, #tpu.memory_space<vmem>>
      %dma_wait3A_57 = arith.constant 0 : i32
      %dma_wait3A_58 = tpu.memref_slice %arg7[%add3A_33, %dma_wait3A_57] : memref<10112x128xf32, #tpu.memory_space<vmem_shared>> -> memref<128x128xf32, #tpu.memory_space<vmem_shared>>
      %dma_wait3A_59 = arith.constant 0 : i32
      %dma_wait3A_60 = arith.constant 0 : i32
      %dma_wait3A_61 = tpu.memref_slice %arg10[%dma_wait3A_59, %dma_wait3A_60] : memref<128x128xf32, #tpu.memory_space<vmem>> -> memref<128x128xf32, #tpu.memory_space<vmem>>
      %dma_wait3A_62 = arith.constant 0 : i32
      %dma_wait3A_63 = tpu.memref_slice %arg7[%add3A_33, %dma_wait3A_62] : memref<10112x128xf32, #tpu.memory_space<vmem_shared>> -> memref<128x128xf32, #tpu.memory_space<vmem_shared>>
      tpu.wait_dma2 semaphore(%run_scoped3A : memref<!tpu.dma_semaphore, #tpu.memory_space<semaphore_mem>>) src(%dma_wait3A_63 : memref<128x128xf32, #tpu.memory_space<vmem_shared>>) dst(%dma_wait3A_61 : memref<128x128xf32, #tpu.memory_space<vmem>>)
      tpu.yield
    }) : () -> ()
    "tpu.region"() ({
      %run_scoped3A = tpu.sem_alloc : memref<!tpu.dma_semaphore, #tpu.memory_space<semaphore_mem>>
      %dma_start3A = arith.constant 0 : i32
      %dma_start3A_46 = arith.constant 0 : i32
      %dma_start3A_47 = tpu.memref_slice %arg10[%dma_start3A, %dma_start3A_46] : memref<128x128xf32, #tpu.memory_space<vmem>> -> memref<128x128xf32, #tpu.memory_space<vmem>>
      %dma_start3A_48 = arith.constant 0 : i32
      %dma_start3A_49 = tpu.memref_slice %arg6[%arg0, %add3A_33, %dma_start3A_48] : memref<2x10112x128xf32, #tpu.memory_space<hbm>> -> memref<1x128x128xf32, #tpu.memory_space<hbm>>
      %dma_start3A_50 = tpu.memref_squeeze %dma_start3A_49 : memref<1x128x128xf32, #tpu.memory_space<hbm>> -> memref<128x128xf32, #tpu.memory_space<hbm>>
      %dma_start3A_51 = arith.constant 0 : i32
      %dma_start3A_52 = tpu.memref_slice %arg6[%arg0, %add3A_33, %dma_start3A_51] : memref<2x10112x128xf32, #tpu.memory_space<hbm>> -> memref<1x128x128xf32, #tpu.memory_space<hbm>>
      %dma_start3A_53 = tpu.memref_squeeze %dma_start3A_52 : memref<1x128x128xf32, #tpu.memory_space<hbm>> -> memref<128x128xf32, #tpu.memory_space<hbm>>
      %dma_start3A_54 = arith.constant 0 : i32
      %dma_start3A_55 = arith.constant 0 : i32
      %dma_start3A_56 = tpu.memref_slice %arg10[%dma_start3A_54, %dma_start3A_55] : memref<128x128xf32, #tpu.memory_space<vmem>> -> memref<128x128xf32, #tpu.memory_space<vmem>>
      tpu.enqueue_dma source(%dma_start3A_56 : memref<128x128xf32, #tpu.memory_space<vmem>>) target(%dma_start3A_53 : memref<128x128xf32, #tpu.memory_space<hbm>>) target_semaphore(%run_scoped3A : memref<!tpu.dma_semaphore, #tpu.memory_space<semaphore_mem>>)
      %dma_wait3A = arith.constant 0 : i32
      %dma_wait3A_57 = arith.constant 0 : i32
      %dma_wait3A_58 = tpu.memref_slice %arg10[%dma_wait3A, %dma_wait3A_57] : memref<128x128xf32, #tpu.memory_space<vmem>> -> memref<128x128xf32, #tpu.memory_space<vmem>>
      %dma_wait3A_59 = arith.constant 0 : i32
      %dma_wait3A_60 = tpu.memref_slice %arg6[%arg0, %add3A_33, %dma_wait3A_59] : memref<2x10112x128xf32, #tpu.memory_space<hbm>> -> memref<1x128x128xf32, #tpu.memory_space<hbm>>
      %dma_wait3A_61 = tpu.memref_squeeze %dma_wait3A_60 : memref<1x128x128xf32, #tpu.memory_space<hbm>> -> memref<128x128xf32, #tpu.memory_space<hbm>>
      %dma_wait3A_62 = arith.constant 0 : i32
      %dma_wait3A_63 = tpu.memref_slice %arg6[%arg0, %add3A_33, %dma_wait3A_62] : memref<2x10112x128xf32, #tpu.memory_space<hbm>> -> memref<1x128x128xf32, #tpu.memory_space<hbm>>
      %dma_wait3A_64 = tpu.memref_squeeze %dma_wait3A_63 : memref<1x128x128xf32, #tpu.memory_space<hbm>> -> memref<128x128xf32, #tpu.memory_space<hbm>>
      %dma_wait3A_65 = arith.constant 0 : i32
      %dma_wait3A_66 = arith.constant 0 : i32
      %dma_wait3A_67 = tpu.memref_slice %arg10[%dma_wait3A_65, %dma_wait3A_66] : memref<128x128xf32, #tpu.memory_space<vmem>> -> memref<128x128xf32, #tpu.memory_space<vmem>>
      tpu.wait_dma2 semaphore(%run_scoped3A : memref<!tpu.dma_semaphore, #tpu.memory_space<semaphore_mem>>) src(%dma_wait3A_67 : memref<128x128xf32, #tpu.memory_space<vmem>>) dst(%dma_wait3A_64 : memref<128x128xf32, #tpu.memory_space<hbm>>)
      tpu.yield
    }) : () -> ()
    %mul3A_34 = arith.constant 632 : i32
    %mul3A_35 = arith.muli %arg1, %mul3A_34 : i32
    %add3A_36 = arith.constant 256 : i32
    %add3A_37 = arith.addi %mul3A_35, %add3A_36 : i32
    "tpu.region"() ({
      %run_scoped3A = tpu.sem_alloc : memref<!tpu.dma_semaphore, #tpu.memory_space<semaphore_mem>>
      %dma_start3A = arith.constant 0 : i32
      %dma_start3A_46 = arith.constant 0 : i32
      %dma_start3A_47 = tpu.memref_slice %arg10[%dma_start3A, %dma_start3A_46] : memref<128x128xf32, #tpu.memory_space<vmem>> -> memref<128x128xf32, #tpu.memory_space<vmem>>
      %dma_start3A_48 = arith.constant 0 : i32
      %dma_start3A_49 = tpu.memref_slice %arg7[%add3A_37, %dma_start3A_48] : memref<10112x128xf32, #tpu.memory_space<vmem_shared>> -> memref<128x128xf32, #tpu.memory_space<vmem_shared>>
      %dma_start3A_50 = arith.constant 0 : i32
      %dma_start3A_51 = arith.constant 0 : i32
      %dma_start3A_52 = tpu.memref_slice %arg10[%dma_start3A_50, %dma_start3A_51] : memref<128x128xf32, #tpu.memory_space<vmem>> -> memref<128x128xf32, #tpu.memory_space<vmem>>
      %dma_start3A_53 = arith.constant 0 : i32
      %dma_start3A_54 = tpu.memref_slice %arg7[%add3A_37, %dma_start3A_53] : memref<10112x128xf32, #tpu.memory_space<vmem_shared>> -> memref<128x128xf32, #tpu.memory_space<vmem_shared>>
      tpu.enqueue_dma source(%dma_start3A_54 : memref<128x128xf32, #tpu.memory_space<vmem_shared>>) target(%dma_start3A_52 : memref<128x128xf32, #tpu.memory_space<vmem>>) target_semaphore(%run_scoped3A : memref<!tpu.dma_semaphore, #tpu.memory_space<semaphore_mem>>)
      %dma_wait3A = arith.constant 0 : i32
      %dma_wait3A_55 = arith.constant 0 : i32
      %dma_wait3A_56 = tpu.memref_slice %arg10[%dma_wait3A, %dma_wait3A_55] : memref<128x128xf32, #tpu.memory_space<vmem>> -> memref<128x128xf32, #tpu.memory_space<vmem>>
      %dma_wait3A_57 = arith.constant 0 : i32
      %dma_wait3A_58 = tpu.memref_slice %arg7[%add3A_37, %dma_wait3A_57] : memref<10112x128xf32, #tpu.memory_space<vmem_shared>> -> memref<128x128xf32, #tpu.memory_space<vmem_shared>>
      %dma_wait3A_59 = arith.constant 0 : i32
      %dma_wait3A_60 = arith.constant 0 : i32
      %dma_wait3A_61 = tpu.memref_slice %arg10[%dma_wait3A_59, %dma_wait3A_60] : memref<128x128xf32, #tpu.memory_space<vmem>> -> memref<128x128xf32, #tpu.memory_space<vmem>>
      %dma_wait3A_62 = arith.constant 0 : i32
      %dma_wait3A_63 = tpu.memref_slice %arg7[%add3A_37, %dma_wait3A_62] : memref<10112x128xf32, #tpu.memory_space<vmem_shared>> -> memref<128x128xf32, #tpu.memory_space<vmem_shared>>
      tpu.wait_dma2 semaphore(%run_scoped3A : memref<!tpu.dma_semaphore, #tpu.memory_space<semaphore_mem>>) src(%dma_wait3A_63 : memref<128x128xf32, #tpu.memory_space<vmem_shared>>) dst(%dma_wait3A_61 : memref<128x128xf32, #tpu.memory_space<vmem>>)
      tpu.yield
    }) : () -> ()
    "tpu.region"() ({
      %run_scoped3A = tpu.sem_alloc : memref<!tpu.dma_semaphore, #tpu.memory_space<semaphore_mem>>
      %dma_start3A = arith.constant 0 : i32
      %dma_start3A_46 = arith.constant 0 : i32
      %dma_start3A_47 = tpu.memref_slice %arg10[%dma_start3A, %dma_start3A_46] : memref<128x128xf32, #tpu.memory_space<vmem>> -> memref<128x128xf32, #tpu.memory_space<vmem>>
      %dma_start3A_48 = arith.constant 0 : i32
      %dma_start3A_49 = tpu.memref_slice %arg6[%arg0, %add3A_37, %dma_start3A_48] : memref<2x10112x128xf32, #tpu.memory_space<hbm>> -> memref<1x128x128xf32, #tpu.memory_space<hbm>>
      %dma_start3A_50 = tpu.memref_squeeze %dma_start3A_49 : memref<1x128x128xf32, #tpu.memory_space<hbm>> -> memref<128x128xf32, #tpu.memory_space<hbm>>
      %dma_start3A_51 = arith.constant 0 : i32
      %dma_start3A_52 = tpu.memref_slice %arg6[%arg0, %add3A_37, %dma_start3A_51] : memref<2x10112x128xf32, #tpu.memory_space<hbm>> -> memref<1x128x128xf32, #tpu.memory_space<hbm>>
      %dma_start3A_53 = tpu.memref_squeeze %dma_start3A_52 : memref<1x128x128xf32, #tpu.memory_space<hbm>> -> memref<128x128xf32, #tpu.memory_space<hbm>>
      %dma_start3A_54 = arith.constant 0 : i32
      %dma_start3A_55 = arith.constant 0 : i32
      %dma_start3A_56 = tpu.memref_slice %arg10[%dma_start3A_54, %dma_start3A_55] : memref<128x128xf32, #tpu.memory_space<vmem>> -> memref<128x128xf32, #tpu.memory_space<vmem>>
      tpu.enqueue_dma source(%dma_start3A_56 : memref<128x128xf32, #tpu.memory_space<vmem>>) target(%dma_start3A_53 : memref<128x128xf32, #tpu.memory_space<hbm>>) target_semaphore(%run_scoped3A : memref<!tpu.dma_semaphore, #tpu.memory_space<semaphore_mem>>)
      %dma_wait3A = arith.constant 0 : i32
      %dma_wait3A_57 = arith.constant 0 : i32
      %dma_wait3A_58 = tpu.memref_slice %arg10[%dma_wait3A, %dma_wait3A_57] : memref<128x128xf32, #tpu.memory_space<vmem>> -> memref<128x128xf32, #tpu.memory_space<vmem>>
      %dma_wait3A_59 = arith.constant 0 : i32
      %dma_wait3A_60 = tpu.memref_slice %arg6[%arg0, %add3A_37, %dma_wait3A_59] : memref<2x10112x128xf32, #tpu.memory_space<hbm>> -> memref<1x128x128xf32, #tpu.memory_space<hbm>>
      %dma_wait3A_61 = tpu.memref_squeeze %dma_wait3A_60 : memref<1x128x128xf32, #tpu.memory_space<hbm>> -> memref<128x128xf32, #tpu.memory_space<hbm>>
      %dma_wait3A_62 = arith.constant 0 : i32
      %dma_wait3A_63 = tpu.memref_slice %arg6[%arg0, %add3A_37, %dma_wait3A_62] : memref<2x10112x128xf32, #tpu.memory_space<hbm>> -> memref<1x128x128xf32, #tpu.memory_space<hbm>>
      %dma_wait3A_64 = tpu.memref_squeeze %dma_wait3A_63 : memref<1x128x128xf32, #tpu.memory_space<hbm>> -> memref<128x128xf32, #tpu.memory_space<hbm>>
      %dma_wait3A_65 = arith.constant 0 : i32
      %dma_wait3A_66 = arith.constant 0 : i32
      %dma_wait3A_67 = tpu.memref_slice %arg10[%dma_wait3A_65, %dma_wait3A_66] : memref<128x128xf32, #tpu.memory_space<vmem>> -> memref<128x128xf32, #tpu.memory_space<vmem>>
      tpu.wait_dma2 semaphore(%run_scoped3A : memref<!tpu.dma_semaphore, #tpu.memory_space<semaphore_mem>>) src(%dma_wait3A_67 : memref<128x128xf32, #tpu.memory_space<vmem>>) dst(%dma_wait3A_64 : memref<128x128xf32, #tpu.memory_space<hbm>>)
      tpu.yield
    }) : () -> ()
    %mul3A_38 = arith.constant 632 : i32
    %mul3A_39 = arith.muli %arg1, %mul3A_38 : i32
    %add3A_40 = arith.constant 384 : i32
    %add3A_41 = arith.addi %mul3A_39, %add3A_40 : i32
    "tpu.region"() ({
      %run_scoped3A = tpu.sem_alloc : memref<!tpu.dma_semaphore, #tpu.memory_space<semaphore_mem>>
      %dma_start3A = arith.constant 0 : i32
      %dma_start3A_46 = arith.constant 0 : i32
      %dma_start3A_47 = tpu.memref_slice %arg10[%dma_start3A, %dma_start3A_46] : memref<128x128xf32, #tpu.memory_space<vmem>> -> memref<128x128xf32, #tpu.memory_space<vmem>>
      %dma_start3A_48 = arith.constant 0 : i32
      %dma_start3A_49 = tpu.memref_slice %arg7[%add3A_41, %dma_start3A_48] : memref<10112x128xf32, #tpu.memory_space<vmem_shared>> -> memref<128x128xf32, #tpu.memory_space<vmem_shared>>
      %dma_start3A_50 = arith.constant 0 : i32
      %dma_start3A_51 = arith.constant 0 : i32
      %dma_start3A_52 = tpu.memref_slice %arg10[%dma_start3A_50, %dma_start3A_51] : memref<128x128xf32, #tpu.memory_space<vmem>> -> memref<128x128xf32, #tpu.memory_space<vmem>>
      %dma_start3A_53 = arith.constant 0 : i32
      %dma_start3A_54 = tpu.memref_slice %arg7[%add3A_41, %dma_start3A_53] : memref<10112x128xf32, #tpu.memory_space<vmem_shared>> -> memref<128x128xf32, #tpu.memory_space<vmem_shared>>
      tpu.enqueue_dma source(%dma_start3A_54 : memref<128x128xf32, #tpu.memory_space<vmem_shared>>) target(%dma_start3A_52 : memref<128x128xf32, #tpu.memory_space<vmem>>) target_semaphore(%run_scoped3A : memref<!tpu.dma_semaphore, #tpu.memory_space<semaphore_mem>>)
      %dma_wait3A = arith.constant 0 : i32
      %dma_wait3A_55 = arith.constant 0 : i32
      %dma_wait3A_56 = tpu.memref_slice %arg10[%dma_wait3A, %dma_wait3A_55] : memref<128x128xf32, #tpu.memory_space<vmem>> -> memref<128x128xf32, #tpu.memory_space<vmem>>
      %dma_wait3A_57 = arith.constant 0 : i32
      %dma_wait3A_58 = tpu.memref_slice %arg7[%add3A_41, %dma_wait3A_57] : memref<10112x128xf32, #tpu.memory_space<vmem_shared>> -> memref<128x128xf32, #tpu.memory_space<vmem_shared>>
      %dma_wait3A_59 = arith.constant 0 : i32
      %dma_wait3A_60 = arith.constant 0 : i32
      %dma_wait3A_61 = tpu.memref_slice %arg10[%dma_wait3A_59, %dma_wait3A_60] : memref<128x128xf32, #tpu.memory_space<vmem>> -> memref<128x128xf32, #tpu.memory_space<vmem>>
      %dma_wait3A_62 = arith.constant 0 : i32
      %dma_wait3A_63 = tpu.memref_slice %arg7[%add3A_41, %dma_wait3A_62] : memref<10112x128xf32, #tpu.memory_space<vmem_shared>> -> memref<128x128xf32, #tpu.memory_space<vmem_shared>>
      tpu.wait_dma2 semaphore(%run_scoped3A : memref<!tpu.dma_semaphore, #tpu.memory_space<semaphore_mem>>) src(%dma_wait3A_63 : memref<128x128xf32, #tpu.memory_space<vmem_shared>>) dst(%dma_wait3A_61 : memref<128x128xf32, #tpu.memory_space<vmem>>)
      tpu.yield
    }) : () -> ()
    "tpu.region"() ({
      %run_scoped3A = tpu.sem_alloc : memref<!tpu.dma_semaphore, #tpu.memory_space<semaphore_mem>>
      %dma_start3A = arith.constant 0 : i32
      %dma_start3A_46 = arith.constant 0 : i32
      %dma_start3A_47 = tpu.memref_slice %arg10[%dma_start3A, %dma_start3A_46] : memref<128x128xf32, #tpu.memory_space<vmem>> -> memref<128x128xf32, #tpu.memory_space<vmem>>
      %dma_start3A_48 = arith.constant 0 : i32
      %dma_start3A_49 = tpu.memref_slice %arg6[%arg0, %add3A_41, %dma_start3A_48] : memref<2x10112x128xf32, #tpu.memory_space<hbm>> -> memref<1x128x128xf32, #tpu.memory_space<hbm>>
      %dma_start3A_50 = tpu.memref_squeeze %dma_start3A_49 : memref<1x128x128xf32, #tpu.memory_space<hbm>> -> memref<128x128xf32, #tpu.memory_space<hbm>>
      %dma_start3A_51 = arith.constant 0 : i32
      %dma_start3A_52 = tpu.memref_slice %arg6[%arg0, %add3A_41, %dma_start3A_51] : memref<2x10112x128xf32, #tpu.memory_space<hbm>> -> memref<1x128x128xf32, #tpu.memory_space<hbm>>
      %dma_start3A_53 = tpu.memref_squeeze %dma_start3A_52 : memref<1x128x128xf32, #tpu.memory_space<hbm>> -> memref<128x128xf32, #tpu.memory_space<hbm>>
      %dma_start3A_54 = arith.constant 0 : i32
      %dma_start3A_55 = arith.constant 0 : i32
      %dma_start3A_56 = tpu.memref_slice %arg10[%dma_start3A_54, %dma_start3A_55] : memref<128x128xf32, #tpu.memory_space<vmem>> -> memref<128x128xf32, #tpu.memory_space<vmem>>
      tpu.enqueue_dma source(%dma_start3A_56 : memref<128x128xf32, #tpu.memory_space<vmem>>) target(%dma_start3A_53 : memref<128x128xf32, #tpu.memory_space<hbm>>) target_semaphore(%run_scoped3A : memref<!tpu.dma_semaphore, #tpu.memory_space<semaphore_mem>>)
      %dma_wait3A = arith.constant 0 : i32
      %dma_wait3A_57 = arith.constant 0 : i32
      %dma_wait3A_58 = tpu.memref_slice %arg10[%dma_wait3A, %dma_wait3A_57] : memref<128x128xf32, #tpu.memory_space<vmem>> -> memref<128x128xf32, #tpu.memory_space<vmem>>
      %dma_wait3A_59 = arith.constant 0 : i32
      %dma_wait3A_60 = tpu.memref_slice %arg6[%arg0, %add3A_41, %dma_wait3A_59] : memref<2x10112x128xf32, #tpu.memory_space<hbm>> -> memref<1x128x128xf32, #tpu.memory_space<hbm>>
      %dma_wait3A_61 = tpu.memref_squeeze %dma_wait3A_60 : memref<1x128x128xf32, #tpu.memory_space<hbm>> -> memref<128x128xf32, #tpu.memory_space<hbm>>
      %dma_wait3A_62 = arith.constant 0 : i32
      %dma_wait3A_63 = tpu.memref_slice %arg6[%arg0, %add3A_41, %dma_wait3A_62] : memref<2x10112x128xf32, #tpu.memory_space<hbm>> -> memref<1x128x128xf32, #tpu.memory_space<hbm>>
      %dma_wait3A_64 = tpu.memref_squeeze %dma_wait3A_63 : memref<1x128x128xf32, #tpu.memory_space<hbm>> -> memref<128x128xf32, #tpu.memory_space<hbm>>
      %dma_wait3A_65 = arith.constant 0 : i32
      %dma_wait3A_66 = arith.constant 0 : i32
      %dma_wait3A_67 = tpu.memref_slice %arg10[%dma_wait3A_65, %dma_wait3A_66] : memref<128x128xf32, #tpu.memory_space<vmem>> -> memref<128x128xf32, #tpu.memory_space<vmem>>
      tpu.wait_dma2 semaphore(%run_scoped3A : memref<!tpu.dma_semaphore, #tpu.memory_space<semaphore_mem>>) src(%dma_wait3A_67 : memref<128x128xf32, #tpu.memory_space<vmem>>) dst(%dma_wait3A_64 : memref<128x128xf32, #tpu.memory_space<hbm>>)
      tpu.yield
    }) : () -> ()
    %mul3A_42 = arith.constant 632 : i32
    %mul3A_43 = arith.muli %arg1, %mul3A_42 : i32
    %add3A_44 = arith.constant 512 : i32
    %add3A_45 = arith.addi %mul3A_43, %add3A_44 : i32
    "tpu.region"() ({
      %run_scoped3A = tpu.sem_alloc : memref<!tpu.dma_semaphore, #tpu.memory_space<semaphore_mem>>
      %dma_start3A = arith.constant 0 : i32
      %dma_start3A_46 = arith.constant 0 : i32
      %dma_start3A_47 = tpu.memref_slice %arg10[%dma_start3A, %dma_start3A_46] : memref<128x128xf32, #tpu.memory_space<vmem>> -> memref<120x128xf32, #tpu.memory_space<vmem>>
      %dma_start3A_48 = arith.constant 0 : i32
      %dma_start3A_49 = tpu.memref_slice %arg7[%add3A_45, %dma_start3A_48] : memref<10112x128xf32, #tpu.memory_space<vmem_shared>> -> memref<120x128xf32, #tpu.memory_space<vmem_shared>>
      %dma_start3A_50 = arith.constant 0 : i32
      %dma_start3A_51 = arith.constant 0 : i32
      %dma_start3A_52 = tpu.memref_slice %arg10[%dma_start3A_50, %dma_start3A_51] : memref<128x128xf32, #tpu.memory_space<vmem>> -> memref<120x128xf32, #tpu.memory_space<vmem>>
      %dma_start3A_53 = arith.constant 0 : i32
      %dma_start3A_54 = tpu.memref_slice %arg7[%add3A_45, %dma_start3A_53] : memref<10112x128xf32, #tpu.memory_space<vmem_shared>> -> memref<120x128xf32, #tpu.memory_space<vmem_shared>>
      tpu.enqueue_dma source(%dma_start3A_54 : memref<120x128xf32, #tpu.memory_space<vmem_shared>>) target(%dma_start3A_52 : memref<120x128xf32, #tpu.memory_space<vmem>>) target_semaphore(%run_scoped3A : memref<!tpu.dma_semaphore, #tpu.memory_space<semaphore_mem>>)
      %dma_wait3A = arith.constant 0 : i32
      %dma_wait3A_55 = arith.constant 0 : i32
      %dma_wait3A_56 = tpu.memref_slice %arg10[%dma_wait3A, %dma_wait3A_55] : memref<128x128xf32, #tpu.memory_space<vmem>> -> memref<120x128xf32, #tpu.memory_space<vmem>>
      %dma_wait3A_57 = arith.constant 0 : i32
      %dma_wait3A_58 = tpu.memref_slice %arg7[%add3A_45, %dma_wait3A_57] : memref<10112x128xf32, #tpu.memory_space<vmem_shared>> -> memref<120x128xf32, #tpu.memory_space<vmem_shared>>
      %dma_wait3A_59 = arith.constant 0 : i32
      %dma_wait3A_60 = arith.constant 0 : i32
      %dma_wait3A_61 = tpu.memref_slice %arg10[%dma_wait3A_59, %dma_wait3A_60] : memref<128x128xf32, #tpu.memory_space<vmem>> -> memref<120x128xf32, #tpu.memory_space<vmem>>
      %dma_wait3A_62 = arith.constant 0 : i32
      %dma_wait3A_63 = tpu.memref_slice %arg7[%add3A_45, %dma_wait3A_62] : memref<10112x128xf32, #tpu.memory_space<vmem_shared>> -> memref<120x128xf32, #tpu.memory_space<vmem_shared>>
      tpu.wait_dma2 semaphore(%run_scoped3A : memref<!tpu.dma_semaphore, #tpu.memory_space<semaphore_mem>>) src(%dma_wait3A_63 : memref<120x128xf32, #tpu.memory_space<vmem_shared>>) dst(%dma_wait3A_61 : memref<120x128xf32, #tpu.memory_space<vmem>>)
      tpu.yield
    }) : () -> ()
    "tpu.region"() ({
      %run_scoped3A = tpu.sem_alloc : memref<!tpu.dma_semaphore, #tpu.memory_space<semaphore_mem>>
      %dma_start3A = arith.constant 0 : i32
      %dma_start3A_46 = arith.constant 0 : i32
      %dma_start3A_47 = tpu.memref_slice %arg10[%dma_start3A, %dma_start3A_46] : memref<128x128xf32, #tpu.memory_space<vmem>> -> memref<120x128xf32, #tpu.memory_space<vmem>>
      %dma_start3A_48 = arith.constant 0 : i32
      %dma_start3A_49 = tpu.memref_slice %arg6[%arg0, %add3A_45, %dma_start3A_48] : memref<2x10112x128xf32, #tpu.memory_space<hbm>> -> memref<1x120x128xf32, #tpu.memory_space<hbm>>
      %dma_start3A_50 = tpu.memref_squeeze %dma_start3A_49 : memref<1x120x128xf32, #tpu.memory_space<hbm>> -> memref<120x128xf32, #tpu.memory_space<hbm>>
      %dma_start3A_51 = arith.constant 0 : i32
      %dma_start3A_52 = tpu.memref_slice %arg6[%arg0, %add3A_45, %dma_start3A_51] : memref<2x10112x128xf32, #tpu.memory_space<hbm>> -> memref<1x120x128xf32, #tpu.memory_space<hbm>>
      %dma_start3A_53 = tpu.memref_squeeze %dma_start3A_52 : memref<1x120x128xf32, #tpu.memory_space<hbm>> -> memref<120x128xf32, #tpu.memory_space<hbm>>
      %dma_start3A_54 = arith.constant 0 : i32
      %dma_start3A_55 = arith.constant 0 : i32
      %dma_start3A_56 = tpu.memref_slice %arg10[%dma_start3A_54, %dma_start3A_55] : memref<128x128xf32, #tpu.memory_space<vmem>> -> memref<120x128xf32, #tpu.memory_space<vmem>>
      tpu.enqueue_dma source(%dma_start3A_56 : memref<120x128xf32, #tpu.memory_space<vmem>>) target(%dma_start3A_53 : memref<120x128xf32, #tpu.memory_space<hbm>>) target_semaphore(%run_scoped3A : memref<!tpu.dma_semaphore, #tpu.memory_space<semaphore_mem>>)
      %dma_wait3A = arith.constant 0 : i32
      %dma_wait3A_57 = arith.constant 0 : i32
      %dma_wait3A_58 = tpu.memref_slice %arg10[%dma_wait3A, %dma_wait3A_57] : memref<128x128xf32, #tpu.memory_space<vmem>> -> memref<120x128xf32, #tpu.memory_space<vmem>>
      %dma_wait3A_59 = arith.constant 0 : i32
      %dma_wait3A_60 = tpu.memref_slice %arg6[%arg0, %add3A_45, %dma_wait3A_59] : memref<2x10112x128xf32, #tpu.memory_space<hbm>> -> memref<1x120x128xf32, #tpu.memory_space<hbm>>
      %dma_wait3A_61 = tpu.memref_squeeze %dma_wait3A_60 : memref<1x120x128xf32, #tpu.memory_space<hbm>> -> memref<120x128xf32, #tpu.memory_space<hbm>>
      %dma_wait3A_62 = arith.constant 0 : i32
      %dma_wait3A_63 = tpu.memref_slice %arg6[%arg0, %add3A_45, %dma_wait3A_62] : memref<2x10112x128xf32, #tpu.memory_space<hbm>> -> memref<1x120x128xf32, #tpu.memory_space<hbm>>
      %dma_wait3A_64 = tpu.memref_squeeze %dma_wait3A_63 : memref<1x120x128xf32, #tpu.memory_space<hbm>> -> memref<120x128xf32, #tpu.memory_space<hbm>>
      %dma_wait3A_65 = arith.constant 0 : i32
      %dma_wait3A_66 = arith.constant 0 : i32
      %dma_wait3A_67 = tpu.memref_slice %arg10[%dma_wait3A_65, %dma_wait3A_66] : memref<128x128xf32, #tpu.memory_space<vmem>> -> memref<120x128xf32, #tpu.memory_space<vmem>>
      tpu.wait_dma2 semaphore(%run_scoped3A : memref<!tpu.dma_semaphore, #tpu.memory_space<semaphore_mem>>) src(%dma_wait3A_67 : memref<120x128xf32, #tpu.memory_space<vmem>>) dst(%dma_wait3A_64 : memref<120x128xf32, #tpu.memory_space<hbm>>)
      tpu.yield
    }) : () -> ()
    return
  }
}

#map = affine_map<(d0, d1) -> (0, 0)>
#map1 = affine_map<(d0, d1) -> (0, 0, 0)>
module attributes {stable_mosaic.version = 14 : i64} {
  func.func @body(%arg0: i32, %arg1: i32, %arg2: memref<10000x128xf32, #tpu.memory_space<hbm>>, %arg3: memref<2560x128xi32, #tpu.memory_space<hbm>>, %arg4: memref<2560x128xi32, #tpu.memory_space<hbm>>, %arg5: memref<128x128xf32, #tpu.memory_space<hbm>>, %arg6: memref<2x10112x128xf32, #tpu.memory_space<hbm>>, %arg7: memref<10112x128xf32, #tpu.memory_space<vmem_shared>>, %arg8: memref<64x128xi32, #tpu.memory_space<vmem>>, %arg9: memref<64x128xi32, #tpu.memory_space<vmem>>, %arg10: memref<128x128xf32, #tpu.memory_space<vmem>>, %arg11: memref<128x128xf32, #tpu.memory_space<vmem>>, %arg12: memref<!tpu.dma_semaphore, #tpu.memory_space<semaphore_mem>>, %arg13: memref<!tpu.dma_semaphore, #tpu.memory_space<semaphore_mem>>, %arg14: memref<!tpu.dma_semaphore, #tpu.memory_space<semaphore_mem>>, %arg15: memref<!tpu.dma_semaphore, #tpu.memory_space<semaphore_mem>>) attributes {dimension_semantics = [#tpu.dimension_semantics<core_parallel>, #tpu.dimension_semantics<subcore_parallel>], iteration_bounds = array<i64: 2, 16>, scalar_prefetch = 0 : i64, scratch_operands = 9 : i64, tpu.core_type = #tpu.core_type<sc_vector_subcore>, window_params = [{transform_indices = #map}, {transform_indices = #map}, {transform_indices = #map}, {transform_indices = #map}, {transform_indices = #map1}]} {
    "tpu.region"() ({
      %run_scoped3A = tpu.sem_alloc : memref<!tpu.dma_semaphore, #tpu.memory_space<semaphore_mem>>
      tpu.enqueue_dma source(%arg5 : memref<128x128xf32, #tpu.memory_space<hbm>>) target(%arg10 : memref<128x128xf32, #tpu.memory_space<vmem>>) target_semaphore(%run_scoped3A : memref<!tpu.dma_semaphore, #tpu.memory_space<semaphore_mem>>)
      tpu.wait_dma2 semaphore(%run_scoped3A : memref<!tpu.dma_semaphore, #tpu.memory_space<semaphore_mem>>) src(%arg5 : memref<128x128xf32, #tpu.memory_space<hbm>>) dst(%arg10 : memref<128x128xf32, #tpu.memory_space<vmem>>)
      tpu.yield
    }) : () -> ()
    %mul3A = arith.constant 632 : i32
    %mul3A_0 = arith.muli %arg1, %mul3A : i32
    %add3A = arith.constant 0 : i32
    %add3A_1 = arith.addi %mul3A_0, %add3A : i32
    "tpu.region"() ({
      %run_scoped3A = tpu.sem_alloc : memref<!tpu.dma_semaphore, #tpu.memory_space<semaphore_mem>>
      %dma_start3A = arith.constant 0 : i32
      %dma_start3A_46 = arith.constant 0 : i32
      %dma_start3A_47 = tpu.memref_slice %arg10[%dma_start3A, %dma_start3A_46] : memref<128x128xf32, #tpu.memory_space<vmem>> -> memref<128x128xf32, #tpu.memory_space<vmem>>
      %dma_start3A_48 = arith.constant 0 : i32
      %dma_start3A_49 = tpu.memref_slice %arg7[%add3A_1, %dma_start3A_48] : memref<10112x128xf32, #tpu.memory_space<vmem_shared>> -> memref<128x128xf32, #tpu.memory_space<vmem_shared>>
      %dma_start3A_50 = arith.constant 0 : i32
      %dma_start3A_51 = tpu.memref_slice %arg7[%add3A_1, %dma_start3A_50] : memref<10112x128xf32, #tpu.memory_space<vmem_shared>> -> memref<128x128xf32, #tpu.memory_space<vmem_shared>>
      %dma_start3A_52 = arith.constant 0 : i32
      %dma_start3A_53 = arith.constant 0 : i32
      %dma_start3A_54 = tpu.memref_slice %arg10[%dma_start3A_52, %dma_start3A_53] : memref<128x128xf32, #tpu.memory_space<vmem>> -> memref<128x128xf32, #tpu.memory_space<vmem>>
      tpu.enqueue_dma source(%dma_start3A_54 : memref<128x128xf32, #tpu.memory_space<vmem>>) target(%dma_start3A_51 : memref<128x128xf32, #tpu.memory_space<vmem_shared>>) target_semaphore(%run_scoped3A : memref<!tpu.dma_semaphore, #tpu.memory_space<semaphore_mem>>)
      %dma_wait3A = arith.constant 0 : i32
      %dma_wait3A_55 = arith.constant 0 : i32
      %dma_wait3A_56 = tpu.memref_slice %arg10[%dma_wait3A, %dma_wait3A_55] : memref<128x128xf32, #tpu.memory_space<vmem>> -> memref<128x128xf32, #tpu.memory_space<vmem>>
      %dma_wait3A_57 = arith.constant 0 : i32
      %dma_wait3A_58 = tpu.memref_slice %arg7[%add3A_1, %dma_wait3A_57] : memref<10112x128xf32, #tpu.memory_space<vmem_shared>> -> memref<128x128xf32, #tpu.memory_space<vmem_shared>>
      %dma_wait3A_59 = arith.constant 0 : i32
      %dma_wait3A_60 = tpu.memref_slice %arg7[%add3A_1, %dma_wait3A_59] : memref<10112x128xf32, #tpu.memory_space<vmem_shared>> -> memref<128x128xf32, #tpu.memory_space<vmem_shared>>
      %dma_wait3A_61 = arith.constant 0 : i32
      %dma_wait3A_62 = arith.constant 0 : i32
      %dma_wait3A_63 = tpu.memref_slice %arg10[%dma_wait3A_61, %dma_wait3A_62] : memref<128x128xf32, #tpu.memory_space<vmem>> -> memref<128x128xf32, #tpu.memory_space<vmem>>
      tpu.wait_dma2 semaphore(%run_scoped3A : memref<!tpu.dma_semaphore, #tpu.memory_space<semaphore_mem>>) src(%dma_wait3A_63 : memref<128x128xf32, #tpu.memory_space<vmem>>) dst(%dma_wait3A_60 : memref<128x128xf32, #tpu.memory_space<vmem_shared>>)
      tpu.yield
    }) : () -> ()
    %mul3A_2 = arith.constant 632 : i32
    %mul3A_3 = arith.muli %arg1, %mul3A_2 : i32
    %add3A_4 = arith.constant 128 : i32
    %add3A_5 = arith.addi %mul3A_3, %add3A_4 : i32
    "tpu.region"() ({
      %run_scoped3A = tpu.sem_alloc : memref<!tpu.dma_semaphore, #tpu.memory_space<semaphore_mem>>
      %dma_start3A = arith.constant 0 : i32
      %dma_start3A_46 = arith.constant 0 : i32
      %dma_start3A_47 = tpu.memref_slice %arg10[%dma_start3A, %dma_start3A_46] : memref<128x128xf32, #tpu.memory_space<vmem>> -> memref<128x128xf32, #tpu.memory_space<vmem>>
      %dma_start3A_48 = arith.constant 0 : i32
      %dma_start3A_49 = tpu.memref_slice %arg7[%add3A_5, %dma_start3A_48] : memref<10112x128xf32, #tpu.memory_space<vmem_shared>> -> memref<128x128xf32, #tpu.memory_space<vmem_shared>>
      %dma_start3A_50 = arith.constant 0 : i32
      %dma_start3A_51 = tpu.memref_slice %arg7[%add3A_5, %dma_start3A_50] : memref<10112x128xf32, #tpu.memory_space<vmem_shared>> -> memref<128x128xf32, #tpu.memory_space<vmem_shared>>
      %dma_start3A_52 = arith.constant 0 : i32
      %dma_start3A_53 = arith.constant 0 : i32
      %dma_start3A_54 = tpu.memref_slice %arg10[%dma_start3A_52, %dma_start3A_53] : memref<128x128xf32, #tpu.memory_space<vmem>> -> memref<128x128xf32, #tpu.memory_space<vmem>>
      tpu.enqueue_dma source(%dma_start3A_54 : memref<128x128xf32, #tpu.memory_space<vmem>>) target(%dma_start3A_51 : memref<128x128xf32, #tpu.memory_space<vmem_shared>>) target_semaphore(%run_scoped3A : memref<!tpu.dma_semaphore, #tpu.memory_space<semaphore_mem>>)
      %dma_wait3A = arith.constant 0 : i32
      %dma_wait3A_55 = arith.constant 0 : i32
      %dma_wait3A_56 = tpu.memref_slice %arg10[%dma_wait3A, %dma_wait3A_55] : memref<128x128xf32, #tpu.memory_space<vmem>> -> memref<128x128xf32, #tpu.memory_space<vmem>>
      %dma_wait3A_57 = arith.constant 0 : i32
      %dma_wait3A_58 = tpu.memref_slice %arg7[%add3A_5, %dma_wait3A_57] : memref<10112x128xf32, #tpu.memory_space<vmem_shared>> -> memref<128x128xf32, #tpu.memory_space<vmem_shared>>
      %dma_wait3A_59 = arith.constant 0 : i32
      %dma_wait3A_60 = tpu.memref_slice %arg7[%add3A_5, %dma_wait3A_59] : memref<10112x128xf32, #tpu.memory_space<vmem_shared>> -> memref<128x128xf32, #tpu.memory_space<vmem_shared>>
      %dma_wait3A_61 = arith.constant 0 : i32
      %dma_wait3A_62 = arith.constant 0 : i32
      %dma_wait3A_63 = tpu.memref_slice %arg10[%dma_wait3A_61, %dma_wait3A_62] : memref<128x128xf32, #tpu.memory_space<vmem>> -> memref<128x128xf32, #tpu.memory_space<vmem>>
      tpu.wait_dma2 semaphore(%run_scoped3A : memref<!tpu.dma_semaphore, #tpu.memory_space<semaphore_mem>>) src(%dma_wait3A_63 : memref<128x128xf32, #tpu.memory_space<vmem>>) dst(%dma_wait3A_60 : memref<128x128xf32, #tpu.memory_space<vmem_shared>>)
      tpu.yield
    }) : () -> ()
    %mul3A_6 = arith.constant 632 : i32
    %mul3A_7 = arith.muli %arg1, %mul3A_6 : i32
    %add3A_8 = arith.constant 256 : i32
    %add3A_9 = arith.addi %mul3A_7, %add3A_8 : i32
    "tpu.region"() ({
      %run_scoped3A = tpu.sem_alloc : memref<!tpu.dma_semaphore, #tpu.memory_space<semaphore_mem>>
      %dma_start3A = arith.constant 0 : i32
      %dma_start3A_46 = arith.constant 0 : i32
      %dma_start3A_47 = tpu.memref_slice %arg10[%dma_start3A, %dma_start3A_46] : memref<128x128xf32, #tpu.memory_space<vmem>> -> memref<128x128xf32, #tpu.memory_space<vmem>>
      %dma_start3A_48 = arith.constant 0 : i32
      %dma_start3A_49 = tpu.memref_slice %arg7[%add3A_9, %dma_start3A_48] : memref<10112x128xf32, #tpu.memory_space<vmem_shared>> -> memref<128x128xf32, #tpu.memory_space<vmem_shared>>
      %dma_start3A_50 = arith.constant 0 : i32
      %dma_start3A_51 = tpu.memref_slice %arg7[%add3A_9, %dma_start3A_50] : memref<10112x128xf32, #tpu.memory_space<vmem_shared>> -> memref<128x128xf32, #tpu.memory_space<vmem_shared>>
      %dma_start3A_52 = arith.constant 0 : i32
      %dma_start3A_53 = arith.constant 0 : i32
      %dma_start3A_54 = tpu.memref_slice %arg10[%dma_start3A_52, %dma_start3A_53] : memref<128x128xf32, #tpu.memory_space<vmem>> -> memref<128x128xf32, #tpu.memory_space<vmem>>
      tpu.enqueue_dma source(%dma_start3A_54 : memref<128x128xf32, #tpu.memory_space<vmem>>) target(%dma_start3A_51 : memref<128x128xf32, #tpu.memory_space<vmem_shared>>) target_semaphore(%run_scoped3A : memref<!tpu.dma_semaphore, #tpu.memory_space<semaphore_mem>>)
      %dma_wait3A = arith.constant 0 : i32
      %dma_wait3A_55 = arith.constant 0 : i32
      %dma_wait3A_56 = tpu.memref_slice %arg10[%dma_wait3A, %dma_wait3A_55] : memref<128x128xf32, #tpu.memory_space<vmem>> -> memref<128x128xf32, #tpu.memory_space<vmem>>
      %dma_wait3A_57 = arith.constant 0 : i32
      %dma_wait3A_58 = tpu.memref_slice %arg7[%add3A_9, %dma_wait3A_57] : memref<10112x128xf32, #tpu.memory_space<vmem_shared>> -> memref<128x128xf32, #tpu.memory_space<vmem_shared>>
      %dma_wait3A_59 = arith.constant 0 : i32
      %dma_wait3A_60 = tpu.memref_slice %arg7[%add3A_9, %dma_wait3A_59] : memref<10112x128xf32, #tpu.memory_space<vmem_shared>> -> memref<128x128xf32, #tpu.memory_space<vmem_shared>>
      %dma_wait3A_61 = arith.constant 0 : i32
      %dma_wait3A_62 = arith.constant 0 : i32
      %dma_wait3A_63 = tpu.memref_slice %arg10[%dma_wait3A_61, %dma_wait3A_62] : memref<128x128xf32, #tpu.memory_space<vmem>> -> memref<128x128xf32, #tpu.memory_space<vmem>>
      tpu.wait_dma2 semaphore(%run_scoped3A : memref<!tpu.dma_semaphore, #tpu.memory_space<semaphore_mem>>) src(%dma_wait3A_63 : memref<128x128xf32, #tpu.memory_space<vmem>>) dst(%dma_wait3A_60 : memref<128x128xf32, #tpu.memory_space<vmem_shared>>)
      tpu.yield
    }) : () -> ()
    %mul3A_10 = arith.constant 632 : i32
    %mul3A_11 = arith.muli %arg1, %mul3A_10 : i32
    %add3A_12 = arith.constant 384 : i32
    %add3A_13 = arith.addi %mul3A_11, %add3A_12 : i32
    "tpu.region"() ({
      %run_scoped3A = tpu.sem_alloc : memref<!tpu.dma_semaphore, #tpu.memory_space<semaphore_mem>>
      %dma_start3A = arith.constant 0 : i32
      %dma_start3A_46 = arith.constant 0 : i32
      %dma_start3A_47 = tpu.memref_slice %arg10[%dma_start3A, %dma_start3A_46] : memref<128x128xf32, #tpu.memory_space<vmem>> -> memref<128x128xf32, #tpu.memory_space<vmem>>
      %dma_start3A_48 = arith.constant 0 : i32
      %dma_start3A_49 = tpu.memref_slice %arg7[%add3A_13, %dma_start3A_48] : memref<10112x128xf32, #tpu.memory_space<vmem_shared>> -> memref<128x128xf32, #tpu.memory_space<vmem_shared>>
      %dma_start3A_50 = arith.constant 0 : i32
      %dma_start3A_51 = tpu.memref_slice %arg7[%add3A_13, %dma_start3A_50] : memref<10112x128xf32, #tpu.memory_space<vmem_shared>> -> memref<128x128xf32, #tpu.memory_space<vmem_shared>>
      %dma_start3A_52 = arith.constant 0 : i32
      %dma_start3A_53 = arith.constant 0 : i32
      %dma_start3A_54 = tpu.memref_slice %arg10[%dma_start3A_52, %dma_start3A_53] : memref<128x128xf32, #tpu.memory_space<vmem>> -> memref<128x128xf32, #tpu.memory_space<vmem>>
      tpu.enqueue_dma source(%dma_start3A_54 : memref<128x128xf32, #tpu.memory_space<vmem>>) target(%dma_start3A_51 : memref<128x128xf32, #tpu.memory_space<vmem_shared>>) target_semaphore(%run_scoped3A : memref<!tpu.dma_semaphore, #tpu.memory_space<semaphore_mem>>)
      %dma_wait3A = arith.constant 0 : i32
      %dma_wait3A_55 = arith.constant 0 : i32
      %dma_wait3A_56 = tpu.memref_slice %arg10[%dma_wait3A, %dma_wait3A_55] : memref<128x128xf32, #tpu.memory_space<vmem>> -> memref<128x128xf32, #tpu.memory_space<vmem>>
      %dma_wait3A_57 = arith.constant 0 : i32
      %dma_wait3A_58 = tpu.memref_slice %arg7[%add3A_13, %dma_wait3A_57] : memref<10112x128xf32, #tpu.memory_space<vmem_shared>> -> memref<128x128xf32, #tpu.memory_space<vmem_shared>>
      %dma_wait3A_59 = arith.constant 0 : i32
      %dma_wait3A_60 = tpu.memref_slice %arg7[%add3A_13, %dma_wait3A_59] : memref<10112x128xf32, #tpu.memory_space<vmem_shared>> -> memref<128x128xf32, #tpu.memory_space<vmem_shared>>
      %dma_wait3A_61 = arith.constant 0 : i32
      %dma_wait3A_62 = arith.constant 0 : i32
      %dma_wait3A_63 = tpu.memref_slice %arg10[%dma_wait3A_61, %dma_wait3A_62] : memref<128x128xf32, #tpu.memory_space<vmem>> -> memref<128x128xf32, #tpu.memory_space<vmem>>
      tpu.wait_dma2 semaphore(%run_scoped3A : memref<!tpu.dma_semaphore, #tpu.memory_space<semaphore_mem>>) src(%dma_wait3A_63 : memref<128x128xf32, #tpu.memory_space<vmem>>) dst(%dma_wait3A_60 : memref<128x128xf32, #tpu.memory_space<vmem_shared>>)
      tpu.yield
    }) : () -> ()
    %mul3A_14 = arith.constant 632 : i32
    %mul3A_15 = arith.muli %arg1, %mul3A_14 : i32
    %add3A_16 = arith.constant 512 : i32
    %add3A_17 = arith.addi %mul3A_15, %add3A_16 : i32
    "tpu.region"() ({
      %run_scoped3A = tpu.sem_alloc : memref<!tpu.dma_semaphore, #tpu.memory_space<semaphore_mem>>
      %dma_start3A = arith.constant 0 : i32
      %dma_start3A_46 = arith.constant 0 : i32
      %dma_start3A_47 = tpu.memref_slice %arg10[%dma_start3A, %dma_start3A_46] : memref<128x128xf32, #tpu.memory_space<vmem>> -> memref<120x128xf32, #tpu.memory_space<vmem>>
      %dma_start3A_48 = arith.constant 0 : i32
      %dma_start3A_49 = tpu.memref_slice %arg7[%add3A_17, %dma_start3A_48] : memref<10112x128xf32, #tpu.memory_space<vmem_shared>> -> memref<120x128xf32, #tpu.memory_space<vmem_shared>>
      %dma_start3A_50 = arith.constant 0 : i32
      %dma_start3A_51 = tpu.memref_slice %arg7[%add3A_17, %dma_start3A_50] : memref<10112x128xf32, #tpu.memory_space<vmem_shared>> -> memref<120x128xf32, #tpu.memory_space<vmem_shared>>
      %dma_start3A_52 = arith.constant 0 : i32
      %dma_start3A_53 = arith.constant 0 : i32
      %dma_start3A_54 = tpu.memref_slice %arg10[%dma_start3A_52, %dma_start3A_53] : memref<128x128xf32, #tpu.memory_space<vmem>> -> memref<120x128xf32, #tpu.memory_space<vmem>>
      tpu.enqueue_dma source(%dma_start3A_54 : memref<120x128xf32, #tpu.memory_space<vmem>>) target(%dma_start3A_51 : memref<120x128xf32, #tpu.memory_space<vmem_shared>>) target_semaphore(%run_scoped3A : memref<!tpu.dma_semaphore, #tpu.memory_space<semaphore_mem>>)
      %dma_wait3A = arith.constant 0 : i32
      %dma_wait3A_55 = arith.constant 0 : i32
      %dma_wait3A_56 = tpu.memref_slice %arg10[%dma_wait3A, %dma_wait3A_55] : memref<128x128xf32, #tpu.memory_space<vmem>> -> memref<120x128xf32, #tpu.memory_space<vmem>>
      %dma_wait3A_57 = arith.constant 0 : i32
      %dma_wait3A_58 = tpu.memref_slice %arg7[%add3A_17, %dma_wait3A_57] : memref<10112x128xf32, #tpu.memory_space<vmem_shared>> -> memref<120x128xf32, #tpu.memory_space<vmem_shared>>
      %dma_wait3A_59 = arith.constant 0 : i32
      %dma_wait3A_60 = tpu.memref_slice %arg7[%add3A_17, %dma_wait3A_59] : memref<10112x128xf32, #tpu.memory_space<vmem_shared>> -> memref<120x128xf32, #tpu.memory_space<vmem_shared>>
      %dma_wait3A_61 = arith.constant 0 : i32
      %dma_wait3A_62 = arith.constant 0 : i32
      %dma_wait3A_63 = tpu.memref_slice %arg10[%dma_wait3A_61, %dma_wait3A_62] : memref<128x128xf32, #tpu.memory_space<vmem>> -> memref<120x128xf32, #tpu.memory_space<vmem>>
      tpu.wait_dma2 semaphore(%run_scoped3A : memref<!tpu.dma_semaphore, #tpu.memory_space<semaphore_mem>>) src(%dma_wait3A_63 : memref<120x128xf32, #tpu.memory_space<vmem>>) dst(%dma_wait3A_60 : memref<120x128xf32, #tpu.memory_space<vmem_shared>>)
      tpu.yield
    }) : () -> ()
    %barrier3A = arith.constant 0 : index
    tpu.barrier barrier_id(%barrier3A)
    %eq3A = arith.constant 0 : i32
    %eq3A_18 = arith.cmpi eq, %arg0, %eq3A : i32
    %convert_element_type3A = arith.extui %eq3A_18 : i1 to i32
    %cond3A = arith.constant 0 : i32
    %cond3A_19 = arith.cmpi ne, %convert_element_type3A, %cond3A : i32
    scf.if %cond3A_19 {
      %mul3A_46 = arith.constant 128 : i32
      %mul3A_47 = arith.muli %arg1, %mul3A_46 : i32
      %add3A_48 = arith.constant 0 : i32
      %add3A_49 = arith.addi %mul3A_47, %add3A_48 : i32
      "tpu.region"() ({
        %run_scoped3A = tpu.sem_alloc : memref<!tpu.dma_semaphore, #tpu.memory_space<semaphore_mem>>
        %dma_start3A_90 = arith.constant 0 : i32
        %dma_start3A_91 = arith.constant 0 : i32
        %dma_start3A_92 = tpu.memref_slice %arg8[%dma_start3A_90, %dma_start3A_91] : memref<64x128xi32, #tpu.memory_space<vmem>> -> memref<64x128xi32, #tpu.memory_space<vmem>>
        %dma_start3A_93 = arith.constant 0 : i32
        %dma_start3A_94 = tpu.memref_slice %arg3[%add3A_49, %dma_start3A_93] : memref<2560x128xi32, #tpu.memory_space<hbm>> -> memref<64x128xi32, #tpu.memory_space<hbm>>
        %dma_start3A_95 = arith.constant 0 : i32
        %dma_start3A_96 = arith.constant 0 : i32
        %dma_start3A_97 = tpu.memref_slice %arg8[%dma_start3A_95, %dma_start3A_96] : memref<64x128xi32, #tpu.memory_space<vmem>> -> memref<64x128xi32, #tpu.memory_space<vmem>>
        %dma_start3A_98 = arith.constant 0 : i32
        %dma_start3A_99 = tpu.memref_slice %arg3[%add3A_49, %dma_start3A_98] : memref<2560x128xi32, #tpu.memory_space<hbm>> -> memref<64x128xi32, #tpu.memory_space<hbm>>
        tpu.enqueue_dma source(%dma_start3A_99 : memref<64x128xi32, #tpu.memory_space<hbm>>) target(%dma_start3A_97 : memref<64x128xi32, #tpu.memory_space<vmem>>) target_semaphore(%run_scoped3A : memref<!tpu.dma_semaphore, #tpu.memory_space<semaphore_mem>>)
        %dma_wait3A = arith.constant 0 : i32
        %dma_wait3A_100 = arith.constant 0 : i32
        %dma_wait3A_101 = tpu.memref_slice %arg8[%dma_wait3A, %dma_wait3A_100] : memref<64x128xi32, #tpu.memory_space<vmem>> -> memref<64x128xi32, #tpu.memory_space<vmem>>
        %dma_wait3A_102 = arith.constant 0 : i32
        %dma_wait3A_103 = tpu.memref_slice %arg3[%add3A_49, %dma_wait3A_102] : memref<2560x128xi32, #tpu.memory_space<hbm>> -> memref<64x128xi32, #tpu.memory_space<hbm>>
        %dma_wait3A_104 = arith.constant 0 : i32
        %dma_wait3A_105 = arith.constant 0 : i32
        %dma_wait3A_106 = tpu.memref_slice %arg8[%dma_wait3A_104, %dma_wait3A_105] : memref<64x128xi32, #tpu.memory_space<vmem>> -> memref<64x128xi32, #tpu.memory_space<vmem>>
        %dma_wait3A_107 = arith.constant 0 : i32
        %dma_wait3A_108 = tpu.memref_slice %arg3[%add3A_49, %dma_wait3A_107] : memref<2560x128xi32, #tpu.memory_space<hbm>> -> memref<64x128xi32, #tpu.memory_space<hbm>>
        tpu.wait_dma2 semaphore(%run_scoped3A : memref<!tpu.dma_semaphore, #tpu.memory_space<semaphore_mem>>) src(%dma_wait3A_108 : memref<64x128xi32, #tpu.memory_space<hbm>>) dst(%dma_wait3A_106 : memref<64x128xi32, #tpu.memory_space<vmem>>)
        tpu.yield
      }) : () -> ()
      "tpu.region"() ({
        %run_scoped3A = tpu.sem_alloc : memref<!tpu.dma_semaphore, #tpu.memory_space<semaphore_mem>>
        %dma_start3A_90 = arith.constant 0 : i32
        %dma_start3A_91 = arith.constant 0 : i32
        %dma_start3A_92 = tpu.memref_slice %arg9[%dma_start3A_90, %dma_start3A_91] : memref<64x128xi32, #tpu.memory_space<vmem>> -> memref<64x128xi32, #tpu.memory_space<vmem>>
        %dma_start3A_93 = arith.constant 0 : i32
        %dma_start3A_94 = tpu.memref_slice %arg4[%add3A_49, %dma_start3A_93] : memref<2560x128xi32, #tpu.memory_space<hbm>> -> memref<64x128xi32, #tpu.memory_space<hbm>>
        %dma_start3A_95 = arith.constant 0 : i32
        %dma_start3A_96 = arith.constant 0 : i32
        %dma_start3A_97 = tpu.memref_slice %arg9[%dma_start3A_95, %dma_start3A_96] : memref<64x128xi32, #tpu.memory_space<vmem>> -> memref<64x128xi32, #tpu.memory_space<vmem>>
        %dma_start3A_98 = arith.constant 0 : i32
        %dma_start3A_99 = tpu.memref_slice %arg4[%add3A_49, %dma_start3A_98] : memref<2560x128xi32, #tpu.memory_space<hbm>> -> memref<64x128xi32, #tpu.memory_space<hbm>>
        tpu.enqueue_dma source(%dma_start3A_99 : memref<64x128xi32, #tpu.memory_space<hbm>>) target(%dma_start3A_97 : memref<64x128xi32, #tpu.memory_space<vmem>>) target_semaphore(%run_scoped3A : memref<!tpu.dma_semaphore, #tpu.memory_space<semaphore_mem>>)
        %dma_wait3A = arith.constant 0 : i32
        %dma_wait3A_100 = arith.constant 0 : i32
        %dma_wait3A_101 = tpu.memref_slice %arg9[%dma_wait3A, %dma_wait3A_100] : memref<64x128xi32, #tpu.memory_space<vmem>> -> memref<64x128xi32, #tpu.memory_space<vmem>>
        %dma_wait3A_102 = arith.constant 0 : i32
        %dma_wait3A_103 = tpu.memref_slice %arg4[%add3A_49, %dma_wait3A_102] : memref<2560x128xi32, #tpu.memory_space<hbm>> -> memref<64x128xi32, #tpu.memory_space<hbm>>
        %dma_wait3A_104 = arith.constant 0 : i32
        %dma_wait3A_105 = arith.constant 0 : i32
        %dma_wait3A_106 = tpu.memref_slice %arg9[%dma_wait3A_104, %dma_wait3A_105] : memref<64x128xi32, #tpu.memory_space<vmem>> -> memref<64x128xi32, #tpu.memory_space<vmem>>
        %dma_wait3A_107 = arith.constant 0 : i32
        %dma_wait3A_108 = tpu.memref_slice %arg4[%add3A_49, %dma_wait3A_107] : memref<2560x128xi32, #tpu.memory_space<hbm>> -> memref<64x128xi32, #tpu.memory_space<hbm>>
        tpu.wait_dma2 semaphore(%run_scoped3A : memref<!tpu.dma_semaphore, #tpu.memory_space<semaphore_mem>>) src(%dma_wait3A_108 : memref<64x128xi32, #tpu.memory_space<hbm>>) dst(%dma_wait3A_106 : memref<64x128xi32, #tpu.memory_space<vmem>>)
        tpu.yield
      }) : () -> ()
      %dma_start3A = arith.constant 0 : i32
      %dma_start3A_50 = arith.constant 0 : i32
      %dma_start3A_51 = tpu.memref_slice %arg8[%dma_start3A, %dma_start3A_50] : memref<64x128xi32, #tpu.memory_space<vmem>> -> memref<1x128xi32, #tpu.memory_space<vmem>>
      %dma_start3A_52 = tpu.memref_squeeze %dma_start3A_51 : memref<1x128xi32, #tpu.memory_space<vmem>> -> memref<128xi32, #tpu.memory_space<vmem>>
      %dma_start3A_53 = arith.constant 0 : i32
      %dma_start3A_54 = arith.constant 0 : i32
      %dma_start3A_55 = tpu.memref_slice %arg2[%dma_start3A_53, %dma_start3A_54] : memref<10000x128xf32, #tpu.memory_space<hbm>> -> memref<10000x128xf32, #tpu.memory_space<hbm>>
      tpu.enqueue_indirect_dma source(%dma_start3A_55 : memref<10000x128xf32, #tpu.memory_space<hbm>>) target(%arg10 : memref<128x128xf32, #tpu.memory_space<vmem>>) offsets(%dma_start3A_52 : memref<128xi32, #tpu.memory_space<vmem>>) semaphore(%arg12 : memref<!tpu.dma_semaphore, #tpu.memory_space<semaphore_mem>>)
      %dma_start3A_56 = arith.constant 1 : i32
      %dma_start3A_57 = arith.constant 0 : i32
      %dma_start3A_58 = tpu.memref_slice %arg8[%dma_start3A_56, %dma_start3A_57] : memref<64x128xi32, #tpu.memory_space<vmem>> -> memref<1x128xi32, #tpu.memory_space<vmem>>
      %dma_start3A_59 = tpu.memref_squeeze %dma_start3A_58 : memref<1x128xi32, #tpu.memory_space<vmem>> -> memref<128xi32, #tpu.memory_space<vmem>>
      %dma_start3A_60 = arith.constant 0 : i32
      %dma_start3A_61 = arith.constant 0 : i32
      %dma_start3A_62 = tpu.memref_slice %arg2[%dma_start3A_60, %dma_start3A_61] : memref<10000x128xf32, #tpu.memory_space<hbm>> -> memref<10000x128xf32, #tpu.memory_space<hbm>>
      tpu.enqueue_indirect_dma source(%dma_start3A_62 : memref<10000x128xf32, #tpu.memory_space<hbm>>) target(%arg11 : memref<128x128xf32, #tpu.memory_space<vmem>>) offsets(%dma_start3A_59 : memref<128xi32, #tpu.memory_space<vmem>>) semaphore(%arg13 : memref<!tpu.dma_semaphore, #tpu.memory_space<semaphore_mem>>)
      %scan3A = arith.constant 0 : i32
      %scan3A_63 = arith.constant 0 : i32
      %scan3A_64 = arith.constant 32 : i32
      %scan3A_65 = arith.addi %scan3A_63, %scan3A_64 : i32
      %scan3A_66 = arith.constant 1 : i32
      scf.for %scan3A_90 = %scan3A_63 to %scan3A_65 step %scan3A_66  : i32 {
        %mul3A_91 = arith.constant 2 : i32
        %mul3A_92 = arith.muli %mul3A_91, %scan3A_90 : i32
        %add3A_93 = arith.constant 1 : i32
        %add3A_94 = arith.addi %mul3A_92, %add3A_93 : i32
        %dma_wait3A = arith.constant 0 : i32
        %dma_wait3A_95 = tpu.memref_slice %arg8[%mul3A_92, %dma_wait3A] : memref<64x128xi32, #tpu.memory_space<vmem>> -> memref<1x128xi32, #tpu.memory_space<vmem>>
        %dma_wait3A_96 = tpu.memref_squeeze %dma_wait3A_95 : memref<1x128xi32, #tpu.memory_space<vmem>> -> memref<128xi32, #tpu.memory_space<vmem>>
        %dma_wait3A_97 = arith.constant 0 : i32
        %dma_wait3A_98 = arith.constant 0 : i32
        %dma_wait3A_99 = tpu.memref_slice %arg2[%dma_wait3A_97, %dma_wait3A_98] : memref<10000x128xf32, #tpu.memory_space<hbm>> -> memref<10000x128xf32, #tpu.memory_space<hbm>>
        tpu.wait_indirect_dma semaphore(%arg12 : memref<!tpu.dma_semaphore, #tpu.memory_space<semaphore_mem>>) src(%dma_wait3A_99 : memref<10000x128xf32, #tpu.memory_space<hbm>>) dst(%arg10 : memref<128x128xf32, #tpu.memory_space<vmem>>)
        %dma_start3A_100 = arith.constant 0 : i32
        %dma_start3A_101 = tpu.memref_slice %arg9[%mul3A_92, %dma_start3A_100] : memref<64x128xi32, #tpu.memory_space<vmem>> -> memref<1x128xi32, #tpu.memory_space<vmem>>
        %dma_start3A_102 = tpu.memref_squeeze %dma_start3A_101 : memref<1x128xi32, #tpu.memory_space<vmem>> -> memref<128xi32, #tpu.memory_space<vmem>>
        %dma_start3A_103 = arith.constant 0 : i32
        %dma_start3A_104 = arith.constant 0 : i32
        %dma_start3A_105 = tpu.memref_slice %arg7[%dma_start3A_103, %dma_start3A_104] : memref<10112x128xf32, #tpu.memory_space<vmem_shared>> -> memref<10112x128xf32, #tpu.memory_space<vmem_shared>>
        tpu.enqueue_indirect_dma source(%arg10 : memref<128x128xf32, #tpu.memory_space<vmem>>) target(%dma_start3A_105 : memref<10112x128xf32, #tpu.memory_space<vmem_shared>>) offsets(%dma_start3A_102 : memref<128xi32, #tpu.memory_space<vmem>>) semaphore(%arg14 : memref<!tpu.dma_semaphore, #tpu.memory_space<semaphore_mem>>) {add = true}
        %dma_wait3A_106 = arith.constant 0 : i32
        %dma_wait3A_107 = tpu.memref_slice %arg8[%add3A_94, %dma_wait3A_106] : memref<64x128xi32, #tpu.memory_space<vmem>> -> memref<1x128xi32, #tpu.memory_space<vmem>>
        %dma_wait3A_108 = tpu.memref_squeeze %dma_wait3A_107 : memref<1x128xi32, #tpu.memory_space<vmem>> -> memref<128xi32, #tpu.memory_space<vmem>>
        %dma_wait3A_109 = arith.constant 0 : i32
        %dma_wait3A_110 = arith.constant 0 : i32
        %dma_wait3A_111 = tpu.memref_slice %arg2[%dma_wait3A_109, %dma_wait3A_110] : memref<10000x128xf32, #tpu.memory_space<hbm>> -> memref<10000x128xf32, #tpu.memory_space<hbm>>
        tpu.wait_indirect_dma semaphore(%arg13 : memref<!tpu.dma_semaphore, #tpu.memory_space<semaphore_mem>>) src(%dma_wait3A_111 : memref<10000x128xf32, #tpu.memory_space<hbm>>) dst(%arg11 : memref<128x128xf32, #tpu.memory_space<vmem>>)
        %dma_start3A_112 = arith.constant 0 : i32
        %dma_start3A_113 = tpu.memref_slice %arg9[%add3A_94, %dma_start3A_112] : memref<64x128xi32, #tpu.memory_space<vmem>> -> memref<1x128xi32, #tpu.memory_space<vmem>>
        %dma_start3A_114 = tpu.memref_squeeze %dma_start3A_113 : memref<1x128xi32, #tpu.memory_space<vmem>> -> memref<128xi32, #tpu.memory_space<vmem>>
        %dma_start3A_115 = arith.constant 0 : i32
        %dma_start3A_116 = arith.constant 0 : i32
        %dma_start3A_117 = tpu.memref_slice %arg7[%dma_start3A_115, %dma_start3A_116] : memref<10112x128xf32, #tpu.memory_space<vmem_shared>> -> memref<10112x128xf32, #tpu.memory_space<vmem_shared>>
        tpu.enqueue_indirect_dma source(%arg11 : memref<128x128xf32, #tpu.memory_space<vmem>>) target(%dma_start3A_117 : memref<10112x128xf32, #tpu.memory_space<vmem_shared>>) offsets(%dma_start3A_114 : memref<128xi32, #tpu.memory_space<vmem>>) semaphore(%arg15 : memref<!tpu.dma_semaphore, #tpu.memory_space<semaphore_mem>>) {add = true}
        %dma_wait3A_118 = arith.constant 0 : i32
        %dma_wait3A_119 = tpu.memref_slice %arg9[%mul3A_92, %dma_wait3A_118] : memref<64x128xi32, #tpu.memory_space<vmem>> -> memref<1x128xi32, #tpu.memory_space<vmem>>
        %dma_wait3A_120 = tpu.memref_squeeze %dma_wait3A_119 : memref<1x128xi32, #tpu.memory_space<vmem>> -> memref<128xi32, #tpu.memory_space<vmem>>
        %dma_wait3A_121 = arith.constant 0 : i32
        %dma_wait3A_122 = arith.constant 0 : i32
        %dma_wait3A_123 = tpu.memref_slice %arg7[%dma_wait3A_121, %dma_wait3A_122] : memref<10112x128xf32, #tpu.memory_space<vmem_shared>> -> memref<10112x128xf32, #tpu.memory_space<vmem_shared>>
        tpu.wait_indirect_dma semaphore(%arg14 : memref<!tpu.dma_semaphore, #tpu.memory_space<semaphore_mem>>) src(%arg10 : memref<128x128xf32, #tpu.memory_space<vmem>>) dst(%dma_wait3A_123 : memref<10112x128xf32, #tpu.memory_space<vmem_shared>>)
        %add3A_124 = arith.constant 2 : i32
        %add3A_125 = arith.addi %mul3A_92, %add3A_124 : i32
        %lt3A = arith.constant 64 : i32
        %lt3A_126 = arith.cmpi slt, %add3A_125, %lt3A : i32
        %convert_element_type3A_127 = arith.extui %lt3A_126 : i1 to i32
        %cond3A_128 = arith.constant 0 : i32
        %cond3A_129 = arith.cmpi ne, %convert_element_type3A_127, %cond3A_128 : i32
        scf.if %cond3A_129 {
          %add3A_143 = arith.constant 2 : i32
          %add3A_144 = arith.addi %mul3A_92, %add3A_143 : i32
          %dma_start3A_145 = arith.constant 0 : i32
          %dma_start3A_146 = tpu.memref_slice %arg8[%add3A_144, %dma_start3A_145] : memref<64x128xi32, #tpu.memory_space<vmem>> -> memref<1x128xi32, #tpu.memory_space<vmem>>
          %dma_start3A_147 = tpu.memref_squeeze %dma_start3A_146 : memref<1x128xi32, #tpu.memory_space<vmem>> -> memref<128xi32, #tpu.memory_space<vmem>>
          %dma_start3A_148 = arith.constant 0 : i32
          %dma_start3A_149 = arith.constant 0 : i32
          %dma_start3A_150 = tpu.memref_slice %arg2[%dma_start3A_148, %dma_start3A_149] : memref<10000x128xf32, #tpu.memory_space<hbm>> -> memref<10000x128xf32, #tpu.memory_space<hbm>>
          tpu.enqueue_indirect_dma source(%dma_start3A_150 : memref<10000x128xf32, #tpu.memory_space<hbm>>) target(%arg10 : memref<128x128xf32, #tpu.memory_space<vmem>>) offsets(%dma_start3A_147 : memref<128xi32, #tpu.memory_space<vmem>>) semaphore(%arg12 : memref<!tpu.dma_semaphore, #tpu.memory_space<semaphore_mem>>)
        } else {
        }
        %dma_wait3A_130 = arith.constant 0 : i32
        %dma_wait3A_131 = tpu.memref_slice %arg9[%add3A_94, %dma_wait3A_130] : memref<64x128xi32, #tpu.memory_space<vmem>> -> memref<1x128xi32, #tpu.memory_space<vmem>>
        %dma_wait3A_132 = tpu.memref_squeeze %dma_wait3A_131 : memref<1x128xi32, #tpu.memory_space<vmem>> -> memref<128xi32, #tpu.memory_space<vmem>>
        %dma_wait3A_133 = arith.constant 0 : i32
        %dma_wait3A_134 = arith.constant 0 : i32
        %dma_wait3A_135 = tpu.memref_slice %arg7[%dma_wait3A_133, %dma_wait3A_134] : memref<10112x128xf32, #tpu.memory_space<vmem_shared>> -> memref<10112x128xf32, #tpu.memory_space<vmem_shared>>
        tpu.wait_indirect_dma semaphore(%arg15 : memref<!tpu.dma_semaphore, #tpu.memory_space<semaphore_mem>>) src(%arg11 : memref<128x128xf32, #tpu.memory_space<vmem>>) dst(%dma_wait3A_135 : memref<10112x128xf32, #tpu.memory_space<vmem_shared>>)
        %add3A_136 = arith.constant 2 : i32
        %add3A_137 = arith.addi %add3A_94, %add3A_136 : i32
        %lt3A_138 = arith.constant 64 : i32
        %lt3A_139 = arith.cmpi slt, %add3A_137, %lt3A_138 : i32
        %convert_element_type3A_140 = arith.extui %lt3A_139 : i1 to i32
        %cond3A_141 = arith.constant 0 : i32
        %cond3A_142 = arith.cmpi ne, %convert_element_type3A_140, %cond3A_141 : i32
        scf.if %cond3A_142 {
          %add3A_143 = arith.constant 2 : i32
          %add3A_144 = arith.addi %add3A_94, %add3A_143 : i32
          %dma_start3A_145 = arith.constant 0 : i32
          %dma_start3A_146 = tpu.memref_slice %arg8[%add3A_144, %dma_start3A_145] : memref<64x128xi32, #tpu.memory_space<vmem>> -> memref<1x128xi32, #tpu.memory_space<vmem>>
          %dma_start3A_147 = tpu.memref_squeeze %dma_start3A_146 : memref<1x128xi32, #tpu.memory_space<vmem>> -> memref<128xi32, #tpu.memory_space<vmem>>
          %dma_start3A_148 = arith.constant 0 : i32
          %dma_start3A_149 = arith.constant 0 : i32
          %dma_start3A_150 = tpu.memref_slice %arg2[%dma_start3A_148, %dma_start3A_149] : memref<10000x128xf32, #tpu.memory_space<hbm>> -> memref<10000x128xf32, #tpu.memory_space<hbm>>
          tpu.enqueue_indirect_dma source(%dma_start3A_150 : memref<10000x128xf32, #tpu.memory_space<hbm>>) target(%arg11 : memref<128x128xf32, #tpu.memory_space<vmem>>) offsets(%dma_start3A_147 : memref<128xi32, #tpu.memory_space<vmem>>) semaphore(%arg13 : memref<!tpu.dma_semaphore, #tpu.memory_space<semaphore_mem>>)
        } else {
        }
      }
      %scan3A_67 = arith.constant 32 : i32
      %add3A_68 = arith.constant 64 : i32
      %add3A_69 = arith.addi %mul3A_47, %add3A_68 : i32
      "tpu.region"() ({
        %run_scoped3A = tpu.sem_alloc : memref<!tpu.dma_semaphore, #tpu.memory_space<semaphore_mem>>
        %dma_start3A_90 = arith.constant 0 : i32
        %dma_start3A_91 = arith.constant 0 : i32
        %dma_start3A_92 = tpu.memref_slice %arg8[%dma_start3A_90, %dma_start3A_91] : memref<64x128xi32, #tpu.memory_space<vmem>> -> memref<64x128xi32, #tpu.memory_space<vmem>>
        %dma_start3A_93 = arith.constant 0 : i32
        %dma_start3A_94 = tpu.memref_slice %arg3[%add3A_69, %dma_start3A_93] : memref<2560x128xi32, #tpu.memory_space<hbm>> -> memref<64x128xi32, #tpu.memory_space<hbm>>
        %dma_start3A_95 = arith.constant 0 : i32
        %dma_start3A_96 = arith.constant 0 : i32
        %dma_start3A_97 = tpu.memref_slice %arg8[%dma_start3A_95, %dma_start3A_96] : memref<64x128xi32, #tpu.memory_space<vmem>> -> memref<64x128xi32, #tpu.memory_space<vmem>>
        %dma_start3A_98 = arith.constant 0 : i32
        %dma_start3A_99 = tpu.memref_slice %arg3[%add3A_69, %dma_start3A_98] : memref<2560x128xi32, #tpu.memory_space<hbm>> -> memref<64x128xi32, #tpu.memory_space<hbm>>
        tpu.enqueue_dma source(%dma_start3A_99 : memref<64x128xi32, #tpu.memory_space<hbm>>) target(%dma_start3A_97 : memref<64x128xi32, #tpu.memory_space<vmem>>) target_semaphore(%run_scoped3A : memref<!tpu.dma_semaphore, #tpu.memory_space<semaphore_mem>>)
        %dma_wait3A = arith.constant 0 : i32
        %dma_wait3A_100 = arith.constant 0 : i32
        %dma_wait3A_101 = tpu.memref_slice %arg8[%dma_wait3A, %dma_wait3A_100] : memref<64x128xi32, #tpu.memory_space<vmem>> -> memref<64x128xi32, #tpu.memory_space<vmem>>
        %dma_wait3A_102 = arith.constant 0 : i32
        %dma_wait3A_103 = tpu.memref_slice %arg3[%add3A_69, %dma_wait3A_102] : memref<2560x128xi32, #tpu.memory_space<hbm>> -> memref<64x128xi32, #tpu.memory_space<hbm>>
        %dma_wait3A_104 = arith.constant 0 : i32
        %dma_wait3A_105 = arith.constant 0 : i32
        %dma_wait3A_106 = tpu.memref_slice %arg8[%dma_wait3A_104, %dma_wait3A_105] : memref<64x128xi32, #tpu.memory_space<vmem>> -> memref<64x128xi32, #tpu.memory_space<vmem>>
        %dma_wait3A_107 = arith.constant 0 : i32
        %dma_wait3A_108 = tpu.memref_slice %arg3[%add3A_69, %dma_wait3A_107] : memref<2560x128xi32, #tpu.memory_space<hbm>> -> memref<64x128xi32, #tpu.memory_space<hbm>>
        tpu.wait_dma2 semaphore(%run_scoped3A : memref<!tpu.dma_semaphore, #tpu.memory_space<semaphore_mem>>) src(%dma_wait3A_108 : memref<64x128xi32, #tpu.memory_space<hbm>>) dst(%dma_wait3A_106 : memref<64x128xi32, #tpu.memory_space<vmem>>)
        tpu.yield
      }) : () -> ()
      "tpu.region"() ({
        %run_scoped3A = tpu.sem_alloc : memref<!tpu.dma_semaphore, #tpu.memory_space<semaphore_mem>>
        %dma_start3A_90 = arith.constant 0 : i32
        %dma_start3A_91 = arith.constant 0 : i32
        %dma_start3A_92 = tpu.memref_slice %arg9[%dma_start3A_90, %dma_start3A_91] : memref<64x128xi32, #tpu.memory_space<vmem>> -> memref<64x128xi32, #tpu.memory_space<vmem>>
        %dma_start3A_93 = arith.constant 0 : i32
        %dma_start3A_94 = tpu.memref_slice %arg4[%add3A_69, %dma_start3A_93] : memref<2560x128xi32, #tpu.memory_space<hbm>> -> memref<64x128xi32, #tpu.memory_space<hbm>>
        %dma_start3A_95 = arith.constant 0 : i32
        %dma_start3A_96 = arith.constant 0 : i32
        %dma_start3A_97 = tpu.memref_slice %arg9[%dma_start3A_95, %dma_start3A_96] : memref<64x128xi32, #tpu.memory_space<vmem>> -> memref<64x128xi32, #tpu.memory_space<vmem>>
        %dma_start3A_98 = arith.constant 0 : i32
        %dma_start3A_99 = tpu.memref_slice %arg4[%add3A_69, %dma_start3A_98] : memref<2560x128xi32, #tpu.memory_space<hbm>> -> memref<64x128xi32, #tpu.memory_space<hbm>>
        tpu.enqueue_dma source(%dma_start3A_99 : memref<64x128xi32, #tpu.memory_space<hbm>>) target(%dma_start3A_97 : memref<64x128xi32, #tpu.memory_space<vmem>>) target_semaphore(%run_scoped3A : memref<!tpu.dma_semaphore, #tpu.memory_space<semaphore_mem>>)
        %dma_wait3A = arith.constant 0 : i32
        %dma_wait3A_100 = arith.constant 0 : i32
        %dma_wait3A_101 = tpu.memref_slice %arg9[%dma_wait3A, %dma_wait3A_100] : memref<64x128xi32, #tpu.memory_space<vmem>> -> memref<64x128xi32, #tpu.memory_space<vmem>>
        %dma_wait3A_102 = arith.constant 0 : i32
        %dma_wait3A_103 = tpu.memref_slice %arg4[%add3A_69, %dma_wait3A_102] : memref<2560x128xi32, #tpu.memory_space<hbm>> -> memref<64x128xi32, #tpu.memory_space<hbm>>
        %dma_wait3A_104 = arith.constant 0 : i32
        %dma_wait3A_105 = arith.constant 0 : i32
        %dma_wait3A_106 = tpu.memref_slice %arg9[%dma_wait3A_104, %dma_wait3A_105] : memref<64x128xi32, #tpu.memory_space<vmem>> -> memref<64x128xi32, #tpu.memory_space<vmem>>
        %dma_wait3A_107 = arith.constant 0 : i32
        %dma_wait3A_108 = tpu.memref_slice %arg4[%add3A_69, %dma_wait3A_107] : memref<2560x128xi32, #tpu.memory_space<hbm>> -> memref<64x128xi32, #tpu.memory_space<hbm>>
        tpu.wait_dma2 semaphore(%run_scoped3A : memref<!tpu.dma_semaphore, #tpu.memory_space<semaphore_mem>>) src(%dma_wait3A_108 : memref<64x128xi32, #tpu.memory_space<hbm>>) dst(%dma_wait3A_106 : memref<64x128xi32, #tpu.memory_space<vmem>>)
        tpu.yield
      }) : () -> ()
      %dma_start3A_70 = arith.constant 0 : i32
      %dma_start3A_71 = arith.constant 0 : i32
      %dma_start3A_72 = tpu.memref_slice %arg8[%dma_start3A_70, %dma_start3A_71] : memref<64x128xi32, #tpu.memory_space<vmem>> -> memref<1x128xi32, #tpu.memory_space<vmem>>
      %dma_start3A_73 = tpu.memref_squeeze %dma_start3A_72 : memref<1x128xi32, #tpu.memory_space<vmem>> -> memref<128xi32, #tpu.memory_space<vmem>>
      %dma_start3A_74 = arith.constant 0 : i32
      %dma_start3A_75 = arith.constant 0 : i32
      %dma_start3A_76 = tpu.memref_slice %arg2[%dma_start3A_74, %dma_start3A_75] : memref<10000x128xf32, #tpu.memory_space<hbm>> -> memref<10000x128xf32, #tpu.memory_space<hbm>>
      tpu.enqueue_indirect_dma source(%dma_start3A_76 : memref<10000x128xf32, #tpu.memory_space<hbm>>) target(%arg10 : memref<128x128xf32, #tpu.memory_space<vmem>>) offsets(%dma_start3A_73 : memref<128xi32, #tpu.memory_space<vmem>>) semaphore(%arg12 : memref<!tpu.dma_semaphore, #tpu.memory_space<semaphore_mem>>)
      %dma_start3A_77 = arith.constant 1 : i32
      %dma_start3A_78 = arith.constant 0 : i32
      %dma_start3A_79 = tpu.memref_slice %arg8[%dma_start3A_77, %dma_start3A_78] : memref<64x128xi32, #tpu.memory_space<vmem>> -> memref<1x128xi32, #tpu.memory_space<vmem>>
      %dma_start3A_80 = tpu.memref_squeeze %dma_start3A_79 : memref<1x128xi32, #tpu.memory_space<vmem>> -> memref<128xi32, #tpu.memory_space<vmem>>
      %dma_start3A_81 = arith.constant 0 : i32
      %dma_start3A_82 = arith.constant 0 : i32
      %dma_start3A_83 = tpu.memref_slice %arg2[%dma_start3A_81, %dma_start3A_82] : memref<10000x128xf32, #tpu.memory_space<hbm>> -> memref<10000x128xf32, #tpu.memory_space<hbm>>
      tpu.enqueue_indirect_dma source(%dma_start3A_83 : memref<10000x128xf32, #tpu.memory_space<hbm>>) target(%arg11 : memref<128x128xf32, #tpu.memory_space<vmem>>) offsets(%dma_start3A_80 : memref<128xi32, #tpu.memory_space<vmem>>) semaphore(%arg13 : memref<!tpu.dma_semaphore, #tpu.memory_space<semaphore_mem>>)
      %scan3A_84 = arith.constant 0 : i32
      %scan3A_85 = arith.constant 0 : i32
      %scan3A_86 = arith.constant 32 : i32
      %scan3A_87 = arith.addi %scan3A_85, %scan3A_86 : i32
      %scan3A_88 = arith.constant 1 : i32
      scf.for %scan3A_90 = %scan3A_85 to %scan3A_87 step %scan3A_88  : i32 {
        %mul3A_91 = arith.constant 2 : i32
        %mul3A_92 = arith.muli %mul3A_91, %scan3A_90 : i32
        %add3A_93 = arith.constant 1 : i32
        %add3A_94 = arith.addi %mul3A_92, %add3A_93 : i32
        %dma_wait3A = arith.constant 0 : i32
        %dma_wait3A_95 = tpu.memref_slice %arg8[%mul3A_92, %dma_wait3A] : memref<64x128xi32, #tpu.memory_space<vmem>> -> memref<1x128xi32, #tpu.memory_space<vmem>>
        %dma_wait3A_96 = tpu.memref_squeeze %dma_wait3A_95 : memref<1x128xi32, #tpu.memory_space<vmem>> -> memref<128xi32, #tpu.memory_space<vmem>>
        %dma_wait3A_97 = arith.constant 0 : i32
        %dma_wait3A_98 = arith.constant 0 : i32
        %dma_wait3A_99 = tpu.memref_slice %arg2[%dma_wait3A_97, %dma_wait3A_98] : memref<10000x128xf32, #tpu.memory_space<hbm>> -> memref<10000x128xf32, #tpu.memory_space<hbm>>
        tpu.wait_indirect_dma semaphore(%arg12 : memref<!tpu.dma_semaphore, #tpu.memory_space<semaphore_mem>>) src(%dma_wait3A_99 : memref<10000x128xf32, #tpu.memory_space<hbm>>) dst(%arg10 : memref<128x128xf32, #tpu.memory_space<vmem>>)
        %dma_start3A_100 = arith.constant 0 : i32
        %dma_start3A_101 = tpu.memref_slice %arg9[%mul3A_92, %dma_start3A_100] : memref<64x128xi32, #tpu.memory_space<vmem>> -> memref<1x128xi32, #tpu.memory_space<vmem>>
        %dma_start3A_102 = tpu.memref_squeeze %dma_start3A_101 : memref<1x128xi32, #tpu.memory_space<vmem>> -> memref<128xi32, #tpu.memory_space<vmem>>
        %dma_start3A_103 = arith.constant 0 : i32
        %dma_start3A_104 = arith.constant 0 : i32
        %dma_start3A_105 = tpu.memref_slice %arg7[%dma_start3A_103, %dma_start3A_104] : memref<10112x128xf32, #tpu.memory_space<vmem_shared>> -> memref<10112x128xf32, #tpu.memory_space<vmem_shared>>
        tpu.enqueue_indirect_dma source(%arg10 : memref<128x128xf32, #tpu.memory_space<vmem>>) target(%dma_start3A_105 : memref<10112x128xf32, #tpu.memory_space<vmem_shared>>) offsets(%dma_start3A_102 : memref<128xi32, #tpu.memory_space<vmem>>) semaphore(%arg14 : memref<!tpu.dma_semaphore, #tpu.memory_space<semaphore_mem>>) {add = true}
        %dma_wait3A_106 = arith.constant 0 : i32
        %dma_wait3A_107 = tpu.memref_slice %arg8[%add3A_94, %dma_wait3A_106] : memref<64x128xi32, #tpu.memory_space<vmem>> -> memref<1x128xi32, #tpu.memory_space<vmem>>
        %dma_wait3A_108 = tpu.memref_squeeze %dma_wait3A_107 : memref<1x128xi32, #tpu.memory_space<vmem>> -> memref<128xi32, #tpu.memory_space<vmem>>
        %dma_wait3A_109 = arith.constant 0 : i32
        %dma_wait3A_110 = arith.constant 0 : i32
        %dma_wait3A_111 = tpu.memref_slice %arg2[%dma_wait3A_109, %dma_wait3A_110] : memref<10000x128xf32, #tpu.memory_space<hbm>> -> memref<10000x128xf32, #tpu.memory_space<hbm>>
        tpu.wait_indirect_dma semaphore(%arg13 : memref<!tpu.dma_semaphore, #tpu.memory_space<semaphore_mem>>) src(%dma_wait3A_111 : memref<10000x128xf32, #tpu.memory_space<hbm>>) dst(%arg11 : memref<128x128xf32, #tpu.memory_space<vmem>>)
        %dma_start3A_112 = arith.constant 0 : i32
        %dma_start3A_113 = tpu.memref_slice %arg9[%add3A_94, %dma_start3A_112] : memref<64x128xi32, #tpu.memory_space<vmem>> -> memref<1x128xi32, #tpu.memory_space<vmem>>
        %dma_start3A_114 = tpu.memref_squeeze %dma_start3A_113 : memref<1x128xi32, #tpu.memory_space<vmem>> -> memref<128xi32, #tpu.memory_space<vmem>>
        %dma_start3A_115 = arith.constant 0 : i32
        %dma_start3A_116 = arith.constant 0 : i32
        %dma_start3A_117 = tpu.memref_slice %arg7[%dma_start3A_115, %dma_start3A_116] : memref<10112x128xf32, #tpu.memory_space<vmem_shared>> -> memref<10112x128xf32, #tpu.memory_space<vmem_shared>>
        tpu.enqueue_indirect_dma source(%arg11 : memref<128x128xf32, #tpu.memory_space<vmem>>) target(%dma_start3A_117 : memref<10112x128xf32, #tpu.memory_space<vmem_shared>>) offsets(%dma_start3A_114 : memref<128xi32, #tpu.memory_space<vmem>>) semaphore(%arg15 : memref<!tpu.dma_semaphore, #tpu.memory_space<semaphore_mem>>) {add = true}
        %dma_wait3A_118 = arith.constant 0 : i32
        %dma_wait3A_119 = tpu.memref_slice %arg9[%mul3A_92, %dma_wait3A_118] : memref<64x128xi32, #tpu.memory_space<vmem>> -> memref<1x128xi32, #tpu.memory_space<vmem>>
        %dma_wait3A_120 = tpu.memref_squeeze %dma_wait3A_119 : memref<1x128xi32, #tpu.memory_space<vmem>> -> memref<128xi32, #tpu.memory_space<vmem>>
        %dma_wait3A_121 = arith.constant 0 : i32
        %dma_wait3A_122 = arith.constant 0 : i32
        %dma_wait3A_123 = tpu.memref_slice %arg7[%dma_wait3A_121, %dma_wait3A_122] : memref<10112x128xf32, #tpu.memory_space<vmem_shared>> -> memref<10112x128xf32, #tpu.memory_space<vmem_shared>>
        tpu.wait_indirect_dma semaphore(%arg14 : memref<!tpu.dma_semaphore, #tpu.memory_space<semaphore_mem>>) src(%arg10 : memref<128x128xf32, #tpu.memory_space<vmem>>) dst(%dma_wait3A_123 : memref<10112x128xf32, #tpu.memory_space<vmem_shared>>)
        %add3A_124 = arith.constant 2 : i32
        %add3A_125 = arith.addi %mul3A_92, %add3A_124 : i32
        %lt3A = arith.constant 64 : i32
        %lt3A_126 = arith.cmpi slt, %add3A_125, %lt3A : i32
        %convert_element_type3A_127 = arith.extui %lt3A_126 : i1 to i32
        %cond3A_128 = arith.constant 0 : i32
        %cond3A_129 = arith.cmpi ne, %convert_element_type3A_127, %cond3A_128 : i32
        scf.if %cond3A_129 {
          %add3A_143 = arith.constant 2 : i32
          %add3A_144 = arith.addi %mul3A_92, %add3A_143 : i32
          %dma_start3A_145 = arith.constant 0 : i32
          %dma_start3A_146 = tpu.memref_slice %arg8[%add3A_144, %dma_start3A_145] : memref<64x128xi32, #tpu.memory_space<vmem>> -> memref<1x128xi32, #tpu.memory_space<vmem>>
          %dma_start3A_147 = tpu.memref_squeeze %dma_start3A_146 : memref<1x128xi32, #tpu.memory_space<vmem>> -> memref<128xi32, #tpu.memory_space<vmem>>
          %dma_start3A_148 = arith.constant 0 : i32
          %dma_start3A_149 = arith.constant 0 : i32
          %dma_start3A_150 = tpu.memref_slice %arg2[%dma_start3A_148, %dma_start3A_149] : memref<10000x128xf32, #tpu.memory_space<hbm>> -> memref<10000x128xf32, #tpu.memory_space<hbm>>
          tpu.enqueue_indirect_dma source(%dma_start3A_150 : memref<10000x128xf32, #tpu.memory_space<hbm>>) target(%arg10 : memref<128x128xf32, #tpu.memory_space<vmem>>) offsets(%dma_start3A_147 : memref<128xi32, #tpu.memory_space<vmem>>) semaphore(%arg12 : memref<!tpu.dma_semaphore, #tpu.memory_space<semaphore_mem>>)
        } else {
        }
        %dma_wait3A_130 = arith.constant 0 : i32
        %dma_wait3A_131 = tpu.memref_slice %arg9[%add3A_94, %dma_wait3A_130] : memref<64x128xi32, #tpu.memory_space<vmem>> -> memref<1x128xi32, #tpu.memory_space<vmem>>
        %dma_wait3A_132 = tpu.memref_squeeze %dma_wait3A_131 : memref<1x128xi32, #tpu.memory_space<vmem>> -> memref<128xi32, #tpu.memory_space<vmem>>
        %dma_wait3A_133 = arith.constant 0 : i32
        %dma_wait3A_134 = arith.constant 0 : i32
        %dma_wait3A_135 = tpu.memref_slice %arg7[%dma_wait3A_133, %dma_wait3A_134] : memref<10112x128xf32, #tpu.memory_space<vmem_shared>> -> memref<10112x128xf32, #tpu.memory_space<vmem_shared>>
        tpu.wait_indirect_dma semaphore(%arg15 : memref<!tpu.dma_semaphore, #tpu.memory_space<semaphore_mem>>) src(%arg11 : memref<128x128xf32, #tpu.memory_space<vmem>>) dst(%dma_wait3A_135 : memref<10112x128xf32, #tpu.memory_space<vmem_shared>>)
        %add3A_136 = arith.constant 2 : i32
        %add3A_137 = arith.addi %add3A_94, %add3A_136 : i32
        %lt3A_138 = arith.constant 64 : i32
        %lt3A_139 = arith.cmpi slt, %add3A_137, %lt3A_138 : i32
        %convert_element_type3A_140 = arith.extui %lt3A_139 : i1 to i32
        %cond3A_141 = arith.constant 0 : i32
        %cond3A_142 = arith.cmpi ne, %convert_element_type3A_140, %cond3A_141 : i32
        scf.if %cond3A_142 {
          %add3A_143 = arith.constant 2 : i32
          %add3A_144 = arith.addi %add3A_94, %add3A_143 : i32
          %dma_start3A_145 = arith.constant 0 : i32
          %dma_start3A_146 = tpu.memref_slice %arg8[%add3A_144, %dma_start3A_145] : memref<64x128xi32, #tpu.memory_space<vmem>> -> memref<1x128xi32, #tpu.memory_space<vmem>>
          %dma_start3A_147 = tpu.memref_squeeze %dma_start3A_146 : memref<1x128xi32, #tpu.memory_space<vmem>> -> memref<128xi32, #tpu.memory_space<vmem>>
          %dma_start3A_148 = arith.constant 0 : i32
          %dma_start3A_149 = arith.constant 0 : i32
          %dma_start3A_150 = tpu.memref_slice %arg2[%dma_start3A_148, %dma_start3A_149] : memref<10000x128xf32, #tpu.memory_space<hbm>> -> memref<10000x128xf32, #tpu.memory_space<hbm>>
          tpu.enqueue_indirect_dma source(%dma_start3A_150 : memref<10000x128xf32, #tpu.memory_space<hbm>>) target(%arg11 : memref<128x128xf32, #tpu.memory_space<vmem>>) offsets(%dma_start3A_147 : memref<128xi32, #tpu.memory_space<vmem>>) semaphore(%arg13 : memref<!tpu.dma_semaphore, #tpu.memory_space<semaphore_mem>>)
        } else {
        }
      }
      %scan3A_89 = arith.constant 32 : i32
    } else {
    }
    %eq3A_20 = arith.constant 1 : i32
    %eq3A_21 = arith.cmpi eq, %arg0, %eq3A_20 : i32
    %convert_element_type3A_22 = arith.extui %eq3A_21 : i1 to i32
    %cond3A_23 = arith.constant 0 : i32
    %cond3A_24 = arith.cmpi ne, %convert_element_type3A_22, %cond3A_23 : i32
    scf.if %cond3A_24 {
      %mul3A_46 = arith.constant 32 : i32
      %mul3A_47 = arith.muli %arg1, %mul3A_46 : i32
      %add3A_48 = arith.constant 2048 : i32
      %add3A_49 = arith.addi %add3A_48, %mul3A_47 : i32
      %add3A_50 = arith.constant 0 : i32
      %add3A_51 = arith.addi %add3A_49, %add3A_50 : i32
      "tpu.region"() ({
        %run_scoped3A = tpu.sem_alloc : memref<!tpu.dma_semaphore, #tpu.memory_space<semaphore_mem>>
        %dma_start3A_70 = arith.constant 0 : i32
        %dma_start3A_71 = arith.constant 0 : i32
        %dma_start3A_72 = tpu.memref_slice %arg8[%dma_start3A_70, %dma_start3A_71] : memref<64x128xi32, #tpu.memory_space<vmem>> -> memref<32x128xi32, #tpu.memory_space<vmem>>
        %dma_start3A_73 = arith.constant 0 : i32
        %dma_start3A_74 = tpu.memref_slice %arg3[%add3A_51, %dma_start3A_73] : memref<2560x128xi32, #tpu.memory_space<hbm>> -> memref<32x128xi32, #tpu.memory_space<hbm>>
        %dma_start3A_75 = arith.constant 0 : i32
        %dma_start3A_76 = arith.constant 0 : i32
        %dma_start3A_77 = tpu.memref_slice %arg8[%dma_start3A_75, %dma_start3A_76] : memref<64x128xi32, #tpu.memory_space<vmem>> -> memref<32x128xi32, #tpu.memory_space<vmem>>
        %dma_start3A_78 = arith.constant 0 : i32
        %dma_start3A_79 = tpu.memref_slice %arg3[%add3A_51, %dma_start3A_78] : memref<2560x128xi32, #tpu.memory_space<hbm>> -> memref<32x128xi32, #tpu.memory_space<hbm>>
        tpu.enqueue_dma source(%dma_start3A_79 : memref<32x128xi32, #tpu.memory_space<hbm>>) target(%dma_start3A_77 : memref<32x128xi32, #tpu.memory_space<vmem>>) target_semaphore(%run_scoped3A : memref<!tpu.dma_semaphore, #tpu.memory_space<semaphore_mem>>)
        %dma_wait3A = arith.constant 0 : i32
        %dma_wait3A_80 = arith.constant 0 : i32
        %dma_wait3A_81 = tpu.memref_slice %arg8[%dma_wait3A, %dma_wait3A_80] : memref<64x128xi32, #tpu.memory_space<vmem>> -> memref<32x128xi32, #tpu.memory_space<vmem>>
        %dma_wait3A_82 = arith.constant 0 : i32
        %dma_wait3A_83 = tpu.memref_slice %arg3[%add3A_51, %dma_wait3A_82] : memref<2560x128xi32, #tpu.memory_space<hbm>> -> memref<32x128xi32, #tpu.memory_space<hbm>>
        %dma_wait3A_84 = arith.constant 0 : i32
        %dma_wait3A_85 = arith.constant 0 : i32
        %dma_wait3A_86 = tpu.memref_slice %arg8[%dma_wait3A_84, %dma_wait3A_85] : memref<64x128xi32, #tpu.memory_space<vmem>> -> memref<32x128xi32, #tpu.memory_space<vmem>>
        %dma_wait3A_87 = arith.constant 0 : i32
        %dma_wait3A_88 = tpu.memref_slice %arg3[%add3A_51, %dma_wait3A_87] : memref<2560x128xi32, #tpu.memory_space<hbm>> -> memref<32x128xi32, #tpu.memory_space<hbm>>
        tpu.wait_dma2 semaphore(%run_scoped3A : memref<!tpu.dma_semaphore, #tpu.memory_space<semaphore_mem>>) src(%dma_wait3A_88 : memref<32x128xi32, #tpu.memory_space<hbm>>) dst(%dma_wait3A_86 : memref<32x128xi32, #tpu.memory_space<vmem>>)
        tpu.yield
      }) : () -> ()
      "tpu.region"() ({
        %run_scoped3A = tpu.sem_alloc : memref<!tpu.dma_semaphore, #tpu.memory_space<semaphore_mem>>
        %dma_start3A_70 = arith.constant 0 : i32
        %dma_start3A_71 = arith.constant 0 : i32
        %dma_start3A_72 = tpu.memref_slice %arg9[%dma_start3A_70, %dma_start3A_71] : memref<64x128xi32, #tpu.memory_space<vmem>> -> memref<32x128xi32, #tpu.memory_space<vmem>>
        %dma_start3A_73 = arith.constant 0 : i32
        %dma_start3A_74 = tpu.memref_slice %arg4[%add3A_51, %dma_start3A_73] : memref<2560x128xi32, #tpu.memory_space<hbm>> -> memref<32x128xi32, #tpu.memory_space<hbm>>
        %dma_start3A_75 = arith.constant 0 : i32
        %dma_start3A_76 = arith.constant 0 : i32
        %dma_start3A_77 = tpu.memref_slice %arg9[%dma_start3A_75, %dma_start3A_76] : memref<64x128xi32, #tpu.memory_space<vmem>> -> memref<32x128xi32, #tpu.memory_space<vmem>>
        %dma_start3A_78 = arith.constant 0 : i32
        %dma_start3A_79 = tpu.memref_slice %arg4[%add3A_51, %dma_start3A_78] : memref<2560x128xi32, #tpu.memory_space<hbm>> -> memref<32x128xi32, #tpu.memory_space<hbm>>
        tpu.enqueue_dma source(%dma_start3A_79 : memref<32x128xi32, #tpu.memory_space<hbm>>) target(%dma_start3A_77 : memref<32x128xi32, #tpu.memory_space<vmem>>) target_semaphore(%run_scoped3A : memref<!tpu.dma_semaphore, #tpu.memory_space<semaphore_mem>>)
        %dma_wait3A = arith.constant 0 : i32
        %dma_wait3A_80 = arith.constant 0 : i32
        %dma_wait3A_81 = tpu.memref_slice %arg9[%dma_wait3A, %dma_wait3A_80] : memref<64x128xi32, #tpu.memory_space<vmem>> -> memref<32x128xi32, #tpu.memory_space<vmem>>
        %dma_wait3A_82 = arith.constant 0 : i32
        %dma_wait3A_83 = tpu.memref_slice %arg4[%add3A_51, %dma_wait3A_82] : memref<2560x128xi32, #tpu.memory_space<hbm>> -> memref<32x128xi32, #tpu.memory_space<hbm>>
        %dma_wait3A_84 = arith.constant 0 : i32
        %dma_wait3A_85 = arith.constant 0 : i32
        %dma_wait3A_86 = tpu.memref_slice %arg9[%dma_wait3A_84, %dma_wait3A_85] : memref<64x128xi32, #tpu.memory_space<vmem>> -> memref<32x128xi32, #tpu.memory_space<vmem>>
        %dma_wait3A_87 = arith.constant 0 : i32
        %dma_wait3A_88 = tpu.memref_slice %arg4[%add3A_51, %dma_wait3A_87] : memref<2560x128xi32, #tpu.memory_space<hbm>> -> memref<32x128xi32, #tpu.memory_space<hbm>>
        tpu.wait_dma2 semaphore(%run_scoped3A : memref<!tpu.dma_semaphore, #tpu.memory_space<semaphore_mem>>) src(%dma_wait3A_88 : memref<32x128xi32, #tpu.memory_space<hbm>>) dst(%dma_wait3A_86 : memref<32x128xi32, #tpu.memory_space<vmem>>)
        tpu.yield
      }) : () -> ()
      %dma_start3A = arith.constant 0 : i32
      %dma_start3A_52 = arith.constant 0 : i32
      %dma_start3A_53 = tpu.memref_slice %arg8[%dma_start3A, %dma_start3A_52] : memref<64x128xi32, #tpu.memory_space<vmem>> -> memref<1x128xi32, #tpu.memory_space<vmem>>
      %dma_start3A_54 = tpu.memref_squeeze %dma_start3A_53 : memref<1x128xi32, #tpu.memory_space<vmem>> -> memref<128xi32, #tpu.memory_space<vmem>>
      %dma_start3A_55 = arith.constant 0 : i32
      %dma_start3A_56 = arith.constant 0 : i32
      %dma_start3A_57 = tpu.memref_slice %arg2[%dma_start3A_55, %dma_start3A_56] : memref<10000x128xf32, #tpu.memory_space<hbm>> -> memref<10000x128xf32, #tpu.memory_space<hbm>>
      tpu.enqueue_indirect_dma source(%dma_start3A_57 : memref<10000x128xf32, #tpu.memory_space<hbm>>) target(%arg10 : memref<128x128xf32, #tpu.memory_space<vmem>>) offsets(%dma_start3A_54 : memref<128xi32, #tpu.memory_space<vmem>>) semaphore(%arg12 : memref<!tpu.dma_semaphore, #tpu.memory_space<semaphore_mem>>)
      %dma_start3A_58 = arith.constant 1 : i32
      %dma_start3A_59 = arith.constant 0 : i32
      %dma_start3A_60 = tpu.memref_slice %arg8[%dma_start3A_58, %dma_start3A_59] : memref<64x128xi32, #tpu.memory_space<vmem>> -> memref<1x128xi32, #tpu.memory_space<vmem>>
      %dma_start3A_61 = tpu.memref_squeeze %dma_start3A_60 : memref<1x128xi32, #tpu.memory_space<vmem>> -> memref<128xi32, #tpu.memory_space<vmem>>
      %dma_start3A_62 = arith.constant 0 : i32
      %dma_start3A_63 = arith.constant 0 : i32
      %dma_start3A_64 = tpu.memref_slice %arg2[%dma_start3A_62, %dma_start3A_63] : memref<10000x128xf32, #tpu.memory_space<hbm>> -> memref<10000x128xf32, #tpu.memory_space<hbm>>
      tpu.enqueue_indirect_dma source(%dma_start3A_64 : memref<10000x128xf32, #tpu.memory_space<hbm>>) target(%arg11 : memref<128x128xf32, #tpu.memory_space<vmem>>) offsets(%dma_start3A_61 : memref<128xi32, #tpu.memory_space<vmem>>) semaphore(%arg13 : memref<!tpu.dma_semaphore, #tpu.memory_space<semaphore_mem>>)
      %scan3A = arith.constant 0 : i32
      %scan3A_65 = arith.constant 0 : i32
      %scan3A_66 = arith.constant 16 : i32
      %scan3A_67 = arith.addi %scan3A_65, %scan3A_66 : i32
      %scan3A_68 = arith.constant 1 : i32
      scf.for %scan3A_70 = %scan3A_65 to %scan3A_67 step %scan3A_68  : i32 {
        %mul3A_71 = arith.constant 2 : i32
        %mul3A_72 = arith.muli %mul3A_71, %scan3A_70 : i32
        %add3A_73 = arith.constant 1 : i32
        %add3A_74 = arith.addi %mul3A_72, %add3A_73 : i32
        %dma_wait3A = arith.constant 0 : i32
        %dma_wait3A_75 = tpu.memref_slice %arg8[%mul3A_72, %dma_wait3A] : memref<64x128xi32, #tpu.memory_space<vmem>> -> memref<1x128xi32, #tpu.memory_space<vmem>>
        %dma_wait3A_76 = tpu.memref_squeeze %dma_wait3A_75 : memref<1x128xi32, #tpu.memory_space<vmem>> -> memref<128xi32, #tpu.memory_space<vmem>>
        %dma_wait3A_77 = arith.constant 0 : i32
        %dma_wait3A_78 = arith.constant 0 : i32
        %dma_wait3A_79 = tpu.memref_slice %arg2[%dma_wait3A_77, %dma_wait3A_78] : memref<10000x128xf32, #tpu.memory_space<hbm>> -> memref<10000x128xf32, #tpu.memory_space<hbm>>
        tpu.wait_indirect_dma semaphore(%arg12 : memref<!tpu.dma_semaphore, #tpu.memory_space<semaphore_mem>>) src(%dma_wait3A_79 : memref<10000x128xf32, #tpu.memory_space<hbm>>) dst(%arg10 : memref<128x128xf32, #tpu.memory_space<vmem>>)
        %dma_start3A_80 = arith.constant 0 : i32
        %dma_start3A_81 = tpu.memref_slice %arg9[%mul3A_72, %dma_start3A_80] : memref<64x128xi32, #tpu.memory_space<vmem>> -> memref<1x128xi32, #tpu.memory_space<vmem>>
        %dma_start3A_82 = tpu.memref_squeeze %dma_start3A_81 : memref<1x128xi32, #tpu.memory_space<vmem>> -> memref<128xi32, #tpu.memory_space<vmem>>
        %dma_start3A_83 = arith.constant 0 : i32
        %dma_start3A_84 = arith.constant 0 : i32
        %dma_start3A_85 = tpu.memref_slice %arg7[%dma_start3A_83, %dma_start3A_84] : memref<10112x128xf32, #tpu.memory_space<vmem_shared>> -> memref<10112x128xf32, #tpu.memory_space<vmem_shared>>
        tpu.enqueue_indirect_dma source(%arg10 : memref<128x128xf32, #tpu.memory_space<vmem>>) target(%dma_start3A_85 : memref<10112x128xf32, #tpu.memory_space<vmem_shared>>) offsets(%dma_start3A_82 : memref<128xi32, #tpu.memory_space<vmem>>) semaphore(%arg14 : memref<!tpu.dma_semaphore, #tpu.memory_space<semaphore_mem>>) {add = true}
        %dma_wait3A_86 = arith.constant 0 : i32
        %dma_wait3A_87 = tpu.memref_slice %arg8[%add3A_74, %dma_wait3A_86] : memref<64x128xi32, #tpu.memory_space<vmem>> -> memref<1x128xi32, #tpu.memory_space<vmem>>
        %dma_wait3A_88 = tpu.memref_squeeze %dma_wait3A_87 : memref<1x128xi32, #tpu.memory_space<vmem>> -> memref<128xi32, #tpu.memory_space<vmem>>
        %dma_wait3A_89 = arith.constant 0 : i32
        %dma_wait3A_90 = arith.constant 0 : i32
        %dma_wait3A_91 = tpu.memref_slice %arg2[%dma_wait3A_89, %dma_wait3A_90] : memref<10000x128xf32, #tpu.memory_space<hbm>> -> memref<10000x128xf32, #tpu.memory_space<hbm>>
        tpu.wait_indirect_dma semaphore(%arg13 : memref<!tpu.dma_semaphore, #tpu.memory_space<semaphore_mem>>) src(%dma_wait3A_91 : memref<10000x128xf32, #tpu.memory_space<hbm>>) dst(%arg11 : memref<128x128xf32, #tpu.memory_space<vmem>>)
        %dma_start3A_92 = arith.constant 0 : i32
        %dma_start3A_93 = tpu.memref_slice %arg9[%add3A_74, %dma_start3A_92] : memref<64x128xi32, #tpu.memory_space<vmem>> -> memref<1x128xi32, #tpu.memory_space<vmem>>
        %dma_start3A_94 = tpu.memref_squeeze %dma_start3A_93 : memref<1x128xi32, #tpu.memory_space<vmem>> -> memref<128xi32, #tpu.memory_space<vmem>>
        %dma_start3A_95 = arith.constant 0 : i32
        %dma_start3A_96 = arith.constant 0 : i32
        %dma_start3A_97 = tpu.memref_slice %arg7[%dma_start3A_95, %dma_start3A_96] : memref<10112x128xf32, #tpu.memory_space<vmem_shared>> -> memref<10112x128xf32, #tpu.memory_space<vmem_shared>>
        tpu.enqueue_indirect_dma source(%arg11 : memref<128x128xf32, #tpu.memory_space<vmem>>) target(%dma_start3A_97 : memref<10112x128xf32, #tpu.memory_space<vmem_shared>>) offsets(%dma_start3A_94 : memref<128xi32, #tpu.memory_space<vmem>>) semaphore(%arg15 : memref<!tpu.dma_semaphore, #tpu.memory_space<semaphore_mem>>) {add = true}
        %dma_wait3A_98 = arith.constant 0 : i32
        %dma_wait3A_99 = tpu.memref_slice %arg9[%mul3A_72, %dma_wait3A_98] : memref<64x128xi32, #tpu.memory_space<vmem>> -> memref<1x128xi32, #tpu.memory_space<vmem>>
        %dma_wait3A_100 = tpu.memref_squeeze %dma_wait3A_99 : memref<1x128xi32, #tpu.memory_space<vmem>> -> memref<128xi32, #tpu.memory_space<vmem>>
        %dma_wait3A_101 = arith.constant 0 : i32
        %dma_wait3A_102 = arith.constant 0 : i32
        %dma_wait3A_103 = tpu.memref_slice %arg7[%dma_wait3A_101, %dma_wait3A_102] : memref<10112x128xf32, #tpu.memory_space<vmem_shared>> -> memref<10112x128xf32, #tpu.memory_space<vmem_shared>>
        tpu.wait_indirect_dma semaphore(%arg14 : memref<!tpu.dma_semaphore, #tpu.memory_space<semaphore_mem>>) src(%arg10 : memref<128x128xf32, #tpu.memory_space<vmem>>) dst(%dma_wait3A_103 : memref<10112x128xf32, #tpu.memory_space<vmem_shared>>)
        %add3A_104 = arith.constant 2 : i32
        %add3A_105 = arith.addi %mul3A_72, %add3A_104 : i32
        %lt3A = arith.constant 32 : i32
        %lt3A_106 = arith.cmpi slt, %add3A_105, %lt3A : i32
        %convert_element_type3A_107 = arith.extui %lt3A_106 : i1 to i32
        %cond3A_108 = arith.constant 0 : i32
        %cond3A_109 = arith.cmpi ne, %convert_element_type3A_107, %cond3A_108 : i32
        scf.if %cond3A_109 {
          %add3A_123 = arith.constant 2 : i32
          %add3A_124 = arith.addi %mul3A_72, %add3A_123 : i32
          %dma_start3A_125 = arith.constant 0 : i32
          %dma_start3A_126 = tpu.memref_slice %arg8[%add3A_124, %dma_start3A_125] : memref<64x128xi32, #tpu.memory_space<vmem>> -> memref<1x128xi32, #tpu.memory_space<vmem>>
          %dma_start3A_127 = tpu.memref_squeeze %dma_start3A_126 : memref<1x128xi32, #tpu.memory_space<vmem>> -> memref<128xi32, #tpu.memory_space<vmem>>
          %dma_start3A_128 = arith.constant 0 : i32
          %dma_start3A_129 = arith.constant 0 : i32
          %dma_start3A_130 = tpu.memref_slice %arg2[%dma_start3A_128, %dma_start3A_129] : memref<10000x128xf32, #tpu.memory_space<hbm>> -> memref<10000x128xf32, #tpu.memory_space<hbm>>
          tpu.enqueue_indirect_dma source(%dma_start3A_130 : memref<10000x128xf32, #tpu.memory_space<hbm>>) target(%arg10 : memref<128x128xf32, #tpu.memory_space<vmem>>) offsets(%dma_start3A_127 : memref<128xi32, #tpu.memory_space<vmem>>) semaphore(%arg12 : memref<!tpu.dma_semaphore, #tpu.memory_space<semaphore_mem>>)
        } else {
        }
        %dma_wait3A_110 = arith.constant 0 : i32
        %dma_wait3A_111 = tpu.memref_slice %arg9[%add3A_74, %dma_wait3A_110] : memref<64x128xi32, #tpu.memory_space<vmem>> -> memref<1x128xi32, #tpu.memory_space<vmem>>
        %dma_wait3A_112 = tpu.memref_squeeze %dma_wait3A_111 : memref<1x128xi32, #tpu.memory_space<vmem>> -> memref<128xi32, #tpu.memory_space<vmem>>
        %dma_wait3A_113 = arith.constant 0 : i32
        %dma_wait3A_114 = arith.constant 0 : i32
        %dma_wait3A_115 = tpu.memref_slice %arg7[%dma_wait3A_113, %dma_wait3A_114] : memref<10112x128xf32, #tpu.memory_space<vmem_shared>> -> memref<10112x128xf32, #tpu.memory_space<vmem_shared>>
        tpu.wait_indirect_dma semaphore(%arg15 : memref<!tpu.dma_semaphore, #tpu.memory_space<semaphore_mem>>) src(%arg11 : memref<128x128xf32, #tpu.memory_space<vmem>>) dst(%dma_wait3A_115 : memref<10112x128xf32, #tpu.memory_space<vmem_shared>>)
        %add3A_116 = arith.constant 2 : i32
        %add3A_117 = arith.addi %add3A_74, %add3A_116 : i32
        %lt3A_118 = arith.constant 32 : i32
        %lt3A_119 = arith.cmpi slt, %add3A_117, %lt3A_118 : i32
        %convert_element_type3A_120 = arith.extui %lt3A_119 : i1 to i32
        %cond3A_121 = arith.constant 0 : i32
        %cond3A_122 = arith.cmpi ne, %convert_element_type3A_120, %cond3A_121 : i32
        scf.if %cond3A_122 {
          %add3A_123 = arith.constant 2 : i32
          %add3A_124 = arith.addi %add3A_74, %add3A_123 : i32
          %dma_start3A_125 = arith.constant 0 : i32
          %dma_start3A_126 = tpu.memref_slice %arg8[%add3A_124, %dma_start3A_125] : memref<64x128xi32, #tpu.memory_space<vmem>> -> memref<1x128xi32, #tpu.memory_space<vmem>>
          %dma_start3A_127 = tpu.memref_squeeze %dma_start3A_126 : memref<1x128xi32, #tpu.memory_space<vmem>> -> memref<128xi32, #tpu.memory_space<vmem>>
          %dma_start3A_128 = arith.constant 0 : i32
          %dma_start3A_129 = arith.constant 0 : i32
          %dma_start3A_130 = tpu.memref_slice %arg2[%dma_start3A_128, %dma_start3A_129] : memref<10000x128xf32, #tpu.memory_space<hbm>> -> memref<10000x128xf32, #tpu.memory_space<hbm>>
          tpu.enqueue_indirect_dma source(%dma_start3A_130 : memref<10000x128xf32, #tpu.memory_space<hbm>>) target(%arg11 : memref<128x128xf32, #tpu.memory_space<vmem>>) offsets(%dma_start3A_127 : memref<128xi32, #tpu.memory_space<vmem>>) semaphore(%arg13 : memref<!tpu.dma_semaphore, #tpu.memory_space<semaphore_mem>>)
        } else {
        }
      }
      %scan3A_69 = arith.constant 16 : i32
    } else {
    }
    %barrier3A_25 = arith.constant 0 : index
    tpu.barrier barrier_id(%barrier3A_25)
    %mul3A_26 = arith.constant 632 : i32
    %mul3A_27 = arith.muli %arg1, %mul3A_26 : i32
    %add3A_28 = arith.constant 0 : i32
    %add3A_29 = arith.addi %mul3A_27, %add3A_28 : i32
    "tpu.region"() ({
      %run_scoped3A = tpu.sem_alloc : memref<!tpu.dma_semaphore, #tpu.memory_space<semaphore_mem>>
      %dma_start3A = arith.constant 0 : i32
      %dma_start3A_46 = arith.constant 0 : i32
      %dma_start3A_47 = tpu.memref_slice %arg10[%dma_start3A, %dma_start3A_46] : memref<128x128xf32, #tpu.memory_space<vmem>> -> memref<128x128xf32, #tpu.memory_space<vmem>>
      %dma_start3A_48 = arith.constant 0 : i32
      %dma_start3A_49 = tpu.memref_slice %arg7[%add3A_29, %dma_start3A_48] : memref<10112x128xf32, #tpu.memory_space<vmem_shared>> -> memref<128x128xf32, #tpu.memory_space<vmem_shared>>
      %dma_start3A_50 = arith.constant 0 : i32
      %dma_start3A_51 = arith.constant 0 : i32
      %dma_start3A_52 = tpu.memref_slice %arg10[%dma_start3A_50, %dma_start3A_51] : memref<128x128xf32, #tpu.memory_space<vmem>> -> memref<128x128xf32, #tpu.memory_space<vmem>>
      %dma_start3A_53 = arith.constant 0 : i32
      %dma_start3A_54 = tpu.memref_slice %arg7[%add3A_29, %dma_start3A_53] : memref<10112x128xf32, #tpu.memory_space<vmem_shared>> -> memref<128x128xf32, #tpu.memory_space<vmem_shared>>
      tpu.enqueue_dma source(%dma_start3A_54 : memref<128x128xf32, #tpu.memory_space<vmem_shared>>) target(%dma_start3A_52 : memref<128x128xf32, #tpu.memory_space<vmem>>) target_semaphore(%run_scoped3A : memref<!tpu.dma_semaphore, #tpu.memory_space<semaphore_mem>>)
      %dma_wait3A = arith.constant 0 : i32
      %dma_wait3A_55 = arith.constant 0 : i32
      %dma_wait3A_56 = tpu.memref_slice %arg10[%dma_wait3A, %dma_wait3A_55] : memref<128x128xf32, #tpu.memory_space<vmem>> -> memref<128x128xf32, #tpu.memory_space<vmem>>
      %dma_wait3A_57 = arith.constant 0 : i32
      %dma_wait3A_58 = tpu.memref_slice %arg7[%add3A_29, %dma_wait3A_57] : memref<10112x128xf32, #tpu.memory_space<vmem_shared>> -> memref<128x128xf32, #tpu.memory_space<vmem_shared>>
      %dma_wait3A_59 = arith.constant 0 : i32
      %dma_wait3A_60 = arith.constant 0 : i32
      %dma_wait3A_61 = tpu.memref_slice %arg10[%dma_wait3A_59, %dma_wait3A_60] : memref<128x128xf32, #tpu.memory_space<vmem>> -> memref<128x128xf32, #tpu.memory_space<vmem>>
      %dma_wait3A_62 = arith.constant 0 : i32
      %dma_wait3A_63 = tpu.memref_slice %arg7[%add3A_29, %dma_wait3A_62] : memref<10112x128xf32, #tpu.memory_space<vmem_shared>> -> memref<128x128xf32, #tpu.memory_space<vmem_shared>>
      tpu.wait_dma2 semaphore(%run_scoped3A : memref<!tpu.dma_semaphore, #tpu.memory_space<semaphore_mem>>) src(%dma_wait3A_63 : memref<128x128xf32, #tpu.memory_space<vmem_shared>>) dst(%dma_wait3A_61 : memref<128x128xf32, #tpu.memory_space<vmem>>)
      tpu.yield
    }) : () -> ()
    "tpu.region"() ({
      %run_scoped3A = tpu.sem_alloc : memref<!tpu.dma_semaphore, #tpu.memory_space<semaphore_mem>>
      %dma_start3A = arith.constant 0 : i32
      %dma_start3A_46 = arith.constant 0 : i32
      %dma_start3A_47 = tpu.memref_slice %arg10[%dma_start3A, %dma_start3A_46] : memref<128x128xf32, #tpu.memory_space<vmem>> -> memref<128x128xf32, #tpu.memory_space<vmem>>
      %dma_start3A_48 = arith.constant 0 : i32
      %dma_start3A_49 = tpu.memref_slice %arg6[%arg0, %add3A_29, %dma_start3A_48] : memref<2x10112x128xf32, #tpu.memory_space<hbm>> -> memref<1x128x128xf32, #tpu.memory_space<hbm>>
      %dma_start3A_50 = tpu.memref_squeeze %dma_start3A_49 : memref<1x128x128xf32, #tpu.memory_space<hbm>> -> memref<128x128xf32, #tpu.memory_space<hbm>>
      %dma_start3A_51 = arith.constant 0 : i32
      %dma_start3A_52 = tpu.memref_slice %arg6[%arg0, %add3A_29, %dma_start3A_51] : memref<2x10112x128xf32, #tpu.memory_space<hbm>> -> memref<1x128x128xf32, #tpu.memory_space<hbm>>
      %dma_start3A_53 = tpu.memref_squeeze %dma_start3A_52 : memref<1x128x128xf32, #tpu.memory_space<hbm>> -> memref<128x128xf32, #tpu.memory_space<hbm>>
      %dma_start3A_54 = arith.constant 0 : i32
      %dma_start3A_55 = arith.constant 0 : i32
      %dma_start3A_56 = tpu.memref_slice %arg10[%dma_start3A_54, %dma_start3A_55] : memref<128x128xf32, #tpu.memory_space<vmem>> -> memref<128x128xf32, #tpu.memory_space<vmem>>
      tpu.enqueue_dma source(%dma_start3A_56 : memref<128x128xf32, #tpu.memory_space<vmem>>) target(%dma_start3A_53 : memref<128x128xf32, #tpu.memory_space<hbm>>) target_semaphore(%run_scoped3A : memref<!tpu.dma_semaphore, #tpu.memory_space<semaphore_mem>>)
      %dma_wait3A = arith.constant 0 : i32
      %dma_wait3A_57 = arith.constant 0 : i32
      %dma_wait3A_58 = tpu.memref_slice %arg10[%dma_wait3A, %dma_wait3A_57] : memref<128x128xf32, #tpu.memory_space<vmem>> -> memref<128x128xf32, #tpu.memory_space<vmem>>
      %dma_wait3A_59 = arith.constant 0 : i32
      %dma_wait3A_60 = tpu.memref_slice %arg6[%arg0, %add3A_29, %dma_wait3A_59] : memref<2x10112x128xf32, #tpu.memory_space<hbm>> -> memref<1x128x128xf32, #tpu.memory_space<hbm>>
      %dma_wait3A_61 = tpu.memref_squeeze %dma_wait3A_60 : memref<1x128x128xf32, #tpu.memory_space<hbm>> -> memref<128x128xf32, #tpu.memory_space<hbm>>
      %dma_wait3A_62 = arith.constant 0 : i32
      %dma_wait3A_63 = tpu.memref_slice %arg6[%arg0, %add3A_29, %dma_wait3A_62] : memref<2x10112x128xf32, #tpu.memory_space<hbm>> -> memref<1x128x128xf32, #tpu.memory_space<hbm>>
      %dma_wait3A_64 = tpu.memref_squeeze %dma_wait3A_63 : memref<1x128x128xf32, #tpu.memory_space<hbm>> -> memref<128x128xf32, #tpu.memory_space<hbm>>
      %dma_wait3A_65 = arith.constant 0 : i32
      %dma_wait3A_66 = arith.constant 0 : i32
      %dma_wait3A_67 = tpu.memref_slice %arg10[%dma_wait3A_65, %dma_wait3A_66] : memref<128x128xf32, #tpu.memory_space<vmem>> -> memref<128x128xf32, #tpu.memory_space<vmem>>
      tpu.wait_dma2 semaphore(%run_scoped3A : memref<!tpu.dma_semaphore, #tpu.memory_space<semaphore_mem>>) src(%dma_wait3A_67 : memref<128x128xf32, #tpu.memory_space<vmem>>) dst(%dma_wait3A_64 : memref<128x128xf32, #tpu.memory_space<hbm>>)
      tpu.yield
    }) : () -> ()
    %mul3A_30 = arith.constant 632 : i32
    %mul3A_31 = arith.muli %arg1, %mul3A_30 : i32
    %add3A_32 = arith.constant 128 : i32
    %add3A_33 = arith.addi %mul3A_31, %add3A_32 : i32
    "tpu.region"() ({
      %run_scoped3A = tpu.sem_alloc : memref<!tpu.dma_semaphore, #tpu.memory_space<semaphore_mem>>
      %dma_start3A = arith.constant 0 : i32
      %dma_start3A_46 = arith.constant 0 : i32
      %dma_start3A_47 = tpu.memref_slice %arg10[%dma_start3A, %dma_start3A_46] : memref<128x128xf32, #tpu.memory_space<vmem>> -> memref<128x128xf32, #tpu.memory_space<vmem>>
      %dma_start3A_48 = arith.constant 0 : i32
      %dma_start3A_49 = tpu.memref_slice %arg7[%add3A_33, %dma_start3A_48] : memref<10112x128xf32, #tpu.memory_space<vmem_shared>> -> memref<128x128xf32, #tpu.memory_space<vmem_shared>>
      %dma_start3A_50 = arith.constant 0 : i32
      %dma_start3A_51 = arith.constant 0 : i32
      %dma_start3A_52 = tpu.memref_slice %arg10[%dma_start3A_50, %dma_start3A_51] : memref<128x128xf32, #tpu.memory_space<vmem>> -> memref<128x128xf32, #tpu.memory_space<vmem>>
      %dma_start3A_53 = arith.constant 0 : i32
      %dma_start3A_54 = tpu.memref_slice %arg7[%add3A_33, %dma_start3A_53] : memref<10112x128xf32, #tpu.memory_space<vmem_shared>> -> memref<128x128xf32, #tpu.memory_space<vmem_shared>>
      tpu.enqueue_dma source(%dma_start3A_54 : memref<128x128xf32, #tpu.memory_space<vmem_shared>>) target(%dma_start3A_52 : memref<128x128xf32, #tpu.memory_space<vmem>>) target_semaphore(%run_scoped3A : memref<!tpu.dma_semaphore, #tpu.memory_space<semaphore_mem>>)
      %dma_wait3A = arith.constant 0 : i32
      %dma_wait3A_55 = arith.constant 0 : i32
      %dma_wait3A_56 = tpu.memref_slice %arg10[%dma_wait3A, %dma_wait3A_55] : memref<128x128xf32, #tpu.memory_space<vmem>> -> memref<128x128xf32, #tpu.memory_space<vmem>>
      %dma_wait3A_57 = arith.constant 0 : i32
      %dma_wait3A_58 = tpu.memref_slice %arg7[%add3A_33, %dma_wait3A_57] : memref<10112x128xf32, #tpu.memory_space<vmem_shared>> -> memref<128x128xf32, #tpu.memory_space<vmem_shared>>
      %dma_wait3A_59 = arith.constant 0 : i32
      %dma_wait3A_60 = arith.constant 0 : i32
      %dma_wait3A_61 = tpu.memref_slice %arg10[%dma_wait3A_59, %dma_wait3A_60] : memref<128x128xf32, #tpu.memory_space<vmem>> -> memref<128x128xf32, #tpu.memory_space<vmem>>
      %dma_wait3A_62 = arith.constant 0 : i32
      %dma_wait3A_63 = tpu.memref_slice %arg7[%add3A_33, %dma_wait3A_62] : memref<10112x128xf32, #tpu.memory_space<vmem_shared>> -> memref<128x128xf32, #tpu.memory_space<vmem_shared>>
      tpu.wait_dma2 semaphore(%run_scoped3A : memref<!tpu.dma_semaphore, #tpu.memory_space<semaphore_mem>>) src(%dma_wait3A_63 : memref<128x128xf32, #tpu.memory_space<vmem_shared>>) dst(%dma_wait3A_61 : memref<128x128xf32, #tpu.memory_space<vmem>>)
      tpu.yield
    }) : () -> ()
    "tpu.region"() ({
      %run_scoped3A = tpu.sem_alloc : memref<!tpu.dma_semaphore, #tpu.memory_space<semaphore_mem>>
      %dma_start3A = arith.constant 0 : i32
      %dma_start3A_46 = arith.constant 0 : i32
      %dma_start3A_47 = tpu.memref_slice %arg10[%dma_start3A, %dma_start3A_46] : memref<128x128xf32, #tpu.memory_space<vmem>> -> memref<128x128xf32, #tpu.memory_space<vmem>>
      %dma_start3A_48 = arith.constant 0 : i32
      %dma_start3A_49 = tpu.memref_slice %arg6[%arg0, %add3A_33, %dma_start3A_48] : memref<2x10112x128xf32, #tpu.memory_space<hbm>> -> memref<1x128x128xf32, #tpu.memory_space<hbm>>
      %dma_start3A_50 = tpu.memref_squeeze %dma_start3A_49 : memref<1x128x128xf32, #tpu.memory_space<hbm>> -> memref<128x128xf32, #tpu.memory_space<hbm>>
      %dma_start3A_51 = arith.constant 0 : i32
      %dma_start3A_52 = tpu.memref_slice %arg6[%arg0, %add3A_33, %dma_start3A_51] : memref<2x10112x128xf32, #tpu.memory_space<hbm>> -> memref<1x128x128xf32, #tpu.memory_space<hbm>>
      %dma_start3A_53 = tpu.memref_squeeze %dma_start3A_52 : memref<1x128x128xf32, #tpu.memory_space<hbm>> -> memref<128x128xf32, #tpu.memory_space<hbm>>
      %dma_start3A_54 = arith.constant 0 : i32
      %dma_start3A_55 = arith.constant 0 : i32
      %dma_start3A_56 = tpu.memref_slice %arg10[%dma_start3A_54, %dma_start3A_55] : memref<128x128xf32, #tpu.memory_space<vmem>> -> memref<128x128xf32, #tpu.memory_space<vmem>>
      tpu.enqueue_dma source(%dma_start3A_56 : memref<128x128xf32, #tpu.memory_space<vmem>>) target(%dma_start3A_53 : memref<128x128xf32, #tpu.memory_space<hbm>>) target_semaphore(%run_scoped3A : memref<!tpu.dma_semaphore, #tpu.memory_space<semaphore_mem>>)
      %dma_wait3A = arith.constant 0 : i32
      %dma_wait3A_57 = arith.constant 0 : i32
      %dma_wait3A_58 = tpu.memref_slice %arg10[%dma_wait3A, %dma_wait3A_57] : memref<128x128xf32, #tpu.memory_space<vmem>> -> memref<128x128xf32, #tpu.memory_space<vmem>>
      %dma_wait3A_59 = arith.constant 0 : i32
      %dma_wait3A_60 = tpu.memref_slice %arg6[%arg0, %add3A_33, %dma_wait3A_59] : memref<2x10112x128xf32, #tpu.memory_space<hbm>> -> memref<1x128x128xf32, #tpu.memory_space<hbm>>
      %dma_wait3A_61 = tpu.memref_squeeze %dma_wait3A_60 : memref<1x128x128xf32, #tpu.memory_space<hbm>> -> memref<128x128xf32, #tpu.memory_space<hbm>>
      %dma_wait3A_62 = arith.constant 0 : i32
      %dma_wait3A_63 = tpu.memref_slice %arg6[%arg0, %add3A_33, %dma_wait3A_62] : memref<2x10112x128xf32, #tpu.memory_space<hbm>> -> memref<1x128x128xf32, #tpu.memory_space<hbm>>
      %dma_wait3A_64 = tpu.memref_squeeze %dma_wait3A_63 : memref<1x128x128xf32, #tpu.memory_space<hbm>> -> memref<128x128xf32, #tpu.memory_space<hbm>>
      %dma_wait3A_65 = arith.constant 0 : i32
      %dma_wait3A_66 = arith.constant 0 : i32
      %dma_wait3A_67 = tpu.memref_slice %arg10[%dma_wait3A_65, %dma_wait3A_66] : memref<128x128xf32, #tpu.memory_space<vmem>> -> memref<128x128xf32, #tpu.memory_space<vmem>>
      tpu.wait_dma2 semaphore(%run_scoped3A : memref<!tpu.dma_semaphore, #tpu.memory_space<semaphore_mem>>) src(%dma_wait3A_67 : memref<128x128xf32, #tpu.memory_space<vmem>>) dst(%dma_wait3A_64 : memref<128x128xf32, #tpu.memory_space<hbm>>)
      tpu.yield
    }) : () -> ()
    %mul3A_34 = arith.constant 632 : i32
    %mul3A_35 = arith.muli %arg1, %mul3A_34 : i32
    %add3A_36 = arith.constant 256 : i32
    %add3A_37 = arith.addi %mul3A_35, %add3A_36 : i32
    "tpu.region"() ({
      %run_scoped3A = tpu.sem_alloc : memref<!tpu.dma_semaphore, #tpu.memory_space<semaphore_mem>>
      %dma_start3A = arith.constant 0 : i32
      %dma_start3A_46 = arith.constant 0 : i32
      %dma_start3A_47 = tpu.memref_slice %arg10[%dma_start3A, %dma_start3A_46] : memref<128x128xf32, #tpu.memory_space<vmem>> -> memref<128x128xf32, #tpu.memory_space<vmem>>
      %dma_start3A_48 = arith.constant 0 : i32
      %dma_start3A_49 = tpu.memref_slice %arg7[%add3A_37, %dma_start3A_48] : memref<10112x128xf32, #tpu.memory_space<vmem_shared>> -> memref<128x128xf32, #tpu.memory_space<vmem_shared>>
      %dma_start3A_50 = arith.constant 0 : i32
      %dma_start3A_51 = arith.constant 0 : i32
      %dma_start3A_52 = tpu.memref_slice %arg10[%dma_start3A_50, %dma_start3A_51] : memref<128x128xf32, #tpu.memory_space<vmem>> -> memref<128x128xf32, #tpu.memory_space<vmem>>
      %dma_start3A_53 = arith.constant 0 : i32
      %dma_start3A_54 = tpu.memref_slice %arg7[%add3A_37, %dma_start3A_53] : memref<10112x128xf32, #tpu.memory_space<vmem_shared>> -> memref<128x128xf32, #tpu.memory_space<vmem_shared>>
      tpu.enqueue_dma source(%dma_start3A_54 : memref<128x128xf32, #tpu.memory_space<vmem_shared>>) target(%dma_start3A_52 : memref<128x128xf32, #tpu.memory_space<vmem>>) target_semaphore(%run_scoped3A : memref<!tpu.dma_semaphore, #tpu.memory_space<semaphore_mem>>)
      %dma_wait3A = arith.constant 0 : i32
      %dma_wait3A_55 = arith.constant 0 : i32
      %dma_wait3A_56 = tpu.memref_slice %arg10[%dma_wait3A, %dma_wait3A_55] : memref<128x128xf32, #tpu.memory_space<vmem>> -> memref<128x128xf32, #tpu.memory_space<vmem>>
      %dma_wait3A_57 = arith.constant 0 : i32
      %dma_wait3A_58 = tpu.memref_slice %arg7[%add3A_37, %dma_wait3A_57] : memref<10112x128xf32, #tpu.memory_space<vmem_shared>> -> memref<128x128xf32, #tpu.memory_space<vmem_shared>>
      %dma_wait3A_59 = arith.constant 0 : i32
      %dma_wait3A_60 = arith.constant 0 : i32
      %dma_wait3A_61 = tpu.memref_slice %arg10[%dma_wait3A_59, %dma_wait3A_60] : memref<128x128xf32, #tpu.memory_space<vmem>> -> memref<128x128xf32, #tpu.memory_space<vmem>>
      %dma_wait3A_62 = arith.constant 0 : i32
      %dma_wait3A_63 = tpu.memref_slice %arg7[%add3A_37, %dma_wait3A_62] : memref<10112x128xf32, #tpu.memory_space<vmem_shared>> -> memref<128x128xf32, #tpu.memory_space<vmem_shared>>
      tpu.wait_dma2 semaphore(%run_scoped3A : memref<!tpu.dma_semaphore, #tpu.memory_space<semaphore_mem>>) src(%dma_wait3A_63 : memref<128x128xf32, #tpu.memory_space<vmem_shared>>) dst(%dma_wait3A_61 : memref<128x128xf32, #tpu.memory_space<vmem>>)
      tpu.yield
    }) : () -> ()
    "tpu.region"() ({
      %run_scoped3A = tpu.sem_alloc : memref<!tpu.dma_semaphore, #tpu.memory_space<semaphore_mem>>
      %dma_start3A = arith.constant 0 : i32
      %dma_start3A_46 = arith.constant 0 : i32
      %dma_start3A_47 = tpu.memref_slice %arg10[%dma_start3A, %dma_start3A_46] : memref<128x128xf32, #tpu.memory_space<vmem>> -> memref<128x128xf32, #tpu.memory_space<vmem>>
      %dma_start3A_48 = arith.constant 0 : i32
      %dma_start3A_49 = tpu.memref_slice %arg6[%arg0, %add3A_37, %dma_start3A_48] : memref<2x10112x128xf32, #tpu.memory_space<hbm>> -> memref<1x128x128xf32, #tpu.memory_space<hbm>>
      %dma_start3A_50 = tpu.memref_squeeze %dma_start3A_49 : memref<1x128x128xf32, #tpu.memory_space<hbm>> -> memref<128x128xf32, #tpu.memory_space<hbm>>
      %dma_start3A_51 = arith.constant 0 : i32
      %dma_start3A_52 = tpu.memref_slice %arg6[%arg0, %add3A_37, %dma_start3A_51] : memref<2x10112x128xf32, #tpu.memory_space<hbm>> -> memref<1x128x128xf32, #tpu.memory_space<hbm>>
      %dma_start3A_53 = tpu.memref_squeeze %dma_start3A_52 : memref<1x128x128xf32, #tpu.memory_space<hbm>> -> memref<128x128xf32, #tpu.memory_space<hbm>>
      %dma_start3A_54 = arith.constant 0 : i32
      %dma_start3A_55 = arith.constant 0 : i32
      %dma_start3A_56 = tpu.memref_slice %arg10[%dma_start3A_54, %dma_start3A_55] : memref<128x128xf32, #tpu.memory_space<vmem>> -> memref<128x128xf32, #tpu.memory_space<vmem>>
      tpu.enqueue_dma source(%dma_start3A_56 : memref<128x128xf32, #tpu.memory_space<vmem>>) target(%dma_start3A_53 : memref<128x128xf32, #tpu.memory_space<hbm>>) target_semaphore(%run_scoped3A : memref<!tpu.dma_semaphore, #tpu.memory_space<semaphore_mem>>)
      %dma_wait3A = arith.constant 0 : i32
      %dma_wait3A_57 = arith.constant 0 : i32
      %dma_wait3A_58 = tpu.memref_slice %arg10[%dma_wait3A, %dma_wait3A_57] : memref<128x128xf32, #tpu.memory_space<vmem>> -> memref<128x128xf32, #tpu.memory_space<vmem>>
      %dma_wait3A_59 = arith.constant 0 : i32
      %dma_wait3A_60 = tpu.memref_slice %arg6[%arg0, %add3A_37, %dma_wait3A_59] : memref<2x10112x128xf32, #tpu.memory_space<hbm>> -> memref<1x128x128xf32, #tpu.memory_space<hbm>>
      %dma_wait3A_61 = tpu.memref_squeeze %dma_wait3A_60 : memref<1x128x128xf32, #tpu.memory_space<hbm>> -> memref<128x128xf32, #tpu.memory_space<hbm>>
      %dma_wait3A_62 = arith.constant 0 : i32
      %dma_wait3A_63 = tpu.memref_slice %arg6[%arg0, %add3A_37, %dma_wait3A_62] : memref<2x10112x128xf32, #tpu.memory_space<hbm>> -> memref<1x128x128xf32, #tpu.memory_space<hbm>>
      %dma_wait3A_64 = tpu.memref_squeeze %dma_wait3A_63 : memref<1x128x128xf32, #tpu.memory_space<hbm>> -> memref<128x128xf32, #tpu.memory_space<hbm>>
      %dma_wait3A_65 = arith.constant 0 : i32
      %dma_wait3A_66 = arith.constant 0 : i32
      %dma_wait3A_67 = tpu.memref_slice %arg10[%dma_wait3A_65, %dma_wait3A_66] : memref<128x128xf32, #tpu.memory_space<vmem>> -> memref<128x128xf32, #tpu.memory_space<vmem>>
      tpu.wait_dma2 semaphore(%run_scoped3A : memref<!tpu.dma_semaphore, #tpu.memory_space<semaphore_mem>>) src(%dma_wait3A_67 : memref<128x128xf32, #tpu.memory_space<vmem>>) dst(%dma_wait3A_64 : memref<128x128xf32, #tpu.memory_space<hbm>>)
      tpu.yield
    }) : () -> ()
    %mul3A_38 = arith.constant 632 : i32
    %mul3A_39 = arith.muli %arg1, %mul3A_38 : i32
    %add3A_40 = arith.constant 384 : i32
    %add3A_41 = arith.addi %mul3A_39, %add3A_40 : i32
    "tpu.region"() ({
      %run_scoped3A = tpu.sem_alloc : memref<!tpu.dma_semaphore, #tpu.memory_space<semaphore_mem>>
      %dma_start3A = arith.constant 0 : i32
      %dma_start3A_46 = arith.constant 0 : i32
      %dma_start3A_47 = tpu.memref_slice %arg10[%dma_start3A, %dma_start3A_46] : memref<128x128xf32, #tpu.memory_space<vmem>> -> memref<128x128xf32, #tpu.memory_space<vmem>>
      %dma_start3A_48 = arith.constant 0 : i32
      %dma_start3A_49 = tpu.memref_slice %arg7[%add3A_41, %dma_start3A_48] : memref<10112x128xf32, #tpu.memory_space<vmem_shared>> -> memref<128x128xf32, #tpu.memory_space<vmem_shared>>
      %dma_start3A_50 = arith.constant 0 : i32
      %dma_start3A_51 = arith.constant 0 : i32
      %dma_start3A_52 = tpu.memref_slice %arg10[%dma_start3A_50, %dma_start3A_51] : memref<128x128xf32, #tpu.memory_space<vmem>> -> memref<128x128xf32, #tpu.memory_space<vmem>>
      %dma_start3A_53 = arith.constant 0 : i32
      %dma_start3A_54 = tpu.memref_slice %arg7[%add3A_41, %dma_start3A_53] : memref<10112x128xf32, #tpu.memory_space<vmem_shared>> -> memref<128x128xf32, #tpu.memory_space<vmem_shared>>
      tpu.enqueue_dma source(%dma_start3A_54 : memref<128x128xf32, #tpu.memory_space<vmem_shared>>) target(%dma_start3A_52 : memref<128x128xf32, #tpu.memory_space<vmem>>) target_semaphore(%run_scoped3A : memref<!tpu.dma_semaphore, #tpu.memory_space<semaphore_mem>>)
      %dma_wait3A = arith.constant 0 : i32
      %dma_wait3A_55 = arith.constant 0 : i32
      %dma_wait3A_56 = tpu.memref_slice %arg10[%dma_wait3A, %dma_wait3A_55] : memref<128x128xf32, #tpu.memory_space<vmem>> -> memref<128x128xf32, #tpu.memory_space<vmem>>
      %dma_wait3A_57 = arith.constant 0 : i32
      %dma_wait3A_58 = tpu.memref_slice %arg7[%add3A_41, %dma_wait3A_57] : memref<10112x128xf32, #tpu.memory_space<vmem_shared>> -> memref<128x128xf32, #tpu.memory_space<vmem_shared>>
      %dma_wait3A_59 = arith.constant 0 : i32
      %dma_wait3A_60 = arith.constant 0 : i32
      %dma_wait3A_61 = tpu.memref_slice %arg10[%dma_wait3A_59, %dma_wait3A_60] : memref<128x128xf32, #tpu.memory_space<vmem>> -> memref<128x128xf32, #tpu.memory_space<vmem>>
      %dma_wait3A_62 = arith.constant 0 : i32
      %dma_wait3A_63 = tpu.memref_slice %arg7[%add3A_41, %dma_wait3A_62] : memref<10112x128xf32, #tpu.memory_space<vmem_shared>> -> memref<128x128xf32, #tpu.memory_space<vmem_shared>>
      tpu.wait_dma2 semaphore(%run_scoped3A : memref<!tpu.dma_semaphore, #tpu.memory_space<semaphore_mem>>) src(%dma_wait3A_63 : memref<128x128xf32, #tpu.memory_space<vmem_shared>>) dst(%dma_wait3A_61 : memref<128x128xf32, #tpu.memory_space<vmem>>)
      tpu.yield
    }) : () -> ()
    "tpu.region"() ({
      %run_scoped3A = tpu.sem_alloc : memref<!tpu.dma_semaphore, #tpu.memory_space<semaphore_mem>>
      %dma_start3A = arith.constant 0 : i32
      %dma_start3A_46 = arith.constant 0 : i32
      %dma_start3A_47 = tpu.memref_slice %arg10[%dma_start3A, %dma_start3A_46] : memref<128x128xf32, #tpu.memory_space<vmem>> -> memref<128x128xf32, #tpu.memory_space<vmem>>
      %dma_start3A_48 = arith.constant 0 : i32
      %dma_start3A_49 = tpu.memref_slice %arg6[%arg0, %add3A_41, %dma_start3A_48] : memref<2x10112x128xf32, #tpu.memory_space<hbm>> -> memref<1x128x128xf32, #tpu.memory_space<hbm>>
      %dma_start3A_50 = tpu.memref_squeeze %dma_start3A_49 : memref<1x128x128xf32, #tpu.memory_space<hbm>> -> memref<128x128xf32, #tpu.memory_space<hbm>>
      %dma_start3A_51 = arith.constant 0 : i32
      %dma_start3A_52 = tpu.memref_slice %arg6[%arg0, %add3A_41, %dma_start3A_51] : memref<2x10112x128xf32, #tpu.memory_space<hbm>> -> memref<1x128x128xf32, #tpu.memory_space<hbm>>
      %dma_start3A_53 = tpu.memref_squeeze %dma_start3A_52 : memref<1x128x128xf32, #tpu.memory_space<hbm>> -> memref<128x128xf32, #tpu.memory_space<hbm>>
      %dma_start3A_54 = arith.constant 0 : i32
      %dma_start3A_55 = arith.constant 0 : i32
      %dma_start3A_56 = tpu.memref_slice %arg10[%dma_start3A_54, %dma_start3A_55] : memref<128x128xf32, #tpu.memory_space<vmem>> -> memref<128x128xf32, #tpu.memory_space<vmem>>
      tpu.enqueue_dma source(%dma_start3A_56 : memref<128x128xf32, #tpu.memory_space<vmem>>) target(%dma_start3A_53 : memref<128x128xf32, #tpu.memory_space<hbm>>) target_semaphore(%run_scoped3A : memref<!tpu.dma_semaphore, #tpu.memory_space<semaphore_mem>>)
      %dma_wait3A = arith.constant 0 : i32
      %dma_wait3A_57 = arith.constant 0 : i32
      %dma_wait3A_58 = tpu.memref_slice %arg10[%dma_wait3A, %dma_wait3A_57] : memref<128x128xf32, #tpu.memory_space<vmem>> -> memref<128x128xf32, #tpu.memory_space<vmem>>
      %dma_wait3A_59 = arith.constant 0 : i32
      %dma_wait3A_60 = tpu.memref_slice %arg6[%arg0, %add3A_41, %dma_wait3A_59] : memref<2x10112x128xf32, #tpu.memory_space<hbm>> -> memref<1x128x128xf32, #tpu.memory_space<hbm>>
      %dma_wait3A_61 = tpu.memref_squeeze %dma_wait3A_60 : memref<1x128x128xf32, #tpu.memory_space<hbm>> -> memref<128x128xf32, #tpu.memory_space<hbm>>
      %dma_wait3A_62 = arith.constant 0 : i32
      %dma_wait3A_63 = tpu.memref_slice %arg6[%arg0, %add3A_41, %dma_wait3A_62] : memref<2x10112x128xf32, #tpu.memory_space<hbm>> -> memref<1x128x128xf32, #tpu.memory_space<hbm>>
      %dma_wait3A_64 = tpu.memref_squeeze %dma_wait3A_63 : memref<1x128x128xf32, #tpu.memory_space<hbm>> -> memref<128x128xf32, #tpu.memory_space<hbm>>
      %dma_wait3A_65 = arith.constant 0 : i32
      %dma_wait3A_66 = arith.constant 0 : i32
      %dma_wait3A_67 = tpu.memref_slice %arg10[%dma_wait3A_65, %dma_wait3A_66] : memref<128x128xf32, #tpu.memory_space<vmem>> -> memref<128x128xf32, #tpu.memory_space<vmem>>
      tpu.wait_dma2 semaphore(%run_scoped3A : memref<!tpu.dma_semaphore, #tpu.memory_space<semaphore_mem>>) src(%dma_wait3A_67 : memref<128x128xf32, #tpu.memory_space<vmem>>) dst(%dma_wait3A_64 : memref<128x128xf32, #tpu.memory_space<hbm>>)
      tpu.yield
    }) : () -> ()
    %mul3A_42 = arith.constant 632 : i32
    %mul3A_43 = arith.muli %arg1, %mul3A_42 : i32
    %add3A_44 = arith.constant 512 : i32
    %add3A_45 = arith.addi %mul3A_43, %add3A_44 : i32
    "tpu.region"() ({
      %run_scoped3A = tpu.sem_alloc : memref<!tpu.dma_semaphore, #tpu.memory_space<semaphore_mem>>
      %dma_start3A = arith.constant 0 : i32
      %dma_start3A_46 = arith.constant 0 : i32
      %dma_start3A_47 = tpu.memref_slice %arg10[%dma_start3A, %dma_start3A_46] : memref<128x128xf32, #tpu.memory_space<vmem>> -> memref<120x128xf32, #tpu.memory_space<vmem>>
      %dma_start3A_48 = arith.constant 0 : i32
      %dma_start3A_49 = tpu.memref_slice %arg7[%add3A_45, %dma_start3A_48] : memref<10112x128xf32, #tpu.memory_space<vmem_shared>> -> memref<120x128xf32, #tpu.memory_space<vmem_shared>>
      %dma_start3A_50 = arith.constant 0 : i32
      %dma_start3A_51 = arith.constant 0 : i32
      %dma_start3A_52 = tpu.memref_slice %arg10[%dma_start3A_50, %dma_start3A_51] : memref<128x128xf32, #tpu.memory_space<vmem>> -> memref<120x128xf32, #tpu.memory_space<vmem>>
      %dma_start3A_53 = arith.constant 0 : i32
      %dma_start3A_54 = tpu.memref_slice %arg7[%add3A_45, %dma_start3A_53] : memref<10112x128xf32, #tpu.memory_space<vmem_shared>> -> memref<120x128xf32, #tpu.memory_space<vmem_shared>>
      tpu.enqueue_dma source(%dma_start3A_54 : memref<120x128xf32, #tpu.memory_space<vmem_shared>>) target(%dma_start3A_52 : memref<120x128xf32, #tpu.memory_space<vmem>>) target_semaphore(%run_scoped3A : memref<!tpu.dma_semaphore, #tpu.memory_space<semaphore_mem>>)
      %dma_wait3A = arith.constant 0 : i32
      %dma_wait3A_55 = arith.constant 0 : i32
      %dma_wait3A_56 = tpu.memref_slice %arg10[%dma_wait3A, %dma_wait3A_55] : memref<128x128xf32, #tpu.memory_space<vmem>> -> memref<120x128xf32, #tpu.memory_space<vmem>>
      %dma_wait3A_57 = arith.constant 0 : i32
      %dma_wait3A_58 = tpu.memref_slice %arg7[%add3A_45, %dma_wait3A_57] : memref<10112x128xf32, #tpu.memory_space<vmem_shared>> -> memref<120x128xf32, #tpu.memory_space<vmem_shared>>
      %dma_wait3A_59 = arith.constant 0 : i32
      %dma_wait3A_60 = arith.constant 0 : i32
      %dma_wait3A_61 = tpu.memref_slice %arg10[%dma_wait3A_59, %dma_wait3A_60] : memref<128x128xf32, #tpu.memory_space<vmem>> -> memref<120x128xf32, #tpu.memory_space<vmem>>
      %dma_wait3A_62 = arith.constant 0 : i32
      %dma_wait3A_63 = tpu.memref_slice %arg7[%add3A_45, %dma_wait3A_62] : memref<10112x128xf32, #tpu.memory_space<vmem_shared>> -> memref<120x128xf32, #tpu.memory_space<vmem_shared>>
      tpu.wait_dma2 semaphore(%run_scoped3A : memref<!tpu.dma_semaphore, #tpu.memory_space<semaphore_mem>>) src(%dma_wait3A_63 : memref<120x128xf32, #tpu.memory_space<vmem_shared>>) dst(%dma_wait3A_61 : memref<120x128xf32, #tpu.memory_space<vmem>>)
      tpu.yield
    }) : () -> ()
    "tpu.region"() ({
      %run_scoped3A = tpu.sem_alloc : memref<!tpu.dma_semaphore, #tpu.memory_space<semaphore_mem>>
      %dma_start3A = arith.constant 0 : i32
      %dma_start3A_46 = arith.constant 0 : i32
      %dma_start3A_47 = tpu.memref_slice %arg10[%dma_start3A, %dma_start3A_46] : memref<128x128xf32, #tpu.memory_space<vmem>> -> memref<120x128xf32, #tpu.memory_space<vmem>>
      %dma_start3A_48 = arith.constant 0 : i32
      %dma_start3A_49 = tpu.memref_slice %arg6[%arg0, %add3A_45, %dma_start3A_48] : memref<2x10112x128xf32, #tpu.memory_space<hbm>> -> memref<1x120x128xf32, #tpu.memory_space<hbm>>
      %dma_start3A_50 = tpu.memref_squeeze %dma_start3A_49 : memref<1x120x128xf32, #tpu.memory_space<hbm>> -> memref<120x128xf32, #tpu.memory_space<hbm>>
      %dma_start3A_51 = arith.constant 0 : i32
      %dma_start3A_52 = tpu.memref_slice %arg6[%arg0, %add3A_45, %dma_start3A_51] : memref<2x10112x128xf32, #tpu.memory_space<hbm>> -> memref<1x120x128xf32, #tpu.memory_space<hbm>>
      %dma_start3A_53 = tpu.memref_squeeze %dma_start3A_52 : memref<1x120x128xf32, #tpu.memory_space<hbm>> -> memref<120x128xf32, #tpu.memory_space<hbm>>
      %dma_start3A_54 = arith.constant 0 : i32
      %dma_start3A_55 = arith.constant 0 : i32
      %dma_start3A_56 = tpu.memref_slice %arg10[%dma_start3A_54, %dma_start3A_55] : memref<128x128xf32, #tpu.memory_space<vmem>> -> memref<120x128xf32, #tpu.memory_space<vmem>>
      tpu.enqueue_dma source(%dma_start3A_56 : memref<120x128xf32, #tpu.memory_space<vmem>>) target(%dma_start3A_53 : memref<120x128xf32, #tpu.memory_space<hbm>>) target_semaphore(%run_scoped3A : memref<!tpu.dma_semaphore, #tpu.memory_space<semaphore_mem>>)
      %dma_wait3A = arith.constant 0 : i32
      %dma_wait3A_57 = arith.constant 0 : i32
      %dma_wait3A_58 = tpu.memref_slice %arg10[%dma_wait3A, %dma_wait3A_57] : memref<128x128xf32, #tpu.memory_space<vmem>> -> memref<120x128xf32, #tpu.memory_space<vmem>>
      %dma_wait3A_59 = arith.constant 0 : i32
      %dma_wait3A_60 = tpu.memref_slice %arg6[%arg0, %add3A_45, %dma_wait3A_59] : memref<2x10112x128xf32, #tpu.memory_space<hbm>> -> memref<1x120x128xf32, #tpu.memory_space<hbm>>
      %dma_wait3A_61 = tpu.memref_squeeze %dma_wait3A_60 : memref<1x120x128xf32, #tpu.memory_space<hbm>> -> memref<120x128xf32, #tpu.memory_space<hbm>>
      %dma_wait3A_62 = arith.constant 0 : i32
      %dma_wait3A_63 = tpu.memref_slice %arg6[%arg0, %add3A_45, %dma_wait3A_62] : memref<2x10112x128xf32, #tpu.memory_space<hbm>> -> memref<1x120x128xf32, #tpu.memory_space<hbm>>
      %dma_wait3A_64 = tpu.memref_squeeze %dma_wait3A_63 : memref<1x120x128xf32, #tpu.memory_space<hbm>> -> memref<120x128xf32, #tpu.memory_space<hbm>>
      %dma_wait3A_65 = arith.constant 0 : i32
      %dma_wait3A_66 = arith.constant 0 : i32
      %dma_wait3A_67 = tpu.memref_slice %arg10[%dma_wait3A_65, %dma_wait3A_66] : memref<128x128xf32, #tpu.memory_space<vmem>> -> memref<120x128xf32, #tpu.memory_space<vmem>>
      tpu.wait_dma2 semaphore(%run_scoped3A : memref<!tpu.dma_semaphore, #tpu.memory_space<semaphore_mem>>) src(%dma_wait3A_67 : memref<120x128xf32, #tpu.memory_space<vmem>>) dst(%dma_wait3A_64 : memref<120x128xf32, #tpu.memory_space<hbm>>)
      tpu.yield
    }) : () -> ()
    return
  }
}

module attributes {stable_mosaic.version = 14 : i64} {
  func.func @body(%arg0: memref<10000x128xf32, #tpu.memory_space<vmem>>, %arg1: memref<128x128xf32, #tpu.memory_space<vmem>>, %arg2: memref<2x10112x128xf32, #tpu.memory_space<vmem>>, %arg3: memref<10000x128xf32, #tpu.memory_space<vmem>>, %arg4: memref<10000x1xf32, #tpu.memory_space<vmem>>) attributes {dimension_semantics = [], scalar_prefetch = 0 : i64, scratch_operands = 0 : i64, tpu.core_type = #tpu.core_type<tc>} {
    %get3A = arith.constant 0 : index
    %get3A_0 = arith.constant 0 : index
    %get3A_1 = arith.constant 0 : index
    %get3A_2 = vector.load %arg2[%get3A, %get3A_0, %get3A_1] : memref<2x10112x128xf32, #tpu.memory_space<vmem>>, vector<1x10000x1xf32>
    %get3A_3 = vector.shape_cast %get3A_2 : vector<1x10000x1xf32> to vector<10000x1xf32>
    %get3A_4 = arith.constant 1 : index
    %get3A_5 = arith.constant 0 : index
    %get3A_6 = arith.constant 0 : index
    %get3A_7 = vector.load %arg2[%get3A_4, %get3A_5, %get3A_6] : memref<2x10112x128xf32, #tpu.memory_space<vmem>>, vector<1x10000x1xf32>
    %get3A_8 = vector.shape_cast %get3A_7 : vector<1x10000x1xf32> to vector<10000x1xf32>
    %add3A = arith.addf %get3A_3, %get3A_8 : vector<10000x1xf32>
    %add3A_9 = arith.constant 1.000000e+00 : f32
    %add3A_10 = vector.broadcast %add3A_9 : f32 to vector<10000x1xf32>
    %add3A_11 = arith.addf %add3A, %add3A_10 : vector<10000x1xf32>
    %rsqrt3A = math.rsqrt %add3A_11 : vector<10000x1xf32>
    %get3A_12 = arith.constant 0 : index
    %get3A_13 = arith.constant 0 : index
    %get3A_14 = vector.load %arg0[%get3A_12, %get3A_13] : memref<10000x128xf32, #tpu.memory_space<vmem>>, vector<10000x128xf32>
    %get3A_15 = arith.constant 0 : index
    %get3A_16 = arith.constant 0 : index
    %get3A_17 = vector.load %arg1[%get3A_15, %get3A_16] : memref<128x128xf32, #tpu.memory_space<vmem>>, vector<128x128xf32>
    %dot_general3A = arith.constant dense<0.000000e+00> : vector<10000x128xf32>
    %dot_general3A_18 = tpu.matmul %get3A_14, %get3A_17, %dot_general3A {dimension_numbers = #tpu.dot_dimension_numbers<[1], [0], [0], [1], [0, 0, 1, 1], [], []>, transpose_lhs_hint = false} : vector<10000x128xf32>, vector<128x128xf32>, vector<10000x128xf32> -> vector<10000x128xf32>
    %mul3A = vector.broadcast %rsqrt3A : vector<10000x1xf32> to vector<10000x128xf32>
    %mul3A_19 = arith.mulf %dot_general3A_18, %mul3A : vector<10000x128xf32>
    %swap3A = arith.constant 0 : index
    %swap3A_20 = arith.constant 0 : index
    %swap3A_21 = vector.load %arg3[%swap3A, %swap3A_20] : memref<10000x128xf32, #tpu.memory_space<vmem>>, vector<10000x128xf32>
    tpu.vector_store %arg3[%swap3A, %swap3A_20], %mul3A_19 {strides = array<i32>} : memref<10000x128xf32, #tpu.memory_space<vmem>>, vector<10000x128xf32>,
    %swap3A_22 = arith.constant 0 : index
    %swap3A_23 = arith.constant 0 : index
    %swap3A_24 = vector.load %arg4[%swap3A_22, %swap3A_23] : memref<10000x1xf32, #tpu.memory_space<vmem>>, vector<10000x1xf32>
    tpu.vector_store %arg4[%swap3A_22, %swap3A_23], %rsqrt3A {strides = array<i32>} : memref<10000x1xf32, #tpu.memory_space<vmem>>, vector<10000x1xf32>,
    return
  }
}

module attributes {stable_mosaic.version = 14 : i64} {
  func.func @body(%arg0: memref<2x10112x128xf32, #tpu.memory_space<vmem>>, %arg1: memref<10000x128xf32, #tpu.memory_space<vmem>>, %arg2: memref<10000x1xf32, #tpu.memory_space<vmem>>, %arg3: memref<128xf32, #tpu.memory_space<vmem>>, %arg4: memref<128xf32, #tpu.memory_space<vmem>>, %arg5: memref<128xf32, #tpu.memory_space<vmem>>, %arg6: memref<128x128xf32, #tpu.memory_space<vmem>>, %arg7: memref<10000x128xf32, #tpu.memory_space<vmem>>) attributes {dimension_semantics = [], scalar_prefetch = 0 : i64, scratch_operands = 0 : i64, tpu.core_type = #tpu.core_type<tc>} {
    %get3A = arith.constant 0 : index
    %get3A_0 = arith.constant 0 : index
    %get3A_1 = vector.load %arg2[%get3A, %get3A_0] : memref<10000x1xf32, #tpu.memory_space<vmem>>, vector<10000x1xf32>
    %get3A_2 = arith.constant 0 : index
    %get3A_3 = arith.constant 0 : index
    %get3A_4 = arith.constant 0 : index
    %get3A_5 = vector.load %arg0[%get3A_2, %get3A_3, %get3A_4] : memref<2x10112x128xf32, #tpu.memory_space<vmem>>, vector<1x10000x128xf32>
    %get3A_6 = vector.shape_cast %get3A_5 : vector<1x10000x128xf32> to vector<10000x128xf32>
    %get3A_7 = arith.constant 1 : index
    %get3A_8 = arith.constant 0 : index
    %get3A_9 = arith.constant 0 : index
    %get3A_10 = vector.load %arg0[%get3A_7, %get3A_8, %get3A_9] : memref<2x10112x128xf32, #tpu.memory_space<vmem>>, vector<1x10000x128xf32>
    %get3A_11 = vector.shape_cast %get3A_10 : vector<1x10000x128xf32> to vector<10000x128xf32>
    %add3A = arith.addf %get3A_6, %get3A_11 : vector<10000x128xf32>
    %get3A_12 = arith.constant 0 : index
    %get3A_13 = arith.constant 0 : index
    %get3A_14 = vector.load %arg1[%get3A_12, %get3A_13] : memref<10000x128xf32, #tpu.memory_space<vmem>>, vector<10000x128xf32>
    %add3A_15 = arith.addf %add3A, %get3A_14 : vector<10000x128xf32>
    %mul3A = vector.broadcast %get3A_1 : vector<10000x1xf32> to vector<10000x128xf32>
    %mul3A_16 = arith.mulf %add3A_15, %mul3A : vector<10000x128xf32>
    %get3A_17 = arith.constant 0 : index
    %get3A_18 = vector.load %arg3[%get3A_17] : memref<128xf32, #tpu.memory_space<vmem>>, vector<128xf32>
    %broadcast_in_dim3A = vector.shape_cast %get3A_18 : vector<128xf32> to vector<1x128xf32>
    %add3A_19 = vector.broadcast %broadcast_in_dim3A : vector<1x128xf32> to vector<10000x128xf32>
    %add3A_20 = arith.addf %mul3A_16, %add3A_19 : vector<10000x128xf32>
    %reduce_sum3A = arith.constant dense<0.000000e+00> : vector<128xf32>
    %reduce_sum3A_21 = vector.multi_reduction <add>, %add3A_20, %reduce_sum3A [0] : vector<10000x128xf32> to vector<128xf32>
    %div3A = arith.constant 1.000000e+04 : f32
    %div3A_22 = vector.broadcast %div3A : f32 to vector<128xf32>
    %div3A_23 = arith.divf %reduce_sum3A_21, %div3A_22 : vector<128xf32>
    %broadcast_in_dim3A_24 = vector.shape_cast %div3A_23 : vector<128xf32> to vector<1x128xf32>
    %sub3A = vector.broadcast %broadcast_in_dim3A_24 : vector<1x128xf32> to vector<10000x128xf32>
    %sub3A_25 = arith.subf %add3A_20, %sub3A : vector<10000x128xf32>
    %broadcast_in_dim3A_26 = vector.shape_cast %div3A_23 : vector<128xf32> to vector<1x128xf32>
    %sub3A_27 = vector.broadcast %broadcast_in_dim3A_26 : vector<1x128xf32> to vector<10000x128xf32>
    %sub3A_28 = arith.subf %add3A_20, %sub3A_27 : vector<10000x128xf32>
    %mul3A_29 = arith.mulf %sub3A_25, %sub3A_28 : vector<10000x128xf32>
    %reduce_sum3A_30 = arith.constant dense<0.000000e+00> : vector<128xf32>
    %reduce_sum3A_31 = vector.multi_reduction <add>, %mul3A_29, %reduce_sum3A_30 [0] : vector<10000x128xf32> to vector<128xf32>
    %div3A_32 = arith.constant 1.000000e+04 : f32
    %div3A_33 = vector.broadcast %div3A_32 : f32 to vector<128xf32>
    %div3A_34 = arith.divf %reduce_sum3A_31, %div3A_33 : vector<128xf32>
    %broadcast_in_dim3A_35 = vector.shape_cast %div3A_23 : vector<128xf32> to vector<1x128xf32>
    %sub3A_36 = vector.broadcast %broadcast_in_dim3A_35 : vector<1x128xf32> to vector<10000x128xf32>
    %sub3A_37 = arith.subf %add3A_20, %sub3A_36 : vector<10000x128xf32>
    %add3A_38 = arith.constant 9.99999974E-6 : f32
    %add3A_39 = vector.broadcast %add3A_38 : f32 to vector<128xf32>
    %add3A_40 = arith.addf %div3A_34, %add3A_39 : vector<128xf32>
    %rsqrt3A = math.rsqrt %add3A_40 : vector<128xf32>
    %broadcast_in_dim3A_41 = vector.shape_cast %rsqrt3A : vector<128xf32> to vector<1x128xf32>
    %mul3A_42 = vector.broadcast %broadcast_in_dim3A_41 : vector<1x128xf32> to vector<10000x128xf32>
    %mul3A_43 = arith.mulf %sub3A_37, %mul3A_42 : vector<10000x128xf32>
    %get3A_44 = arith.constant 0 : index
    %get3A_45 = vector.load %arg4[%get3A_44] : memref<128xf32, #tpu.memory_space<vmem>>, vector<128xf32>
    %broadcast_in_dim3A_46 = vector.shape_cast %get3A_45 : vector<128xf32> to vector<1x128xf32>
    %mul3A_47 = vector.broadcast %broadcast_in_dim3A_46 : vector<1x128xf32> to vector<10000x128xf32>
    %mul3A_48 = arith.mulf %mul3A_43, %mul3A_47 : vector<10000x128xf32>
    %get3A_49 = arith.constant 0 : index
    %get3A_50 = vector.load %arg5[%get3A_49] : memref<128xf32, #tpu.memory_space<vmem>>, vector<128xf32>
    %broadcast_in_dim3A_51 = vector.shape_cast %get3A_50 : vector<128xf32> to vector<1x128xf32>
    %add3A_52 = vector.broadcast %broadcast_in_dim3A_51 : vector<1x128xf32> to vector<10000x128xf32>
    %add3A_53 = arith.addf %mul3A_48, %add3A_52 : vector<10000x128xf32>
    %max3A = arith.constant 0.000000e+00 : f32
    %max3A_54 = vector.broadcast %max3A : f32 to vector<10000x128xf32>
    %max3A_55 = arith.maximumf %add3A_53, %max3A_54 : vector<10000x128xf32>
    %get3A_56 = arith.constant 0 : index
    %get3A_57 = arith.constant 0 : index
    %get3A_58 = vector.load %arg6[%get3A_56, %get3A_57] : memref<128x128xf32, #tpu.memory_space<vmem>>, vector<128x128xf32>
    %dot_general3A = arith.constant dense<0.000000e+00> : vector<10000x128xf32>
    %dot_general3A_59 = tpu.matmul %max3A_55, %get3A_58, %dot_general3A {dimension_numbers = #tpu.dot_dimension_numbers<[1], [0], [0], [1], [0, 0, 1, 1], [], []>, transpose_lhs_hint = false} : vector<10000x128xf32>, vector<128x128xf32>, vector<10000x128xf32> -> vector<10000x128xf32>
    %mul3A_60 = vector.broadcast %get3A_1 : vector<10000x1xf32> to vector<10000x128xf32>
    %mul3A_61 = arith.mulf %dot_general3A_59, %mul3A_60 : vector<10000x128xf32>
    %swap3A = arith.constant 0 : index
    %swap3A_62 = arith.constant 0 : index
    %swap3A_63 = vector.load %arg7[%swap3A, %swap3A_62] : memref<10000x128xf32, #tpu.memory_space<vmem>>, vector<10000x128xf32>
    tpu.vector_store %arg7[%swap3A, %swap3A_62], %mul3A_61 {strides = array<i32>} : memref<10000x128xf32, #tpu.memory_space<vmem>>, vector<10000x128xf32>,
    return
  }
}

module attributes {stable_mosaic.version = 14 : i64} {
  func.func @body(%arg0: memref<2x10112x128xf32, #tpu.memory_space<vmem>>, %arg1: memref<10000x128xf32, #tpu.memory_space<vmem>>, %arg2: memref<10000x1xf32, #tpu.memory_space<vmem>>, %arg3: memref<40xf32, #tpu.memory_space<vmem>>, %arg4: memref<40xf32, #tpu.memory_space<vmem>>, %arg5: memref<40xf32, #tpu.memory_space<vmem>>, %arg6: memref<10000x40xf32, #tpu.memory_space<vmem>>) attributes {dimension_semantics = [], scalar_prefetch = 0 : i64, scratch_operands = 0 : i64, tpu.core_type = #tpu.core_type<tc>} {
    %get3A = arith.constant 0 : index
    %get3A_0 = arith.constant 0 : index
    %get3A_1 = arith.constant 0 : index
    %get3A_2 = vector.load %arg0[%get3A, %get3A_0, %get3A_1] : memref<2x10112x128xf32, #tpu.memory_space<vmem>>, vector<1x10000x128xf32>
    %get3A_3 = vector.shape_cast %get3A_2 : vector<1x10000x128xf32> to vector<10000x128xf32>
    %get3A_4 = arith.constant 1 : index
    %get3A_5 = arith.constant 0 : index
    %get3A_6 = arith.constant 0 : index
    %get3A_7 = vector.load %arg0[%get3A_4, %get3A_5, %get3A_6] : memref<2x10112x128xf32, #tpu.memory_space<vmem>>, vector<1x10000x128xf32>
    %get3A_8 = vector.shape_cast %get3A_7 : vector<1x10000x128xf32> to vector<10000x128xf32>
    %add3A = arith.addf %get3A_3, %get3A_8 : vector<10000x128xf32>
    %get3A_9 = arith.constant 0 : index
    %get3A_10 = arith.constant 0 : index
    %get3A_11 = vector.load %arg1[%get3A_9, %get3A_10] : memref<10000x128xf32, #tpu.memory_space<vmem>>, vector<10000x128xf32>
    %add3A_12 = arith.addf %add3A, %get3A_11 : vector<10000x128xf32>
    %get3A_13 = arith.constant 0 : index
    %get3A_14 = arith.constant 0 : index
    %get3A_15 = vector.load %arg2[%get3A_13, %get3A_14] : memref<10000x1xf32, #tpu.memory_space<vmem>>, vector<10000x1xf32>
    %mul3A = vector.broadcast %get3A_15 : vector<10000x1xf32> to vector<10000x128xf32>
    %mul3A_16 = arith.mulf %add3A_12, %mul3A : vector<10000x128xf32>
    %slice3A = vector.extract_strided_slice %mul3A_16 {offsets = [0, 0], sizes = [10000, 40], strides = [1, 1]} : vector<10000x128xf32> to vector<10000x40xf32>
    %get3A_17 = arith.constant 0 : index
    %get3A_18 = vector.load %arg3[%get3A_17] : memref<40xf32, #tpu.memory_space<vmem>>, vector<40xf32>
    %broadcast_in_dim3A = vector.shape_cast %get3A_18 : vector<40xf32> to vector<1x40xf32>
    %add3A_19 = vector.broadcast %broadcast_in_dim3A : vector<1x40xf32> to vector<10000x40xf32>
    %add3A_20 = arith.addf %slice3A, %add3A_19 : vector<10000x40xf32>
    %reduce_sum3A = arith.constant dense<0.000000e+00> : vector<10000xf32>
    %reduce_sum3A_21 = vector.multi_reduction <add>, %add3A_20, %reduce_sum3A [1] : vector<10000x40xf32> to vector<10000xf32>
    %broadcast_in_dim3A_22 = vector.shape_cast %reduce_sum3A_21 : vector<10000xf32> to vector<10000x1xf32>
    %div3A = arith.constant 4.000000e+01 : f32
    %div3A_23 = vector.broadcast %div3A : f32 to vector<10000x1xf32>
    %div3A_24 = arith.divf %broadcast_in_dim3A_22, %div3A_23 : vector<10000x1xf32>
    %sub3A = vector.broadcast %div3A_24 : vector<10000x1xf32> to vector<10000x40xf32>
    %sub3A_25 = arith.subf %add3A_20, %sub3A : vector<10000x40xf32>
    %sub3A_26 = vector.broadcast %div3A_24 : vector<10000x1xf32> to vector<10000x40xf32>
    %sub3A_27 = arith.subf %add3A_20, %sub3A_26 : vector<10000x40xf32>
    %mul3A_28 = arith.mulf %sub3A_25, %sub3A_27 : vector<10000x40xf32>
    %reduce_sum3A_29 = arith.constant dense<0.000000e+00> : vector<10000xf32>
    %reduce_sum3A_30 = vector.multi_reduction <add>, %mul3A_28, %reduce_sum3A_29 [1] : vector<10000x40xf32> to vector<10000xf32>
    %broadcast_in_dim3A_31 = vector.shape_cast %reduce_sum3A_30 : vector<10000xf32> to vector<10000x1xf32>
    %div3A_32 = arith.constant 4.000000e+01 : f32
    %div3A_33 = vector.broadcast %div3A_32 : f32 to vector<10000x1xf32>
    %div3A_34 = arith.divf %broadcast_in_dim3A_31, %div3A_33 : vector<10000x1xf32>
    %sub3A_35 = vector.broadcast %div3A_24 : vector<10000x1xf32> to vector<10000x40xf32>
    %sub3A_36 = arith.subf %add3A_20, %sub3A_35 : vector<10000x40xf32>
    %add3A_37 = arith.constant 9.99999974E-6 : f32
    %add3A_38 = vector.broadcast %add3A_37 : f32 to vector<10000x1xf32>
    %add3A_39 = arith.addf %div3A_34, %add3A_38 : vector<10000x1xf32>
    %rsqrt3A = math.rsqrt %add3A_39 : vector<10000x1xf32>
    %mul3A_40 = vector.broadcast %rsqrt3A : vector<10000x1xf32> to vector<10000x40xf32>
    %mul3A_41 = arith.mulf %sub3A_36, %mul3A_40 : vector<10000x40xf32>
    %get3A_42 = arith.constant 0 : index
    %get3A_43 = vector.load %arg4[%get3A_42] : memref<40xf32, #tpu.memory_space<vmem>>, vector<40xf32>
    %broadcast_in_dim3A_44 = vector.shape_cast %get3A_43 : vector<40xf32> to vector<1x40xf32>
    %mul3A_45 = vector.broadcast %broadcast_in_dim3A_44 : vector<1x40xf32> to vector<10000x40xf32>
    %mul3A_46 = arith.mulf %mul3A_41, %mul3A_45 : vector<10000x40xf32>
    %get3A_47 = arith.constant 0 : index
    %get3A_48 = vector.load %arg5[%get3A_47] : memref<40xf32, #tpu.memory_space<vmem>>, vector<40xf32>
    %broadcast_in_dim3A_49 = vector.shape_cast %get3A_48 : vector<40xf32> to vector<1x40xf32>
    %add3A_50 = vector.broadcast %broadcast_in_dim3A_49 : vector<1x40xf32> to vector<10000x40xf32>
    %add3A_51 = arith.addf %mul3A_46, %add3A_50 : vector<10000x40xf32>
    %reduce_max3A = arith.constant dense<0xFF800000> : vector<10000xf32>
    %reduce_max3A_52 = vector.multi_reduction <maximumf>, %add3A_51, %reduce_max3A [1] : vector<10000x40xf32> to vector<10000xf32>
    %broadcast_in_dim3A_53 = vector.shape_cast %reduce_max3A_52 : vector<10000xf32> to vector<10000x1xf32>
    %sub3A_54 = vector.broadcast %broadcast_in_dim3A_53 : vector<10000x1xf32> to vector<10000x40xf32>
    %sub3A_55 = arith.subf %add3A_51, %sub3A_54 : vector<10000x40xf32>
    %exp3A = math.exp %sub3A_55 : vector<10000x40xf32>
    %reduce_sum3A_56 = arith.constant dense<0.000000e+00> : vector<10000xf32>
    %reduce_sum3A_57 = vector.multi_reduction <add>, %exp3A, %reduce_sum3A_56 [1] : vector<10000x40xf32> to vector<10000xf32>
    %broadcast_in_dim3A_58 = vector.shape_cast %reduce_sum3A_57 : vector<10000xf32> to vector<10000x1xf32>
    %log3A = math.log %broadcast_in_dim3A_58 : vector<10000x1xf32>
    %add3A_59 = arith.addf %broadcast_in_dim3A_53, %log3A : vector<10000x1xf32>
    %sub3A_60 = vector.broadcast %add3A_59 : vector<10000x1xf32> to vector<10000x40xf32>
    %sub3A_61 = arith.subf %add3A_51, %sub3A_60 : vector<10000x40xf32>
    %swap3A = arith.constant 0 : index
    %swap3A_62 = arith.constant 0 : index
    %swap3A_63 = vector.load %arg6[%swap3A, %swap3A_62] : memref<10000x40xf32, #tpu.memory_space<vmem>>, vector<10000x40xf32>
    tpu.vector_store %arg6[%swap3A, %swap3A_62], %sub3A_61 {strides = array<i32>} : memref<10000x40xf32, #tpu.memory_space<vmem>>, vector<10000x40xf32>,
    return
  }
}

</mosaic_0001>

<sc_bundles>
// kernel: kernel.10.cloned.1.call-start
scs
__scs_entry_jumppad:
0x0: {  	(pc) =	sbr.rel $0x88, $3  }
0x1: {  	(tag) =	ssettag $0x0;
	lr =	simm.s32 $0x1  }
0x2: {  	[smem:$0x3F93] =	sst lr;
	_ =	strace $0xD0000000  }
0x3: {  	_ = 	snop  }
0x4: {  	_ = 	snop  }
0x5: {  	_ = 	snop  }
0x6: {  	_ = 	snop  }
0x7: {  	_ = 	snop  }
__scs_overlays_trampoline_lowered:
0x8: {  	[smem:$0x3FA2] =	sst s0  }
0x9: {  	[smem:$0x3FA3] =	sst s1  }
0xa: {  	[smem:$0x3FA4] =	sst s2  }
0xb: {  	[smem:$0x3FA5] =	sst s3  }
0xc: {  	[smem:$0x3FA6] =	sst s4  }
0xd: {  	[smem:$0x3FA7] =	sst s5  }
0xe: {  	[smem:$0x3FA8] =	sst s6  }
0xf: {  	[smem:$0x3FA9] =	sst s7  }
0x10: {  	[smem:$0x3FAA] =	sst s8  }
0x11: {  	[smem:$0x3FAB] =	sst s9;
	s0 =	simm.s32 @!p0 $0x0  }
0x12: {  	s1 =	sld [smem:$0x3F91];
	s0 =	simm.s32 @p0 $0x1  }
0x13: {  	[smem:$0x3FAC] =	sst s0;
	s0 =	simm.s32 @!p1 $0x0  }
0x14: {  	s2 =	sld [smem:$0x3F90];
	s0 =	simm.s32 @p1 $0x1  }
0x15: {  	[smem:$0x3FAD] =	sst s0;
	s0 =	simm.s32 @!p2 $0x0  }
0x16: {  	s3 =	sld [smem:$0x3FDB];
	s0 =	simm.s32 @p2 $0x1  }
0x17: {  	s4 =	simm.s32 $0x1BF5;
	[smem:$0x3FAF] =	sst s0  }
0x18: {  	s0 =	sld [smem:$0x3F92];
	_ =	swait.ge [sflag:s4], $0x0  }
0x19: {  	s7 =	sld [smem:$0x3F93]  }
0x1a: {  	s8 =	sadd.s32 $0xFFFFE003, lr  }
0x1b: {  	s9 =	sadd.s32 $0xFFFFFEF7, lr;
	s5 =	simm.s32 $0xFFFFFFFF;
	p2 =	slt.u32 s8, $0xFFFFF086  }
0x1c: {  	p1 =	slt.u32 s9, $0xF7A;
	s5 =	simm.s32 @!p2 $0x0  }
0x1d: {  	s5 =	simm.s32 @p1 $0x1;
	p0 =	seq.s32 s7, s2  }
0x1e: {  	s7 =	smul.u32 @!p0 $0xF7A, s2;
	p2 =	seq.s32 @!p0 s5, $0x0  }
0x1f: {  	s9 =	smul.u32 $0xF7A, s1;
	s8 =	simm.s32 @!p0 $0x1BF5;
	p2 =	por !p2, p0  }
0x20: {  	[sflag:s8] =	ssyncset.s32 @!p0 $0xFFFFF086;
	s6 =	sadd.s32 @!p0 s3, s7;
	s7 =	simm.s32 @!p0 $0x108  }
0x21: {  	s3 =	sadd.s32 s3, s9;
	s6 =	sadd.s32 @!p0 $0x88, s6;
	s7 =	simm.s32 @p2 $0x1082  }
0x22: {  	[simem:s7], [sflag:s8] =	dma.local @!p0 [hbm:s6], $0xF7A  }
0x23: {  	s9 =	sor.u32 $0xD0000000, s2;
	s6 =	simm.s32 $0x108;
	_ =	swait.ge @!p0 [sflag:s8], $0x0  }
0x24: {  	s3 =	sadd.s32 $0x88, s3;
	s6 =	simm.s32 @!p1 $0x1082;
	[sflag:s4] =	ssyncset.s32 $0xFFFFF086  }
0x25: {  	[simem:s6], [sflag:s4] =	dma.local [hbm:s3], $0xF7A  }
0x26: {  	[smem:$0x3F93] =	sst s1;
	(tag) =	ssettag s2;
	_ =	strace s9  }
0x27: {  	s1 =	sld [smem:$0x3FA3]  }
0x28: {  	s2 =	sld [smem:$0x3FA4]  }
0x29: {  	s4 =	sld [smem:$0x3FA6]  }
0x2a: {  	p0 =	seq.s32 s5, $0x0;
	s5 =	sld [smem:$0x3FA7]  }
0x2b: {  	s6 =	sld [smem:$0x3FA8]  }
0x2c: {  	s7 =	sld [smem:$0x3FA9]  }
0x2d: {  	s3 =	simm.s32 $0x108;
	s8 =	sld [smem:$0x3FAA]  }
0x2e: {  	s3 =	simm.s32 @!p0 $0x1082;
	s9 =	sld [smem:$0x3FAB]  }
0x2f: {  	lr =	sadd.s32 s0, s3;
	s0 =	sld [smem:$0x3FA2]  }
0x30: {  	s3 =	sld [smem:$0x3FA5]  }
0x31: {  	[smem:$0x3FAE] =	sst s10  }
0x32: {  	s10 =	sld [smem:$0x3FAC];
	_ =	sdelay $0x3  }
0x33: {  	p0 =	seq.s32 s10, $0x1;
	s10 =	sld [smem:$0x3FAE];
	_ =	sdelay $0x3  }
0x34: {  	[smem:$0x3FAE] =	sst s10  }
0x35: {  	s10 =	sld [smem:$0x3FAD];
	_ =	sdelay $0x3  }
0x36: {  	p1 =	seq.s32 s10, $0x1;
	s10 =	sld [smem:$0x3FAE];
	_ =	sdelay $0x3  }
0x37: {  	[smem:$0x3FAE] =	sst s10  }
0x38: {  	s10 =	sld [smem:$0x3FAF]  }
0x39: {  	_ = 	snop;
	(pc) =	sbr.ind lr, $3  }
0x3a: {  	_ = 	snop  }
0x3b: {  	_ = 	snop  }
0x3c: {  	p2 =	seq.s32 s10, $0x1;
	s10 =	sld [smem:$0x3FAE]  }
0x3d: {  	_ =	shalt  }
0x3e: {  	_ =	shalt  }
0x3f: {  	_ =	shalt  }
0x40: {  	_ =	shalt  }
0x41: {  	_ =	shalt  }
0x42: {  	_ =	shalt  }
0x43: {  	_ =	shalt  }
0x44: {  	_ =	shalt  }
0x45: {  	_ =	shalt  }
0x46: {  	_ =	shalt  }
0x47: {  	_ =	shalt  }
0x48: {  	_ =	shalt  }
0x49: {  	_ =	shalt  }
0x4a: {  	_ =	shalt  }
0x4b: {  	_ =	shalt  }
0x4c: {  	_ =	shalt  }
0x4d: {  	_ =	shalt  }
0x4e: {  	_ =	shalt  }
0x4f: {  	_ =	shalt  }
0x50: {  	_ =	shalt  }
0x51: {  	_ =	shalt  }
0x52: {  	_ =	shalt  }
0x53: {  	_ =	shalt  }
0x54: {  	_ =	shalt  }
0x55: {  	_ =	shalt  }
0x56: {  	_ =	shalt  }
0x57: {  	_ =	shalt  }
0x58: {  	_ =	shalt  }
0x59: {  	_ =	shalt  }
0x5a: {  	_ =	shalt  }
0x5b: {  	_ =	shalt  }
0x5c: {  	_ =	shalt  }
0x5d: {  	_ =	shalt  }
0x5e: {  	_ =	shalt  }
0x5f: {  	_ =	shalt  }
0x60: {  	_ =	shalt  }
0x61: {  	_ =	shalt  }
0x62: {  	_ =	shalt  }
0x63: {  	_ =	shalt  }
0x64: {  	_ =	shalt  }
0x65: {  	_ =	shalt  }
0x66: {  	_ =	shalt  }
0x67: {  	_ =	shalt  }
0x68: {  	_ =	shalt  }
0x69: {  	_ =	shalt  }
0x6a: {  	_ =	shalt  }
0x6b: {  	_ =	shalt  }
0x6c: {  	_ =	shalt  }
0x6d: {  	_ =	shalt  }
0x6e: {  	_ =	shalt  }
0x6f: {  	_ =	shalt  }
0x70: {  	_ =	shalt  }
0x71: {  	_ =	shalt  }
0x72: {  	_ =	shalt  }
0x73: {  	_ =	shalt  }
0x74: {  	_ =	shalt  }
0x75: {  	_ =	shalt  }
0x76: {  	_ =	shalt  }
0x77: {  	_ =	shalt  }
0x78: {  	_ =	shalt  }
0x79: {  	_ =	shalt  }
0x7a: {  	_ =	shalt  }
0x7b: {  	_ =	shalt  }
0x7c: {  	_ =	shalt  }
0x7d: {  	_ =	shalt  }
0x7e: {  	_ =	shalt  }
0x7f: {  	_ =	shalt  }
0x80: {  	_ =	shalt  }
0x81: {  	_ =	shalt  }
0x82: {  	_ =	shalt  }
0x83: {  	_ =	shalt  }
0x84: {  	_ =	shalt  }
0x85: {  	_ =	shalt  }
0x86: {  	_ =	shalt  }
0x87: {  	_ =	shalt  }
.Lfunc_end0:
.L_simem_size_0:
called_computation_lowered:
.L_overlay_start_0:
0x88: {  	s2 =	sld [smem:$0x3FD9]  }
0x89: {  	s3 =	sld [smem:$0x3FFE];
	_ =	sdelay $0x1  }
0x8a: {  	s1 =	srdreg.scid  }
0x8b: {  	s0 =	sand.u32 $0x1, s1  }
0x8c: {  	s16 =	sshll.u32 s0, $0xA;
	s2 =	sadd.s32 s3, s2  }
0x8d: {  	s2 =	sadd.s32 s2, s16  }
0x8e: {  	[smem:$0x3FBA] =	sst s2  }
0x8f: {  	_ = 	snop  }
0x90: {  	(tm) =	ssettm $0x1  }
0x91: {  	s17 =	sld [smem:$0x3FFB];
	_ =	sdelay $0x3  }
0x92: {  	_ =	strace s17  }
0x93: {  	s2 =	sld [smem:$0x3FFC];
	_ =	sdelay $0x3  }
0x94: {  	_ =	strace s2  }
0x95: {  	s2 =	sld [smem:$0x3FFD];
	_ =	sdelay $0x3  }
0x96: {  	_ =	strace s2  }
0x97: {  	_ =	strace $0x8FFFFFFF  }
0x98: {  	s18 =	sld [smem:$0x3FDB];
	_ =	sdelay $0x1  }
0x99: {  	s19 =	simm.s32 $_scs_section_size  }
0x9a: {  	s4 =	simm.s32 $_size__tile_overlayer_lowered;
	s5 =	simm.s32 $_tile_overlayer_lowered  }
0x9b: {  	s22 =	simm.s32 $0x1BFF;
	s21 =	sshll.u32 s5, $0x1;
	s2 =	sadd.s32 s19, s18  }
0x9c: {  	s6 =	simm.s32 $0x0;
	s20 =	sshll.u32 s4, $0x1;
	s4 =	sadd.s32 s21, s2  }
0x9d: {  	[timem:s6], [sflag:s22] =	dma.local [hbm:s4], s20  }
0x9e: {  	_ =	swait.ge [sflag:s22], s20  }
0x9f: {  	s3 =	ssub.s32 $0x0, s20;
	[sflag:s22] =	ssyncset.done $0x0  }
0xa0: {  	[sflag:s22] =	ssyncadd.s32 s3;
	_ =	sdelay $0x1  }
0xa1: {  	s23 =	simm.s32 $0x1B8B  }
0xa2: {  	_ =	swait.ge [sflag:s23], $0x1  }
0xa3: {  	[sflag:s23] =	ssyncset.done $0x0  }
0xa4: {  	s25 =	simm.s32 $0x1B8E;
	s24 =	sld [smem:$0x3FFE];
	[sflag:s23] =	ssyncadd.s32 $0xFFFFFFFF  }
0xa5: {  	s26 =	simm.s32 $execute0_lowered;
	[smem:$0x3FD2] =	sst s25  }
0xa6: {  	s4 =	sshll.u32 s26, $0x1;
	_ =	strace $0x80000046;
	[dreg:$0x1] =	wrdreg $0xFFFFFFFF  }
0xa7: {  	s28 =	simm.s32 $_size_execute0_lowered;
	s2 =	sadd.s32 s2, s4;
	[dreg:$0x0] =	wrdreg $0x0  }
0xa8: {  	s4 =	sshll.u32 s28, $0x1;
	[dreg:$0x2] =	wrdreg s2  }
0xa9: {  	[dreg:$0x3] =	wrdreg s4  }
0xaa: {  	[dreg:$0x4] =	wrdreg $0xC0  }
0xab: {  	_ =	task [dreg:s6], $0x5FFFF  }
0xac: {  	[dreg:$0x1] =	wrdreg $0xFFFFFFFF  }
0xad: {  	[dreg:$0x0] =	wrdreg $0x60  }
0xae: {  	[dreg:$0x2] =	wrdreg s24  }
0xaf: {  	[dreg:$0x3] =	wrdreg $0x0  }
0xb0: {  	[dreg:$0x4] =	wrdreg $0x9  }
0xb1: {  	_ =	task.clear_ibuf [dreg:s6], $0x5FFFF;
	_ =	strace $0x90000046  }
0xb2: {  	s29 =	simm.s32 $0x9;
	_ =	strace $0x80000048  }
0xb3: {  	_ =	swait.ge [sflag:s29], $0x1  }
0xb4: {  	[sflag:s29] =	ssyncadd.s32 $0xFFFFFFFF  }
0xb5: {  	_ =	strace $0x90000048  }
0xb6: {  	_ =	sfence  }
0xb7: {  	s30 =	sld [smem:$0x0];
	_ =	sdelay $0x2  }
0xb8: {  	s31 =	sshll.u32 s1, $0xD;
	s1 =	sshrl.u32 s1, $0x2  }
0xb9: {  	s3 =	sand.u32 $0x4000, s31;
	s1 =	sadd.s32 s1, s30  }
0xba: {  	s0 =	sor.u32 s3, s0;
	s1 =	sshll.u32 s1, $0x11  }
0xbb: {  	s0 =	sor.u32 s1, s0  }
0xbc: {  	s0 =	sadd.s32 $0x8F2B, s0  }
0xbd: {  	[sflag:s0] =	ssyncadd.remote.s32 $0x1  }
0xbe: {  	_ =	sfence.sel $0xFFFF  }
0xbf: {  	[dreg:$0x0] =	wrdreg $0xFFFFFFFF;
	(pc) =	sbr.abs _section_cstart, $3  }
0xc0: {  	[dreg:$0x1] =	wrdreg $0xFFFFFFFF  }
0xc1: {  	_ =	task.clear_ibuf [dreg:s6], $0x2FFFF;
	_ =	strace $0x9FFFFFFF  }
0xc2: {  	(tm) =	ssettm $0x7FFFFFFF  }
0xc3: {  	_ =	shalt  }
tec
execute0_lowered:
.L_overlay_start_1:
0x0: {  	(tag) =	ssettag $0x1  }
0x1: {  	s0 =	srdreg.scid;
	s6 =	rddreg [dreg:$0x0]  }
0x2: {  	s2 =	rddreg [dreg:$0x1];
	s3 =	simm.s32 $0x0;
	s21 =	simm.s32 $0x1A400  }
0x3: {  	s22 =	simm.s32 $0x80;
	s23 =	simm.s32 $0x1;
	s24 =	simm.s32 $0x0  }
0x4: {  	s8 =	sand.u32 $0x1, s0;
	s0 =	stileid.u32;
	[smem:$0x7FF] =	sst s3  }
0x5: {  	s5 =	sadd.s32 $0xDE00, s6;
	s16 =	sadd.s32 $0xEE00, s6;
	s10 =	smul.u32 $0x4F000, s0  }
0x6: {  	s1 =	sshll.u32 s8, $0x4;
	s9 =	ssub.s32 $0x2, s8;
	s11 =	smul.u32 $0x13C00, s0  }
0x7: {  	s14 =	smul.u32 $0x13C000, s8;
	s4 =	sor.u32 s0, s1;
	s1 =	rddreg [dreg:$0x2]  }
0x8: {  	_ =	strace $0x80000047;
	s28 =	sshrl.u32 s9, $0x1;
	s4 =	smul.u32 $0x500, s4  }
0x9: {  	s17 =	ssub.s32 s9, s28;
	s29 =	sshrl.u32 s10, $0x2;
	s12 =	sadd.s32 $0x4000, s11  }
0xa: {  	s15 =	sadd.s32 $0x8000, s11;
	s18 =	sadd.s32 $0xC000, s11;
	s13 =	sadd.s32 s11, s14  }
0xb: {  	s19 =	sadd.s32 $0x10000, s11;
	s8 =	sadd.s32 s12, s2;
	s9 =	sadd.s32 s15, s2  }
0xc: {  	s10 =	sadd.s32 s18, s2;
	s13 =	sshrl.u32 s13, $0x3;
	s20 =	sadd.s32 s14, s12  }
0xd: {  	s11 =	sadd.s32 s19, s2;
	s15 =	sadd.s32 s14, s15;
	s18 =	sadd.s32 s14, s18  }
0xe: {  	s19 =	sadd.s32 s14, s19;
	s17 =	smax.u32 s17, $0x1;
	s7 =	sadd.s32 s4, s6  }
0xf: {  	s4 =	sadd.s32 $0xE600, s6;
	s12 =	sadd.s32 s16, s13;
	s30 =	sshrl.u32 s20, $0x3  }
0x10: {  	s15 =	sshrl.u32 s15, $0x3;
	s18 =	sshrl.u32 s18, $0x3;
	s31 =	sshrl.u32 s19, $0x3  }
0x11: {  	s19 =	simm.s32 $0x2;
	s20 =	simm.s32 $0x16400;
	s6 =	sadd.s32 $0x3E00, s7  }
0x12: {  	s7 =	sadd.s32 s29, s2;
	s13 =	sadd.s32 s16, s30;
	s14 =	sadd.s32 s16, s15  }
0x13: {  	s15 =	sadd.s32 s16, s18;
	s16 =	sadd.s32 s16, s31;
	s18 =	simm.s32 $0x13C00  }
.LBB2_1:
0x14: {  	[tilespmem:s18], [sflag:$0x2] =	stream.linear.gather [hbm4b:s6+s3], $0x2800, $0x38;
	[tilespmem:$0x1E400] =	vst v63  }
0x15: {  	_ =	swait.ge [sflag:s19], $0x2800  }
0x16: {  	[sflag:s19] =	ssyncset.done $0x0  }
0x17: {  	[sflag:s19] =	ssyncadd.s32 $0xFFFFD800  }
0x18: {  	[tilespmem:s20], [sflag:$0x2] =	stream.linear.gather [hbm4b:s4+s3], $0x4000, $0x38;
	[tilespmem:$0x1E400] =	vst v63  }
0x19: {  	_ =	swait.ge [sflag:s19], $0x4000  }
0x1a: {  	[sflag:s19] =	ssyncset.done $0x0  }
0x1b: {  	[sflag:s19] =	ssyncadd.s32 $0xFFFFC000  }
0x1c: {  	[tilespmem:s21], [sflag:$0x2] =	stream.linear.gather [hbm4b:s5+s3], $0x4000, $0x38;
	[tilespmem:$0x1E400] =	vst v63  }
0x1d: {  	_ =	swait.ge [sflag:s19], $0x4000  }
0x1e: {  	[sflag:s19] =	ssyncset.done $0x0  }
0x1f: {  	[sflag:s19] =	ssyncadd.s32 $0xFFFFC000  }
0x20: {  	[spmem:s7] =	stream.linear.scatter [tilespmem:s21], [sflag:$0x2], $0x4000, $0x38;
	[tilespmem:$0x1E400] =	vst v63  }
0x21: {  	_ =	swait.ge [sflag:s19], $0x4000  }
0x22: {  	[sflag:s19] =	ssyncset.done $0x0  }
0x23: {  	[sflag:s19] =	ssyncadd.s32 $0xFFFFC000  }
0x24: {  	[spmem:s8] =	stream.linear.scatter [tilespmem:s21], [sflag:$0x2], $0x4000, $0x38;
	[tilespmem:$0x1E400] =	vst v63  }
0x25: {  	_ =	swait.ge [sflag:s19], $0x4000  }
0x26: {  	[sflag:s19] =	ssyncset.done $0x0  }
0x27: {  	[sflag:s19] =	ssyncadd.s32 $0xFFFFC000  }
0x28: {  	[spmem:s9] =	stream.linear.scatter [tilespmem:s21], [sflag:$0x2], $0x4000, $0x38;
	[tilespmem:$0x1E400] =	vst v63  }
0x29: {  	_ =	swait.ge [sflag:s19], $0x4000  }
0x2a: {  	[sflag:s19] =	ssyncset.done $0x0  }
0x2b: {  	[sflag:s19] =	ssyncadd.s32 $0xFFFFC000  }
0x2c: {  	[spmem:s10] =	stream.linear.scatter [tilespmem:s21], [sflag:$0x2], $0x4000, $0x38;
	[tilespmem:$0x1E400] =	vst v63  }
0x2d: {  	_ =	swait.ge [sflag:s19], $0x4000  }
0x2e: {  	[sflag:s19] =	ssyncset.done $0x0  }
0x2f: {  	[sflag:s19] =	ssyncadd.s32 $0xFFFFC000  }
0x30: {  	[spmem:s11] =	stream.linear.scatter [tilespmem:s21], [sflag:$0x2], $0x3C00, $0x38;
	[tilespmem:$0x1E400] =	vst v63  }
0x31: {  	_ =	swait.ge [sflag:s19], $0x3C00  }
0x32: {  	[sflag:s19] =	ssyncset.done $0x0  }
0x33: {  	[sflag:s19] =	ssyncadd.s32 $0xFFFFC400  }
0x34: {  	s25 =	simm.s32 $0x13C00;
	[bflag:$0x0] =	sbarrier.arrive $0xFFFF  }
0x35: {  	[spmem:s2] =	stream.indirect.scatter.add.f32 [tilespmem:s20], [sflag:$0x1], $0x80, s25, s22, $0xb8;
	[tilespmem:$0x1E400] =	vst v63  }
0x36: {  	s31 =	simm.s32 $0x13C80  }
0x37: {  	[spmem:s2] =	stream.indirect.scatter.add.f32 [tilespmem:s20], [sflag:$0x1], $0x80, s31, s22, $0xb8;
	[tilespmem:$0x1E400] =	vst v63  }
0x38: {  	_ =	swait.ge [sflag:s23], $0x4000  }
0x39: {  	[sflag:s23] =	ssyncset.done $0x0  }
0x3a: {  	[sflag:s23] =	ssyncadd.s32 $0xFFFFC000  }
0x3b: {  	_ =	swait.ge [sflag:s23], $0x4000  }
0x3c: {  	s26 =	simm.s32 $0x800;
	s25 =	simm.s32 $0x100;
	[sflag:s23] =	ssyncset.done $0x0  }
.LBB2_2:
0x3d: {  	s28 =	sadd.s32 $0x13C00, s25  }
0x3e: {  	[sflag:s23] =	ssyncadd.s32 $0xFFFFC000;
	s29 =	smov.u32 s26;
	s30 =	sadd.s32 $0x400, s26  }
0x3f: {  	[spmem:s2] =	stream.indirect.scatter.add.f32 [tilespmem:s20], [sflag:$0x1], $0x80, s28, s22, $0xb8;
	[tilespmem:$0x1E400] =	vst v63  }
0x40: {  	p0 =	sne.s32 s26, $0x9C00;
	s25 =	sadd.s32 $0x13C80, s25  }
0x41: {  	[spmem:s2] =	stream.indirect.scatter.add.f32 [tilespmem:s20], [sflag:$0x1], $0x80, s25, s22, $0xb8;
	[tilespmem:$0x1E400] =	vst v63  }
.Ltmp0:
0x42: {  	_ =	swait.ge [sflag:s23], $0x4000;
	(pc) =	sbr.rel @p0 .LBB2_2-.Ltmp0, $4  }
0x43: {  	[sflag:s23] =	ssyncset.done $0x0  }
0x44: {  	[sflag:s23] =	ssyncadd.s32 $0xFFFFC000  }
0x45: {  	_ =	swait.ge [sflag:s23], $0x4000  }
0x46: {  	s26 =	smov.u32 s30;
	s25 =	sshra.s32 s29, $0x2;
	[sflag:s23] =	ssyncset.done $0x0  }
0x47: {  	s26 =	sadd.s32 $0x13C00, s25;
	[sflag:s23] =	ssyncadd.s32 $0xFFFFC000  }
0x48: {  	[spmem:s2] =	stream.indirect.scatter.add.f32 [tilespmem:s20], [sflag:$0x1], $0x80, s26, s22, $0xb8;
	[tilespmem:$0x1E400] =	vst v63  }
0x49: {  	s31 =	sadd.s32 $0x13C80, s25  }
0x4a: {  	[spmem:s2] =	stream.indirect.scatter.add.f32 [tilespmem:s20], [sflag:$0x1], $0x80, s31, s22, $0xb8;
	[tilespmem:$0x1E400] =	vst v63  }
0x4b: {  	_ =	swait.ge [sflag:s23], $0x4000  }
0x4c: {  	[sflag:s23] =	ssyncset.done $0x0  }
0x4d: {  	[sflag:s23] =	ssyncadd.s32 $0xFFFFC000  }
0x4e: {  	_ =	swait.ge [sflag:s23], $0x4000  }
0x4f: {  	[sflag:s23] =	ssyncset.done $0x0  }
0x50: {  	[sflag:s23] =	ssyncadd.s32 $0xFFFFC000  }
0x51: {  	[bflag:$0x0] =	sbarrier.arrive $0xFFFF  }
0x52: {  	[tilespmem:s21], [sflag:$0x2] =	stream.linear.gather [spmem:s7], $0x4000, $0x38;
	[tilespmem:$0x1E400] =	vst v63  }
0x53: {  	_ =	swait.ge [sflag:s19], $0x4000  }
0x54: {  	[sflag:s19] =	ssyncset.done $0x0  }
0x55: {  	[sflag:s19] =	ssyncadd.s32 $0xFFFFC000  }
0x56: {  	[hbm4b:s12+s3] =	stream.linear.scatter [tilespmem:s21], [sflag:$0x2], $0x4000, $0x38;
	[tilespmem:$0x1E400] =	vst v63  }
0x57: {  	_ =	swait.ge [sflag:s19], $0x4000  }
0x58: {  	[sflag:s19] =	ssyncset.done $0x0  }
0x59: {  	[sflag:s19] =	ssyncadd.s32 $0xFFFFC000  }
0x5a: {  	[tilespmem:s21], [sflag:$0x2] =	stream.linear.gather [spmem:s8], $0x4000, $0x38;
	[tilespmem:$0x1E400] =	vst v63  }
0x5b: {  	_ =	swait.ge [sflag:s19], $0x4000  }
0x5c: {  	[sflag:s19] =	ssyncset.done $0x0  }
0x5d: {  	[sflag:s19] =	ssyncadd.s32 $0xFFFFC000  }
0x5e: {  	[hbm4b:s13+s3] =	stream.linear.scatter [tilespmem:s21], [sflag:$0x2], $0x4000, $0x38;
	[tilespmem:$0x1E400] =	vst v63  }
0x5f: {  	_ =	swait.ge [sflag:s19], $0x4000  }
0x60: {  	[sflag:s19] =	ssyncset.done $0x0  }
0x61: {  	[sflag:s19] =	ssyncadd.s32 $0xFFFFC000  }
0x62: {  	[tilespmem:s21], [sflag:$0x2] =	stream.linear.gather [spmem:s9], $0x4000, $0x38;
	[tilespmem:$0x1E400] =	vst v63  }
0x63: {  	_ =	swait.ge [sflag:s19], $0x4000  }
0x64: {  	[sflag:s19] =	ssyncset.done $0x0  }
0x65: {  	[sflag:s19] =	ssyncadd.s32 $0xFFFFC000  }
0x66: {  	[hbm4b:s14+s3] =	stream.linear.scatter [tilespmem:s21], [sflag:$0x2], $0x4000, $0x38;
	[tilespmem:$0x1E400] =	vst v63  }
0x67: {  	_ =	swait.ge [sflag:s19], $0x4000  }
0x68: {  	[sflag:s19] =	ssyncset.done $0x0  }
0x69: {  	[sflag:s19] =	ssyncadd.s32 $0xFFFFC000  }
0x6a: {  	[tilespmem:s21], [sflag:$0x2] =	stream.linear.gather [spmem:s10], $0x4000, $0x38;
	[tilespmem:$0x1E400] =	vst v63  }
0x6b: {  	_ =	swait.ge [sflag:s19], $0x4000  }
0x6c: {  	[sflag:s19] =	ssyncset.done $0x0  }
0x6d: {  	[sflag:s19] =	ssyncadd.s32 $0xFFFFC000  }
0x6e: {  	[hbm4b:s15+s3] =	stream.linear.scatter [tilespmem:s21], [sflag:$0x2], $0x4000, $0x38;
	[tilespmem:$0x1E400] =	vst v63  }
0x6f: {  	_ =	swait.ge [sflag:s19], $0x4000  }
0x70: {  	[sflag:s19] =	ssyncset.done $0x0  }
0x71: {  	[sflag:s19] =	ssyncadd.s32 $0xFFFFC000  }
0x72: {  	[tilespmem:s21], [sflag:$0x2] =	stream.linear.gather [spmem:s11], $0x3C00, $0x38;
	[tilespmem:$0x1E400] =	vst v63  }
0x73: {  	s24 =	sadd.s32 $0x1, s24;
	_ =	swait.ge [sflag:s19], $0x3C00  }
0x74: {  	p0 =	sne.s32 s24, s17;
	[sflag:s19] =	ssyncset.done $0x0  }
.Ltmp1:
0x75: {  	[sflag:s19] =	ssyncadd.s32 $0xFFFFC400;
	(pc) =	sbr.rel @p0 .LBB2_1-.Ltmp1, $4  }
0x76: {  	[hbm4b:s16+s3] =	stream.linear.scatter [tilespmem:s21], [sflag:$0x2], $0x3C00, $0x38;
	[tilespmem:$0x1E400] =	vst v63  }
0x77: {  	_ =	swait.ge [sflag:s19], $0x3C00  }
0x78: {  	[sflag:s19] =	ssyncset.done $0x0  }
0x79: {  	[sflag:s19] =	ssyncadd.s32 $0xFFFFC400  }
0x7a: {  	_ =	sfence.sel $0x180000  }
0x7b: {  	[bflag:$0x0] =	sbarrier.arrive $0xFFFF  }
0x7c: {  	p0 =	sne.s32 s0, $0x0;
	_ =	strace $0x90000047  }
0x7d: {  	s0 =	sadd.s32 @!p0 $0x100000, s1;
	[bflag:$0x2] =	sbarrier.arrive $0xFFFF  }
0x7e: {  	[sflag:s0] =	ssyncadd.tile.s32 @!p0 $0x1;
	_ =	shalt  }
.Lfunc_end2:
_tile_overlayer_lowered:
.L_overlay_start_2:
0x7f: {  	(tag) =	ssettag $0x2  }
0x80: {  	s0 =	rddreg [dreg:$0x0];
	s2 =	stileid.u32  }
0x81: {  	s1 =	rddreg [dreg:$0x1];
	p0 =	sne.s32 s2, $0x0  }
0x82: {  	s3 =	rddreg [dreg:$0x2];
	[bflag:$0x3] =	sbarrier.arrive $0xFFFF;
	s2 =	simm.s32 @!p0 $0x1C02  }
0x83: {  	[timem:s3], [sflag:s2] =	dma.local @!p0 [hbm:s0], s1  }
0x84: {  	s0 =	simm.s32 @!p0 $0x2  }
0x85: {  	_ =	swait.ge @!p0 [sflag:s0], s1  }
0x86: {  	s1 =	ssub.s32 @!p0 $0x0, s1;
	[sflag:s0] =	ssyncset.done @!p0 $0x0  }
0x87: {  	[sflag:s0] =	ssyncadd.s32 @!p0 s1  }
0x88: {  	[bflag:$0x3] =	sbarrier.arrive $0xFFFF  }
0x89: {  	_ =	shalt  }

// kernel: kernel.13.cloned.1.call-start
scs
__scs_entry_jumppad:
0x0: {  	(pc) =	sbr.rel $0x88, $3  }
0x1: {  	(tag) =	ssettag $0x0;
	lr =	simm.s32 $0x1  }
0x2: {  	[smem:$0x3F93] =	sst lr;
	_ =	strace $0xD0000000  }
0x3: {  	_ = 	snop  }
0x4: {  	_ = 	snop  }
0x5: {  	_ = 	snop  }
0x6: {  	_ = 	snop  }
0x7: {  	_ = 	snop  }
__scs_overlays_trampoline_lowered:
0x8: {  	[smem:$0x3FA2] =	sst s0  }
0x9: {  	[smem:$0x3FA3] =	sst s1  }
0xa: {  	[smem:$0x3FA4] =	sst s2  }
0xb: {  	[smem:$0x3FA5] =	sst s3  }
0xc: {  	[smem:$0x3FA6] =	sst s4  }
0xd: {  	[smem:$0x3FA7] =	sst s5  }
0xe: {  	[smem:$0x3FA8] =	sst s6  }
0xf: {  	[smem:$0x3FA9] =	sst s7  }
0x10: {  	[smem:$0x3FAA] =	sst s8  }
0x11: {  	[smem:$0x3FAB] =	sst s9;
	s0 =	simm.s32 @!p0 $0x0  }
0x12: {  	s1 =	sld [smem:$0x3F91];
	s0 =	simm.s32 @p0 $0x1  }
0x13: {  	[smem:$0x3FAC] =	sst s0;
	s0 =	simm.s32 @!p1 $0x0  }
0x14: {  	s2 =	sld [smem:$0x3F90];
	s0 =	simm.s32 @p1 $0x1  }
0x15: {  	[smem:$0x3FAD] =	sst s0;
	s0 =	simm.s32 @!p2 $0x0  }
0x16: {  	s3 =	sld [smem:$0x3FDB];
	s0 =	simm.s32 @p2 $0x1  }
0x17: {  	s4 =	simm.s32 $0x1BF5;
	[smem:$0x3FAF] =	sst s0  }
0x18: {  	s0 =	sld [smem:$0x3F92];
	_ =	swait.ge [sflag:s4], $0x0  }
0x19: {  	s7 =	sld [smem:$0x3F93]  }
0x1a: {  	s8 =	sadd.s32 $0xFFFFE003, lr  }
0x1b: {  	s9 =	sadd.s32 $0xFFFFFEF7, lr;
	s5 =	simm.s32 $0xFFFFFFFF;
	p2 =	slt.u32 s8, $0xFFFFF086  }
0x1c: {  	p1 =	slt.u32 s9, $0xF7A;
	s5 =	simm.s32 @!p2 $0x0  }
0x1d: {  	s5 =	simm.s32 @p1 $0x1;
	p0 =	seq.s32 s7, s2  }
0x1e: {  	s7 =	smul.u32 @!p0 $0xF7A, s2;
	p2 =	seq.s32 @!p0 s5, $0x0  }
0x1f: {  	s9 =	smul.u32 $0xF7A, s1;
	s8 =	simm.s32 @!p0 $0x1BF5;
	p2 =	por !p2, p0  }
0x20: {  	[sflag:s8] =	ssyncset.s32 @!p0 $0xFFFFF086;
	s6 =	sadd.s32 @!p0 s3, s7;
	s7 =	simm.s32 @!p0 $0x108  }
0x21: {  	s3 =	sadd.s32 s3, s9;
	s6 =	sadd.s32 @!p0 $0x88, s6;
	s7 =	simm.s32 @p2 $0x1082  }
0x22: {  	[simem:s7], [sflag:s8] =	dma.local @!p0 [hbm:s6], $0xF7A  }
0x23: {  	s9 =	sor.u32 $0xD0000000, s2;
	s6 =	simm.s32 $0x108;
	_ =	swait.ge @!p0 [sflag:s8], $0x0  }
0x24: {  	s3 =	sadd.s32 $0x88, s3;
	s6 =	simm.s32 @!p1 $0x1082;
	[sflag:s4] =	ssyncset.s32 $0xFFFFF086  }
0x25: {  	[simem:s6], [sflag:s4] =	dma.local [hbm:s3], $0xF7A  }
0x26: {  	[smem:$0x3F93] =	sst s1;
	(tag) =	ssettag s2;
	_ =	strace s9  }
0x27: {  	s1 =	sld [smem:$0x3FA3]  }
0x28: {  	s2 =	sld [smem:$0x3FA4]  }
0x29: {  	s4 =	sld [smem:$0x3FA6]  }
0x2a: {  	p0 =	seq.s32 s5, $0x0;
	s5 =	sld [smem:$0x3FA7]  }
0x2b: {  	s6 =	sld [smem:$0x3FA8]  }
0x2c: {  	s7 =	sld [smem:$0x3FA9]  }
0x2d: {  	s3 =	simm.s32 $0x108;
	s8 =	sld [smem:$0x3FAA]  }
0x2e: {  	s3 =	simm.s32 @!p0 $0x1082;
	s9 =	sld [smem:$0x3FAB]  }
0x2f: {  	lr =	sadd.s32 s0, s3;
	s0 =	sld [smem:$0x3FA2]  }
0x30: {  	s3 =	sld [smem:$0x3FA5]  }
0x31: {  	[smem:$0x3FAE] =	sst s10  }
0x32: {  	s10 =	sld [smem:$0x3FAC];
	_ =	sdelay $0x3  }
0x33: {  	p0 =	seq.s32 s10, $0x1;
	s10 =	sld [smem:$0x3FAE];
	_ =	sdelay $0x3  }
0x34: {  	[smem:$0x3FAE] =	sst s10  }
0x35: {  	s10 =	sld [smem:$0x3FAD];
	_ =	sdelay $0x3  }
0x36: {  	p1 =	seq.s32 s10, $0x1;
	s10 =	sld [smem:$0x3FAE];
	_ =	sdelay $0x3  }
0x37: {  	[smem:$0x3FAE] =	sst s10  }
0x38: {  	s10 =	sld [smem:$0x3FAF]  }
0x39: {  	_ = 	snop;
	(pc) =	sbr.ind lr, $3  }
0x3a: {  	_ = 	snop  }
0x3b: {  	_ = 	snop  }
0x3c: {  	p2 =	seq.s32 s10, $0x1;
	s10 =	sld [smem:$0x3FAE]  }
0x3d: {  	_ =	shalt  }
0x3e: {  	_ =	shalt  }
0x3f: {  	_ =	shalt  }
0x40: {  	_ =	shalt  }
0x41: {  	_ =	shalt  }
0x42: {  	_ =	shalt  }
0x43: {  	_ =	shalt  }
0x44: {  	_ =	shalt  }
0x45: {  	_ =	shalt  }
0x46: {  	_ =	shalt  }
0x47: {  	_ =	shalt  }
0x48: {  	_ =	shalt  }
0x49: {  	_ =	shalt  }
0x4a: {  	_ =	shalt  }
0x4b: {  	_ =	shalt  }
0x4c: {  	_ =	shalt  }
0x4d: {  	_ =	shalt  }
0x4e: {  	_ =	shalt  }
0x4f: {  	_ =	shalt  }
0x50: {  	_ =	shalt  }
0x51: {  	_ =	shalt  }
0x52: {  	_ =	shalt  }
0x53: {  	_ =	shalt  }
0x54: {  	_ =	shalt  }
0x55: {  	_ =	shalt  }
0x56: {  	_ =	shalt  }
0x57: {  	_ =	shalt  }
0x58: {  	_ =	shalt  }
0x59: {  	_ =	shalt  }
0x5a: {  	_ =	shalt  }
0x5b: {  	_ =	shalt  }
0x5c: {  	_ =	shalt  }
0x5d: {  	_ =	shalt  }
0x5e: {  	_ =	shalt  }
0x5f: {  	_ =	shalt  }
0x60: {  	_ =	shalt  }
0x61: {  	_ =	shalt  }
0x62: {  	_ =	shalt  }
0x63: {  	_ =	shalt  }
0x64: {  	_ =	shalt  }
0x65: {  	_ =	shalt  }
0x66: {  	_ =	shalt  }
0x67: {  	_ =	shalt  }
0x68: {  	_ =	shalt  }
0x69: {  	_ =	shalt  }
0x6a: {  	_ =	shalt  }
0x6b: {  	_ =	shalt  }
0x6c: {  	_ =	shalt  }
0x6d: {  	_ =	shalt  }
0x6e: {  	_ =	shalt  }
0x6f: {  	_ =	shalt  }
0x70: {  	_ =	shalt  }
0x71: {  	_ =	shalt  }
0x72: {  	_ =	shalt  }
0x73: {  	_ =	shalt  }
0x74: {  	_ =	shalt  }
0x75: {  	_ =	shalt  }
0x76: {  	_ =	shalt  }
0x77: {  	_ =	shalt  }
0x78: {  	_ =	shalt  }
0x79: {  	_ =	shalt  }
0x7a: {  	_ =	shalt  }
0x7b: {  	_ =	shalt  }
0x7c: {  	_ =	shalt  }
0x7d: {  	_ =	shalt  }
0x7e: {  	_ =	shalt  }
0x7f: {  	_ =	shalt  }
0x80: {  	_ =	shalt  }
0x81: {  	_ =	shalt  }
0x82: {  	_ =	shalt  }
0x83: {  	_ =	shalt  }
0x84: {  	_ =	shalt  }
0x85: {  	_ =	shalt  }
0x86: {  	_ =	shalt  }
0x87: {  	_ =	shalt  }
.Lfunc_end0:
.L_simem_size_0:
called_computation.1_lowered:
.L_overlay_start_0:
0x88: {  	s2 =	sld [smem:$0x3FD9]  }
0x89: {  	s3 =	sld [smem:$0x3FFE];
	_ =	sdelay $0x1  }
0x8a: {  	s1 =	srdreg.scid  }
0x8b: {  	s0 =	sand.u32 $0x1, s1  }
0x8c: {  	s17 =	sshll.u32 s0, $0xA;
	s2 =	sadd.s32 s3, s2  }
0x8d: {  	s2 =	sadd.s32 s2, s17  }
0x8e: {  	[smem:$0x3FBA] =	sst s2  }
0x8f: {  	_ = 	snop  }
0x90: {  	s2 =	sld [smem:$0x3FD0];
	(tm) =	ssettm $0x1  }
0x91: {  	s18 =	sld [smem:$0x3FFB];
	_ =	sdelay $0x3  }
0x92: {  	_ =	strace s18  }
0x93: {  	s3 =	sld [smem:$0x3FFC];
	_ =	sdelay $0x3  }
0x94: {  	_ =	strace s3  }
0x95: {  	s3 =	sld [smem:$0x3FFD];
	_ =	sdelay $0x3  }
0x96: {  	_ =	strace s3  }
0x97: {  	_ =	strace $0x8FFFFFFF  }
0x98: {  	s19 =	sld [smem:$0x3FDB];
	_ =	sdelay $0x1  }
0x99: {  	s4 =	simm.s32 $_scs_section_size  }
0x9a: {  	s5 =	simm.s32 $_size__tile_overlayer_lowered;
	s6 =	simm.s32 $_tile_overlayer_lowered  }
0x9b: {  	s22 =	simm.s32 $0x1BFF;
	s21 =	sshll.u32 s6, $0x1;
	s3 =	sadd.s32 s4, s19  }
0x9c: {  	s7 =	simm.s32 $0x0;
	s20 =	sshll.u32 s5, $0x1;
	s5 =	sadd.s32 s21, s3  }
0x9d: {  	[timem:s7], [sflag:s22] =	dma.local [hbm:s5], s20  }
0x9e: {  	_ =	swait.ge [sflag:s22], s20  }
0x9f: {  	s4 =	ssub.s32 $0x0, s20;
	[sflag:s22] =	ssyncset.done $0x0  }
0xa0: {  	[sflag:s22] =	ssyncadd.s32 s4;
	_ =	sdelay $0x1  }
0xa1: {  	s23 =	simm.s32 $0x1B8B  }
0xa2: {  	_ =	swait.ge [sflag:s23], $0x1  }
0xa3: {  	[sflag:s23] =	ssyncset.done $0x0  }
0xa4: {  	s25 =	simm.s32 $0x1B8E;
	s24 =	sld [smem:$0x3FFE];
	[sflag:s23] =	ssyncadd.s32 $0xFFFFFFFF  }
0xa5: {  	s26 =	simm.s32 $execute0_lowered;
	[smem:$0x3FD2] =	sst s25  }
0xa6: {  	s5 =	sshll.u32 s26, $0x1;
	_ =	strace $0x80000049;
	[dreg:$0x1] =	wrdreg $0xFFFFFFFF  }
0xa7: {  	s28 =	simm.s32 $_size_execute0_lowered;
	s3 =	sadd.s32 s3, s5;
	[dreg:$0x0] =	wrdreg $0x0  }
0xa8: {  	s5 =	sshll.u32 s28, $0x1;
	[dreg:$0x2] =	wrdreg s3  }
0xa9: {  	[dreg:$0x3] =	wrdreg s5  }
0xaa: {  	[dreg:$0x4] =	wrdreg $0xC0  }
0xab: {  	_ =	task [dreg:s7], $0x5FFFF  }
0xac: {  	[dreg:$0x1] =	wrdreg $0xFFFFFFFF  }
0xad: {  	[dreg:$0x0] =	wrdreg $0x60  }
0xae: {  	[dreg:$0x2] =	wrdreg s24  }
0xaf: {  	[dreg:$0x3] =	wrdreg s2  }
0xb0: {  	[dreg:$0x4] =	wrdreg $0x0  }
0xb1: {  	[dreg:$0x5] =	wrdreg $0x9  }
0xb2: {  	_ =	task.clear_ibuf [dreg:s7], $0x6FFFF;
	_ =	strace $0x90000049  }
0xb3: {  	s29 =	simm.s32 $0x9;
	_ =	strace $0x8000004B  }
0xb4: {  	_ =	swait.ge [sflag:s29], $0x1  }
0xb5: {  	[sflag:s29] =	ssyncadd.s32 $0xFFFFFFFF  }
0xb6: {  	_ =	strace $0x9000004B  }
0xb7: {  	_ =	sfence  }
0xb8: {  	s30 =	sld [smem:$0x0];
	_ =	sdelay $0x2  }
0xb9: {  	s31 =	sshll.u32 s1, $0xD;
	s1 =	sshrl.u32 s1, $0x2  }
0xba: {  	s3 =	sand.u32 $0x4000, s31;
	s1 =	sadd.s32 s1, s30  }
0xbb: {  	s0 =	sor.u32 s3, s0;
	s1 =	sshll.u32 s1, $0x11  }
0xbc: {  	s0 =	sor.u32 s1, s0  }
0xbd: {  	s0 =	sadd.s32 $0x8F2B, s0  }
0xbe: {  	[sflag:s0] =	ssyncadd.remote.s32 $0x1  }
0xbf: {  	_ =	sfence.sel $0xFFFF  }
0xc0: {  	[dreg:$0x0] =	wrdreg $0xFFFFFFFF;
	(pc) =	sbr.abs _section_cstart, $3  }
0xc1: {  	[dreg:$0x1] =	wrdreg $0xFFFFFFFF  }
0xc2: {  	_ =	task.clear_ibuf [dreg:s7], $0x2FFFF;
	_ =	strace $0x9FFFFFFF  }
0xc3: {  	(tm) =	ssettm $0x7FFFFFFF  }
tec
execute0_lowered:
.L_overlay_start_1:
0x0: {  	(tag) =	ssettag $0x1  }
0x1: {  	s0 =	rddreg [dreg:$0x0]  }
0x2: {  	s3 =	rddreg [dreg:$0x1]  }
0x3: {  	s1 =	rddreg [dreg:$0x2];
	s2 =	simm.s32 $0x0;
	s5 =	srdreg.scid  }
0x4: {  	s17 =	stileid.u32;
	s28 =	simm.s32 $0x80;
	s29 =	simm.s32 $0x13C80  }
0x5: {  	s30 =	simm.s32 $0x1BC00;
	s31 =	simm.s32 $0x1;
	[smem:$0x7FF] =	sst s2  }
0x6: {  	s4 =	sadd.s32 $0xE600, s0;
	s11 =	sand.u32 $0x1, s5;
	s7 =	smul.u32 $0x4F000, s17  }
0x7: {  	s12 =	sadd.s32 $0x3E00, s0;
	s5 =	sadd.s32 $0xDE00, s0;
	s13 =	smul.u32 $0x13C00, s17  }
0x8: {  	s0 =	sadd.s32 $0x35800, s0;
	s16 =	sshll.u32 s17, $0xB;
	_ =	strace $0x8000004A  }
0x9: {  	s6 =	ssub.s32 $0x2, s11;
	p0 =	seq.s32 s11, $0x1;
	s18 =	sadd.s32 s3, s16  }
0xa: {  	s25 =	sadd.s32 s12, s16;
	s16 =	sor.u32 $0x400, s16;
	s11 =	smul.u32 $0x13C000, s11  }
0xb: {  	s8 =	sshrl.u32 s6, $0x1;
	s24 =	sshrl.u32 s7, $0x2;
	s15 =	sadd.s32 $0x4000, s13  }
0xc: {  	s19 =	sadd.s32 $0x8000, s13;
	s20 =	sadd.s32 $0xC000, s13;
	[dreg:$0x4] =	wrdreg s18  }
0xd: {  	s21 =	sadd.s32 $0x10000, s13;
	[dreg:$0x5] =	wrdreg s25;
	s26 =	sadd.s32 s3, s16  }
0xe: {  	s16 =	sadd.s32 s12, s16;
	s18 =	sshll.u32 s17, $0x9;
	s14 =	ssub.s32 s6, s8  }
0xf: {  	s6 =	sadd.s32 s24, s1;
	s7 =	sadd.s32 s15, s1;
	s8 =	sadd.s32 s19, s1  }
0x10: {  	s9 =	sadd.s32 s20, s1;
	s10 =	sadd.s32 s21, s1;
	[dreg:$0x6] =	wrdreg s26  }
0x11: {  	[dreg:$0x7] =	wrdreg s16;
	s16 =	sor.u32 $0x8000, s18;
	s13 =	sadd.s32 s13, s11  }
0x12: {  	s22 =	sadd.s32 s11, s15;
	s25 =	sadd.s32 s11, s19;
	s26 =	sadd.s32 s11, s20  }
0x13: {  	s11 =	sadd.s32 s11, s21;
	s3 =	sadd.s32 s3, s16;
	s23 =	sshrl.u32 s13, $0x3  }
0x14: {  	s24 =	sshrl.u32 s22, $0x3;
	s16 =	sadd.s32 s12, s16;
	s12 =	sshrl.u32 s26, $0x3  }
0x15: {  	s11 =	sshrl.u32 s11, $0x3;
	s22 =	smax.u32 s14, $0x1;
	s26 =	simm.s32 $0x15C00  }
.Ltmp0:
0x16: {  	[dreg:$0x8] =	wrdreg s3;
	s17 =	sadd.s32 s0, s23;
	(pc) =	sbr.rel .LBB2_1-.Ltmp0, $4  }
0x17: {  	s18 =	sadd.s32 s0, s24;
	s3 =	sshrl.u32 s25, $0x3;
	s20 =	sadd.s32 s0, s12  }
0x18: {  	s21 =	sadd.s32 s0, s11;
	s23 =	simm.s32 $0x17C00;
	s24 =	simm.s32 $0x5  }
0x19: {  	s25 =	simm.s32 $0x13C00;
	s11 =	simm.s32 $0x4;
	s12 =	simm.s32 $0x0  }
0x1a: {  	s19 =	sadd.s32 s0, s3;
	s0 =	simm.s32 $0x2;
	s3 =	simm.s32 $0x3  }
.LBB2_6:
0x1b: {  	[tilespmem:s30], [sflag:$0x2] =	stream.indirect.gather [hbm4b:s4+s28], $0x80, s14, s28, $0xb8;
	[tilespmem:$0x1FC00] =	vst v63  }
0x1c: {  	s13 =	simm.s32 $0x17B80;
	s14 =	simm.s32 $0x17B00  }
.LBB2_10:
0x1d: {  	_ =	swait.ge [sflag:s31], $0x4000  }
0x1e: {  	[sflag:s31] =	ssyncset.done $0x0  }
0x1f: {  	[sflag:s31] =	ssyncadd.s32 $0xFFFFC000  }
0x20: {  	[spmem:s1] =	stream.indirect.scatter.add.f32 [tilespmem:s23], [sflag:$0x3], $0x80, s14, s28, $0xb8;
	[tilespmem:$0x1FC00] =	vst v63  }
0x21: {  	_ =	swait.ge [sflag:s0], $0x4000  }
0x22: {  	[sflag:s0] =	ssyncset.done $0x0  }
0x23: {  	[sflag:s0] =	ssyncadd.s32 $0xFFFFC000  }
0x24: {  	[spmem:s1] =	stream.indirect.scatter.add.f32 [tilespmem:s30], [sflag:$0x4], $0x80, s13, s28, $0xb8;
	[tilespmem:$0x1FC00] =	vst v63  }
0x25: {  	_ =	swait.ge [sflag:s3], $0x4000  }
0x26: {  	[sflag:s3] =	ssyncset.done $0x0  }
0x27: {  	[sflag:s3] =	ssyncadd.s32 $0xFFFFC000  }
0x28: {  	_ =	swait.ge [sflag:s11], $0x4000  }
0x29: {  	[sflag:s11] =	ssyncset.done $0x0  }
0x2a: {  	[sflag:s11] =	ssyncadd.s32 $0xFFFFC000  }
0x2b: {  	[bflag:$0x0] =	sbarrier.arrive $0xFFFF  }
0x2c: {  	[tilespmem:s23], [sflag:$0x5] =	stream.linear.gather [spmem:s6], $0x4000, $0x38;
	[tilespmem:$0x1FC00] =	vst v63  }
0x2d: {  	_ =	swait.ge [sflag:s24], $0x4000  }
0x2e: {  	[sflag:s24] =	ssyncset.done $0x0  }
0x2f: {  	[sflag:s24] =	ssyncadd.s32 $0xFFFFC000  }
0x30: {  	[hbm4b:s17+s2] =	stream.linear.scatter [tilespmem:s23], [sflag:$0x5], $0x4000, $0x38;
	[tilespmem:$0x1FC00] =	vst v63  }
0x31: {  	_ =	swait.ge [sflag:s24], $0x4000  }
0x32: {  	[sflag:s24] =	ssyncset.done $0x0  }
0x33: {  	[sflag:s24] =	ssyncadd.s32 $0xFFFFC000  }
0x34: {  	[tilespmem:s23], [sflag:$0x5] =	stream.linear.gather [spmem:s7], $0x4000, $0x38;
	[tilespmem:$0x1FC00] =	vst v63  }
0x35: {  	_ =	swait.ge [sflag:s24], $0x4000  }
0x36: {  	[sflag:s24] =	ssyncset.done $0x0  }
0x37: {  	[sflag:s24] =	ssyncadd.s32 $0xFFFFC000  }
0x38: {  	[hbm4b:s18+s2] =	stream.linear.scatter [tilespmem:s23], [sflag:$0x5], $0x4000, $0x38;
	[tilespmem:$0x1FC00] =	vst v63  }
0x39: {  	_ =	swait.ge [sflag:s24], $0x4000  }
0x3a: {  	[sflag:s24] =	ssyncset.done $0x0  }
0x3b: {  	[sflag:s24] =	ssyncadd.s32 $0xFFFFC000  }
0x3c: {  	[tilespmem:s23], [sflag:$0x5] =	stream.linear.gather [spmem:s8], $0x4000, $0x38;
	[tilespmem:$0x1FC00] =	vst v63  }
0x3d: {  	_ =	swait.ge [sflag:s24], $0x4000  }
0x3e: {  	[sflag:s24] =	ssyncset.done $0x0  }
0x3f: {  	[sflag:s24] =	ssyncadd.s32 $0xFFFFC000  }
0x40: {  	[hbm4b:s19+s2] =	stream.linear.scatter [tilespmem:s23], [sflag:$0x5], $0x4000, $0x38;
	[tilespmem:$0x1FC00] =	vst v63  }
0x41: {  	_ =	swait.ge [sflag:s24], $0x4000  }
0x42: {  	[sflag:s24] =	ssyncset.done $0x0  }
0x43: {  	[sflag:s24] =	ssyncadd.s32 $0xFFFFC000  }
0x44: {  	[tilespmem:s23], [sflag:$0x5] =	stream.linear.gather [spmem:s9], $0x4000, $0x38;
	[tilespmem:$0x1FC00] =	vst v63  }
0x45: {  	_ =	swait.ge [sflag:s24], $0x4000  }
0x46: {  	[sflag:s24] =	ssyncset.done $0x0  }
0x47: {  	[sflag:s24] =	ssyncadd.s32 $0xFFFFC000  }
0x48: {  	[hbm4b:s20+s2] =	stream.linear.scatter [tilespmem:s23], [sflag:$0x5], $0x4000, $0x38;
	[tilespmem:$0x1FC00] =	vst v63  }
0x49: {  	_ =	swait.ge [sflag:s24], $0x4000  }
0x4a: {  	[sflag:s24] =	ssyncset.done $0x0  }
0x4b: {  	[sflag:s24] =	ssyncadd.s32 $0xFFFFC000  }
0x4c: {  	[tilespmem:s23], [sflag:$0x5] =	stream.linear.gather [spmem:s10], $0x3C00, $0x38;
	[tilespmem:$0x1FC00] =	vst v63  }
0x4d: {  	s12 =	sadd.s32 $0x1, s12;
	_ =	swait.ge [sflag:s24], $0x3C00  }
0x4e: {  	p1 =	sne.s32 s12, s22;
	[sflag:s24] =	ssyncset.done $0x0  }
.Ltmp1:
0x4f: {  	[sflag:s24] =	ssyncadd.s32 $0xFFFFC400;
	(pc) =	sbr.rel @!p1 .LBB2_11-.Ltmp1, $4  }
0x50: {  	[hbm4b:s21+s2] =	stream.linear.scatter [tilespmem:s23], [sflag:$0x5], $0x3C00, $0x38;
	[tilespmem:$0x1FC00] =	vst v63  }
0x51: {  	_ =	swait.ge [sflag:s24], $0x3C00  }
0x52: {  	[sflag:s24] =	ssyncset.done $0x0  }
0x53: {  	[sflag:s24] =	ssyncadd.s32 $0xFFFFC400  }
.LBB2_1:
0x54: {  	[tilespmem:s23], [sflag:$0x5] =	stream.linear.gather [hbm4b:s5+s2], $0x4000, $0x38;
	[tilespmem:$0x1FC00] =	vst v63  }
0x55: {  	_ =	swait.ge [sflag:s24], $0x4000  }
0x56: {  	[sflag:s24] =	ssyncset.done $0x0  }
0x57: {  	[sflag:s24] =	ssyncadd.s32 $0xFFFFC000  }
0x58: {  	[spmem:s6] =	stream.linear.scatter [tilespmem:s23], [sflag:$0x5], $0x4000, $0x38;
	[tilespmem:$0x1FC00] =	vst v63  }
0x59: {  	_ =	swait.ge [sflag:s24], $0x4000  }
0x5a: {  	[sflag:s24] =	ssyncset.done $0x0  }
0x5b: {  	[sflag:s24] =	ssyncadd.s32 $0xFFFFC000  }
0x5c: {  	[spmem:s7] =	stream.linear.scatter [tilespmem:s23], [sflag:$0x5], $0x4000, $0x38;
	[tilespmem:$0x1FC00] =	vst v63  }
0x5d: {  	_ =	swait.ge [sflag:s24], $0x4000  }
0x5e: {  	[sflag:s24] =	ssyncset.done $0x0  }
0x5f: {  	[sflag:s24] =	ssyncadd.s32 $0xFFFFC000  }
0x60: {  	[spmem:s8] =	stream.linear.scatter [tilespmem:s23], [sflag:$0x5], $0x4000, $0x38;
	[tilespmem:$0x1FC00] =	vst v63  }
0x61: {  	_ =	swait.ge [sflag:s24], $0x4000  }
0x62: {  	[sflag:s24] =	ssyncset.done $0x0  }
0x63: {  	[sflag:s24] =	ssyncadd.s32 $0xFFFFC000  }
0x64: {  	[spmem:s9] =	stream.linear.scatter [tilespmem:s23], [sflag:$0x5], $0x4000, $0x38;
	[tilespmem:$0x1FC00] =	vst v63  }
0x65: {  	_ =	swait.ge [sflag:s24], $0x4000  }
0x66: {  	[sflag:s24] =	ssyncset.done $0x0  }
0x67: {  	[sflag:s24] =	ssyncadd.s32 $0xFFFFC000  }
0x68: {  	[spmem:s10] =	stream.linear.scatter [tilespmem:s23], [sflag:$0x5], $0x3C00, $0x38;
	[tilespmem:$0x1FC00] =	vst v63  }
.Ltmp2:
0x69: {  	_ =	swait.ge [sflag:s24], $0x3C00;
	(pc) =	sbr.rel @!p0 .LBB2_2-.Ltmp2, $4  }
0x6a: {  	[sflag:s24] =	ssyncset.done $0x0  }
0x6b: {  	[sflag:s24] =	ssyncadd.s32 $0xFFFFC400  }
0x6c: {  	[bflag:$0x0] =	sbarrier.arrive $0xFFFF  }
0x6d: {  	s13 =	simm.s32 $0x0  }
0x6e: {  	s14 =	rddreg [dreg:$0x8]  }
0x6f: {  	[tilespmem:s25], [sflag:$0x5] =	stream.linear.gather [hbm4b:s14+s13], $0x1000, $0x38;
	[tilespmem:$0x1FC00] =	vst v63  }
0x70: {  	_ =	swait.ge [sflag:s24], $0x1000  }
0x71: {  	[sflag:s24] =	ssyncset.done $0x0  }
0x72: {  	[sflag:s24] =	ssyncadd.s32 $0xFFFFF000  }
0x73: {  	[tilespmem:s26], [sflag:$0x5] =	stream.linear.gather [hbm4b:s16+s13], $0x1000, $0x38;
	[tilespmem:$0x1FC00] =	vst v63  }
0x74: {  	_ =	swait.ge [sflag:s24], $0x1000  }
0x75: {  	[sflag:s24] =	ssyncset.done $0x0  }
0x76: {  	[sflag:s24] =	ssyncadd.s32 $0xFFFFF000  }
0x77: {  	[tilespmem:s23], [sflag:$0x1] =	stream.indirect.gather [hbm4b:s4+s28], $0x80, s25, s28, $0xb8;
	[tilespmem:$0x1FC00] =	vst v63  }
0x78: {  	_ = 	snop  }
0x79: {  	[tilespmem:s30], [sflag:$0x2] =	stream.indirect.gather [hbm4b:s4+s28], $0x80, s29, s28, $0xb8;
	[tilespmem:$0x1FC00] =	vst v63  }
0x7a: {  	_ =	swait.ge [sflag:s31], $0x4000  }
0x7b: {  	[sflag:s31] =	ssyncset.done $0x0  }
0x7c: {  	s15 =	simm.s32 $0x15C00;
	[sflag:s31] =	ssyncadd.s32 $0xFFFFC000  }
0x7d: {  	[spmem:s1] =	stream.indirect.scatter.add.f32 [tilespmem:s23], [sflag:$0x3], $0x80, s15, s28, $0xb8;
	[tilespmem:$0x1FC00] =	vst v63  }
0x7e: {  	_ =	swait.ge [sflag:s0], $0x4000  }
0x7f: {  	[sflag:s0] =	ssyncset.done $0x0  }
0x80: {  	s14 =	simm.s32 $0x15C80;
	[sflag:s0] =	ssyncadd.s32 $0xFFFFC000  }
0x81: {  	[spmem:s1] =	stream.indirect.scatter.add.f32 [tilespmem:s30], [sflag:$0x4], $0x80, s14, s28, $0xb8;
	[tilespmem:$0x1FC00] =	vst v63  }
0x82: {  	_ =	swait.ge [sflag:s3], $0x4000  }
0x83: {  	[sflag:s3] =	ssyncset.done $0x0  }
0x84: {  	s15 =	simm.s32 $0x13D00;
	[sflag:s3] =	ssyncadd.s32 $0xFFFFC000  }
0x85: {  	[tilespmem:s23], [sflag:$0x1] =	stream.indirect.gather [hbm4b:s4+s28], $0x80, s15, s28, $0xb8;
	[tilespmem:$0x1FC00] =	vst v63  }
0x86: {  	_ =	swait.ge [sflag:s11], $0x4000  }
0x87: {  	[sflag:s11] =	ssyncset.done $0x0  }
0x88: {  	s13 =	simm.s32 $0x400;
	s14 =	simm.s32 $0x13D80;
	[sflag:s11] =	ssyncadd.s32 $0xFFFFC000  }
.LBB2_8:
0x89: {  	[tilespmem:s30], [sflag:$0x2] =	stream.indirect.gather [hbm4b:s4+s28], $0x80, s14, s28, $0xb8;
	[tilespmem:$0x1FC00] =	vst v63  }
0x8a: {  	s14 =	smov.u32 s13  }
0x8b: {  	p1 =	sne.s32 s13, $0x3800;
	s13 =	sadd.s32 $0x400, s13;
	_ =	swait.ge [sflag:s31], $0x4000  }
0x8c: {  	s14 =	sshra.s32 s14, $0x2;
	[sflag:s31] =	ssyncset.done $0x0  }
0x8d: {  	s15 =	sadd.s32 $0x15C00, s14;
	[sflag:s31] =	ssyncadd.s32 $0xFFFFC000  }
0x8e: {  	[spmem:s1] =	stream.indirect.scatter.add.f32 [tilespmem:s23], [sflag:$0x3], $0x80, s15, s28, $0xb8;
	[tilespmem:$0x1FC00] =	vst v63  }
0x8f: {  	_ =	swait.ge [sflag:s0], $0x4000  }
0x90: {  	[sflag:s0] =	ssyncset.done $0x0  }
0x91: {  	s15 =	sadd.s32 $0x15C80, s14;
	[sflag:s0] =	ssyncadd.s32 $0xFFFFC000  }
0x92: {  	[spmem:s1] =	stream.indirect.scatter.add.f32 [tilespmem:s30], [sflag:$0x4], $0x80, s15, s28, $0xb8;
	[tilespmem:$0x1FC00] =	vst v63  }
0x93: {  	_ =	swait.ge [sflag:s3], $0x4000  }
0x94: {  	[sflag:s3] =	ssyncset.done $0x0  }
.Ltmp3:
0x95: {  	s15 =	sadd.s32 $0x13D00, s14;
	[sflag:s3] =	ssyncadd.s32 $0xFFFFC000;
	(pc) =	sbr.rel @p1 .LBB2_8-.Ltmp3, $4  }
0x96: {  	[tilespmem:s23], [sflag:$0x1] =	stream.indirect.gather [hbm4b:s4+s28], $0x80, s15, s28, $0xb8;
	[tilespmem:$0x1FC00] =	vst v63  }
0x97: {  	_ =	swait.ge [sflag:s11], $0x4000  }
0x98: {  	[sflag:s11] =	ssyncset.done $0x0  }
0x99: {  	s14 =	sadd.s32 $0x13D80, s14;
	[sflag:s11] =	ssyncadd.s32 $0xFFFFC000  }
.Ltmp4:
0x9a: {  	(pc) =	sbr.rel .LBB2_10-.Ltmp4, $3  }
0x9b: {  	_ =	sdelay $0x1  }
0x9c: {  	[tilespmem:s30], [sflag:$0x2] =	stream.indirect.gather [hbm4b:s4+s28], $0x80, s14, s28, $0xb8;
	[tilespmem:$0x1FC00] =	vst v63  }
0x9d: {  	s13 =	simm.s32 $0x16B80;
	s14 =	simm.s32 $0x16B00  }
.LBB2_2:
0x9e: {  	s14 =	rddreg [dreg:$0x4]  }
0x9f: {  	[tilespmem:s25], [sflag:$0x5] =	stream.linear.gather [hbm4b:s14+s13], $0x2000, $0x38;
	[tilespmem:$0x1FC00] =	vst v63  }
0xa0: {  	_ =	swait.ge [sflag:s24], $0x2000  }
0xa1: {  	[sflag:s24] =	ssyncset.done $0x0  }
0xa2: {  	s15 =	rddreg [dreg:$0x5];
	[sflag:s24] =	ssyncadd.s32 $0xFFFFE000  }
0xa3: {  	[tilespmem:s26], [sflag:$0x5] =	stream.linear.gather [hbm4b:s15+s13], $0x2000, $0x38;
	[tilespmem:$0x1FC00] =	vst v63  }
0xa4: {  	_ =	swait.ge [sflag:s24], $0x2000  }
0xa5: {  	[sflag:s24] =	ssyncset.done $0x0  }
0xa6: {  	[sflag:s24] =	ssyncadd.s32 $0xFFFFE000  }
0xa7: {  	[tilespmem:s23], [sflag:$0x1] =	stream.indirect.gather [hbm4b:s4+s28], $0x80, s25, s28, $0xb8;
	[tilespmem:$0x1FC00] =	vst v63  }
0xa8: {  	_ = 	snop  }
0xa9: {  	[tilespmem:s30], [sflag:$0x2] =	stream.indirect.gather [hbm4b:s4+s28], $0x80, s29, s28, $0xb8;
	[tilespmem:$0x1FC00] =	vst v63  }
0xaa: {  	_ =	swait.ge [sflag:s31], $0x4000  }
0xab: {  	[sflag:s31] =	ssyncset.done $0x0  }
0xac: {  	s15 =	simm.s32 $0x15C00;
	[sflag:s31] =	ssyncadd.s32 $0xFFFFC000  }
0xad: {  	[spmem:s1] =	stream.indirect.scatter.add.f32 [tilespmem:s23], [sflag:$0x3], $0x80, s15, s28, $0xb8;
	[tilespmem:$0x1FC00] =	vst v63  }
0xae: {  	_ =	swait.ge [sflag:s0], $0x4000  }
0xaf: {  	[sflag:s0] =	ssyncset.done $0x0  }
0xb0: {  	s14 =	simm.s32 $0x15C80;
	[sflag:s0] =	ssyncadd.s32 $0xFFFFC000  }
0xb1: {  	[spmem:s1] =	stream.indirect.scatter.add.f32 [tilespmem:s30], [sflag:$0x4], $0x80, s14, s28, $0xb8;
	[tilespmem:$0x1FC00] =	vst v63  }
0xb2: {  	_ =	swait.ge [sflag:s3], $0x4000  }
0xb3: {  	[sflag:s3] =	ssyncset.done $0x0  }
0xb4: {  	s15 =	simm.s32 $0x13D00;
	[sflag:s3] =	ssyncadd.s32 $0xFFFFC000  }
0xb5: {  	[tilespmem:s23], [sflag:$0x1] =	stream.indirect.gather [hbm4b:s4+s28], $0x80, s15, s28, $0xb8;
	[tilespmem:$0x1FC00] =	vst v63  }
0xb6: {  	_ =	swait.ge [sflag:s11], $0x4000  }
0xb7: {  	[sflag:s11] =	ssyncset.done $0x0  }
0xb8: {  	s13 =	simm.s32 $0x400;
	s14 =	simm.s32 $0x13D80;
	[sflag:s11] =	ssyncadd.s32 $0xFFFFC000  }
.LBB2_3:
0xb9: {  	[tilespmem:s30], [sflag:$0x2] =	stream.indirect.gather [hbm4b:s4+s28], $0x80, s14, s28, $0xb8;
	[tilespmem:$0x1FC00] =	vst v63  }
0xba: {  	s14 =	smov.u32 s13  }
0xbb: {  	p1 =	sne.s32 s13, $0x7800;
	s13 =	sadd.s32 $0x400, s13;
	_ =	swait.ge [sflag:s31], $0x4000  }
0xbc: {  	s14 =	sshra.s32 s14, $0x2;
	[sflag:s31] =	ssyncset.done $0x0  }
0xbd: {  	s15 =	sadd.s32 $0x15C00, s14;
	[sflag:s31] =	ssyncadd.s32 $0xFFFFC000  }
0xbe: {  	[spmem:s1] =	stream.indirect.scatter.add.f32 [tilespmem:s23], [sflag:$0x3], $0x80, s15, s28, $0xb8;
	[tilespmem:$0x1FC00] =	vst v63  }
0xbf: {  	_ =	swait.ge [sflag:s0], $0x4000  }
0xc0: {  	[sflag:s0] =	ssyncset.done $0x0  }
0xc1: {  	s15 =	sadd.s32 $0x15C80, s14;
	[sflag:s0] =	ssyncadd.s32 $0xFFFFC000  }
0xc2: {  	[spmem:s1] =	stream.indirect.scatter.add.f32 [tilespmem:s30], [sflag:$0x4], $0x80, s15, s28, $0xb8;
	[tilespmem:$0x1FC00] =	vst v63  }
0xc3: {  	_ =	swait.ge [sflag:s3], $0x4000  }
0xc4: {  	[sflag:s3] =	ssyncset.done $0x0  }
.Ltmp5:
0xc5: {  	s15 =	sadd.s32 $0x13D00, s14;
	[sflag:s3] =	ssyncadd.s32 $0xFFFFC000;
	(pc) =	sbr.rel @p1 .LBB2_3-.Ltmp5, $4  }
0xc6: {  	[tilespmem:s23], [sflag:$0x1] =	stream.indirect.gather [hbm4b:s4+s28], $0x80, s15, s28, $0xb8;
	[tilespmem:$0x1FC00] =	vst v63  }
0xc7: {  	_ =	swait.ge [sflag:s11], $0x4000  }
0xc8: {  	[sflag:s11] =	ssyncset.done $0x0  }
0xc9: {  	s14 =	sadd.s32 $0x13D80, s14;
	[sflag:s11] =	ssyncadd.s32 $0xFFFFC000  }
0xca: {  	[tilespmem:s30], [sflag:$0x2] =	stream.indirect.gather [hbm4b:s4+s28], $0x80, s14, s28, $0xb8;
	[tilespmem:$0x1FC00] =	vst v63  }
0xcb: {  	_ =	swait.ge [sflag:s31], $0x4000  }
0xcc: {  	[sflag:s31] =	ssyncset.done $0x0  }
0xcd: {  	s13 =	simm.s32 $0x17B00;
	[sflag:s31] =	ssyncadd.s32 $0xFFFFC000  }
0xce: {  	[spmem:s1] =	stream.indirect.scatter.add.f32 [tilespmem:s23], [sflag:$0x3], $0x80, s13, s28, $0xb8;
	[tilespmem:$0x1FC00] =	vst v63  }
0xcf: {  	_ =	swait.ge [sflag:s0], $0x4000  }
0xd0: {  	[sflag:s0] =	ssyncset.done $0x0  }
0xd1: {  	s14 =	simm.s32 $0x17B80;
	[sflag:s0] =	ssyncadd.s32 $0xFFFFC000  }
0xd2: {  	[spmem:s1] =	stream.indirect.scatter.add.f32 [tilespmem:s30], [sflag:$0x4], $0x80, s14, s28, $0xb8;
	[tilespmem:$0x1FC00] =	vst v63  }
0xd3: {  	_ =	swait.ge [sflag:s3], $0x4000  }
0xd4: {  	[sflag:s3] =	ssyncset.done $0x0  }
0xd5: {  	[sflag:s3] =	ssyncadd.s32 $0xFFFFC000  }
0xd6: {  	_ =	swait.ge [sflag:s11], $0x4000  }
0xd7: {  	[sflag:s11] =	ssyncset.done $0x0  }
0xd8: {  	s13 =	simm.s32 $0x0;
	s15 =	rddreg [dreg:$0x6];
	[sflag:s11] =	ssyncadd.s32 $0xFFFFC000  }
0xd9: {  	[tilespmem:s25], [sflag:$0x5] =	stream.linear.gather [hbm4b:s15+s13], $0x2000, $0x38;
	[tilespmem:$0x1FC00] =	vst v63  }
0xda: {  	_ =	swait.ge [sflag:s24], $0x2000  }
0xdb: {  	[sflag:s24] =	ssyncset.done $0x0  }
0xdc: {  	s15 =	rddreg [dreg:$0x7];
	[sflag:s24] =	ssyncadd.s32 $0xFFFFE000  }
0xdd: {  	[tilespmem:s26], [sflag:$0x5] =	stream.linear.gather [hbm4b:s15+s13], $0x2000, $0x38;
	[tilespmem:$0x1FC00] =	vst v63  }
0xde: {  	_ =	swait.ge [sflag:s24], $0x2000  }
0xdf: {  	[sflag:s24] =	ssyncset.done $0x0  }
0xe0: {  	[sflag:s24] =	ssyncadd.s32 $0xFFFFE000  }
0xe1: {  	[tilespmem:s23], [sflag:$0x1] =	stream.indirect.gather [hbm4b:s4+s28], $0x80, s25, s28, $0xb8;
	[tilespmem:$0x1FC00] =	vst v63  }
0xe2: {  	_ = 	snop  }
0xe3: {  	[tilespmem:s30], [sflag:$0x2] =	stream.indirect.gather [hbm4b:s4+s28], $0x80, s29, s28, $0xb8;
	[tilespmem:$0x1FC00] =	vst v63  }
0xe4: {  	_ =	swait.ge [sflag:s31], $0x4000  }
0xe5: {  	[sflag:s31] =	ssyncset.done $0x0  }
0xe6: {  	s15 =	simm.s32 $0x15C00;
	[sflag:s31] =	ssyncadd.s32 $0xFFFFC000  }
0xe7: {  	[spmem:s1] =	stream.indirect.scatter.add.f32 [tilespmem:s23], [sflag:$0x3], $0x80, s15, s28, $0xb8;
	[tilespmem:$0x1FC00] =	vst v63  }
0xe8: {  	_ =	swait.ge [sflag:s0], $0x4000  }
0xe9: {  	[sflag:s0] =	ssyncset.done $0x0  }
0xea: {  	s14 =	simm.s32 $0x15C80;
	[sflag:s0] =	ssyncadd.s32 $0xFFFFC000  }
0xeb: {  	[spmem:s1] =	stream.indirect.scatter.add.f32 [tilespmem:s30], [sflag:$0x4], $0x80, s14, s28, $0xb8;
	[tilespmem:$0x1FC00] =	vst v63  }
0xec: {  	_ =	swait.ge [sflag:s3], $0x4000  }
0xed: {  	p1 =	por $0x0, $0x0;
	[sflag:s3] =	ssyncset.done $0x0  }
.Ltmp6:
0xee: {  	s15 =	simm.s32 $0x13D00;
	[sflag:s3] =	ssyncadd.s32 $0xFFFFC000;
	(pc) =	sbr.rel @p1 .LBB2_6-.Ltmp6, $4  }
0xef: {  	[tilespmem:s23], [sflag:$0x1] =	stream.indirect.gather [hbm4b:s4+s28], $0x80, s15, s28, $0xb8;
	[tilespmem:$0x1FC00] =	vst v63  }
0xf0: {  	_ =	swait.ge [sflag:s11], $0x4000  }
0xf1: {  	[sflag:s11] =	ssyncset.done $0x0  }
0xf2: {  	s13 =	simm.s32 $0x400;
	s14 =	simm.s32 $0x13D80;
	[sflag:s11] =	ssyncadd.s32 $0xFFFFC000  }
.LBB2_5:
0xf3: {  	[tilespmem:s30], [sflag:$0x2] =	stream.indirect.gather [hbm4b:s4+s28], $0x80, s14, s28, $0xb8;
	[tilespmem:$0x1FC00] =	vst v63  }
0xf4: {  	s14 =	smov.u32 s13  }
0xf5: {  	p1 =	seq.s32 s13, $0x7800;
	s13 =	sadd.s32 $0x400, s13;
	_ =	swait.ge [sflag:s31], $0x4000  }
0xf6: {  	s14 =	sshra.s32 s14, $0x2;
	[sflag:s31] =	ssyncset.done $0x0  }
0xf7: {  	s15 =	sadd.s32 $0x15C00, s14;
	[sflag:s31] =	ssyncadd.s32 $0xFFFFC000  }
0xf8: {  	[spmem:s1] =	stream.indirect.scatter.add.f32 [tilespmem:s23], [sflag:$0x3], $0x80, s15, s28, $0xb8;
	[tilespmem:$0x1FC00] =	vst v63  }
0xf9: {  	_ =	swait.ge [sflag:s0], $0x4000  }
0xfa: {  	[sflag:s0] =	ssyncset.done $0x0  }
0xfb: {  	s15 =	sadd.s32 $0x15C80, s14;
	[sflag:s0] =	ssyncadd.s32 $0xFFFFC000  }
0xfc: {  	[spmem:s1] =	stream.indirect.scatter.add.f32 [tilespmem:s30], [sflag:$0x4], $0x80, s15, s28, $0xb8;
	[tilespmem:$0x1FC00] =	vst v63  }
0xfd: {  	_ =	swait.ge [sflag:s3], $0x4000  }
0xfe: {  	[sflag:s3] =	ssyncset.done $0x0  }
.Ltmp7:
0xff: {  	s15 =	sadd.s32 $0x13D00, s14;
	[sflag:s3] =	ssyncadd.s32 $0xFFFFC000;
	(pc) =	sbr.rel @!p1 .LBB2_5-.Ltmp7, $4  }
0x100: {  	[tilespmem:s23], [sflag:$0x1] =	stream.indirect.gather [hbm4b:s4+s28], $0x80, s15, s28, $0xb8;
	[tilespmem:$0x1FC00] =	vst v63  }
0x101: {  	_ =	swait.ge [sflag:s11], $0x4000  }
0x102: {  	[sflag:s11] =	ssyncset.done $0x0  }
0x103: {  	s14 =	sadd.s32 $0x13D80, s14;
	[sflag:s11] =	ssyncadd.s32 $0xFFFFC000  }
.Ltmp8:
0x104: {  	_ = 	snop;
	(pc) =	sbr.rel .LBB2_6-.Ltmp8, $1  }
0x105: {  	_ =	sdelay $0x3  }
.LBB2_11:
0x106: {  	_ =	sfence.sel $0x180000  }
0x107: {  	[bflag:$0x0] =	sbarrier.arrive $0xFFFF  }
0x108: {  	_ =	strace $0x9000004A  }
0x109: {  	s0 =	stileid.u32;
	[bflag:$0x2] =	sbarrier.arrive $0xFFFF  }
0x10a: {  	p0 =	sne.s32 s0, $0x0;
	s0 =	rddreg [dreg:$0x3]  }
0x10b: {  	s0 =	sadd.s32 @!p0 $0x100000, s0  }
0x10c: {  	[sflag:s0] =	ssyncadd.tile.s32 @!p0 $0x1;
	_ =	shalt  }
.Lfunc_end2:
_tile_overlayer_lowered:
.L_overlay_start_2:
0x10d: {  	(tag) =	ssettag $0x2  }
0x10e: {  	s0 =	rddreg [dreg:$0x0];
	s2 =	stileid.u32  }
0x10f: {  	s1 =	rddreg [dreg:$0x1];
	p0 =	sne.s32 s2, $0x0  }
0x110: {  	s3 =	rddreg [dreg:$0x2];
	[bflag:$0x3] =	sbarrier.arrive $0xFFFF;
	s2 =	simm.s32 @!p0 $0x1C05  }
0x111: {  	[timem:s3], [sflag:s2] =	dma.local @!p0 [hbm:s0], s1  }
0x112: {  	s0 =	simm.s32 @!p0 $0x5  }
0x113: {  	_ =	swait.ge @!p0 [sflag:s0], s1  }
0x114: {  	s1 =	ssub.s32 @!p0 $0x0, s1;
	[sflag:s0] =	ssyncset.done @!p0 $0x0  }
0x115: {  	[sflag:s0] =	ssyncadd.s32 @!p0 s1  }
0x116: {  	[bflag:$0x3] =	sbarrier.arrive $0xFFFF  }
0x117: {  	_ =	shalt  }

// kernel: kernel.16.cloned.1.call-start
scs
__scs_entry_jumppad:
0x0: {  	(pc) =	sbr.rel $0x88, $3  }
0x1: {  	(tag) =	ssettag $0x0;
	lr =	simm.s32 $0x1  }
0x2: {  	[smem:$0x3F93] =	sst lr;
	_ =	strace $0xD0000000  }
0x3: {  	_ = 	snop  }
0x4: {  	_ = 	snop  }
0x5: {  	_ = 	snop  }
0x6: {  	_ = 	snop  }
0x7: {  	_ = 	snop  }
__scs_overlays_trampoline_lowered:
0x8: {  	[smem:$0x3FA2] =	sst s0  }
0x9: {  	[smem:$0x3FA3] =	sst s1  }
0xa: {  	[smem:$0x3FA4] =	sst s2  }
0xb: {  	[smem:$0x3FA5] =	sst s3  }
0xc: {  	[smem:$0x3FA6] =	sst s4  }
0xd: {  	[smem:$0x3FA7] =	sst s5  }
0xe: {  	[smem:$0x3FA8] =	sst s6  }
0xf: {  	[smem:$0x3FA9] =	sst s7  }
0x10: {  	[smem:$0x3FAA] =	sst s8  }
0x11: {  	[smem:$0x3FAB] =	sst s9;
	s0 =	simm.s32 @!p0 $0x0  }
0x12: {  	s1 =	sld [smem:$0x3F91];
	s0 =	simm.s32 @p0 $0x1  }
0x13: {  	[smem:$0x3FAC] =	sst s0;
	s0 =	simm.s32 @!p1 $0x0  }
0x14: {  	s2 =	sld [smem:$0x3F90];
	s0 =	simm.s32 @p1 $0x1  }
0x15: {  	[smem:$0x3FAD] =	sst s0;
	s0 =	simm.s32 @!p2 $0x0  }
0x16: {  	s3 =	sld [smem:$0x3FDB];
	s0 =	simm.s32 @p2 $0x1  }
0x17: {  	s4 =	simm.s32 $0x1BF5;
	[smem:$0x3FAF] =	sst s0  }
0x18: {  	s0 =	sld [smem:$0x3F92];
	_ =	swait.ge [sflag:s4], $0x0  }
0x19: {  	s7 =	sld [smem:$0x3F93]  }
0x1a: {  	s8 =	sadd.s32 $0xFFFFE003, lr  }
0x1b: {  	s9 =	sadd.s32 $0xFFFFFEF7, lr;
	s5 =	simm.s32 $0xFFFFFFFF;
	p2 =	slt.u32 s8, $0xFFFFF086  }
0x1c: {  	p1 =	slt.u32 s9, $0xF7A;
	s5 =	simm.s32 @!p2 $0x0  }
0x1d: {  	s5 =	simm.s32 @p1 $0x1;
	p0 =	seq.s32 s7, s2  }
0x1e: {  	s7 =	smul.u32 @!p0 $0xF7A, s2;
	p2 =	seq.s32 @!p0 s5, $0x0  }
0x1f: {  	s9 =	smul.u32 $0xF7A, s1;
	s8 =	simm.s32 @!p0 $0x1BF5;
	p2 =	por !p2, p0  }
0x20: {  	[sflag:s8] =	ssyncset.s32 @!p0 $0xFFFFF086;
	s6 =	sadd.s32 @!p0 s3, s7;
	s7 =	simm.s32 @!p0 $0x108  }
0x21: {  	s3 =	sadd.s32 s3, s9;
	s6 =	sadd.s32 @!p0 $0x88, s6;
	s7 =	simm.s32 @p2 $0x1082  }
0x22: {  	[simem:s7], [sflag:s8] =	dma.local @!p0 [hbm:s6], $0xF7A  }
0x23: {  	s9 =	sor.u32 $0xD0000000, s2;
	s6 =	simm.s32 $0x108;
	_ =	swait.ge @!p0 [sflag:s8], $0x0  }
0x24: {  	s3 =	sadd.s32 $0x88, s3;
	s6 =	simm.s32 @!p1 $0x1082;
	[sflag:s4] =	ssyncset.s32 $0xFFFFF086  }
0x25: {  	[simem:s6], [sflag:s4] =	dma.local [hbm:s3], $0xF7A  }
0x26: {  	[smem:$0x3F93] =	sst s1;
	(tag) =	ssettag s2;
	_ =	strace s9  }
0x27: {  	s1 =	sld [smem:$0x3FA3]  }
0x28: {  	s2 =	sld [smem:$0x3FA4]  }
0x29: {  	s4 =	sld [smem:$0x3FA6]  }
0x2a: {  	p0 =	seq.s32 s5, $0x0;
	s5 =	sld [smem:$0x3FA7]  }
0x2b: {  	s6 =	sld [smem:$0x3FA8]  }
0x2c: {  	s7 =	sld [smem:$0x3FA9]  }
0x2d: {  	s3 =	simm.s32 $0x108;
	s8 =	sld [smem:$0x3FAA]  }
0x2e: {  	s3 =	simm.s32 @!p0 $0x1082;
	s9 =	sld [smem:$0x3FAB]  }
0x2f: {  	lr =	sadd.s32 s0, s3;
	s0 =	sld [smem:$0x3FA2]  }
0x30: {  	s3 =	sld [smem:$0x3FA5]  }
0x31: {  	[smem:$0x3FAE] =	sst s10  }
0x32: {  	s10 =	sld [smem:$0x3FAC];
	_ =	sdelay $0x3  }
0x33: {  	p0 =	seq.s32 s10, $0x1;
	s10 =	sld [smem:$0x3FAE];
	_ =	sdelay $0x3  }
0x34: {  	[smem:$0x3FAE] =	sst s10  }
0x35: {  	s10 =	sld [smem:$0x3FAD];
	_ =	sdelay $0x3  }
0x36: {  	p1 =	seq.s32 s10, $0x1;
	s10 =	sld [smem:$0x3FAE];
	_ =	sdelay $0x3  }
0x37: {  	[smem:$0x3FAE] =	sst s10  }
0x38: {  	s10 =	sld [smem:$0x3FAF]  }
0x39: {  	_ = 	snop;
	(pc) =	sbr.ind lr, $3  }
0x3a: {  	_ = 	snop  }
0x3b: {  	_ = 	snop  }
0x3c: {  	p2 =	seq.s32 s10, $0x1;
	s10 =	sld [smem:$0x3FAE]  }
0x3d: {  	_ =	shalt  }
0x3e: {  	_ =	shalt  }
0x3f: {  	_ =	shalt  }
0x40: {  	_ =	shalt  }
0x41: {  	_ =	shalt  }
0x42: {  	_ =	shalt  }
0x43: {  	_ =	shalt  }
0x44: {  	_ =	shalt  }
0x45: {  	_ =	shalt  }
0x46: {  	_ =	shalt  }
0x47: {  	_ =	shalt  }
0x48: {  	_ =	shalt  }
0x49: {  	_ =	shalt  }
0x4a: {  	_ =	shalt  }
0x4b: {  	_ =	shalt  }
0x4c: {  	_ =	shalt  }
0x4d: {  	_ =	shalt  }
0x4e: {  	_ =	shalt  }
0x4f: {  	_ =	shalt  }
0x50: {  	_ =	shalt  }
0x51: {  	_ =	shalt  }
0x52: {  	_ =	shalt  }
0x53: {  	_ =	shalt  }
0x54: {  	_ =	shalt  }
0x55: {  	_ =	shalt  }
0x56: {  	_ =	shalt  }
0x57: {  	_ =	shalt  }
0x58: {  	_ =	shalt  }
0x59: {  	_ =	shalt  }
0x5a: {  	_ =	shalt  }
0x5b: {  	_ =	shalt  }
0x5c: {  	_ =	shalt  }
0x5d: {  	_ =	shalt  }
0x5e: {  	_ =	shalt  }
0x5f: {  	_ =	shalt  }
0x60: {  	_ =	shalt  }
0x61: {  	_ =	shalt  }
0x62: {  	_ =	shalt  }
0x63: {  	_ =	shalt  }
0x64: {  	_ =	shalt  }
0x65: {  	_ =	shalt  }
0x66: {  	_ =	shalt  }
0x67: {  	_ =	shalt  }
0x68: {  	_ =	shalt  }
0x69: {  	_ =	shalt  }
0x6a: {  	_ =	shalt  }
0x6b: {  	_ =	shalt  }
0x6c: {  	_ =	shalt  }
0x6d: {  	_ =	shalt  }
0x6e: {  	_ =	shalt  }
0x6f: {  	_ =	shalt  }
0x70: {  	_ =	shalt  }
0x71: {  	_ =	shalt  }
0x72: {  	_ =	shalt  }
0x73: {  	_ =	shalt  }
0x74: {  	_ =	shalt  }
0x75: {  	_ =	shalt  }
0x76: {  	_ =	shalt  }
0x77: {  	_ =	shalt  }
0x78: {  	_ =	shalt  }
0x79: {  	_ =	shalt  }
0x7a: {  	_ =	shalt  }
0x7b: {  	_ =	shalt  }
0x7c: {  	_ =	shalt  }
0x7d: {  	_ =	shalt  }
0x7e: {  	_ =	shalt  }
0x7f: {  	_ =	shalt  }
0x80: {  	_ =	shalt  }
0x81: {  	_ =	shalt  }
0x82: {  	_ =	shalt  }
0x83: {  	_ =	shalt  }
0x84: {  	_ =	shalt  }
0x85: {  	_ =	shalt  }
0x86: {  	_ =	shalt  }
0x87: {  	_ =	shalt  }
.Lfunc_end0:
.L_simem_size_0:
called_computation.2_lowered:
.L_overlay_start_0:
0x88: {  	s2 =	sld [smem:$0x3FD9]  }
0x89: {  	s3 =	sld [smem:$0x3FFE];
	_ =	sdelay $0x1  }
0x8a: {  	s1 =	srdreg.scid  }
0x8b: {  	s0 =	sand.u32 $0x1, s1  }
0x8c: {  	s17 =	sshll.u32 s0, $0xA;
	s2 =	sadd.s32 s3, s2  }
0x8d: {  	s2 =	sadd.s32 s2, s17  }
0x8e: {  	[smem:$0x3FBA] =	sst s2  }
0x8f: {  	_ = 	snop  }
0x90: {  	s2 =	sld [smem:$0x3FD0];
	(tm) =	ssettm $0x1  }
0x91: {  	s18 =	sld [smem:$0x3FFB];
	_ =	sdelay $0x3  }
0x92: {  	_ =	strace s18  }
0x93: {  	s3 =	sld [smem:$0x3FFC];
	_ =	sdelay $0x3  }
0x94: {  	_ =	strace s3  }
0x95: {  	s3 =	sld [smem:$0x3FFD];
	_ =	sdelay $0x3  }
0x96: {  	_ =	strace s3  }
0x97: {  	_ =	strace $0x8FFFFFFF  }
0x98: {  	s19 =	sld [smem:$0x3FDB];
	_ =	sdelay $0x1  }
0x99: {  	s4 =	simm.s32 $_scs_section_size  }
0x9a: {  	s5 =	simm.s32 $_size__tile_overlayer_lowered;
	s6 =	simm.s32 $_tile_overlayer_lowered  }
0x9b: {  	s22 =	simm.s32 $0x1BFF;
	s21 =	sshll.u32 s6, $0x1;
	s3 =	sadd.s32 s4, s19  }
0x9c: {  	s7 =	simm.s32 $0x0;
	s20 =	sshll.u32 s5, $0x1;
	s5 =	sadd.s32 s21, s3  }
0x9d: {  	[timem:s7], [sflag:s22] =	dma.local [hbm:s5], s20  }
0x9e: {  	_ =	swait.ge [sflag:s22], s20  }
0x9f: {  	s4 =	ssub.s32 $0x0, s20;
	[sflag:s22] =	ssyncset.done $0x0  }
0xa0: {  	[sflag:s22] =	ssyncadd.s32 s4;
	_ =	sdelay $0x1  }
0xa1: {  	s23 =	simm.s32 $0x1B8B  }
0xa2: {  	_ =	swait.ge [sflag:s23], $0x1  }
0xa3: {  	[sflag:s23] =	ssyncset.done $0x0  }
0xa4: {  	s25 =	simm.s32 $0x1B8E;
	s24 =	sld [smem:$0x3FFE];
	[sflag:s23] =	ssyncadd.s32 $0xFFFFFFFF  }
0xa5: {  	s26 =	simm.s32 $execute0_lowered;
	[smem:$0x3FD2] =	sst s25  }
0xa6: {  	s5 =	sshll.u32 s26, $0x1;
	_ =	strace $0x8000004C;
	[dreg:$0x1] =	wrdreg $0xFFFFFFFF  }
0xa7: {  	s28 =	simm.s32 $_size_execute0_lowered;
	s3 =	sadd.s32 s3, s5;
	[dreg:$0x0] =	wrdreg $0x0  }
0xa8: {  	s5 =	sshll.u32 s28, $0x1;
	[dreg:$0x2] =	wrdreg s3  }
0xa9: {  	[dreg:$0x3] =	wrdreg s5  }
0xaa: {  	[dreg:$0x4] =	wrdreg $0xC0  }
0xab: {  	_ =	task [dreg:s7], $0x5FFFF  }
0xac: {  	[dreg:$0x1] =	wrdreg $0xFFFFFFFF  }
0xad: {  	[dreg:$0x0] =	wrdreg $0x60  }
0xae: {  	[dreg:$0x2] =	wrdreg s24  }
0xaf: {  	[dreg:$0x3] =	wrdreg s2  }
0xb0: {  	[dreg:$0x4] =	wrdreg $0x0  }
0xb1: {  	[dreg:$0x5] =	wrdreg $0x9  }
0xb2: {  	_ =	task.clear_ibuf [dreg:s7], $0x6FFFF;
	_ =	strace $0x9000004C  }
0xb3: {  	s29 =	simm.s32 $0x9;
	_ =	strace $0x8000004E  }
0xb4: {  	_ =	swait.ge [sflag:s29], $0x1  }
0xb5: {  	[sflag:s29] =	ssyncadd.s32 $0xFFFFFFFF  }
0xb6: {  	_ =	strace $0x9000004E  }
0xb7: {  	_ =	sfence  }
0xb8: {  	s30 =	sld [smem:$0x0];
	_ =	sdelay $0x2  }
0xb9: {  	s31 =	sshll.u32 s1, $0xD;
	s1 =	sshrl.u32 s1, $0x2  }
0xba: {  	s3 =	sand.u32 $0x4000, s31;
	s1 =	sadd.s32 s1, s30  }
0xbb: {  	s0 =	sor.u32 s3, s0;
	s1 =	sshll.u32 s1, $0x11  }
0xbc: {  	s0 =	sor.u32 s1, s0  }
0xbd: {  	s0 =	sadd.s32 $0x8F2B, s0  }
0xbe: {  	[sflag:s0] =	ssyncadd.remote.s32 $0x1  }
0xbf: {  	_ =	sfence.sel $0xFFFF  }
0xc0: {  	[dreg:$0x0] =	wrdreg $0xFFFFFFFF;
	(pc) =	sbr.abs _section_cstart, $3  }
0xc1: {  	[dreg:$0x1] =	wrdreg $0xFFFFFFFF  }
0xc2: {  	_ =	task.clear_ibuf [dreg:s7], $0x2FFFF;
	_ =	strace $0x9FFFFFFF  }
0xc3: {  	(tm) =	ssettm $0x7FFFFFFF  }
tec
execute0_lowered:
.L_overlay_start_1:
0x0: {  	(tag) =	ssettag $0x1  }
0x1: {  	s0 =	rddreg [dreg:$0x0]  }
0x2: {  	s3 =	rddreg [dreg:$0x1]  }
0x3: {  	s1 =	rddreg [dreg:$0x2];
	s2 =	simm.s32 $0x0;
	s5 =	srdreg.scid  }
0x4: {  	s17 =	stileid.u32;
	s28 =	simm.s32 $0x80;
	s29 =	simm.s32 $0x13C80  }
0x5: {  	s30 =	simm.s32 $0x1BC00;
	s31 =	simm.s32 $0x1;
	[smem:$0x7FF] =	sst s2  }
0x6: {  	s4 =	sadd.s32 $0xE600, s0;
	s11 =	sand.u32 $0x1, s5;
	s7 =	smul.u32 $0x4F000, s17  }
0x7: {  	s12 =	sadd.s32 $0x3E00, s0;
	s5 =	sadd.s32 $0xDE00, s0;
	s13 =	smul.u32 $0x13C00, s17  }
0x8: {  	s0 =	sadd.s32 $0x35800, s0;
	s16 =	sshll.u32 s17, $0xB;
	_ =	strace $0x8000004D  }
0x9: {  	s6 =	ssub.s32 $0x2, s11;
	p0 =	seq.s32 s11, $0x1;
	s18 =	sadd.s32 s3, s16  }
0xa: {  	s25 =	sadd.s32 s12, s16;
	s16 =	sor.u32 $0x400, s16;
	s11 =	smul.u32 $0x13C000, s11  }
0xb: {  	s8 =	sshrl.u32 s6, $0x1;
	s24 =	sshrl.u32 s7, $0x2;
	s15 =	sadd.s32 $0x4000, s13  }
0xc: {  	s19 =	sadd.s32 $0x8000, s13;
	s20 =	sadd.s32 $0xC000, s13;
	[dreg:$0x4] =	wrdreg s18  }
0xd: {  	s21 =	sadd.s32 $0x10000, s13;
	[dreg:$0x5] =	wrdreg s25;
	s26 =	sadd.s32 s3, s16  }
0xe: {  	s16 =	sadd.s32 s12, s16;
	s18 =	sshll.u32 s17, $0x9;
	s14 =	ssub.s32 s6, s8  }
0xf: {  	s6 =	sadd.s32 s24, s1;
	s7 =	sadd.s32 s15, s1;
	s8 =	sadd.s32 s19, s1  }
0x10: {  	s9 =	sadd.s32 s20, s1;
	s10 =	sadd.s32 s21, s1;
	[dreg:$0x6] =	wrdreg s26  }
0x11: {  	[dreg:$0x7] =	wrdreg s16;
	s16 =	sor.u32 $0x8000, s18;
	s13 =	sadd.s32 s13, s11  }
0x12: {  	s22 =	sadd.s32 s11, s15;
	s25 =	sadd.s32 s11, s19;
	s26 =	sadd.s32 s11, s20  }
0x13: {  	s11 =	sadd.s32 s11, s21;
	s3 =	sadd.s32 s3, s16;
	s23 =	sshrl.u32 s13, $0x3  }
0x14: {  	s24 =	sshrl.u32 s22, $0x3;
	s16 =	sadd.s32 s12, s16;
	s12 =	sshrl.u32 s26, $0x3  }
0x15: {  	s11 =	sshrl.u32 s11, $0x3;
	s22 =	smax.u32 s14, $0x1;
	s26 =	simm.s32 $0x15C00  }
.Ltmp0:
0x16: {  	[dreg:$0x8] =	wrdreg s3;
	s17 =	sadd.s32 s0, s23;
	(pc) =	sbr.rel .LBB2_1-.Ltmp0, $4  }
0x17: {  	s18 =	sadd.s32 s0, s24;
	s3 =	sshrl.u32 s25, $0x3;
	s20 =	sadd.s32 s0, s12  }
0x18: {  	s21 =	sadd.s32 s0, s11;
	s23 =	simm.s32 $0x17C00;
	s24 =	simm.s32 $0x5  }
0x19: {  	s25 =	simm.s32 $0x13C00;
	s11 =	simm.s32 $0x4;
	s12 =	simm.s32 $0x0  }
0x1a: {  	s19 =	sadd.s32 s0, s3;
	s0 =	simm.s32 $0x2;
	s3 =	simm.s32 $0x3  }
.LBB2_6:
0x1b: {  	[tilespmem:s30], [sflag:$0x2] =	stream.indirect.gather [hbm4b:s4+s28], $0x80, s14, s28, $0xb8;
	[tilespmem:$0x1FC00] =	vst v63  }
0x1c: {  	s13 =	simm.s32 $0x17B80;
	s14 =	simm.s32 $0x17B00  }
.LBB2_10:
0x1d: {  	_ =	swait.ge [sflag:s31], $0x4000  }
0x1e: {  	[sflag:s31] =	ssyncset.done $0x0  }
0x1f: {  	[sflag:s31] =	ssyncadd.s32 $0xFFFFC000  }
0x20: {  	[spmem:s1] =	stream.indirect.scatter.add.f32 [tilespmem:s23], [sflag:$0x3], $0x80, s14, s28, $0xb8;
	[tilespmem:$0x1FC00] =	vst v63  }
0x21: {  	_ =	swait.ge [sflag:s0], $0x4000  }
0x22: {  	[sflag:s0] =	ssyncset.done $0x0  }
0x23: {  	[sflag:s0] =	ssyncadd.s32 $0xFFFFC000  }
0x24: {  	[spmem:s1] =	stream.indirect.scatter.add.f32 [tilespmem:s30], [sflag:$0x4], $0x80, s13, s28, $0xb8;
	[tilespmem:$0x1FC00] =	vst v63  }
0x25: {  	_ =	swait.ge [sflag:s3], $0x4000  }
0x26: {  	[sflag:s3] =	ssyncset.done $0x0  }
0x27: {  	[sflag:s3] =	ssyncadd.s32 $0xFFFFC000  }
0x28: {  	_ =	swait.ge [sflag:s11], $0x4000  }
0x29: {  	[sflag:s11] =	ssyncset.done $0x0  }
0x2a: {  	[sflag:s11] =	ssyncadd.s32 $0xFFFFC000  }
0x2b: {  	[bflag:$0x0] =	sbarrier.arrive $0xFFFF  }
0x2c: {  	[tilespmem:s23], [sflag:$0x5] =	stream.linear.gather [spmem:s6], $0x4000, $0x38;
	[tilespmem:$0x1FC00] =	vst v63  }
0x2d: {  	_ =	swait.ge [sflag:s24], $0x4000  }
0x2e: {  	[sflag:s24] =	ssyncset.done $0x0  }
0x2f: {  	[sflag:s24] =	ssyncadd.s32 $0xFFFFC000  }
0x30: {  	[hbm4b:s17+s2] =	stream.linear.scatter [tilespmem:s23], [sflag:$0x5], $0x4000, $0x38;
	[tilespmem:$0x1FC00] =	vst v63  }
0x31: {  	_ =	swait.ge [sflag:s24], $0x4000  }
0x32: {  	[sflag:s24] =	ssyncset.done $0x0  }
0x33: {  	[sflag:s24] =	ssyncadd.s32 $0xFFFFC000  }
0x34: {  	[tilespmem:s23], [sflag:$0x5] =	stream.linear.gather [spmem:s7], $0x4000, $0x38;
	[tilespmem:$0x1FC00] =	vst v63  }
0x35: {  	_ =	swait.ge [sflag:s24], $0x4000  }
0x36: {  	[sflag:s24] =	ssyncset.done $0x0  }
0x37: {  	[sflag:s24] =	ssyncadd.s32 $0xFFFFC000  }
0x38: {  	[hbm4b:s18+s2] =	stream.linear.scatter [tilespmem:s23], [sflag:$0x5], $0x4000, $0x38;
	[tilespmem:$0x1FC00] =	vst v63  }
0x39: {  	_ =	swait.ge [sflag:s24], $0x4000  }
0x3a: {  	[sflag:s24] =	ssyncset.done $0x0  }
0x3b: {  	[sflag:s24] =	ssyncadd.s32 $0xFFFFC000  }
0x3c: {  	[tilespmem:s23], [sflag:$0x5] =	stream.linear.gather [spmem:s8], $0x4000, $0x38;
	[tilespmem:$0x1FC00] =	vst v63  }
0x3d: {  	_ =	swait.ge [sflag:s24], $0x4000  }
0x3e: {  	[sflag:s24] =	ssyncset.done $0x0  }
0x3f: {  	[sflag:s24] =	ssyncadd.s32 $0xFFFFC000  }
0x40: {  	[hbm4b:s19+s2] =	stream.linear.scatter [tilespmem:s23], [sflag:$0x5], $0x4000, $0x38;
	[tilespmem:$0x1FC00] =	vst v63  }
0x41: {  	_ =	swait.ge [sflag:s24], $0x4000  }
0x42: {  	[sflag:s24] =	ssyncset.done $0x0  }
0x43: {  	[sflag:s24] =	ssyncadd.s32 $0xFFFFC000  }
0x44: {  	[tilespmem:s23], [sflag:$0x5] =	stream.linear.gather [spmem:s9], $0x4000, $0x38;
	[tilespmem:$0x1FC00] =	vst v63  }
0x45: {  	_ =	swait.ge [sflag:s24], $0x4000  }
0x46: {  	[sflag:s24] =	ssyncset.done $0x0  }
0x47: {  	[sflag:s24] =	ssyncadd.s32 $0xFFFFC000  }
0x48: {  	[hbm4b:s20+s2] =	stream.linear.scatter [tilespmem:s23], [sflag:$0x5], $0x4000, $0x38;
	[tilespmem:$0x1FC00] =	vst v63  }
0x49: {  	_ =	swait.ge [sflag:s24], $0x4000  }
0x4a: {  	[sflag:s24] =	ssyncset.done $0x0  }
0x4b: {  	[sflag:s24] =	ssyncadd.s32 $0xFFFFC000  }
0x4c: {  	[tilespmem:s23], [sflag:$0x5] =	stream.linear.gather [spmem:s10], $0x3C00, $0x38;
	[tilespmem:$0x1FC00] =	vst v63  }
0x4d: {  	s12 =	sadd.s32 $0x1, s12;
	_ =	swait.ge [sflag:s24], $0x3C00  }
0x4e: {  	p1 =	sne.s32 s12, s22;
	[sflag:s24] =	ssyncset.done $0x0  }
.Ltmp1:
0x4f: {  	[sflag:s24] =	ssyncadd.s32 $0xFFFFC400;
	(pc) =	sbr.rel @!p1 .LBB2_11-.Ltmp1, $4  }
0x50: {  	[hbm4b:s21+s2] =	stream.linear.scatter [tilespmem:s23], [sflag:$0x5], $0x3C00, $0x38;
	[tilespmem:$0x1FC00] =	vst v63  }
0x51: {  	_ =	swait.ge [sflag:s24], $0x3C00  }
0x52: {  	[sflag:s24] =	ssyncset.done $0x0  }
0x53: {  	[sflag:s24] =	ssyncadd.s32 $0xFFFFC400  }
.LBB2_1:
0x54: {  	[tilespmem:s23], [sflag:$0x5] =	stream.linear.gather [hbm4b:s5+s2], $0x4000, $0x38;
	[tilespmem:$0x1FC00] =	vst v63  }
0x55: {  	_ =	swait.ge [sflag:s24], $0x4000  }
0x56: {  	[sflag:s24] =	ssyncset.done $0x0  }
0x57: {  	[sflag:s24] =	ssyncadd.s32 $0xFFFFC000  }
0x58: {  	[spmem:s6] =	stream.linear.scatter [tilespmem:s23], [sflag:$0x5], $0x4000, $0x38;
	[tilespmem:$0x1FC00] =	vst v63  }
0x59: {  	_ =	swait.ge [sflag:s24], $0x4000  }
0x5a: {  	[sflag:s24] =	ssyncset.done $0x0  }
0x5b: {  	[sflag:s24] =	ssyncadd.s32 $0xFFFFC000  }
0x5c: {  	[spmem:s7] =	stream.linear.scatter [tilespmem:s23], [sflag:$0x5], $0x4000, $0x38;
	[tilespmem:$0x1FC00] =	vst v63  }
0x5d: {  	_ =	swait.ge [sflag:s24], $0x4000  }
0x5e: {  	[sflag:s24] =	ssyncset.done $0x0  }
0x5f: {  	[sflag:s24] =	ssyncadd.s32 $0xFFFFC000  }
0x60: {  	[spmem:s8] =	stream.linear.scatter [tilespmem:s23], [sflag:$0x5], $0x4000, $0x38;
	[tilespmem:$0x1FC00] =	vst v63  }
0x61: {  	_ =	swait.ge [sflag:s24], $0x4000  }
0x62: {  	[sflag:s24] =	ssyncset.done $0x0  }
0x63: {  	[sflag:s24] =	ssyncadd.s32 $0xFFFFC000  }
0x64: {  	[spmem:s9] =	stream.linear.scatter [tilespmem:s23], [sflag:$0x5], $0x4000, $0x38;
	[tilespmem:$0x1FC00] =	vst v63  }
0x65: {  	_ =	swait.ge [sflag:s24], $0x4000  }
0x66: {  	[sflag:s24] =	ssyncset.done $0x0  }
0x67: {  	[sflag:s24] =	ssyncadd.s32 $0xFFFFC000  }
0x68: {  	[spmem:s10] =	stream.linear.scatter [tilespmem:s23], [sflag:$0x5], $0x3C00, $0x38;
	[tilespmem:$0x1FC00] =	vst v63  }
.Ltmp2:
0x69: {  	_ =	swait.ge [sflag:s24], $0x3C00;
	(pc) =	sbr.rel @!p0 .LBB2_2-.Ltmp2, $4  }
0x6a: {  	[sflag:s24] =	ssyncset.done $0x0  }
0x6b: {  	[sflag:s24] =	ssyncadd.s32 $0xFFFFC400  }
0x6c: {  	[bflag:$0x0] =	sbarrier.arrive $0xFFFF  }
0x6d: {  	s13 =	simm.s32 $0x0  }
0x6e: {  	s14 =	rddreg [dreg:$0x8]  }
0x6f: {  	[tilespmem:s25], [sflag:$0x5] =	stream.linear.gather [hbm4b:s14+s13], $0x1000, $0x38;
	[tilespmem:$0x1FC00] =	vst v63  }
0x70: {  	_ =	swait.ge [sflag:s24], $0x1000  }
0x71: {  	[sflag:s24] =	ssyncset.done $0x0  }
0x72: {  	[sflag:s24] =	ssyncadd.s32 $0xFFFFF000  }
0x73: {  	[tilespmem:s26], [sflag:$0x5] =	stream.linear.gather [hbm4b:s16+s13], $0x1000, $0x38;
	[tilespmem:$0x1FC00] =	vst v63  }
0x74: {  	_ =	swait.ge [sflag:s24], $0x1000  }
0x75: {  	[sflag:s24] =	ssyncset.done $0x0  }
0x76: {  	[sflag:s24] =	ssyncadd.s32 $0xFFFFF000  }
0x77: {  	[tilespmem:s23], [sflag:$0x1] =	stream.indirect.gather [hbm4b:s4+s28], $0x80, s25, s28, $0xb8;
	[tilespmem:$0x1FC00] =	vst v63  }
0x78: {  	_ = 	snop  }
0x79: {  	[tilespmem:s30], [sflag:$0x2] =	stream.indirect.gather [hbm4b:s4+s28], $0x80, s29, s28, $0xb8;
	[tilespmem:$0x1FC00] =	vst v63  }
0x7a: {  	_ =	swait.ge [sflag:s31], $0x4000  }
0x7b: {  	[sflag:s31] =	ssyncset.done $0x0  }
0x7c: {  	s15 =	simm.s32 $0x15C00;
	[sflag:s31] =	ssyncadd.s32 $0xFFFFC000  }
0x7d: {  	[spmem:s1] =	stream.indirect.scatter.add.f32 [tilespmem:s23], [sflag:$0x3], $0x80, s15, s28, $0xb8;
	[tilespmem:$0x1FC00] =	vst v63  }
0x7e: {  	_ =	swait.ge [sflag:s0], $0x4000  }
0x7f: {  	[sflag:s0] =	ssyncset.done $0x0  }
0x80: {  	s14 =	simm.s32 $0x15C80;
	[sflag:s0] =	ssyncadd.s32 $0xFFFFC000  }
0x81: {  	[spmem:s1] =	stream.indirect.scatter.add.f32 [tilespmem:s30], [sflag:$0x4], $0x80, s14, s28, $0xb8;
	[tilespmem:$0x1FC00] =	vst v63  }
0x82: {  	_ =	swait.ge [sflag:s3], $0x4000  }
0x83: {  	[sflag:s3] =	ssyncset.done $0x0  }
0x84: {  	s15 =	simm.s32 $0x13D00;
	[sflag:s3] =	ssyncadd.s32 $0xFFFFC000  }
0x85: {  	[tilespmem:s23], [sflag:$0x1] =	stream.indirect.gather [hbm4b:s4+s28], $0x80, s15, s28, $0xb8;
	[tilespmem:$0x1FC00] =	vst v63  }
0x86: {  	_ =	swait.ge [sflag:s11], $0x4000  }
0x87: {  	[sflag:s11] =	ssyncset.done $0x0  }
0x88: {  	s13 =	simm.s32 $0x400;
	s14 =	simm.s32 $0x13D80;
	[sflag:s11] =	ssyncadd.s32 $0xFFFFC000  }
.LBB2_8:
0x89: {  	[tilespmem:s30], [sflag:$0x2] =	stream.indirect.gather [hbm4b:s4+s28], $0x80, s14, s28, $0xb8;
	[tilespmem:$0x1FC00] =	vst v63  }
0x8a: {  	s14 =	smov.u32 s13  }
0x8b: {  	p1 =	sne.s32 s13, $0x3800;
	s13 =	sadd.s32 $0x400, s13;
	_ =	swait.ge [sflag:s31], $0x4000  }
0x8c: {  	s14 =	sshra.s32 s14, $0x2;
	[sflag:s31] =	ssyncset.done $0x0  }
0x8d: {  	s15 =	sadd.s32 $0x15C00, s14;
	[sflag:s31] =	ssyncadd.s32 $0xFFFFC000  }
0x8e: {  	[spmem:s1] =	stream.indirect.scatter.add.f32 [tilespmem:s23], [sflag:$0x3], $0x80, s15, s28, $0xb8;
	[tilespmem:$0x1FC00] =	vst v63  }
0x8f: {  	_ =	swait.ge [sflag:s0], $0x4000  }
0x90: {  	[sflag:s0] =	ssyncset.done $0x0  }
0x91: {  	s15 =	sadd.s32 $0x15C80, s14;
	[sflag:s0] =	ssyncadd.s32 $0xFFFFC000  }
0x92: {  	[spmem:s1] =	stream.indirect.scatter.add.f32 [tilespmem:s30], [sflag:$0x4], $0x80, s15, s28, $0xb8;
	[tilespmem:$0x1FC00] =	vst v63  }
0x93: {  	_ =	swait.ge [sflag:s3], $0x4000  }
0x94: {  	[sflag:s3] =	ssyncset.done $0x0  }
.Ltmp3:
0x95: {  	s15 =	sadd.s32 $0x13D00, s14;
	[sflag:s3] =	ssyncadd.s32 $0xFFFFC000;
	(pc) =	sbr.rel @p1 .LBB2_8-.Ltmp3, $4  }
0x96: {  	[tilespmem:s23], [sflag:$0x1] =	stream.indirect.gather [hbm4b:s4+s28], $0x80, s15, s28, $0xb8;
	[tilespmem:$0x1FC00] =	vst v63  }
0x97: {  	_ =	swait.ge [sflag:s11], $0x4000  }
0x98: {  	[sflag:s11] =	ssyncset.done $0x0  }
0x99: {  	s14 =	sadd.s32 $0x13D80, s14;
	[sflag:s11] =	ssyncadd.s32 $0xFFFFC000  }
.Ltmp4:
0x9a: {  	(pc) =	sbr.rel .LBB2_10-.Ltmp4, $3  }
0x9b: {  	_ =	sdelay $0x1  }
0x9c: {  	[tilespmem:s30], [sflag:$0x2] =	stream.indirect.gather [hbm4b:s4+s28], $0x80, s14, s28, $0xb8;
	[tilespmem:$0x1FC00] =	vst v63  }
0x9d: {  	s13 =	simm.s32 $0x16B80;
	s14 =	simm.s32 $0x16B00  }
.LBB2_2:
0x9e: {  	s14 =	rddreg [dreg:$0x4]  }
0x9f: {  	[tilespmem:s25], [sflag:$0x5] =	stream.linear.gather [hbm4b:s14+s13], $0x2000, $0x38;
	[tilespmem:$0x1FC00] =	vst v63  }
0xa0: {  	_ =	swait.ge [sflag:s24], $0x2000  }
0xa1: {  	[sflag:s24] =	ssyncset.done $0x0  }
0xa2: {  	s15 =	rddreg [dreg:$0x5];
	[sflag:s24] =	ssyncadd.s32 $0xFFFFE000  }
0xa3: {  	[tilespmem:s26], [sflag:$0x5] =	stream.linear.gather [hbm4b:s15+s13], $0x2000, $0x38;
	[tilespmem:$0x1FC00] =	vst v63  }
0xa4: {  	_ =	swait.ge [sflag:s24], $0x2000  }
0xa5: {  	[sflag:s24] =	ssyncset.done $0x0  }
0xa6: {  	[sflag:s24] =	ssyncadd.s32 $0xFFFFE000  }
0xa7: {  	[tilespmem:s23], [sflag:$0x1] =	stream.indirect.gather [hbm4b:s4+s28], $0x80, s25, s28, $0xb8;
	[tilespmem:$0x1FC00] =	vst v63  }
0xa8: {  	_ = 	snop  }
0xa9: {  	[tilespmem:s30], [sflag:$0x2] =	stream.indirect.gather [hbm4b:s4+s28], $0x80, s29, s28, $0xb8;
	[tilespmem:$0x1FC00] =	vst v63  }
0xaa: {  	_ =	swait.ge [sflag:s31], $0x4000  }
0xab: {  	[sflag:s31] =	ssyncset.done $0x0  }
0xac: {  	s15 =	simm.s32 $0x15C00;
	[sflag:s31] =	ssyncadd.s32 $0xFFFFC000  }
0xad: {  	[spmem:s1] =	stream.indirect.scatter.add.f32 [tilespmem:s23], [sflag:$0x3], $0x80, s15, s28, $0xb8;
	[tilespmem:$0x1FC00] =	vst v63  }
0xae: {  	_ =	swait.ge [sflag:s0], $0x4000  }
0xaf: {  	[sflag:s0] =	ssyncset.done $0x0  }
0xb0: {  	s14 =	simm.s32 $0x15C80;
	[sflag:s0] =	ssyncadd.s32 $0xFFFFC000  }
0xb1: {  	[spmem:s1] =	stream.indirect.scatter.add.f32 [tilespmem:s30], [sflag:$0x4], $0x80, s14, s28, $0xb8;
	[tilespmem:$0x1FC00] =	vst v63  }
0xb2: {  	_ =	swait.ge [sflag:s3], $0x4000  }
0xb3: {  	[sflag:s3] =	ssyncset.done $0x0  }
0xb4: {  	s15 =	simm.s32 $0x13D00;
	[sflag:s3] =	ssyncadd.s32 $0xFFFFC000  }
0xb5: {  	[tilespmem:s23], [sflag:$0x1] =	stream.indirect.gather [hbm4b:s4+s28], $0x80, s15, s28, $0xb8;
	[tilespmem:$0x1FC00] =	vst v63  }
0xb6: {  	_ =	swait.ge [sflag:s11], $0x4000  }
0xb7: {  	[sflag:s11] =	ssyncset.done $0x0  }
0xb8: {  	s13 =	simm.s32 $0x400;
	s14 =	simm.s32 $0x13D80;
	[sflag:s11] =	ssyncadd.s32 $0xFFFFC000  }
.LBB2_3:
0xb9: {  	[tilespmem:s30], [sflag:$0x2] =	stream.indirect.gather [hbm4b:s4+s28], $0x80, s14, s28, $0xb8;
	[tilespmem:$0x1FC00] =	vst v63  }
0xba: {  	s14 =	smov.u32 s13  }
0xbb: {  	p1 =	sne.s32 s13, $0x7800;
	s13 =	sadd.s32 $0x400, s13;
	_ =	swait.ge [sflag:s31], $0x4000  }
0xbc: {  	s14 =	sshra.s32 s14, $0x2;
	[sflag:s31] =	ssyncset.done $0x0  }
0xbd: {  	s15 =	sadd.s32 $0x15C00, s14;
	[sflag:s31] =	ssyncadd.s32 $0xFFFFC000  }
0xbe: {  	[spmem:s1] =	stream.indirect.scatter.add.f32 [tilespmem:s23], [sflag:$0x3], $0x80, s15, s28, $0xb8;
	[tilespmem:$0x1FC00] =	vst v63  }
0xbf: {  	_ =	swait.ge [sflag:s0], $0x4000  }
0xc0: {  	[sflag:s0] =	ssyncset.done $0x0  }
0xc1: {  	s15 =	sadd.s32 $0x15C80, s14;
	[sflag:s0] =	ssyncadd.s32 $0xFFFFC000  }
0xc2: {  	[spmem:s1] =	stream.indirect.scatter.add.f32 [tilespmem:s30], [sflag:$0x4], $0x80, s15, s28, $0xb8;
	[tilespmem:$0x1FC00] =	vst v63  }
0xc3: {  	_ =	swait.ge [sflag:s3], $0x4000  }
0xc4: {  	[sflag:s3] =	ssyncset.done $0x0  }
.Ltmp5:
0xc5: {  	s15 =	sadd.s32 $0x13D00, s14;
	[sflag:s3] =	ssyncadd.s32 $0xFFFFC000;
	(pc) =	sbr.rel @p1 .LBB2_3-.Ltmp5, $4  }
0xc6: {  	[tilespmem:s23], [sflag:$0x1] =	stream.indirect.gather [hbm4b:s4+s28], $0x80, s15, s28, $0xb8;
	[tilespmem:$0x1FC00] =	vst v63  }
0xc7: {  	_ =	swait.ge [sflag:s11], $0x4000  }
0xc8: {  	[sflag:s11] =	ssyncset.done $0x0  }
0xc9: {  	s14 =	sadd.s32 $0x13D80, s14;
	[sflag:s11] =	ssyncadd.s32 $0xFFFFC000  }
0xca: {  	[tilespmem:s30], [sflag:$0x2] =	stream.indirect.gather [hbm4b:s4+s28], $0x80, s14, s28, $0xb8;
	[tilespmem:$0x1FC00] =	vst v63  }
0xcb: {  	_ =	swait.ge [sflag:s31], $0x4000  }
0xcc: {  	[sflag:s31] =	ssyncset.done $0x0  }
0xcd: {  	s13 =	simm.s32 $0x17B00;
	[sflag:s31] =	ssyncadd.s32 $0xFFFFC000  }
0xce: {  	[spmem:s1] =	stream.indirect.scatter.add.f32 [tilespmem:s23], [sflag:$0x3], $0x80, s13, s28, $0xb8;
	[tilespmem:$0x1FC00] =	vst v63  }
0xcf: {  	_ =	swait.ge [sflag:s0], $0x4000  }
0xd0: {  	[sflag:s0] =	ssyncset.done $0x0  }
0xd1: {  	s14 =	simm.s32 $0x17B80;
	[sflag:s0] =	ssyncadd.s32 $0xFFFFC000  }
0xd2: {  	[spmem:s1] =	stream.indirect.scatter.add.f32 [tilespmem:s30], [sflag:$0x4], $0x80, s14, s28, $0xb8;
	[tilespmem:$0x1FC00] =	vst v63  }
0xd3: {  	_ =	swait.ge [sflag:s3], $0x4000  }
0xd4: {  	[sflag:s3] =	ssyncset.done $0x0  }
0xd5: {  	[sflag:s3] =	ssyncadd.s32 $0xFFFFC000  }
0xd6: {  	_ =	swait.ge [sflag:s11], $0x4000  }
0xd7: {  	[sflag:s11] =	ssyncset.done $0x0  }
0xd8: {  	s13 =	simm.s32 $0x0;
	s15 =	rddreg [dreg:$0x6];
	[sflag:s11] =	ssyncadd.s32 $0xFFFFC000  }
0xd9: {  	[tilespmem:s25], [sflag:$0x5] =	stream.linear.gather [hbm4b:s15+s13], $0x2000, $0x38;
	[tilespmem:$0x1FC00] =	vst v63  }
0xda: {  	_ =	swait.ge [sflag:s24], $0x2000  }
0xdb: {  	[sflag:s24] =	ssyncset.done $0x0  }
0xdc: {  	s15 =	rddreg [dreg:$0x7];
	[sflag:s24] =	ssyncadd.s32 $0xFFFFE000  }
0xdd: {  	[tilespmem:s26], [sflag:$0x5] =	stream.linear.gather [hbm4b:s15+s13], $0x2000, $0x38;
	[tilespmem:$0x1FC00] =	vst v63  }
0xde: {  	_ =	swait.ge [sflag:s24], $0x2000  }
0xdf: {  	[sflag:s24] =	ssyncset.done $0x0  }
0xe0: {  	[sflag:s24] =	ssyncadd.s32 $0xFFFFE000  }
0xe1: {  	[tilespmem:s23], [sflag:$0x1] =	stream.indirect.gather [hbm4b:s4+s28], $0x80, s25, s28, $0xb8;
	[tilespmem:$0x1FC00] =	vst v63  }
0xe2: {  	_ = 	snop  }
0xe3: {  	[tilespmem:s30], [sflag:$0x2] =	stream.indirect.gather [hbm4b:s4+s28], $0x80, s29, s28, $0xb8;
	[tilespmem:$0x1FC00] =	vst v63  }
0xe4: {  	_ =	swait.ge [sflag:s31], $0x4000  }
0xe5: {  	[sflag:s31] =	ssyncset.done $0x0  }
0xe6: {  	s15 =	simm.s32 $0x15C00;
	[sflag:s31] =	ssyncadd.s32 $0xFFFFC000  }
0xe7: {  	[spmem:s1] =	stream.indirect.scatter.add.f32 [tilespmem:s23], [sflag:$0x3], $0x80, s15, s28, $0xb8;
	[tilespmem:$0x1FC00] =	vst v63  }
0xe8: {  	_ =	swait.ge [sflag:s0], $0x4000  }
0xe9: {  	[sflag:s0] =	ssyncset.done $0x0  }
0xea: {  	s14 =	simm.s32 $0x15C80;
	[sflag:s0] =	ssyncadd.s32 $0xFFFFC000  }
0xeb: {  	[spmem:s1] =	stream.indirect.scatter.add.f32 [tilespmem:s30], [sflag:$0x4], $0x80, s14, s28, $0xb8;
	[tilespmem:$0x1FC00] =	vst v63  }
0xec: {  	_ =	swait.ge [sflag:s3], $0x4000  }
0xed: {  	p1 =	por $0x0, $0x0;
	[sflag:s3] =	ssyncset.done $0x0  }
.Ltmp6:
0xee: {  	s15 =	simm.s32 $0x13D00;
	[sflag:s3] =	ssyncadd.s32 $0xFFFFC000;
	(pc) =	sbr.rel @p1 .LBB2_6-.Ltmp6, $4  }
0xef: {  	[tilespmem:s23], [sflag:$0x1] =	stream.indirect.gather [hbm4b:s4+s28], $0x80, s15, s28, $0xb8;
	[tilespmem:$0x1FC00] =	vst v63  }
0xf0: {  	_ =	swait.ge [sflag:s11], $0x4000  }
0xf1: {  	[sflag:s11] =	ssyncset.done $0x0  }
0xf2: {  	s13 =	simm.s32 $0x400;
	s14 =	simm.s32 $0x13D80;
	[sflag:s11] =	ssyncadd.s32 $0xFFFFC000  }
.LBB2_5:
0xf3: {  	[tilespmem:s30], [sflag:$0x2] =	stream.indirect.gather [hbm4b:s4+s28], $0x80, s14, s28, $0xb8;
	[tilespmem:$0x1FC00] =	vst v63  }
0xf4: {  	s14 =	smov.u32 s13  }
0xf5: {  	p1 =	seq.s32 s13, $0x7800;
	s13 =	sadd.s32 $0x400, s13;
	_ =	swait.ge [sflag:s31], $0x4000  }
0xf6: {  	s14 =	sshra.s32 s14, $0x2;
	[sflag:s31] =	ssyncset.done $0x0  }
0xf7: {  	s15 =	sadd.s32 $0x15C00, s14;
	[sflag:s31] =	ssyncadd.s32 $0xFFFFC000  }
0xf8: {  	[spmem:s1] =	stream.indirect.scatter.add.f32 [tilespmem:s23], [sflag:$0x3], $0x80, s15, s28, $0xb8;
	[tilespmem:$0x1FC00] =	vst v63  }
0xf9: {  	_ =	swait.ge [sflag:s0], $0x4000  }
0xfa: {  	[sflag:s0] =	ssyncset.done $0x0  }
0xfb: {  	s15 =	sadd.s32 $0x15C80, s14;
	[sflag:s0] =	ssyncadd.s32 $0xFFFFC000  }
0xfc: {  	[spmem:s1] =	stream.indirect.scatter.add.f32 [tilespmem:s30], [sflag:$0x4], $0x80, s15, s28, $0xb8;
	[tilespmem:$0x1FC00] =	vst v63  }
0xfd: {  	_ =	swait.ge [sflag:s3], $0x4000  }
0xfe: {  	[sflag:s3] =	ssyncset.done $0x0  }
.Ltmp7:
0xff: {  	s15 =	sadd.s32 $0x13D00, s14;
	[sflag:s3] =	ssyncadd.s32 $0xFFFFC000;
	(pc) =	sbr.rel @!p1 .LBB2_5-.Ltmp7, $4  }
0x100: {  	[tilespmem:s23], [sflag:$0x1] =	stream.indirect.gather [hbm4b:s4+s28], $0x80, s15, s28, $0xb8;
	[tilespmem:$0x1FC00] =	vst v63  }
0x101: {  	_ =	swait.ge [sflag:s11], $0x4000  }
0x102: {  	[sflag:s11] =	ssyncset.done $0x0  }
0x103: {  	s14 =	sadd.s32 $0x13D80, s14;
	[sflag:s11] =	ssyncadd.s32 $0xFFFFC000  }
.Ltmp8:
0x104: {  	_ = 	snop;
	(pc) =	sbr.rel .LBB2_6-.Ltmp8, $1  }
0x105: {  	_ =	sdelay $0x3  }
.LBB2_11:
0x106: {  	_ =	sfence.sel $0x180000  }
0x107: {  	[bflag:$0x0] =	sbarrier.arrive $0xFFFF  }
0x108: {  	_ =	strace $0x9000004D  }
0x109: {  	s0 =	stileid.u32;
	[bflag:$0x2] =	sbarrier.arrive $0xFFFF  }
0x10a: {  	p0 =	sne.s32 s0, $0x0;
	s0 =	rddreg [dreg:$0x3]  }
0x10b: {  	s0 =	sadd.s32 @!p0 $0x100000, s0  }
0x10c: {  	[sflag:s0] =	ssyncadd.tile.s32 @!p0 $0x1;
	_ =	shalt  }
.Lfunc_end2:
_tile_overlayer_lowered:
.L_overlay_start_2:
0x10d: {  	(tag) =	ssettag $0x2  }
0x10e: {  	s0 =	rddreg [dreg:$0x0];
	s2 =	stileid.u32  }
0x10f: {  	s1 =	rddreg [dreg:$0x1];
	p0 =	sne.s32 s2, $0x0  }
0x110: {  	s3 =	rddreg [dreg:$0x2];
	[bflag:$0x3] =	sbarrier.arrive $0xFFFF;
	s2 =	simm.s32 @!p0 $0x1C05  }
0x111: {  	[timem:s3], [sflag:s2] =	dma.local @!p0 [hbm:s0], s1  }
0x112: {  	s0 =	simm.s32 @!p0 $0x5  }
0x113: {  	_ =	swait.ge @!p0 [sflag:s0], s1  }
0x114: {  	s1 =	ssub.s32 @!p0 $0x0, s1;
	[sflag:s0] =	ssyncset.done @!p0 $0x0  }
0x115: {  	[sflag:s0] =	ssyncadd.s32 @!p0 s1  }
0x116: {  	[bflag:$0x3] =	sbarrier.arrive $0xFFFF  }
0x117: {  	_ =	shalt  }

// kernel: kernel.19.cloned.1.call-start
scs
__scs_entry_jumppad:
0x0: {  	(pc) =	sbr.rel $0x88, $3  }
0x1: {  	(tag) =	ssettag $0x0;
	lr =	simm.s32 $0x1  }
0x2: {  	[smem:$0x3F93] =	sst lr;
	_ =	strace $0xD0000000  }
0x3: {  	_ = 	snop  }
0x4: {  	_ = 	snop  }
0x5: {  	_ = 	snop  }
0x6: {  	_ = 	snop  }
0x7: {  	_ = 	snop  }
__scs_overlays_trampoline_lowered:
0x8: {  	[smem:$0x3FA2] =	sst s0  }
0x9: {  	[smem:$0x3FA3] =	sst s1  }
0xa: {  	[smem:$0x3FA4] =	sst s2  }
0xb: {  	[smem:$0x3FA5] =	sst s3  }
0xc: {  	[smem:$0x3FA6] =	sst s4  }
0xd: {  	[smem:$0x3FA7] =	sst s5  }
0xe: {  	[smem:$0x3FA8] =	sst s6  }
0xf: {  	[smem:$0x3FA9] =	sst s7  }
0x10: {  	[smem:$0x3FAA] =	sst s8  }
0x11: {  	[smem:$0x3FAB] =	sst s9;
	s0 =	simm.s32 @!p0 $0x0  }
0x12: {  	s1 =	sld [smem:$0x3F91];
	s0 =	simm.s32 @p0 $0x1  }
0x13: {  	[smem:$0x3FAC] =	sst s0;
	s0 =	simm.s32 @!p1 $0x0  }
0x14: {  	s2 =	sld [smem:$0x3F90];
	s0 =	simm.s32 @p1 $0x1  }
0x15: {  	[smem:$0x3FAD] =	sst s0;
	s0 =	simm.s32 @!p2 $0x0  }
0x16: {  	s3 =	sld [smem:$0x3FDB];
	s0 =	simm.s32 @p2 $0x1  }
0x17: {  	s4 =	simm.s32 $0x1BF5;
	[smem:$0x3FAF] =	sst s0  }
0x18: {  	s0 =	sld [smem:$0x3F92];
	_ =	swait.ge [sflag:s4], $0x0  }
0x19: {  	s7 =	sld [smem:$0x3F93]  }
0x1a: {  	s8 =	sadd.s32 $0xFFFFE003, lr  }
0x1b: {  	s9 =	sadd.s32 $0xFFFFFEF7, lr;
	s5 =	simm.s32 $0xFFFFFFFF;
	p2 =	slt.u32 s8, $0xFFFFF086  }
0x1c: {  	p1 =	slt.u32 s9, $0xF7A;
	s5 =	simm.s32 @!p2 $0x0  }
0x1d: {  	s5 =	simm.s32 @p1 $0x1;
	p0 =	seq.s32 s7, s2  }
0x1e: {  	s7 =	smul.u32 @!p0 $0xF7A, s2;
	p2 =	seq.s32 @!p0 s5, $0x0  }
0x1f: {  	s9 =	smul.u32 $0xF7A, s1;
	s8 =	simm.s32 @!p0 $0x1BF5;
	p2 =	por !p2, p0  }
0x20: {  	[sflag:s8] =	ssyncset.s32 @!p0 $0xFFFFF086;
	s6 =	sadd.s32 @!p0 s3, s7;
	s7 =	simm.s32 @!p0 $0x108  }
0x21: {  	s3 =	sadd.s32 s3, s9;
	s6 =	sadd.s32 @!p0 $0x88, s6;
	s7 =	simm.s32 @p2 $0x1082  }
0x22: {  	[simem:s7], [sflag:s8] =	dma.local @!p0 [hbm:s6], $0xF7A  }
0x23: {  	s9 =	sor.u32 $0xD0000000, s2;
	s6 =	simm.s32 $0x108;
	_ =	swait.ge @!p0 [sflag:s8], $0x0  }
0x24: {  	s3 =	sadd.s32 $0x88, s3;
	s6 =	simm.s32 @!p1 $0x1082;
	[sflag:s4] =	ssyncset.s32 $0xFFFFF086  }
0x25: {  	[simem:s6], [sflag:s4] =	dma.local [hbm:s3], $0xF7A  }
0x26: {  	[smem:$0x3F93] =	sst s1;
	(tag) =	ssettag s2;
	_ =	strace s9  }
0x27: {  	s1 =	sld [smem:$0x3FA3]  }
0x28: {  	s2 =	sld [smem:$0x3FA4]  }
0x29: {  	s4 =	sld [smem:$0x3FA6]  }
0x2a: {  	p0 =	seq.s32 s5, $0x0;
	s5 =	sld [smem:$0x3FA7]  }
0x2b: {  	s6 =	sld [smem:$0x3FA8]  }
0x2c: {  	s7 =	sld [smem:$0x3FA9]  }
0x2d: {  	s3 =	simm.s32 $0x108;
	s8 =	sld [smem:$0x3FAA]  }
0x2e: {  	s3 =	simm.s32 @!p0 $0x1082;
	s9 =	sld [smem:$0x3FAB]  }
0x2f: {  	lr =	sadd.s32 s0, s3;
	s0 =	sld [smem:$0x3FA2]  }
0x30: {  	s3 =	sld [smem:$0x3FA5]  }
0x31: {  	[smem:$0x3FAE] =	sst s10  }
0x32: {  	s10 =	sld [smem:$0x3FAC];
	_ =	sdelay $0x3  }
0x33: {  	p0 =	seq.s32 s10, $0x1;
	s10 =	sld [smem:$0x3FAE];
	_ =	sdelay $0x3  }
0x34: {  	[smem:$0x3FAE] =	sst s10  }
0x35: {  	s10 =	sld [smem:$0x3FAD];
	_ =	sdelay $0x3  }
0x36: {  	p1 =	seq.s32 s10, $0x1;
	s10 =	sld [smem:$0x3FAE];
	_ =	sdelay $0x3  }
0x37: {  	[smem:$0x3FAE] =	sst s10  }
0x38: {  	s10 =	sld [smem:$0x3FAF]  }
0x39: {  	_ = 	snop;
	(pc) =	sbr.ind lr, $3  }
0x3a: {  	_ = 	snop  }
0x3b: {  	_ = 	snop  }
0x3c: {  	p2 =	seq.s32 s10, $0x1;
	s10 =	sld [smem:$0x3FAE]  }
0x3d: {  	_ =	shalt  }
0x3e: {  	_ =	shalt  }
0x3f: {  	_ =	shalt  }
0x40: {  	_ =	shalt  }
0x41: {  	_ =	shalt  }
0x42: {  	_ =	shalt  }
0x43: {  	_ =	shalt  }
0x44: {  	_ =	shalt  }
0x45: {  	_ =	shalt  }
0x46: {  	_ =	shalt  }
0x47: {  	_ =	shalt  }
0x48: {  	_ =	shalt  }
0x49: {  	_ =	shalt  }
0x4a: {  	_ =	shalt  }
0x4b: {  	_ =	shalt  }
0x4c: {  	_ =	shalt  }
0x4d: {  	_ =	shalt  }
0x4e: {  	_ =	shalt  }
0x4f: {  	_ =	shalt  }
0x50: {  	_ =	shalt  }
0x51: {  	_ =	shalt  }
0x52: {  	_ =	shalt  }
0x53: {  	_ =	shalt  }
0x54: {  	_ =	shalt  }
0x55: {  	_ =	shalt  }
0x56: {  	_ =	shalt  }
0x57: {  	_ =	shalt  }
0x58: {  	_ =	shalt  }
0x59: {  	_ =	shalt  }
0x5a: {  	_ =	shalt  }
0x5b: {  	_ =	shalt  }
0x5c: {  	_ =	shalt  }
0x5d: {  	_ =	shalt  }
0x5e: {  	_ =	shalt  }
0x5f: {  	_ =	shalt  }
0x60: {  	_ =	shalt  }
0x61: {  	_ =	shalt  }
0x62: {  	_ =	shalt  }
0x63: {  	_ =	shalt  }
0x64: {  	_ =	shalt  }
0x65: {  	_ =	shalt  }
0x66: {  	_ =	shalt  }
0x67: {  	_ =	shalt  }
0x68: {  	_ =	shalt  }
0x69: {  	_ =	shalt  }
0x6a: {  	_ =	shalt  }
0x6b: {  	_ =	shalt  }
0x6c: {  	_ =	shalt  }
0x6d: {  	_ =	shalt  }
0x6e: {  	_ =	shalt  }
0x6f: {  	_ =	shalt  }
0x70: {  	_ =	shalt  }
0x71: {  	_ =	shalt  }
0x72: {  	_ =	shalt  }
0x73: {  	_ =	shalt  }
0x74: {  	_ =	shalt  }
0x75: {  	_ =	shalt  }
0x76: {  	_ =	shalt  }
0x77: {  	_ =	shalt  }
0x78: {  	_ =	shalt  }
0x79: {  	_ =	shalt  }
0x7a: {  	_ =	shalt  }
0x7b: {  	_ =	shalt  }
0x7c: {  	_ =	shalt  }
0x7d: {  	_ =	shalt  }
0x7e: {  	_ =	shalt  }
0x7f: {  	_ =	shalt  }
0x80: {  	_ =	shalt  }
0x81: {  	_ =	shalt  }
0x82: {  	_ =	shalt  }
0x83: {  	_ =	shalt  }
0x84: {  	_ =	shalt  }
0x85: {  	_ =	shalt  }
0x86: {  	_ =	shalt  }
0x87: {  	_ =	shalt  }
.Lfunc_end0:
.L_simem_size_0:
called_computation.3_lowered:
.L_overlay_start_0:
0x88: {  	s2 =	sld [smem:$0x3FD9]  }
0x89: {  	s3 =	sld [smem:$0x3FFE];
	_ =	sdelay $0x1  }
0x8a: {  	s1 =	srdreg.scid  }
0x8b: {  	s0 =	sand.u32 $0x1, s1  }
0x8c: {  	s17 =	sshll.u32 s0, $0xA;
	s2 =	sadd.s32 s3, s2  }
0x8d: {  	s2 =	sadd.s32 s2, s17  }
0x8e: {  	[smem:$0x3FBA] =	sst s2  }
0x8f: {  	_ = 	snop  }
0x90: {  	s2 =	sld [smem:$0x3FD0];
	(tm) =	ssettm $0x1  }
0x91: {  	s18 =	sld [smem:$0x3FFB];
	_ =	sdelay $0x3  }
0x92: {  	_ =	strace s18  }
0x93: {  	s3 =	sld [smem:$0x3FFC];
	_ =	sdelay $0x3  }
0x94: {  	_ =	strace s3  }
0x95: {  	s3 =	sld [smem:$0x3FFD];
	_ =	sdelay $0x3  }
0x96: {  	_ =	strace s3  }
0x97: {  	_ =	strace $0x8FFFFFFF  }
0x98: {  	s19 =	sld [smem:$0x3FDB];
	_ =	sdelay $0x1  }
0x99: {  	s4 =	simm.s32 $_scs_section_size  }
0x9a: {  	s5 =	simm.s32 $_size__tile_overlayer_lowered;
	s6 =	simm.s32 $_tile_overlayer_lowered  }
0x9b: {  	s22 =	simm.s32 $0x1BFF;
	s21 =	sshll.u32 s6, $0x1;
	s3 =	sadd.s32 s4, s19  }
0x9c: {  	s7 =	simm.s32 $0x0;
	s20 =	sshll.u32 s5, $0x1;
	s5 =	sadd.s32 s21, s3  }
0x9d: {  	[timem:s7], [sflag:s22] =	dma.local [hbm:s5], s20  }
0x9e: {  	_ =	swait.ge [sflag:s22], s20  }
0x9f: {  	s4 =	ssub.s32 $0x0, s20;
	[sflag:s22] =	ssyncset.done $0x0  }
0xa0: {  	[sflag:s22] =	ssyncadd.s32 s4;
	_ =	sdelay $0x1  }
0xa1: {  	s23 =	simm.s32 $0x1B8B  }
0xa2: {  	_ =	swait.ge [sflag:s23], $0x1  }
0xa3: {  	[sflag:s23] =	ssyncset.done $0x0  }
0xa4: {  	s25 =	simm.s32 $0x1B8E;
	s24 =	sld [smem:$0x3FFE];
	[sflag:s23] =	ssyncadd.s32 $0xFFFFFFFF  }
0xa5: {  	s26 =	simm.s32 $execute0_lowered;
	[smem:$0x3FD2] =	sst s25  }
0xa6: {  	s5 =	sshll.u32 s26, $0x1;
	_ =	strace $0x8000004F;
	[dreg:$0x1] =	wrdreg $0xFFFFFFFF  }
0xa7: {  	s28 =	simm.s32 $_size_execute0_lowered;
	s3 =	sadd.s32 s3, s5;
	[dreg:$0x0] =	wrdreg $0x0  }
0xa8: {  	s5 =	sshll.u32 s28, $0x1;
	[dreg:$0x2] =	wrdreg s3  }
0xa9: {  	[dreg:$0x3] =	wrdreg s5  }
0xaa: {  	[dreg:$0x4] =	wrdreg $0xC0  }
0xab: {  	_ =	task [dreg:s7], $0x5FFFF  }
0xac: {  	[dreg:$0x1] =	wrdreg $0xFFFFFFFF  }
0xad: {  	[dreg:$0x0] =	wrdreg $0x60  }
0xae: {  	[dreg:$0x2] =	wrdreg s24  }
0xaf: {  	[dreg:$0x3] =	wrdreg s2  }
0xb0: {  	[dreg:$0x4] =	wrdreg $0x0  }
0xb1: {  	[dreg:$0x5] =	wrdreg $0x9  }
0xb2: {  	_ =	task.clear_ibuf [dreg:s7], $0x6FFFF;
	_ =	strace $0x9000004F  }
0xb3: {  	s29 =	simm.s32 $0x9;
	_ =	strace $0x80000051  }
0xb4: {  	_ =	swait.ge [sflag:s29], $0x1  }
0xb5: {  	[sflag:s29] =	ssyncadd.s32 $0xFFFFFFFF  }
0xb6: {  	_ =	strace $0x90000051  }
0xb7: {  	_ =	sfence  }
0xb8: {  	s30 =	sld [smem:$0x0];
	_ =	sdelay $0x2  }
0xb9: {  	s31 =	sshll.u32 s1, $0xD;
	s1 =	sshrl.u32 s1, $0x2  }
0xba: {  	s3 =	sand.u32 $0x4000, s31;
	s1 =	sadd.s32 s1, s30  }
0xbb: {  	s0 =	sor.u32 s3, s0;
	s1 =	sshll.u32 s1, $0x11  }
0xbc: {  	s0 =	sor.u32 s1, s0  }
0xbd: {  	s0 =	sadd.s32 $0x8F2B, s0  }
0xbe: {  	[sflag:s0] =	ssyncadd.remote.s32 $0x1  }
0xbf: {  	_ =	sfence.sel $0xFFFF  }
0xc0: {  	[dreg:$0x0] =	wrdreg $0xFFFFFFFF;
	(pc) =	sbr.abs _section_cstart, $3  }
0xc1: {  	[dreg:$0x1] =	wrdreg $0xFFFFFFFF  }
0xc2: {  	_ =	task.clear_ibuf [dreg:s7], $0x2FFFF;
	_ =	strace $0x9FFFFFFF  }
0xc3: {  	(tm) =	ssettm $0x7FFFFFFF  }
tec
execute0_lowered:
.L_overlay_start_1:
0x0: {  	(tag) =	ssettag $0x1  }
0x1: {  	s0 =	rddreg [dreg:$0x0]  }
0x2: {  	s3 =	rddreg [dreg:$0x1]  }
0x3: {  	s1 =	rddreg [dreg:$0x2];
	s2 =	simm.s32 $0x0;
	s5 =	srdreg.scid  }
0x4: {  	s17 =	stileid.u32;
	s28 =	simm.s32 $0x80;
	s29 =	simm.s32 $0x13C80  }
0x5: {  	s30 =	simm.s32 $0x1BC00;
	s31 =	simm.s32 $0x1;
	[smem:$0x7FF] =	sst s2  }
0x6: {  	s4 =	sadd.s32 $0xE600, s0;
	s11 =	sand.u32 $0x1, s5;
	s7 =	smul.u32 $0x4F000, s17  }
0x7: {  	s12 =	sadd.s32 $0x3E00, s0;
	s5 =	sadd.s32 $0xDE00, s0;
	s13 =	smul.u32 $0x13C00, s17  }
0x8: {  	s0 =	sadd.s32 $0x35800, s0;
	s16 =	sshll.u32 s17, $0xB;
	_ =	strace $0x80000050  }
0x9: {  	s6 =	ssub.s32 $0x2, s11;
	p0 =	seq.s32 s11, $0x1;
	s18 =	sadd.s32 s3, s16  }
0xa: {  	s25 =	sadd.s32 s12, s16;
	s16 =	sor.u32 $0x400, s16;
	s11 =	smul.u32 $0x13C000, s11  }
0xb: {  	s8 =	sshrl.u32 s6, $0x1;
	s24 =	sshrl.u32 s7, $0x2;
	s15 =	sadd.s32 $0x4000, s13  }
0xc: {  	s19 =	sadd.s32 $0x8000, s13;
	s20 =	sadd.s32 $0xC000, s13;
	[dreg:$0x4] =	wrdreg s18  }
0xd: {  	s21 =	sadd.s32 $0x10000, s13;
	[dreg:$0x5] =	wrdreg s25;
	s26 =	sadd.s32 s3, s16  }
0xe: {  	s16 =	sadd.s32 s12, s16;
	s18 =	sshll.u32 s17, $0x9;
	s14 =	ssub.s32 s6, s8  }
0xf: {  	s6 =	sadd.s32 s24, s1;
	s7 =	sadd.s32 s15, s1;
	s8 =	sadd.s32 s19, s1  }
0x10: {  	s9 =	sadd.s32 s20, s1;
	s10 =	sadd.s32 s21, s1;
	[dreg:$0x6] =	wrdreg s26  }
0x11: {  	[dreg:$0x7] =	wrdreg s16;
	s16 =	sor.u32 $0x8000, s18;
	s13 =	sadd.s32 s13, s11  }
0x12: {  	s22 =	sadd.s32 s11, s15;
	s25 =	sadd.s32 s11, s19;
	s26 =	sadd.s32 s11, s20  }
0x13: {  	s11 =	sadd.s32 s11, s21;
	s3 =	sadd.s32 s3, s16;
	s23 =	sshrl.u32 s13, $0x3  }
0x14: {  	s24 =	sshrl.u32 s22, $0x3;
	s16 =	sadd.s32 s12, s16;
	s12 =	sshrl.u32 s26, $0x3  }
0x15: {  	s11 =	sshrl.u32 s11, $0x3;
	s22 =	smax.u32 s14, $0x1;
	s26 =	simm.s32 $0x15C00  }
.Ltmp0:
0x16: {  	[dreg:$0x8] =	wrdreg s3;
	s17 =	sadd.s32 s0, s23;
	(pc) =	sbr.rel .LBB2_1-.Ltmp0, $4  }
0x17: {  	s18 =	sadd.s32 s0, s24;
	s3 =	sshrl.u32 s25, $0x3;
	s20 =	sadd.s32 s0, s12  }
0x18: {  	s21 =	sadd.s32 s0, s11;
	s23 =	simm.s32 $0x17C00;
	s24 =	simm.s32 $0x5  }
0x19: {  	s25 =	simm.s32 $0x13C00;
	s11 =	simm.s32 $0x4;
	s12 =	simm.s32 $0x0  }
0x1a: {  	s19 =	sadd.s32 s0, s3;
	s0 =	simm.s32 $0x2;
	s3 =	simm.s32 $0x3  }
.LBB2_6:
0x1b: {  	[tilespmem:s30], [sflag:$0x2] =	stream.indirect.gather [hbm4b:s4+s28], $0x80, s14, s28, $0xb8;
	[tilespmem:$0x1FC00] =	vst v63  }
0x1c: {  	s13 =	simm.s32 $0x17B80;
	s14 =	simm.s32 $0x17B00  }
.LBB2_10:
0x1d: {  	_ =	swait.ge [sflag:s31], $0x4000  }
0x1e: {  	[sflag:s31] =	ssyncset.done $0x0  }
0x1f: {  	[sflag:s31] =	ssyncadd.s32 $0xFFFFC000  }
0x20: {  	[spmem:s1] =	stream.indirect.scatter.add.f32 [tilespmem:s23], [sflag:$0x3], $0x80, s14, s28, $0xb8;
	[tilespmem:$0x1FC00] =	vst v63  }
0x21: {  	_ =	swait.ge [sflag:s0], $0x4000  }
0x22: {  	[sflag:s0] =	ssyncset.done $0x0  }
0x23: {  	[sflag:s0] =	ssyncadd.s32 $0xFFFFC000  }
0x24: {  	[spmem:s1] =	stream.indirect.scatter.add.f32 [tilespmem:s30], [sflag:$0x4], $0x80, s13, s28, $0xb8;
	[tilespmem:$0x1FC00] =	vst v63  }
0x25: {  	_ =	swait.ge [sflag:s3], $0x4000  }
0x26: {  	[sflag:s3] =	ssyncset.done $0x0  }
0x27: {  	[sflag:s3] =	ssyncadd.s32 $0xFFFFC000  }
0x28: {  	_ =	swait.ge [sflag:s11], $0x4000  }
0x29: {  	[sflag:s11] =	ssyncset.done $0x0  }
0x2a: {  	[sflag:s11] =	ssyncadd.s32 $0xFFFFC000  }
0x2b: {  	[bflag:$0x0] =	sbarrier.arrive $0xFFFF  }
0x2c: {  	[tilespmem:s23], [sflag:$0x5] =	stream.linear.gather [spmem:s6], $0x4000, $0x38;
	[tilespmem:$0x1FC00] =	vst v63  }
0x2d: {  	_ =	swait.ge [sflag:s24], $0x4000  }
0x2e: {  	[sflag:s24] =	ssyncset.done $0x0  }
0x2f: {  	[sflag:s24] =	ssyncadd.s32 $0xFFFFC000  }
0x30: {  	[hbm4b:s17+s2] =	stream.linear.scatter [tilespmem:s23], [sflag:$0x5], $0x4000, $0x38;
	[tilespmem:$0x1FC00] =	vst v63  }
0x31: {  	_ =	swait.ge [sflag:s24], $0x4000  }
0x32: {  	[sflag:s24] =	ssyncset.done $0x0  }
0x33: {  	[sflag:s24] =	ssyncadd.s32 $0xFFFFC000  }
0x34: {  	[tilespmem:s23], [sflag:$0x5] =	stream.linear.gather [spmem:s7], $0x4000, $0x38;
	[tilespmem:$0x1FC00] =	vst v63  }
0x35: {  	_ =	swait.ge [sflag:s24], $0x4000  }
0x36: {  	[sflag:s24] =	ssyncset.done $0x0  }
0x37: {  	[sflag:s24] =	ssyncadd.s32 $0xFFFFC000  }
0x38: {  	[hbm4b:s18+s2] =	stream.linear.scatter [tilespmem:s23], [sflag:$0x5], $0x4000, $0x38;
	[tilespmem:$0x1FC00] =	vst v63  }
0x39: {  	_ =	swait.ge [sflag:s24], $0x4000  }
0x3a: {  	[sflag:s24] =	ssyncset.done $0x0  }
0x3b: {  	[sflag:s24] =	ssyncadd.s32 $0xFFFFC000  }
0x3c: {  	[tilespmem:s23], [sflag:$0x5] =	stream.linear.gather [spmem:s8], $0x4000, $0x38;
	[tilespmem:$0x1FC00] =	vst v63  }
0x3d: {  	_ =	swait.ge [sflag:s24], $0x4000  }
0x3e: {  	[sflag:s24] =	ssyncset.done $0x0  }
0x3f: {  	[sflag:s24] =	ssyncadd.s32 $0xFFFFC000  }
0x40: {  	[hbm4b:s19+s2] =	stream.linear.scatter [tilespmem:s23], [sflag:$0x5], $0x4000, $0x38;
	[tilespmem:$0x1FC00] =	vst v63  }
0x41: {  	_ =	swait.ge [sflag:s24], $0x4000  }
0x42: {  	[sflag:s24] =	ssyncset.done $0x0  }
0x43: {  	[sflag:s24] =	ssyncadd.s32 $0xFFFFC000  }
0x44: {  	[tilespmem:s23], [sflag:$0x5] =	stream.linear.gather [spmem:s9], $0x4000, $0x38;
	[tilespmem:$0x1FC00] =	vst v63  }
0x45: {  	_ =	swait.ge [sflag:s24], $0x4000  }
0x46: {  	[sflag:s24] =	ssyncset.done $0x0  }
0x47: {  	[sflag:s24] =	ssyncadd.s32 $0xFFFFC000  }
0x48: {  	[hbm4b:s20+s2] =	stream.linear.scatter [tilespmem:s23], [sflag:$0x5], $0x4000, $0x38;
	[tilespmem:$0x1FC00] =	vst v63  }
0x49: {  	_ =	swait.ge [sflag:s24], $0x4000  }
0x4a: {  	[sflag:s24] =	ssyncset.done $0x0  }
0x4b: {  	[sflag:s24] =	ssyncadd.s32 $0xFFFFC000  }
0x4c: {  	[tilespmem:s23], [sflag:$0x5] =	stream.linear.gather [spmem:s10], $0x3C00, $0x38;
	[tilespmem:$0x1FC00] =	vst v63  }
0x4d: {  	s12 =	sadd.s32 $0x1, s12;
	_ =	swait.ge [sflag:s24], $0x3C00  }
0x4e: {  	p1 =	sne.s32 s12, s22;
	[sflag:s24] =	ssyncset.done $0x0  }
.Ltmp1:
0x4f: {  	[sflag:s24] =	ssyncadd.s32 $0xFFFFC400;
	(pc) =	sbr.rel @!p1 .LBB2_11-.Ltmp1, $4  }
0x50: {  	[hbm4b:s21+s2] =	stream.linear.scatter [tilespmem:s23], [sflag:$0x5], $0x3C00, $0x38;
	[tilespmem:$0x1FC00] =	vst v63  }
0x51: {  	_ =	swait.ge [sflag:s24], $0x3C00  }
0x52: {  	[sflag:s24] =	ssyncset.done $0x0  }
0x53: {  	[sflag:s24] =	ssyncadd.s32 $0xFFFFC400  }
.LBB2_1:
0x54: {  	[tilespmem:s23], [sflag:$0x5] =	stream.linear.gather [hbm4b:s5+s2], $0x4000, $0x38;
	[tilespmem:$0x1FC00] =	vst v63  }
0x55: {  	_ =	swait.ge [sflag:s24], $0x4000  }
0x56: {  	[sflag:s24] =	ssyncset.done $0x0  }
0x57: {  	[sflag:s24] =	ssyncadd.s32 $0xFFFFC000  }
0x58: {  	[spmem:s6] =	stream.linear.scatter [tilespmem:s23], [sflag:$0x5], $0x4000, $0x38;
	[tilespmem:$0x1FC00] =	vst v63  }
0x59: {  	_ =	swait.ge [sflag:s24], $0x4000  }
0x5a: {  	[sflag:s24] =	ssyncset.done $0x0  }
0x5b: {  	[sflag:s24] =	ssyncadd.s32 $0xFFFFC000  }
0x5c: {  	[spmem:s7] =	stream.linear.scatter [tilespmem:s23], [sflag:$0x5], $0x4000, $0x38;
	[tilespmem:$0x1FC00] =	vst v63  }
0x5d: {  	_ =	swait.ge [sflag:s24], $0x4000  }
0x5e: {  	[sflag:s24] =	ssyncset.done $0x0  }
0x5f: {  	[sflag:s24] =	ssyncadd.s32 $0xFFFFC000  }
0x60: {  	[spmem:s8] =	stream.linear.scatter [tilespmem:s23], [sflag:$0x5], $0x4000, $0x38;
	[tilespmem:$0x1FC00] =	vst v63  }
0x61: {  	_ =	swait.ge [sflag:s24], $0x4000  }
0x62: {  	[sflag:s24] =	ssyncset.done $0x0  }
0x63: {  	[sflag:s24] =	ssyncadd.s32 $0xFFFFC000  }
0x64: {  	[spmem:s9] =	stream.linear.scatter [tilespmem:s23], [sflag:$0x5], $0x4000, $0x38;
	[tilespmem:$0x1FC00] =	vst v63  }
0x65: {  	_ =	swait.ge [sflag:s24], $0x4000  }
0x66: {  	[sflag:s24] =	ssyncset.done $0x0  }
0x67: {  	[sflag:s24] =	ssyncadd.s32 $0xFFFFC000  }
0x68: {  	[spmem:s10] =	stream.linear.scatter [tilespmem:s23], [sflag:$0x5], $0x3C00, $0x38;
	[tilespmem:$0x1FC00] =	vst v63  }
.Ltmp2:
0x69: {  	_ =	swait.ge [sflag:s24], $0x3C00;
	(pc) =	sbr.rel @!p0 .LBB2_2-.Ltmp2, $4  }
0x6a: {  	[sflag:s24] =	ssyncset.done $0x0  }
0x6b: {  	[sflag:s24] =	ssyncadd.s32 $0xFFFFC400  }
0x6c: {  	[bflag:$0x0] =	sbarrier.arrive $0xFFFF  }
0x6d: {  	s13 =	simm.s32 $0x0  }
0x6e: {  	s14 =	rddreg [dreg:$0x8]  }
0x6f: {  	[tilespmem:s25], [sflag:$0x5] =	stream.linear.gather [hbm4b:s14+s13], $0x1000, $0x38;
	[tilespmem:$0x1FC00] =	vst v63  }
0x70: {  	_ =	swait.ge [sflag:s24], $0x1000  }
0x71: {  	[sflag:s24] =	ssyncset.done $0x0  }
0x72: {  	[sflag:s24] =	ssyncadd.s32 $0xFFFFF000  }
0x73: {  	[tilespmem:s26], [sflag:$0x5] =	stream.linear.gather [hbm4b:s16+s13], $0x1000, $0x38;
	[tilespmem:$0x1FC00] =	vst v63  }
0x74: {  	_ =	swait.ge [sflag:s24], $0x1000  }
0x75: {  	[sflag:s24] =	ssyncset.done $0x0  }
0x76: {  	[sflag:s24] =	ssyncadd.s32 $0xFFFFF000  }
0x77: {  	[tilespmem:s23], [sflag:$0x1] =	stream.indirect.gather [hbm4b:s4+s28], $0x80, s25, s28, $0xb8;
	[tilespmem:$0x1FC00] =	vst v63  }
0x78: {  	_ = 	snop  }
0x79: {  	[tilespmem:s30], [sflag:$0x2] =	stream.indirect.gather [hbm4b:s4+s28], $0x80, s29, s28, $0xb8;
	[tilespmem:$0x1FC00] =	vst v63  }
0x7a: {  	_ =	swait.ge [sflag:s31], $0x4000  }
0x7b: {  	[sflag:s31] =	ssyncset.done $0x0  }
0x7c: {  	s15 =	simm.s32 $0x15C00;
	[sflag:s31] =	ssyncadd.s32 $0xFFFFC000  }
0x7d: {  	[spmem:s1] =	stream.indirect.scatter.add.f32 [tilespmem:s23], [sflag:$0x3], $0x80, s15, s28, $0xb8;
	[tilespmem:$0x1FC00] =	vst v63  }
0x7e: {  	_ =	swait.ge [sflag:s0], $0x4000  }
0x7f: {  	[sflag:s0] =	ssyncset.done $0x0  }
0x80: {  	s14 =	simm.s32 $0x15C80;
	[sflag:s0] =	ssyncadd.s32 $0xFFFFC000  }
0x81: {  	[spmem:s1] =	stream.indirect.scatter.add.f32 [tilespmem:s30], [sflag:$0x4], $0x80, s14, s28, $0xb8;
	[tilespmem:$0x1FC00] =	vst v63  }
0x82: {  	_ =	swait.ge [sflag:s3], $0x4000  }
0x83: {  	[sflag:s3] =	ssyncset.done $0x0  }
0x84: {  	s15 =	simm.s32 $0x13D00;
	[sflag:s3] =	ssyncadd.s32 $0xFFFFC000  }
0x85: {  	[tilespmem:s23], [sflag:$0x1] =	stream.indirect.gather [hbm4b:s4+s28], $0x80, s15, s28, $0xb8;
	[tilespmem:$0x1FC00] =	vst v63  }
0x86: {  	_ =	swait.ge [sflag:s11], $0x4000  }
0x87: {  	[sflag:s11] =	ssyncset.done $0x0  }
0x88: {  	s13 =	simm.s32 $0x400;
	s14 =	simm.s32 $0x13D80;
	[sflag:s11] =	ssyncadd.s32 $0xFFFFC000  }
.LBB2_8:
0x89: {  	[tilespmem:s30], [sflag:$0x2] =	stream.indirect.gather [hbm4b:s4+s28], $0x80, s14, s28, $0xb8;
	[tilespmem:$0x1FC00] =	vst v63  }
0x8a: {  	s14 =	smov.u32 s13  }
0x8b: {  	p1 =	sne.s32 s13, $0x3800;
	s13 =	sadd.s32 $0x400, s13;
	_ =	swait.ge [sflag:s31], $0x4000  }
0x8c: {  	s14 =	sshra.s32 s14, $0x2;
	[sflag:s31] =	ssyncset.done $0x0  }
0x8d: {  	s15 =	sadd.s32 $0x15C00, s14;
	[sflag:s31] =	ssyncadd.s32 $0xFFFFC000  }
0x8e: {  	[spmem:s1] =	stream.indirect.scatter.add.f32 [tilespmem:s23], [sflag:$0x3], $0x80, s15, s28, $0xb8;
	[tilespmem:$0x1FC00] =	vst v63  }
0x8f: {  	_ =	swait.ge [sflag:s0], $0x4000  }
0x90: {  	[sflag:s0] =	ssyncset.done $0x0  }
0x91: {  	s15 =	sadd.s32 $0x15C80, s14;
	[sflag:s0] =	ssyncadd.s32 $0xFFFFC000  }
0x92: {  	[spmem:s1] =	stream.indirect.scatter.add.f32 [tilespmem:s30], [sflag:$0x4], $0x80, s15, s28, $0xb8;
	[tilespmem:$0x1FC00] =	vst v63  }
0x93: {  	_ =	swait.ge [sflag:s3], $0x4000  }
0x94: {  	[sflag:s3] =	ssyncset.done $0x0  }
.Ltmp3:
0x95: {  	s15 =	sadd.s32 $0x13D00, s14;
	[sflag:s3] =	ssyncadd.s32 $0xFFFFC000;
	(pc) =	sbr.rel @p1 .LBB2_8-.Ltmp3, $4  }
0x96: {  	[tilespmem:s23], [sflag:$0x1] =	stream.indirect.gather [hbm4b:s4+s28], $0x80, s15, s28, $0xb8;
	[tilespmem:$0x1FC00] =	vst v63  }
0x97: {  	_ =	swait.ge [sflag:s11], $0x4000  }
0x98: {  	[sflag:s11] =	ssyncset.done $0x0  }
0x99: {  	s14 =	sadd.s32 $0x13D80, s14;
	[sflag:s11] =	ssyncadd.s32 $0xFFFFC000  }
.Ltmp4:
0x9a: {  	(pc) =	sbr.rel .LBB2_10-.Ltmp4, $3  }
0x9b: {  	_ =	sdelay $0x1  }
0x9c: {  	[tilespmem:s30], [sflag:$0x2] =	stream.indirect.gather [hbm4b:s4+s28], $0x80, s14, s28, $0xb8;
	[tilespmem:$0x1FC00] =	vst v63  }
0x9d: {  	s13 =	simm.s32 $0x16B80;
	s14 =	simm.s32 $0x16B00  }
.LBB2_2:
0x9e: {  	s14 =	rddreg [dreg:$0x4]  }
0x9f: {  	[tilespmem:s25], [sflag:$0x5] =	stream.linear.gather [hbm4b:s14+s13], $0x2000, $0x38;
	[tilespmem:$0x1FC00] =	vst v63  }
0xa0: {  	_ =	swait.ge [sflag:s24], $0x2000  }
0xa1: {  	[sflag:s24] =	ssyncset.done $0x0  }
0xa2: {  	s15 =	rddreg [dreg:$0x5];
	[sflag:s24] =	ssyncadd.s32 $0xFFFFE000  }
0xa3: {  	[tilespmem:s26], [sflag:$0x5] =	stream.linear.gather [hbm4b:s15+s13], $0x2000, $0x38;
	[tilespmem:$0x1FC00] =	vst v63  }
0xa4: {  	_ =	swait.ge [sflag:s24], $0x2000  }
0xa5: {  	[sflag:s24] =	ssyncset.done $0x0  }
0xa6: {  	[sflag:s24] =	ssyncadd.s32 $0xFFFFE000  }
0xa7: {  	[tilespmem:s23], [sflag:$0x1] =	stream.indirect.gather [hbm4b:s4+s28], $0x80, s25, s28, $0xb8;
	[tilespmem:$0x1FC00] =	vst v63  }
0xa8: {  	_ = 	snop  }
0xa9: {  	[tilespmem:s30], [sflag:$0x2] =	stream.indirect.gather [hbm4b:s4+s28], $0x80, s29, s28, $0xb8;
	[tilespmem:$0x1FC00] =	vst v63  }
0xaa: {  	_ =	swait.ge [sflag:s31], $0x4000  }
0xab: {  	[sflag:s31] =	ssyncset.done $0x0  }
0xac: {  	s15 =	simm.s32 $0x15C00;
	[sflag:s31] =	ssyncadd.s32 $0xFFFFC000  }
0xad: {  	[spmem:s1] =	stream.indirect.scatter.add.f32 [tilespmem:s23], [sflag:$0x3], $0x80, s15, s28, $0xb8;
	[tilespmem:$0x1FC00] =	vst v63  }
0xae: {  	_ =	swait.ge [sflag:s0], $0x4000  }
0xaf: {  	[sflag:s0] =	ssyncset.done $0x0  }
0xb0: {  	s14 =	simm.s32 $0x15C80;
	[sflag:s0] =	ssyncadd.s32 $0xFFFFC000  }
0xb1: {  	[spmem:s1] =	stream.indirect.scatter.add.f32 [tilespmem:s30], [sflag:$0x4], $0x80, s14, s28, $0xb8;
	[tilespmem:$0x1FC00] =	vst v63  }
0xb2: {  	_ =	swait.ge [sflag:s3], $0x4000  }
0xb3: {  	[sflag:s3] =	ssyncset.done $0x0  }
0xb4: {  	s15 =	simm.s32 $0x13D00;
	[sflag:s3] =	ssyncadd.s32 $0xFFFFC000  }
0xb5: {  	[tilespmem:s23], [sflag:$0x1] =	stream.indirect.gather [hbm4b:s4+s28], $0x80, s15, s28, $0xb8;
	[tilespmem:$0x1FC00] =	vst v63  }
0xb6: {  	_ =	swait.ge [sflag:s11], $0x4000  }
0xb7: {  	[sflag:s11] =	ssyncset.done $0x0  }
0xb8: {  	s13 =	simm.s32 $0x400;
	s14 =	simm.s32 $0x13D80;
	[sflag:s11] =	ssyncadd.s32 $0xFFFFC000  }
.LBB2_3:
0xb9: {  	[tilespmem:s30], [sflag:$0x2] =	stream.indirect.gather [hbm4b:s4+s28], $0x80, s14, s28, $0xb8;
	[tilespmem:$0x1FC00] =	vst v63  }
0xba: {  	s14 =	smov.u32 s13  }
0xbb: {  	p1 =	sne.s32 s13, $0x7800;
	s13 =	sadd.s32 $0x400, s13;
	_ =	swait.ge [sflag:s31], $0x4000  }
0xbc: {  	s14 =	sshra.s32 s14, $0x2;
	[sflag:s31] =	ssyncset.done $0x0  }
0xbd: {  	s15 =	sadd.s32 $0x15C00, s14;
	[sflag:s31] =	ssyncadd.s32 $0xFFFFC000  }
0xbe: {  	[spmem:s1] =	stream.indirect.scatter.add.f32 [tilespmem:s23], [sflag:$0x3], $0x80, s15, s28, $0xb8;
	[tilespmem:$0x1FC00] =	vst v63  }
0xbf: {  	_ =	swait.ge [sflag:s0], $0x4000  }
0xc0: {  	[sflag:s0] =	ssyncset.done $0x0  }
0xc1: {  	s15 =	sadd.s32 $0x15C80, s14;
	[sflag:s0] =	ssyncadd.s32 $0xFFFFC000  }
0xc2: {  	[spmem:s1] =	stream.indirect.scatter.add.f32 [tilespmem:s30], [sflag:$0x4], $0x80, s15, s28, $0xb8;
	[tilespmem:$0x1FC00] =	vst v63  }
0xc3: {  	_ =	swait.ge [sflag:s3], $0x4000  }
0xc4: {  	[sflag:s3] =	ssyncset.done $0x0  }
.Ltmp5:
0xc5: {  	s15 =	sadd.s32 $0x13D00, s14;
	[sflag:s3] =	ssyncadd.s32 $0xFFFFC000;
	(pc) =	sbr.rel @p1 .LBB2_3-.Ltmp5, $4  }
0xc6: {  	[tilespmem:s23], [sflag:$0x1] =	stream.indirect.gather [hbm4b:s4+s28], $0x80, s15, s28, $0xb8;
	[tilespmem:$0x1FC00] =	vst v63  }
0xc7: {  	_ =	swait.ge [sflag:s11], $0x4000  }
0xc8: {  	[sflag:s11] =	ssyncset.done $0x0  }
0xc9: {  	s14 =	sadd.s32 $0x13D80, s14;
	[sflag:s11] =	ssyncadd.s32 $0xFFFFC000  }
0xca: {  	[tilespmem:s30], [sflag:$0x2] =	stream.indirect.gather [hbm4b:s4+s28], $0x80, s14, s28, $0xb8;
	[tilespmem:$0x1FC00] =	vst v63  }
0xcb: {  	_ =	swait.ge [sflag:s31], $0x4000  }
0xcc: {  	[sflag:s31] =	ssyncset.done $0x0  }
0xcd: {  	s13 =	simm.s32 $0x17B00;
	[sflag:s31] =	ssyncadd.s32 $0xFFFFC000  }
0xce: {  	[spmem:s1] =	stream.indirect.scatter.add.f32 [tilespmem:s23], [sflag:$0x3], $0x80, s13, s28, $0xb8;
	[tilespmem:$0x1FC00] =	vst v63  }
0xcf: {  	_ =	swait.ge [sflag:s0], $0x4000  }
0xd0: {  	[sflag:s0] =	ssyncset.done $0x0  }
0xd1: {  	s14 =	simm.s32 $0x17B80;
	[sflag:s0] =	ssyncadd.s32 $0xFFFFC000  }
0xd2: {  	[spmem:s1] =	stream.indirect.scatter.add.f32 [tilespmem:s30], [sflag:$0x4], $0x80, s14, s28, $0xb8;
	[tilespmem:$0x1FC00] =	vst v63  }
0xd3: {  	_ =	swait.ge [sflag:s3], $0x4000  }
0xd4: {  	[sflag:s3] =	ssyncset.done $0x0  }
0xd5: {  	[sflag:s3] =	ssyncadd.s32 $0xFFFFC000  }
0xd6: {  	_ =	swait.ge [sflag:s11], $0x4000  }
0xd7: {  	[sflag:s11] =	ssyncset.done $0x0  }
0xd8: {  	s13 =	simm.s32 $0x0;
	s15 =	rddreg [dreg:$0x6];
	[sflag:s11] =	ssyncadd.s32 $0xFFFFC000  }
0xd9: {  	[tilespmem:s25], [sflag:$0x5] =	stream.linear.gather [hbm4b:s15+s13], $0x2000, $0x38;
	[tilespmem:$0x1FC00] =	vst v63  }
0xda: {  	_ =	swait.ge [sflag:s24], $0x2000  }
0xdb: {  	[sflag:s24] =	ssyncset.done $0x0  }
0xdc: {  	s15 =	rddreg [dreg:$0x7];
	[sflag:s24] =	ssyncadd.s32 $0xFFFFE000  }
0xdd: {  	[tilespmem:s26], [sflag:$0x5] =	stream.linear.gather [hbm4b:s15+s13], $0x2000, $0x38;
	[tilespmem:$0x1FC00] =	vst v63  }
0xde: {  	_ =	swait.ge [sflag:s24], $0x2000  }
0xdf: {  	[sflag:s24] =	ssyncset.done $0x0  }
0xe0: {  	[sflag:s24] =	ssyncadd.s32 $0xFFFFE000  }
0xe1: {  	[tilespmem:s23], [sflag:$0x1] =	stream.indirect.gather [hbm4b:s4+s28], $0x80, s25, s28, $0xb8;
	[tilespmem:$0x1FC00] =	vst v63  }
0xe2: {  	_ = 	snop  }
0xe3: {  	[tilespmem:s30], [sflag:$0x2] =	stream.indirect.gather [hbm4b:s4+s28], $0x80, s29, s28, $0xb8;
	[tilespmem:$0x1FC00] =	vst v63  }
0xe4: {  	_ =	swait.ge [sflag:s31], $0x4000  }
0xe5: {  	[sflag:s31] =	ssyncset.done $0x0  }
0xe6: {  	s15 =	simm.s32 $0x15C00;
	[sflag:s31] =	ssyncadd.s32 $0xFFFFC000  }
0xe7: {  	[spmem:s1] =	stream.indirect.scatter.add.f32 [tilespmem:s23], [sflag:$0x3], $0x80, s15, s28, $0xb8;
	[tilespmem:$0x1FC00] =	vst v63  }
0xe8: {  	_ =	swait.ge [sflag:s0], $0x4000  }
0xe9: {  	[sflag:s0] =	ssyncset.done $0x0  }
0xea: {  	s14 =	simm.s32 $0x15C80;
	[sflag:s0] =	ssyncadd.s32 $0xFFFFC000  }
0xeb: {  	[spmem:s1] =	stream.indirect.scatter.add.f32 [tilespmem:s30], [sflag:$0x4], $0x80, s14, s28, $0xb8;
	[tilespmem:$0x1FC00] =	vst v63  }
0xec: {  	_ =	swait.ge [sflag:s3], $0x4000  }
0xed: {  	p1 =	por $0x0, $0x0;
	[sflag:s3] =	ssyncset.done $0x0  }
.Ltmp6:
0xee: {  	s15 =	simm.s32 $0x13D00;
	[sflag:s3] =	ssyncadd.s32 $0xFFFFC000;
	(pc) =	sbr.rel @p1 .LBB2_6-.Ltmp6, $4  }
0xef: {  	[tilespmem:s23], [sflag:$0x1] =	stream.indirect.gather [hbm4b:s4+s28], $0x80, s15, s28, $0xb8;
	[tilespmem:$0x1FC00] =	vst v63  }
0xf0: {  	_ =	swait.ge [sflag:s11], $0x4000  }
0xf1: {  	[sflag:s11] =	ssyncset.done $0x0  }
0xf2: {  	s13 =	simm.s32 $0x400;
	s14 =	simm.s32 $0x13D80;
	[sflag:s11] =	ssyncadd.s32 $0xFFFFC000  }
.LBB2_5:
0xf3: {  	[tilespmem:s30], [sflag:$0x2] =	stream.indirect.gather [hbm4b:s4+s28], $0x80, s14, s28, $0xb8;
	[tilespmem:$0x1FC00] =	vst v63  }
0xf4: {  	s14 =	smov.u32 s13  }
0xf5: {  	p1 =	seq.s32 s13, $0x7800;
	s13 =	sadd.s32 $0x400, s13;
	_ =	swait.ge [sflag:s31], $0x4000  }
0xf6: {  	s14 =	sshra.s32 s14, $0x2;
	[sflag:s31] =	ssyncset.done $0x0  }
0xf7: {  	s15 =	sadd.s32 $0x15C00, s14;
	[sflag:s31] =	ssyncadd.s32 $0xFFFFC000  }
0xf8: {  	[spmem:s1] =	stream.indirect.scatter.add.f32 [tilespmem:s23], [sflag:$0x3], $0x80, s15, s28, $0xb8;
	[tilespmem:$0x1FC00] =	vst v63  }
0xf9: {  	_ =	swait.ge [sflag:s0], $0x4000  }
0xfa: {  	[sflag:s0] =	ssyncset.done $0x0  }
0xfb: {  	s15 =	sadd.s32 $0x15C80, s14;
	[sflag:s0] =	ssyncadd.s32 $0xFFFFC000  }
0xfc: {  	[spmem:s1] =	stream.indirect.scatter.add.f32 [tilespmem:s30], [sflag:$0x4], $0x80, s15, s28, $0xb8;
	[tilespmem:$0x1FC00] =	vst v63  }
0xfd: {  	_ =	swait.ge [sflag:s3], $0x4000  }
0xfe: {  	[sflag:s3] =	ssyncset.done $0x0  }
.Ltmp7:
0xff: {  	s15 =	sadd.s32 $0x13D00, s14;
	[sflag:s3] =	ssyncadd.s32 $0xFFFFC000;
	(pc) =	sbr.rel @!p1 .LBB2_5-.Ltmp7, $4  }
0x100: {  	[tilespmem:s23], [sflag:$0x1] =	stream.indirect.gather [hbm4b:s4+s28], $0x80, s15, s28, $0xb8;
	[tilespmem:$0x1FC00] =	vst v63  }
0x101: {  	_ =	swait.ge [sflag:s11], $0x4000  }
0x102: {  	[sflag:s11] =	ssyncset.done $0x0  }
0x103: {  	s14 =	sadd.s32 $0x13D80, s14;
	[sflag:s11] =	ssyncadd.s32 $0xFFFFC000  }
.Ltmp8:
0x104: {  	_ = 	snop;
	(pc) =	sbr.rel .LBB2_6-.Ltmp8, $1  }
0x105: {  	_ =	sdelay $0x3  }
.LBB2_11:
0x106: {  	_ =	sfence.sel $0x180000  }
0x107: {  	[bflag:$0x0] =	sbarrier.arrive $0xFFFF  }
0x108: {  	_ =	strace $0x90000050  }
0x109: {  	s0 =	stileid.u32;
	[bflag:$0x2] =	sbarrier.arrive $0xFFFF  }
0x10a: {  	p0 =	sne.s32 s0, $0x0;
	s0 =	rddreg [dreg:$0x3]  }
0x10b: {  	s0 =	sadd.s32 @!p0 $0x100000, s0  }
0x10c: {  	[sflag:s0] =	ssyncadd.tile.s32 @!p0 $0x1;
	_ =	shalt  }
.Lfunc_end2:
_tile_overlayer_lowered:
.L_overlay_start_2:
0x10d: {  	(tag) =	ssettag $0x2  }
0x10e: {  	s0 =	rddreg [dreg:$0x0];
	s2 =	stileid.u32  }
0x10f: {  	s1 =	rddreg [dreg:$0x1];
	p0 =	sne.s32 s2, $0x0  }
0x110: {  	s3 =	rddreg [dreg:$0x2];
	[bflag:$0x3] =	sbarrier.arrive $0xFFFF;
	s2 =	simm.s32 @!p0 $0x1C05  }
0x111: {  	[timem:s3], [sflag:s2] =	dma.local @!p0 [hbm:s0], s1  }
0x112: {  	s0 =	simm.s32 @!p0 $0x5  }
0x113: {  	_ =	swait.ge @!p0 [sflag:s0], s1  }
0x114: {  	s1 =	ssub.s32 @!p0 $0x0, s1;
	[sflag:s0] =	ssyncset.done @!p0 $0x0  }
0x115: {  	[sflag:s0] =	ssyncadd.s32 @!p0 s1  }
0x116: {  	[bflag:$0x3] =	sbarrier.arrive $0xFFFF  }
0x117: {  	_ =	shalt  }

</sc_bundles>
